<compile_context>
chip_gen: v7x
topology: tpu7x:2x2x1
jax: 0.10.2.dev20260603
libtpu: 0.0.44.dev20260713+nightly
codegen_flags: <defaults>
</compile_context>

<pallas_src>
import dataclasses
import functools

import jax
import jax.numpy as jnp
import numpy as np
from jax import lax
from jax.experimental import pallas as pl
from jax.experimental.pallas import tpu as pltpu
from jax.experimental.pallas import tpu_sc as plsc

_B, _A, _H, _W = 4, 9, 64, 64
_P = _H * _W
_N = _A * _P
_ROWS, _LANES = 288, 128
_PRE_NMS = 6000
_K = 6016
_KROWS = 47
_POST_NMS = 300
_THRESH = 0.7
_STRIDE = 16.0
_CH = 4608
_NCHUNK = _N // _CH


def _anchor_planes_np():
    base = np.array([1.0, 1.0, 16.0, 16.0]) - 1.0
    w = base[2] - base[0] + 1.0
    h = base[3] - base[1] + 1.0
    xc, yc = base[0] + 0.5 * (w - 1.0), base[1] + 0.5 * (h - 1.0)
    sz = w * h
    r = np.array((0.5, 1.0, 2.0), dtype=np.float64)
    ws = np.round(np.sqrt(sz / r))
    hs = np.round(ws * r)

    def mk(ws_, hs_, xc_, yc_):
        ws_ = np.asarray(ws_, dtype=np.float64).reshape(-1, 1)
        hs_ = np.asarray(hs_, dtype=np.float64).reshape(-1, 1)
        return np.hstack((xc_ - 0.5 * (ws_ - 1.0), yc_ - 0.5 * (hs_ - 1.0),
                          xc_ + 0.5 * (ws_ - 1.0), yc_ + 0.5 * (hs_ - 1.0)))

    ra = mk(ws, hs, xc, yc)
    out = []
    for i in range(ra.shape[0]):
        wi = ra[i][2] - ra[i][0] + 1.0
        hi = ra[i][3] - ra[i][1] + 1.0
        xci, yci = ra[i][0] + 0.5 * (wi - 1.0), ra[i][1] + 0.5 * (hi - 1.0)
        s = np.array((8.0, 16.0, 32.0))
        out.append(mk(wi * s, hi * s, xci, yci))
    anchors9 = np.vstack(out).astype(np.float32)

    sx = np.arange(_W, dtype=np.float32) * _STRIDE
    sy = np.arange(_H, dtype=np.float32) * _STRIDE
    sxx, syy = np.meshgrid(sx, sy)
    shifts = np.stack([sxx.ravel(), syy.ravel(), sxx.ravel(), syy.ravel()],
                      axis=1)
    planes = anchors9.T[:, :, None] + shifts.T[:, None, :]
    return planes.reshape(4, _ROWS, _LANES).astype(np.float32)


def _pos_np():
    f = np.arange(_N)
    a = f >> 12
    p = f & (_P - 1)
    return (p * _A + a).astype(np.float32)



def _prep_kernel(scl_ref, dx_ref, dy_ref, dw_ref, dh_ref, anc_ref, img_ref,
                 live_o, x1_o, y1_o, x2_o, y2_o):
    i32 = jnp.int32

    rr = lax.broadcasted_iota(i32, (_ROWS, _LANES), 0)
    cc = lax.broadcasted_iota(i32, (_ROWS, _LANES), 1)
    flat = rr * _LANES + cc
    pos_i = (flat & (_P - 1)) * _A + (flat >> 12)

    ax1, ay1, ax2, ay2 = anc_ref[0], anc_ref[1], anc_ref[2], anc_ref[3]
    wa = ax2 - ax1 + 1.0
    ha = ay2 - ay1 + 1.0
    cxa = ax1 + 0.5 * wa
    cya = ay1 + 0.5 * ha

    dx = dx_ref[...]
    dy = dy_ref[...]
    dw = dw_ref[...]
    dh = dh_ref[...]
    pcx = dx * wa + cxa
    pcy = dy * ha + cya
    pw = jnp.exp(dw) * wa
    ph = jnp.exp(dh) * ha
    x1 = pcx - 0.5 * pw
    y1 = pcy - 0.5 * ph
    x2 = pcx + 0.5 * pw
    y2 = pcy + 0.5 * ph

    img = img_ref[...]
    im_h = img[:, 0].reshape(_B, 1, 1)
    im_w = img[:, 1].reshape(_B, 1, 1)
    x1 = jnp.clip(x1, 0.0, im_w - 1.0)
    y1 = jnp.clip(y1, 0.0, im_h - 1.0)
    x2 = jnp.clip(x2, 0.0, im_w - 1.0)
    y2 = jnp.clip(y2, 0.0, im_h - 1.0)

    scores = scl_ref[...]
    bits = lax.bitcast_convert_type(scores, i32)

    lo = jnp.zeros((_B, 1, 1), i32)
    hi = jnp.full((_B, 1, 1), 1 << 30, i32)

    def vsearch(_, lh):
        lo_, hi_ = lh
        mid = lo_ + ((hi_ - lo_) >> 1)
        cnt = jnp.sum((bits > mid).astype(i32), axis=(1, 2), keepdims=True)
        pred = cnt < _PRE_NMS
        return (jnp.where(pred, lo_, mid + 1), jnp.where(pred, mid, hi_))

    lo, hi = lax.fori_loop(0, 31, vsearch, (lo, hi))
    vstar = lo
    c_gt = jnp.sum((bits > vstar).astype(i32), axis=(1, 2), keepdims=True)
    need = _PRE_NMS - c_gt
    eqv = bits == vstar

    lo2 = jnp.zeros((_B, 1, 1), i32)
    hi2 = jnp.full((_B, 1, 1), 1 << 16, i32)

    def usearch(_, lh):
        lo_, hi_ = lh
        mid = lo_ + ((hi_ - lo_) >> 1)
        cnt = jnp.sum((eqv & (pos_i < mid)).astype(i32), axis=(1, 2),
                      keepdims=True)
        pred = cnt >= need
        return (jnp.where(pred, lo_, mid + 1), jnp.where(pred, mid, hi_))

    lo2, hi2 = lax.fori_loop(0, 17, usearch, (lo2, hi2))
    cand = (bits > vstar) | (eqv & (pos_i < lo2))

    live_o[...] = jnp.where(cand, scores, -1.0)
    x1_o[...] = x1
    y1_o[...] = y1
    x2_o[...] = x2
    y2_o[...] = y2



def _compact_kernel(live_h, x1_h, y1_h, x2_h, y2_h, pos_h,
                    olv_h, ox1_h, oy1_h, ox2_h, oy2_h, opo_h,
                    ia0, ia1, ia2, ia3, ia4, ia5,
                    ib0, ib1, ib2, ib3, ib4, ib5,
                    clv, cx1, cy1, cx2, cy2, cpo,
                    sema, semb):
    wid = lax.axis_index("s") * 2 + lax.axis_index("c")

    @pl.when(wid < _B)
    def _():
        b = wid
        bufs = ((ia0, ia1, ia2, ia3, ia4, ia5),
                (ib0, ib1, ib2, ib3, ib4, ib5))
        sems = (sema, semb)
        outs = (clv, cx1, cy1, cx2, cy2, cpo)
        planes = (live_h, x1_h, y1_h, x2_h, y2_h)

        def issue(ck, par):
            base = ck * _CH
            cps = [pltpu.async_copy(p.at[b, pl.ds(base, _CH)],
                                    bufs[par][j], sems[par])
                   for j, p in enumerate(planes)]
            cps.append(pltpu.async_copy(pos_h.at[pl.ds(base, _CH)],
                                        bufs[par][5], sems[par]))
            return cps

        def do_chunk(par, off):
            ins = bufs[par]

            def step(i, off_):
                sls = [pl.ds((i * 4 + j) * 16, 16) for j in range(4)]
                lvs = [ins[0][s] for s in sls]
                msks = [lv >= 0.0 for lv in lvs]
                cnts = [jnp.sum(m.astype(jnp.int32)) for m in msks]
                offs = [off_,
                        off_ + cnts[0],
                        off_ + cnts[0] + cnts[1],
                        off_ + cnts[0] + cnts[1] + cnts[2]]
                for j in range(4):
                    dst = pl.ds(offs[j], 16)
                    plsc.store_compressed(clv.at[dst], lvs[j], mask=msks[j])
                    for src_v, out_v in ((ins[1], cx1), (ins[2], cy1),
                                         (ins[3], cx2), (ins[4], cy2),
                                         (ins[5], cpo)):
                        plsc.store_compressed(out_v.at[dst], src_v[sls[j]],
                                              mask=msks[j])
                return offs[3] + cnts[3]

            return lax.fori_loop(0, _CH // 64, step, off)

        pend = issue(0, 0)
        off = jnp.int32(0)
        for ck in range(_NCHUNK):
            par = ck % 2
            for cp in pend:
                cp.wait()
            if ck + 1 < _NCHUNK:
                pend = issue(ck + 1, 1 - par)
            off = do_chunk(par, off)

        pad = pl.ds(_PRE_NMS, 16)
        zeros = jnp.zeros((16,), jnp.float32)
        clv[pad] = jnp.full((16,), -1.0, jnp.float32)
        cx1[pad] = zeros
        cy1[pad] = zeros
        cx2[pad] = zeros
        cy2[pad] = zeros
        cpo[pad] = zeros

        ocs = [pltpu.async_copy(src, dst.at[b], sema)
               for src, dst in zip(outs, (olv_h, ox1_h, oy1_h, ox2_h,
                                          oy2_h, opo_h))]
        for cp in ocs:
            cp.wait()



def _nms_kernel(lv_in, px1, py1, px2, py2, ppo,
                ox1_ref, oy1_ref, ox2_ref, oy2_ref, live_ref, area_ref):
    f32 = jnp.float32
    live_ref[...] = lv_in[...]
    area_ref[...] = ((px2[...] - px1[...] + 1.0)
                     * (py2[...] - py1[...] + 1.0))

    def step(t, _):
        sl = live_ref[...]
        m = jnp.max(sl, axis=(1, 2), keepdims=True)
        act = m > -0.5
        actf = act.astype(f32)
        eq = sl == m
        posf = ppo[...]
        pstar = jnp.min(jnp.where(eq, posf, 1e9), axis=(1, 2), keepdims=True)
        oh = (eq & (posf == pstar)).astype(f32)

        cx1 = px1[...]
        cy1 = py1[...]
        cx2 = px2[...]
        cy2 = py2[...]
        car = area_ref[...]
        wx1 = jnp.sum(oh * cx1, axis=(1, 2), keepdims=True)
        wy1 = jnp.sum(oh * cy1, axis=(1, 2), keepdims=True)
        wx2 = jnp.sum(oh * cx2, axis=(1, 2), keepdims=True)
        wy2 = jnp.sum(oh * cy2, axis=(1, 2), keepdims=True)
        war = jnp.sum(oh * car, axis=(1, 2), keepdims=True)

        ox1_ref[t] = (wx1 * actf).reshape(_B, 1)
        oy1_ref[t] = (wy1 * actf).reshape(_B, 1)
        ox2_ref[t] = (wx2 * actf).reshape(_B, 1)
        oy2_ref[t] = (wy2 * actf).reshape(_B, 1)

        xx1 = jnp.maximum(cx1, wx1)
        yy1 = jnp.maximum(cy1, wy1)
        xx2 = jnp.minimum(cx2, wx2)
        yy2 = jnp.minimum(cy2, wy2)
        iw = jnp.maximum(xx2 - xx1 + 1.0, 0.0)
        ih = jnp.maximum(yy2 - yy1 + 1.0, 0.0)
        inter = iw * ih
        union = car + war - inter
        sup = (inter > _THRESH * union) & act
        live_ref[...] = jnp.where(sup, -1.0, sl)
        return 0

    lax.fori_loop(0, _POST_NMS, step, 0)


@jax.jit
def kernel(x_cls, x_loc, img_info):
    f32 = jnp.float32
    scores = x_cls[:, _A:, :, :].reshape(_B, _ROWS, _LANES)
    dx = x_loc[:, 0::4, :, :].reshape(_B, _ROWS, _LANES)
    dy = x_loc[:, 1::4, :, :].reshape(_B, _ROWS, _LANES)
    dw = x_loc[:, 2::4, :, :].reshape(_B, _ROWS, _LANES)
    dh = x_loc[:, 3::4, :, :].reshape(_B, _ROWS, _LANES)
    anc = jnp.asarray(_anchor_planes_np())
    posf = jnp.asarray(_pos_np())

    plane = jax.ShapeDtypeStruct((_B, _ROWS, _LANES), f32)
    live, x1, y1, x2, y2 = pl.pallas_call(
        _prep_kernel,
        out_shape=[plane] * 5,
    )(scores, dx, dy, dw, dh, anc, img_info)

    flat = lambda t: t.reshape(_B, _N)
    cplane = jax.ShapeDtypeStruct((_B, _K), f32)
    cp = pltpu.CompilerParams()
    if "needs_layout_passes" in pltpu.CompilerParams.__dataclass_fields__:
        cp = dataclasses.replace(cp, needs_layout_passes=False)
    compact = pl.kernel(
        _compact_kernel,
        out_type=[cplane] * 6,
        mesh=plsc.VectorSubcoreMesh(core_axis_name="c", subcore_axis_name="s",
                                    num_cores=2, num_subcores=16),
        scratch_types=[pltpu.VMEM((_CH,), f32)] * 12
                      + [pltpu.VMEM((_K,), f32)] * 6
                      + [pltpu.SemaphoreType.DMA] * 2,
        compiler_params=cp,
    )
    clive, ccx1, ccy1, ccx2, ccy2, cpos = compact(
        flat(live), flat(x1), flat(y1), flat(x2), flat(y2), posf)

    shp = lambda t: t.reshape(_B, _KROWS, _LANES)
    out_sds = [jax.ShapeDtypeStruct((_POST_NMS, _B, 1), f32)] * 4
    ox1, oy1, ox2, oy2 = pl.pallas_call(
        _nms_kernel,
        out_shape=out_sds,
        scratch_shapes=[pltpu.VMEM((_B, _KROWS, _LANES), f32)] * 2,
    )(shp(clive), shp(ccx1), shp(ccy1), shp(ccx2), shp(ccy2), shp(cpos))

    sel = jnp.concatenate([ox1, oy1, ox2, oy2], axis=2)
    sel = jnp.transpose(sel, (1, 0, 2))
    col0 = jnp.broadcast_to(
        jnp.arange(_B, dtype=f32)[:, None, None], (_B, _POST_NMS, 1))
    return jnp.concatenate([col0, sel], axis=2)

# --- scband reference (transcript-rebuilt; emitter-appended) ---
"""Pipeline reference for scband-rpn-proposal-layer-56504589746774 (READ-ONLY COPY).

The authoritative reference and input builder live on the scoring server;
editing this copy changes nothing except your own understanding.
"""

import jax, jax.numpy as jnp
import numpy as np

FEATURE_STRIDE = 16
ANCHOR_SCALES = (8, 16, 32)
ANCHOR_RATIOS = (0.5, 1.0, 2.0)
PRE_NMS_TOPN = 6000
POST_NMS_TOPN = 300
NMS_THRESH = 0.7


def _whctrs(a):
    w = a[2] - a[0] + 1.0
    h = a[3] - a[1] + 1.0
    return w, h, a[0] + 0.5 * (w - 1.0), a[1] + 0.5 * (h - 1.0)


def _mkanchors(ws, hs, xc, yc):
    ws = np.asarray(ws, dtype=np.float64).reshape(-1, 1)
    hs = np.asarray(hs, dtype=np.float64).reshape(-1, 1)
    return np.hstack((xc - 0.5 * (ws - 1.0), yc - 0.5 * (hs - 1.0), xc + 0.5 * (ws - 1.0), yc + 0.5 * (hs - 1.0)))


def generate_anchors(base_size=16, ratios=ANCHOR_RATIOS, scales=ANCHOR_SCALES):
    base = np.array([1.0, 1.0, float(base_size), float(base_size)]) - 1.0
    w, h, xc, yc = _whctrs(base)
    sz = w * h
    r = np.array(ratios, dtype=np.float64)
    ws = np.round(np.sqrt(sz / r))
    hs = np.round(ws * r)
    ra = _mkanchors(ws, hs, xc, yc)
    s = np.array(scales, dtype=np.float64)
    out = []
    for i in range(ra.shape[0]):
        w, h, xc, yc = _whctrs(ra[i])
        out.append(_mkanchors(w * s, h * s, xc, yc))
    return np.vstack(out).astype(np.float32)


def setup_inputs(seed: int = 0):
    key = jax.random.key(seed)
    k1, k2 = jax.random.split(key)
    B, A, H, W = 4, 9, 64, 64
    x_cls = jax.random.uniform(k1, (B, 2 * A, H, W), dtype=jnp.float32)
    x_loc = jax.random.normal(k2, (B, 4 * A, H, W), dtype=jnp.float32) * 0.5
    img_info = jnp.tile(jnp.array([[1024.0, 1024.0, 1.0]], dtype=jnp.float32), (B, 1))
    return {"x_cls": x_cls, "x_loc": x_loc, "img_info": img_info}


def _decode(anchors, deltas):
    w = anchors[..., 2] - anchors[..., 0] + 1.0
    h = anchors[..., 3] - anchors[..., 1] + 1.0
    cx = anchors[..., 0] + 0.5 * w
    cy = anchors[..., 1] + 0.5 * h
    dx, dy, dw, dh = deltas[..., 0], deltas[..., 1], deltas[..., 2], deltas[..., 3]
    pcx = dx * w + cx
    pcy = dy * h + cy
    pw = jnp.exp(dw) * w
    ph = jnp.exp(dh) * h
    return jnp.stack([pcx - 0.5 * pw, pcy - 0.5 * ph, pcx + 0.5 * pw, pcy + 0.5 * ph], axis=-1)


def _clip(boxes, im_h, im_w):
    x1 = jnp.clip(boxes[..., 0], 0.0, im_w - 1.0)
    y1 = jnp.clip(boxes[..., 1], 0.0, im_h - 1.0)
    x2 = jnp.clip(boxes[..., 2], 0.0, im_w - 1.0)
    y2 = jnp.clip(boxes[..., 3], 0.0, im_h - 1.0)
    return jnp.stack([x1, y1, x2, y2], axis=-1)


def _pairwise_iou(boxes):
    area = (boxes[:, 2] - boxes[:, 0] + 1.0) * (boxes[:, 3] - boxes[:, 1] + 1.0)
    xx1 = jnp.maximum(boxes[:, None, 0], boxes[None, :, 0])
    yy1 = jnp.maximum(boxes[:, None, 1], boxes[None, :, 1])
    xx2 = jnp.minimum(boxes[:, None, 2], boxes[None, :, 2])
    yy2 = jnp.minimum(boxes[:, None, 3], boxes[None, :, 3])
    w = jnp.maximum(0.0, xx2 - xx1 + 1.0)
    h = jnp.maximum(0.0, yy2 - yy1 + 1.0)
    inter = w * h
    return inter / (area[:, None] + area[None, :] - inter)


def _nms_keep(boxes, thresh):
    n = boxes.shape[0]
    ious = jax.lax.stop_gradient(_pairwise_iou(boxes))
    idxs = jnp.arange(n)

    def body(keep, i):
        sup = keep[i] & (ious[i] > thresh) & (idxs > i)
        return keep & jnp.logical_not(sup), None

    keep, _ = jax.lax.scan(body, jnp.ones((n,), dtype=bool), idxs)
    return keep


def reference(x_cls, x_loc, img_info):
    B = x_cls.shape[0]
    A = x_cls.shape[1] // 2
    H, W = x_cls.shape[2], x_cls.shape[3]
    anchors9 = jnp.asarray(generate_anchors())
    sx = jnp.arange(W, dtype=jnp.float32) * FEATURE_STRIDE
    sy = jnp.arange(H, dtype=jnp.float32) * FEATURE_STRIDE
    sxx, syy = jnp.meshgrid(sx, sy)
    shifts = jnp.stack([sxx.ravel(), syy.ravel(), sxx.ravel(), syy.ravel()], axis=1)
    anchors = (anchors9[None, :, :] + shifts[:, None, :]).reshape(-1, 4)
    scores = x_cls[:, A:, :, :].transpose(0, 2, 3, 1).reshape(B, -1)
    deltas = x_loc.transpose(0, 2, 3, 1).reshape(B, -1, 4)
    proposals = _decode(anchors[None, :, :], deltas)
    outs = []
    for i in range(B):
        props = _clip(proposals[i], img_info[i, 0], img_info[i, 1])
        order = jnp.argsort(-scores[i])[:PRE_NMS_TOPN]
        props_top = props[order]
        keep = _nms_keep(props_top, NMS_THRESH)
        kept_order = jnp.argsort(jnp.where(keep, 0, 1))[:POST_NMS_TOPN]
        num_keep = jnp.minimum(keep.sum(), POST_NMS_TOPN)
        sel = props_top[kept_order]
        valid = (jnp.arange(POST_NMS_TOPN) < num_keep)[:, None]
        sel = jnp.where(valid, sel, 0.0)
        col0 = jnp.full((POST_NMS_TOPN, 1), float(i), dtype=sel.dtype)
        outs.append(jnp.concatenate([col0, sel], axis=1))
    return jnp.stack(outs, axis=0)

if __name__ == "__main__":
    import jax
    _d = setup_inputs()
    print(jax.jit(kernel)(*tuple(_d.values())))

</pallas_src>

<mosaic_0001>
#map = affine_map<(d0, d1) -> (0, 0)>
#map1 = affine_map<(d0, d1) -> (0)>
module attributes {stable_mosaic.version = 14 : i64} {
  func.func @_compact_kernel(%arg0: i32, %arg1: i32, %arg2: memref<4x36864xf32, #tpu.memory_space<hbm>>, %arg3: memref<4x36864xf32, #tpu.memory_space<hbm>>, %arg4: memref<4x36864xf32, #tpu.memory_space<hbm>>, %arg5: memref<4x36864xf32, #tpu.memory_space<hbm>>, %arg6: memref<4x36864xf32, #tpu.memory_space<hbm>>, %arg7: memref<36864xf32, #tpu.memory_space<hbm>>, %arg8: memref<4x6016xf32, #tpu.memory_space<hbm>>, %arg9: memref<4x6016xf32, #tpu.memory_space<hbm>>, %arg10: memref<4x6016xf32, #tpu.memory_space<hbm>>, %arg11: memref<4x6016xf32, #tpu.memory_space<hbm>>, %arg12: memref<4x6016xf32, #tpu.memory_space<hbm>>, %arg13: memref<4x6016xf32, #tpu.memory_space<hbm>>, %arg14: memref<4608xf32, #tpu.memory_space<vmem>>, %arg15: memref<4608xf32, #tpu.memory_space<vmem>>, %arg16: memref<4608xf32, #tpu.memory_space<vmem>>, %arg17: memref<4608xf32, #tpu.memory_space<vmem>>, %arg18: memref<4608xf32, #tpu.memory_space<vmem>>, %arg19: memref<4608xf32, #tpu.memory_space<vmem>>, %arg20: memref<4608xf32, #tpu.memory_space<vmem>>, %arg21: memref<4608xf32, #tpu.memory_space<vmem>>, %arg22: memref<4608xf32, #tpu.memory_space<vmem>>, %arg23: memref<4608xf32, #tpu.memory_space<vmem>>, %arg24: memref<4608xf32, #tpu.memory_space<vmem>>, %arg25: memref<4608xf32, #tpu.memory_space<vmem>>, %arg26: memref<6016xf32, #tpu.memory_space<vmem>>, %arg27: memref<6016xf32, #tpu.memory_space<vmem>>, %arg28: memref<6016xf32, #tpu.memory_space<vmem>>, %arg29: memref<6016xf32, #tpu.memory_space<vmem>>, %arg30: memref<6016xf32, #tpu.memory_space<vmem>>, %arg31: memref<6016xf32, #tpu.memory_space<vmem>>, %arg32: memref<!tpu.dma_semaphore, #tpu.memory_space<semaphore_mem>>, %arg33: memref<!tpu.dma_semaphore, #tpu.memory_space<semaphore_mem>>) attributes {dimension_semantics = [#tpu.dimension_semantics<core_parallel>, #tpu.dimension_semantics<subcore_parallel>], iteration_bounds = array<i64: 2, 16>, scalar_prefetch = 0 : i64, scratch_operands = 20 : i64, tpu.core_type = #tpu.core_type<sc_vector_subcore>, window_params = [{transform_indices = #map}, {transform_indices = #map}, {transform_indices = #map}, {transform_indices = #map}, {transform_indices = #map}, {transform_indices = #map1}, {transform_indices = #map}, {transform_indices = #map}, {transform_indices = #map}, {transform_indices = #map}, {transform_indices = #map}, {transform_indices = #map}]} {
    %mul3A = arith.constant 2 : i32
    %mul3A_0 = arith.muli %arg1, %mul3A : i32
    %add3A = arith.addi %mul3A_0, %arg0 : i32
    %lt3A = arith.constant 4 : i32
    %lt3A_1 = arith.cmpi slt, %add3A, %lt3A : i32
    %convert_element_type3A = arith.extui %lt3A_1 : i1 to i32
    %cond3A = arith.constant 0 : i32
    %cond3A_2 = arith.cmpi ne, %convert_element_type3A, %cond3A : i32
    scf.if %cond3A_2 {
      %dma_start3A = arith.constant 0 : i32
      %dma_start3A_3 = tpu.memref_slice %arg2[%add3A, %dma_start3A] : memref<4x36864xf32, #tpu.memory_space<hbm>> -> memref<1x4608xf32, #tpu.memory_space<hbm>>
      %dma_start3A_4 = tpu.memref_squeeze %dma_start3A_3 : memref<1x4608xf32, #tpu.memory_space<hbm>> -> memref<4608xf32, #tpu.memory_space<hbm>>
      %dma_start3A_5 = arith.constant 0 : i32
      %dma_start3A_6 = tpu.memref_slice %arg2[%add3A, %dma_start3A_5] : memref<4x36864xf32, #tpu.memory_space<hbm>> -> memref<1x4608xf32, #tpu.memory_space<hbm>>
      %dma_start3A_7 = tpu.memref_squeeze %dma_start3A_6 : memref<1x4608xf32, #tpu.memory_space<hbm>> -> memref<4608xf32, #tpu.memory_space<hbm>>
      tpu.enqueue_dma source(%dma_start3A_7 : memref<4608xf32, #tpu.memory_space<hbm>>) target(%arg14 : memref<4608xf32, #tpu.memory_space<vmem>>) target_semaphore(%arg32 : memref<!tpu.dma_semaphore, #tpu.memory_space<semaphore_mem>>)
      %dma_start3A_8 = arith.constant 0 : i32
      %dma_start3A_9 = tpu.memref_slice %arg3[%add3A, %dma_start3A_8] : memref<4x36864xf32, #tpu.memory_space<hbm>> -> memref<1x4608xf32, #tpu.memory_space<hbm>>
      %dma_start3A_10 = tpu.memref_squeeze %dma_start3A_9 : memref<1x4608xf32, #tpu.memory_space<hbm>> -> memref<4608xf32, #tpu.memory_space<hbm>>
      %dma_start3A_11 = arith.constant 0 : i32
      %dma_start3A_12 = tpu.memref_slice %arg3[%add3A, %dma_start3A_11] : memref<4x36864xf32, #tpu.memory_space<hbm>> -> memref<1x4608xf32, #tpu.memory_space<hbm>>
      %dma_start3A_13 = tpu.memref_squeeze %dma_start3A_12 : memref<1x4608xf32, #tpu.memory_space<hbm>> -> memref<4608xf32, #tpu.memory_space<hbm>>
      tpu.enqueue_dma source(%dma_start3A_13 : memref<4608xf32, #tpu.memory_space<hbm>>) target(%arg15 : memref<4608xf32, #tpu.memory_space<vmem>>) target_semaphore(%arg32 : memref<!tpu.dma_semaphore, #tpu.memory_space<semaphore_mem>>)
      %dma_start3A_14 = arith.constant 0 : i32
      %dma_start3A_15 = tpu.memref_slice %arg4[%add3A, %dma_start3A_14] : memref<4x36864xf32, #tpu.memory_space<hbm>> -> memref<1x4608xf32, #tpu.memory_space<hbm>>
      %dma_start3A_16 = tpu.memref_squeeze %dma_start3A_15 : memref<1x4608xf32, #tpu.memory_space<hbm>> -> memref<4608xf32, #tpu.memory_space<hbm>>
      %dma_start3A_17 = arith.constant 0 : i32
      %dma_start3A_18 = tpu.memref_slice %arg4[%add3A, %dma_start3A_17] : memref<4x36864xf32, #tpu.memory_space<hbm>> -> memref<1x4608xf32, #tpu.memory_space<hbm>>
      %dma_start3A_19 = tpu.memref_squeeze %dma_start3A_18 : memref<1x4608xf32, #tpu.memory_space<hbm>> -> memref<4608xf32, #tpu.memory_space<hbm>>
      tpu.enqueue_dma source(%dma_start3A_19 : memref<4608xf32, #tpu.memory_space<hbm>>) target(%arg16 : memref<4608xf32, #tpu.memory_space<vmem>>) target_semaphore(%arg32 : memref<!tpu.dma_semaphore, #tpu.memory_space<semaphore_mem>>)
      %dma_start3A_20 = arith.constant 0 : i32
      %dma_start3A_21 = tpu.memref_slice %arg5[%add3A, %dma_start3A_20] : memref<4x36864xf32, #tpu.memory_space<hbm>> -> memref<1x4608xf32, #tpu.memory_space<hbm>>
      %dma_start3A_22 = tpu.memref_squeeze %dma_start3A_21 : memref<1x4608xf32, #tpu.memory_space<hbm>> -> memref<4608xf32, #tpu.memory_space<hbm>>
      %dma_start3A_23 = arith.constant 0 : i32
      %dma_start3A_24 = tpu.memref_slice %arg5[%add3A, %dma_start3A_23] : memref<4x36864xf32, #tpu.memory_space<hbm>> -> memref<1x4608xf32, #tpu.memory_space<hbm>>
      %dma_start3A_25 = tpu.memref_squeeze %dma_start3A_24 : memref<1x4608xf32, #tpu.memory_space<hbm>> -> memref<4608xf32, #tpu.memory_space<hbm>>
      tpu.enqueue_dma source(%dma_start3A_25 : memref<4608xf32, #tpu.memory_space<hbm>>) target(%arg17 : memref<4608xf32, #tpu.memory_space<vmem>>) target_semaphore(%arg32 : memref<!tpu.dma_semaphore, #tpu.memory_space<semaphore_mem>>)
      %dma_start3A_26 = arith.constant 0 : i32
      %dma_start3A_27 = tpu.memref_slice %arg6[%add3A, %dma_start3A_26] : memref<4x36864xf32, #tpu.memory_space<hbm>> -> memref<1x4608xf32, #tpu.memory_space<hbm>>
      %dma_start3A_28 = tpu.memref_squeeze %dma_start3A_27 : memref<1x4608xf32, #tpu.memory_space<hbm>> -> memref<4608xf32, #tpu.memory_space<hbm>>
      %dma_start3A_29 = arith.constant 0 : i32
      %dma_start3A_30 = tpu.memref_slice %arg6[%add3A, %dma_start3A_29] : memref<4x36864xf32, #tpu.memory_space<hbm>> -> memref<1x4608xf32, #tpu.memory_space<hbm>>
      %dma_start3A_31 = tpu.memref_squeeze %dma_start3A_30 : memref<1x4608xf32, #tpu.memory_space<hbm>> -> memref<4608xf32, #tpu.memory_space<hbm>>
      tpu.enqueue_dma source(%dma_start3A_31 : memref<4608xf32, #tpu.memory_space<hbm>>) target(%arg18 : memref<4608xf32, #tpu.memory_space<vmem>>) target_semaphore(%arg32 : memref<!tpu.dma_semaphore, #tpu.memory_space<semaphore_mem>>)
      %dma_start3A_32 = arith.constant 0 : i32
      %dma_start3A_33 = tpu.memref_slice %arg7[%dma_start3A_32] : memref<36864xf32, #tpu.memory_space<hbm>> -> memref<4608xf32, #tpu.memory_space<hbm>>
      %dma_start3A_34 = arith.constant 0 : i32
      %dma_start3A_35 = tpu.memref_slice %arg7[%dma_start3A_34] : memref<36864xf32, #tpu.memory_space<hbm>> -> memref<4608xf32, #tpu.memory_space<hbm>>
      tpu.enqueue_dma source(%dma_start3A_35 : memref<4608xf32, #tpu.memory_space<hbm>>) target(%arg19 : memref<4608xf32, #tpu.memory_space<vmem>>) target_semaphore(%arg32 : memref<!tpu.dma_semaphore, #tpu.memory_space<semaphore_mem>>)
      %dma_wait3A = arith.constant 0 : i32
      %dma_wait3A_36 = tpu.memref_slice %arg2[%add3A, %dma_wait3A] : memref<4x36864xf32, #tpu.memory_space<hbm>> -> memref<1x4608xf32, #tpu.memory_space<hbm>>
      %dma_wait3A_37 = tpu.memref_squeeze %dma_wait3A_36 : memref<1x4608xf32, #tpu.memory_space<hbm>> -> memref<4608xf32, #tpu.memory_space<hbm>>
      %dma_wait3A_38 = arith.constant 0 : i32
      %dma_wait3A_39 = tpu.memref_slice %arg2[%add3A, %dma_wait3A_38] : memref<4x36864xf32, #tpu.memory_space<hbm>> -> memref<1x4608xf32, #tpu.memory_space<hbm>>
      %dma_wait3A_40 = tpu.memref_squeeze %dma_wait3A_39 : memref<1x4608xf32, #tpu.memory_space<hbm>> -> memref<4608xf32, #tpu.memory_space<hbm>>
      tpu.wait_dma2 semaphore(%arg32 : memref<!tpu.dma_semaphore, #tpu.memory_space<semaphore_mem>>) src(%dma_wait3A_40 : memref<4608xf32, #tpu.memory_space<hbm>>) dst(%arg14 : memref<4608xf32, #tpu.memory_space<vmem>>)
      %dma_wait3A_41 = arith.constant 0 : i32
      %dma_wait3A_42 = tpu.memref_slice %arg3[%add3A, %dma_wait3A_41] : memref<4x36864xf32, #tpu.memory_space<hbm>> -> memref<1x4608xf32, #tpu.memory_space<hbm>>
      %dma_wait3A_43 = tpu.memref_squeeze %dma_wait3A_42 : memref<1x4608xf32, #tpu.memory_space<hbm>> -> memref<4608xf32, #tpu.memory_space<hbm>>
      %dma_wait3A_44 = arith.constant 0 : i32
      %dma_wait3A_45 = tpu.memref_slice %arg3[%add3A, %dma_wait3A_44] : memref<4x36864xf32, #tpu.memory_space<hbm>> -> memref<1x4608xf32, #tpu.memory_space<hbm>>
      %dma_wait3A_46 = tpu.memref_squeeze %dma_wait3A_45 : memref<1x4608xf32, #tpu.memory_space<hbm>> -> memref<4608xf32, #tpu.memory_space<hbm>>
      tpu.wait_dma2 semaphore(%arg32 : memref<!tpu.dma_semaphore, #tpu.memory_space<semaphore_mem>>) src(%dma_wait3A_46 : memref<4608xf32, #tpu.memory_space<hbm>>) dst(%arg15 : memref<4608xf32, #tpu.memory_space<vmem>>)
      %dma_wait3A_47 = arith.constant 0 : i32
      %dma_wait3A_48 = tpu.memref_slice %arg4[%add3A, %dma_wait3A_47] : memref<4x36864xf32, #tpu.memory_space<hbm>> -> memref<1x4608xf32, #tpu.memory_space<hbm>>
      %dma_wait3A_49 = tpu.memref_squeeze %dma_wait3A_48 : memref<1x4608xf32, #tpu.memory_space<hbm>> -> memref<4608xf32, #tpu.memory_space<hbm>>
      %dma_wait3A_50 = arith.constant 0 : i32
      %dma_wait3A_51 = tpu.memref_slice %arg4[%add3A, %dma_wait3A_50] : memref<4x36864xf32, #tpu.memory_space<hbm>> -> memref<1x4608xf32, #tpu.memory_space<hbm>>
      %dma_wait3A_52 = tpu.memref_squeeze %dma_wait3A_51 : memref<1x4608xf32, #tpu.memory_space<hbm>> -> memref<4608xf32, #tpu.memory_space<hbm>>
      tpu.wait_dma2 semaphore(%arg32 : memref<!tpu.dma_semaphore, #tpu.memory_space<semaphore_mem>>) src(%dma_wait3A_52 : memref<4608xf32, #tpu.memory_space<hbm>>) dst(%arg16 : memref<4608xf32, #tpu.memory_space<vmem>>)
      %dma_wait3A_53 = arith.constant 0 : i32
      %dma_wait3A_54 = tpu.memref_slice %arg5[%add3A, %dma_wait3A_53] : memref<4x36864xf32, #tpu.memory_space<hbm>> -> memref<1x4608xf32, #tpu.memory_space<hbm>>
      %dma_wait3A_55 = tpu.memref_squeeze %dma_wait3A_54 : memref<1x4608xf32, #tpu.memory_space<hbm>> -> memref<4608xf32, #tpu.memory_space<hbm>>
      %dma_wait3A_56 = arith.constant 0 : i32
      %dma_wait3A_57 = tpu.memref_slice %arg5[%add3A, %dma_wait3A_56] : memref<4x36864xf32, #tpu.memory_space<hbm>> -> memref<1x4608xf32, #tpu.memory_space<hbm>>
      %dma_wait3A_58 = tpu.memref_squeeze %dma_wait3A_57 : memref<1x4608xf32, #tpu.memory_space<hbm>> -> memref<4608xf32, #tpu.memory_space<hbm>>
      tpu.wait_dma2 semaphore(%arg32 : memref<!tpu.dma_semaphore, #tpu.memory_space<semaphore_mem>>) src(%dma_wait3A_58 : memref<4608xf32, #tpu.memory_space<hbm>>) dst(%arg17 : memref<4608xf32, #tpu.memory_space<vmem>>)
      %dma_wait3A_59 = arith.constant 0 : i32
      %dma_wait3A_60 = tpu.memref_slice %arg6[%add3A, %dma_wait3A_59] : memref<4x36864xf32, #tpu.memory_space<hbm>> -> memref<1x4608xf32, #tpu.memory_space<hbm>>
      %dma_wait3A_61 = tpu.memref_squeeze %dma_wait3A_60 : memref<1x4608xf32, #tpu.memory_space<hbm>> -> memref<4608xf32, #tpu.memory_space<hbm>>
      %dma_wait3A_62 = arith.constant 0 : i32
      %dma_wait3A_63 = tpu.memref_slice %arg6[%add3A, %dma_wait3A_62] : memref<4x36864xf32, #tpu.memory_space<hbm>> -> memref<1x4608xf32, #tpu.memory_space<hbm>>
      %dma_wait3A_64 = tpu.memref_squeeze %dma_wait3A_63 : memref<1x4608xf32, #tpu.memory_space<hbm>> -> memref<4608xf32, #tpu.memory_space<hbm>>
      tpu.wait_dma2 semaphore(%arg32 : memref<!tpu.dma_semaphore, #tpu.memory_space<semaphore_mem>>) src(%dma_wait3A_64 : memref<4608xf32, #tpu.memory_space<hbm>>) dst(%arg18 : memref<4608xf32, #tpu.memory_space<vmem>>)
      %dma_wait3A_65 = arith.constant 0 : i32
      %dma_wait3A_66 = tpu.memref_slice %arg7[%dma_wait3A_65] : memref<36864xf32, #tpu.memory_space<hbm>> -> memref<4608xf32, #tpu.memory_space<hbm>>
      %dma_wait3A_67 = arith.constant 0 : i32
      %dma_wait3A_68 = tpu.memref_slice %arg7[%dma_wait3A_67] : memref<36864xf32, #tpu.memory_space<hbm>> -> memref<4608xf32, #tpu.memory_space<hbm>>
      tpu.wait_dma2 semaphore(%arg32 : memref<!tpu.dma_semaphore, #tpu.memory_space<semaphore_mem>>) src(%dma_wait3A_68 : memref<4608xf32, #tpu.memory_space<hbm>>) dst(%arg19 : memref<4608xf32, #tpu.memory_space<vmem>>)
      %dma_start3A_69 = arith.constant 4608 : i32
      %dma_start3A_70 = tpu.memref_slice %arg2[%add3A, %dma_start3A_69] : memref<4x36864xf32, #tpu.memory_space<hbm>> -> memref<1x4608xf32, #tpu.memory_space<hbm>>
      %dma_start3A_71 = tpu.memref_squeeze %dma_start3A_70 : memref<1x4608xf32, #tpu.memory_space<hbm>> -> memref<4608xf32, #tpu.memory_space<hbm>>
      %dma_start3A_72 = arith.constant 4608 : i32
      %dma_start3A_73 = tpu.memref_slice %arg2[%add3A, %dma_start3A_72] : memref<4x36864xf32, #tpu.memory_space<hbm>> -> memref<1x4608xf32, #tpu.memory_space<hbm>>
      %dma_start3A_74 = tpu.memref_squeeze %dma_start3A_73 : memref<1x4608xf32, #tpu.memory_space<hbm>> -> memref<4608xf32, #tpu.memory_space<hbm>>
      tpu.enqueue_dma source(%dma_start3A_74 : memref<4608xf32, #tpu.memory_space<hbm>>) target(%arg20 : memref<4608xf32, #tpu.memory_space<vmem>>) target_semaphore(%arg33 : memref<!tpu.dma_semaphore, #tpu.memory_space<semaphore_mem>>)
      %dma_start3A_75 = arith.constant 4608 : i32
      %dma_start3A_76 = tpu.memref_slice %arg3[%add3A, %dma_start3A_75] : memref<4x36864xf32, #tpu.memory_space<hbm>> -> memref<1x4608xf32, #tpu.memory_space<hbm>>
      %dma_start3A_77 = tpu.memref_squeeze %dma_start3A_76 : memref<1x4608xf32, #tpu.memory_space<hbm>> -> memref<4608xf32, #tpu.memory_space<hbm>>
      %dma_start3A_78 = arith.constant 4608 : i32
      %dma_start3A_79 = tpu.memref_slice %arg3[%add3A, %dma_start3A_78] : memref<4x36864xf32, #tpu.memory_space<hbm>> -> memref<1x4608xf32, #tpu.memory_space<hbm>>
      %dma_start3A_80 = tpu.memref_squeeze %dma_start3A_79 : memref<1x4608xf32, #tpu.memory_space<hbm>> -> memref<4608xf32, #tpu.memory_space<hbm>>
      tpu.enqueue_dma source(%dma_start3A_80 : memref<4608xf32, #tpu.memory_space<hbm>>) target(%arg21 : memref<4608xf32, #tpu.memory_space<vmem>>) target_semaphore(%arg33 : memref<!tpu.dma_semaphore, #tpu.memory_space<semaphore_mem>>)
      %dma_start3A_81 = arith.constant 4608 : i32
      %dma_start3A_82 = tpu.memref_slice %arg4[%add3A, %dma_start3A_81] : memref<4x36864xf32, #tpu.memory_space<hbm>> -> memref<1x4608xf32, #tpu.memory_space<hbm>>
      %dma_start3A_83 = tpu.memref_squeeze %dma_start3A_82 : memref<1x4608xf32, #tpu.memory_space<hbm>> -> memref<4608xf32, #tpu.memory_space<hbm>>
      %dma_start3A_84 = arith.constant 4608 : i32
      %dma_start3A_85 = tpu.memref_slice %arg4[%add3A, %dma_start3A_84] : memref<4x36864xf32, #tpu.memory_space<hbm>> -> memref<1x4608xf32, #tpu.memory_space<hbm>>
      %dma_start3A_86 = tpu.memref_squeeze %dma_start3A_85 : memref<1x4608xf32, #tpu.memory_space<hbm>> -> memref<4608xf32, #tpu.memory_space<hbm>>
      tpu.enqueue_dma source(%dma_start3A_86 : memref<4608xf32, #tpu.memory_space<hbm>>) target(%arg22 : memref<4608xf32, #tpu.memory_space<vmem>>) target_semaphore(%arg33 : memref<!tpu.dma_semaphore, #tpu.memory_space<semaphore_mem>>)
      %dma_start3A_87 = arith.constant 4608 : i32
      %dma_start3A_88 = tpu.memref_slice %arg5[%add3A, %dma_start3A_87] : memref<4x36864xf32, #tpu.memory_space<hbm>> -> memref<1x4608xf32, #tpu.memory_space<hbm>>
      %dma_start3A_89 = tpu.memref_squeeze %dma_start3A_88 : memref<1x4608xf32, #tpu.memory_space<hbm>> -> memref<4608xf32, #tpu.memory_space<hbm>>
      %dma_start3A_90 = arith.constant 4608 : i32
      %dma_start3A_91 = tpu.memref_slice %arg5[%add3A, %dma_start3A_90] : memref<4x36864xf32, #tpu.memory_space<hbm>> -> memref<1x4608xf32, #tpu.memory_space<hbm>>
      %dma_start3A_92 = tpu.memref_squeeze %dma_start3A_91 : memref<1x4608xf32, #tpu.memory_space<hbm>> -> memref<4608xf32, #tpu.memory_space<hbm>>
      tpu.enqueue_dma source(%dma_start3A_92 : memref<4608xf32, #tpu.memory_space<hbm>>) target(%arg23 : memref<4608xf32, #tpu.memory_space<vmem>>) target_semaphore(%arg33 : memref<!tpu.dma_semaphore, #tpu.memory_space<semaphore_mem>>)
      %dma_start3A_93 = arith.constant 4608 : i32
      %dma_start3A_94 = tpu.memref_slice %arg6[%add3A, %dma_start3A_93] : memref<4x36864xf32, #tpu.memory_space<hbm>> -> memref<1x4608xf32, #tpu.memory_space<hbm>>
      %dma_start3A_95 = tpu.memref_squeeze %dma_start3A_94 : memref<1x4608xf32, #tpu.memory_space<hbm>> -> memref<4608xf32, #tpu.memory_space<hbm>>
      %dma_start3A_96 = arith.constant 4608 : i32
      %dma_start3A_97 = tpu.memref_slice %arg6[%add3A, %dma_start3A_96] : memref<4x36864xf32, #tpu.memory_space<hbm>> -> memref<1x4608xf32, #tpu.memory_space<hbm>>
      %dma_start3A_98 = tpu.memref_squeeze %dma_start3A_97 : memref<1x4608xf32, #tpu.memory_space<hbm>> -> memref<4608xf32, #tpu.memory_space<hbm>>
      tpu.enqueue_dma source(%dma_start3A_98 : memref<4608xf32, #tpu.memory_space<hbm>>) target(%arg24 : memref<4608xf32, #tpu.memory_space<vmem>>) target_semaphore(%arg33 : memref<!tpu.dma_semaphore, #tpu.memory_space<semaphore_mem>>)
      %dma_start3A_99 = arith.constant 4608 : i32
      %dma_start3A_100 = tpu.memref_slice %arg7[%dma_start3A_99] : memref<36864xf32, #tpu.memory_space<hbm>> -> memref<4608xf32, #tpu.memory_space<hbm>>
      %dma_start3A_101 = arith.constant 4608 : i32
      %dma_start3A_102 = tpu.memref_slice %arg7[%dma_start3A_101] : memref<36864xf32, #tpu.memory_space<hbm>> -> memref<4608xf32, #tpu.memory_space<hbm>>
      tpu.enqueue_dma source(%dma_start3A_102 : memref<4608xf32, #tpu.memory_space<hbm>>) target(%arg25 : memref<4608xf32, #tpu.memory_space<vmem>>) target_semaphore(%arg33 : memref<!tpu.dma_semaphore, #tpu.memory_space<semaphore_mem>>)
      %scan3A = arith.constant 0 : i32
      %scan3A_103 = arith.constant 0 : i32
      %scan3A_104 = arith.constant 72 : i32
      %scan3A_105 = arith.addi %scan3A_103, %scan3A_104 : i32
      %scan3A_106 = arith.constant 1 : i32
      %scan3A_107 = scf.for %scan3A_679 = %scan3A_103 to %scan3A_105 step %scan3A_106 iter_args(%scan3A_680 = %scan3A) -> (i32)  : i32 {
        %mul3A_681 = arith.constant 4 : i32
        %mul3A_682 = arith.muli %scan3A_679, %mul3A_681 : i32
        %add3A_683 = arith.constant 0 : i32
        %add3A_684 = arith.addi %mul3A_682, %add3A_683 : i32
        %mul3A_685 = arith.constant 16 : i32
        %mul3A_686 = arith.muli %add3A_684, %mul3A_685 : i32
        %mul3A_687 = arith.constant 4 : i32
        %mul3A_688 = arith.muli %scan3A_679, %mul3A_687 : i32
        %add3A_689 = arith.constant 1 : i32
        %add3A_690 = arith.addi %mul3A_688, %add3A_689 : i32
        %mul3A_691 = arith.constant 16 : i32
        %mul3A_692 = arith.muli %add3A_690, %mul3A_691 : i32
        %mul3A_693 = arith.constant 4 : i32
        %mul3A_694 = arith.muli %scan3A_679, %mul3A_693 : i32
        %add3A_695 = arith.constant 2 : i32
        %add3A_696 = arith.addi %mul3A_694, %add3A_695 : i32
        %mul3A_697 = arith.constant 16 : i32
        %mul3A_698 = arith.muli %add3A_696, %mul3A_697 : i32
        %mul3A_699 = arith.constant 4 : i32
        %mul3A_700 = arith.muli %scan3A_679, %mul3A_699 : i32
        %add3A_701 = arith.constant 3 : i32
        %add3A_702 = arith.addi %mul3A_700, %add3A_701 : i32
        %mul3A_703 = arith.constant 16 : i32
        %mul3A_704 = arith.muli %add3A_702, %mul3A_703 : i32
        %get3A = arith.index_cast %mul3A_686 : i32 to index
        %get3A_705 = tpu.vector_load %arg14[%get3A] {strides = array<i32>} : memref<4608xf32, #tpu.memory_space<vmem>>, vector<16xf32>,
        %get3A_706 = arith.index_cast %mul3A_692 : i32 to index
        %get3A_707 = tpu.vector_load %arg14[%get3A_706] {strides = array<i32>} : memref<4608xf32, #tpu.memory_space<vmem>>, vector<16xf32>,
        %get3A_708 = arith.index_cast %mul3A_698 : i32 to index
        %get3A_709 = tpu.vector_load %arg14[%get3A_708] {strides = array<i32>} : memref<4608xf32, #tpu.memory_space<vmem>>, vector<16xf32>,
        %get3A_710 = arith.index_cast %mul3A_704 : i32 to index
        %get3A_711 = tpu.vector_load %arg14[%get3A_710] {strides = array<i32>} : memref<4608xf32, #tpu.memory_space<vmem>>, vector<16xf32>,
        %ge3A = arith.constant 0.000000e+00 : f32
        %ge3A_712 = vector.broadcast %ge3A : f32 to vector<16xf32>
        %ge3A_713 = arith.cmpf oge, %get3A_705, %ge3A_712 : vector<16xf32>
        %ge3A_714 = arith.constant 0.000000e+00 : f32
        %ge3A_715 = vector.broadcast %ge3A_714 : f32 to vector<16xf32>
        %ge3A_716 = arith.cmpf oge, %get3A_707, %ge3A_715 : vector<16xf32>
        %ge3A_717 = arith.constant 0.000000e+00 : f32
        %ge3A_718 = vector.broadcast %ge3A_717 : f32 to vector<16xf32>
        %ge3A_719 = arith.cmpf oge, %get3A_709, %ge3A_718 : vector<16xf32>
        %ge3A_720 = arith.constant 0.000000e+00 : f32
        %ge3A_721 = vector.broadcast %ge3A_720 : f32 to vector<16xf32>
        %ge3A_722 = arith.cmpf oge, %get3A_711, %ge3A_721 : vector<16xf32>
        %convert_element_type3A_723 = arith.extui %ge3A_713 : vector<16xi1> to vector<16xi32>
        %reduce_sum3A = arith.constant true
        %reduce_sum3A_724 = vector.broadcast %reduce_sum3A : i1 to vector<16xi1>
        %reduce_sum3A_725 = tpu.scan <sum>, %convert_element_type3A_723 masked %reduce_sum3A_724 : vector<16xi32>, vector<16xi1> -> vector<16xi32>
        %reduce_sum3A_726 = vector.extract %reduce_sum3A_725[15] : i32 from vector<16xi32>
        %convert_element_type3A_727 = arith.extui %ge3A_716 : vector<16xi1> to vector<16xi32>
        %reduce_sum3A_728 = arith.constant true
        %reduce_sum3A_729 = vector.broadcast %reduce_sum3A_728 : i1 to vector<16xi1>
        %reduce_sum3A_730 = tpu.scan <sum>, %convert_element_type3A_727 masked %reduce_sum3A_729 : vector<16xi32>, vector<16xi1> -> vector<16xi32>
        %reduce_sum3A_731 = vector.extract %reduce_sum3A_730[15] : i32 from vector<16xi32>
        %convert_element_type3A_732 = arith.extui %ge3A_719 : vector<16xi1> to vector<16xi32>
        %reduce_sum3A_733 = arith.constant true
        %reduce_sum3A_734 = vector.broadcast %reduce_sum3A_733 : i1 to vector<16xi1>
        %reduce_sum3A_735 = tpu.scan <sum>, %convert_element_type3A_732 masked %reduce_sum3A_734 : vector<16xi32>, vector<16xi1> -> vector<16xi32>
        %reduce_sum3A_736 = vector.extract %reduce_sum3A_735[15] : i32 from vector<16xi32>
        %convert_element_type3A_737 = arith.extui %ge3A_722 : vector<16xi1> to vector<16xi32>
        %reduce_sum3A_738 = arith.constant true
        %reduce_sum3A_739 = vector.broadcast %reduce_sum3A_738 : i1 to vector<16xi1>
        %reduce_sum3A_740 = tpu.scan <sum>, %convert_element_type3A_737 masked %reduce_sum3A_739 : vector<16xi32>, vector<16xi1> -> vector<16xi32>
        %reduce_sum3A_741 = vector.extract %reduce_sum3A_740[15] : i32 from vector<16xi32>
        %add3A_742 = arith.addi %scan3A_680, %reduce_sum3A_726 : i32
        %add3A_743 = arith.addi %scan3A_680, %reduce_sum3A_726 : i32
        %add3A_744 = arith.addi %add3A_743, %reduce_sum3A_731 : i32
        %add3A_745 = arith.addi %scan3A_680, %reduce_sum3A_726 : i32
        %add3A_746 = arith.addi %add3A_745, %reduce_sum3A_731 : i32
        %add3A_747 = arith.addi %add3A_746, %reduce_sum3A_736 : i32
        %swap3A_748 = arith.index_cast %scan3A_680 : i32 to index
        %swap3A_749 = tpu.vector_load %arg26[%swap3A_748] masked %ge3A_713 {strides = array<i32>} : memref<6016xf32, #tpu.memory_space<vmem>>, vector<16xf32>, vector<16xi1>
        tpu.vector_store %arg26[%swap3A_748], %get3A_705 masked %ge3A_713 {strides = array<i32>} : memref<6016xf32, #tpu.memory_space<vmem>>, vector<16xf32>, vector<16xi1>
        %get3A_750 = arith.index_cast %mul3A_686 : i32 to index
        %get3A_751 = tpu.vector_load %arg15[%get3A_750] {strides = array<i32>} : memref<4608xf32, #tpu.memory_space<vmem>>, vector<16xf32>,
        %swap3A_752 = arith.index_cast %scan3A_680 : i32 to index
        %swap3A_753 = tpu.vector_load %arg27[%swap3A_752] masked %ge3A_713 {strides = array<i32>} : memref<6016xf32, #tpu.memory_space<vmem>>, vector<16xf32>, vector<16xi1>
        tpu.vector_store %arg27[%swap3A_752], %get3A_751 masked %ge3A_713 {strides = array<i32>} : memref<6016xf32, #tpu.memory_space<vmem>>, vector<16xf32>, vector<16xi1>
        %get3A_754 = arith.index_cast %mul3A_686 : i32 to index
        %get3A_755 = tpu.vector_load %arg16[%get3A_754] {strides = array<i32>} : memref<4608xf32, #tpu.memory_space<vmem>>, vector<16xf32>,
        %swap3A_756 = arith.index_cast %scan3A_680 : i32 to index
        %swap3A_757 = tpu.vector_load %arg28[%swap3A_756] masked %ge3A_713 {strides = array<i32>} : memref<6016xf32, #tpu.memory_space<vmem>>, vector<16xf32>, vector<16xi1>
        tpu.vector_store %arg28[%swap3A_756], %get3A_755 masked %ge3A_713 {strides = array<i32>} : memref<6016xf32, #tpu.memory_space<vmem>>, vector<16xf32>, vector<16xi1>
        %get3A_758 = arith.index_cast %mul3A_686 : i32 to index
        %get3A_759 = tpu.vector_load %arg17[%get3A_758] {strides = array<i32>} : memref<4608xf32, #tpu.memory_space<vmem>>, vector<16xf32>,
        %swap3A_760 = arith.index_cast %scan3A_680 : i32 to index
        %swap3A_761 = tpu.vector_load %arg29[%swap3A_760] masked %ge3A_713 {strides = array<i32>} : memref<6016xf32, #tpu.memory_space<vmem>>, vector<16xf32>, vector<16xi1>
        tpu.vector_store %arg29[%swap3A_760], %get3A_759 masked %ge3A_713 {strides = array<i32>} : memref<6016xf32, #tpu.memory_space<vmem>>, vector<16xf32>, vector<16xi1>
        %get3A_762 = arith.index_cast %mul3A_686 : i32 to index
        %get3A_763 = tpu.vector_load %arg18[%get3A_762] {strides = array<i32>} : memref<4608xf32, #tpu.memory_space<vmem>>, vector<16xf32>,
        %swap3A_764 = arith.index_cast %scan3A_680 : i32 to index
        %swap3A_765 = tpu.vector_load %arg30[%swap3A_764] masked %ge3A_713 {strides = array<i32>} : memref<6016xf32, #tpu.memory_space<vmem>>, vector<16xf32>, vector<16xi1>
        tpu.vector_store %arg30[%swap3A_764], %get3A_763 masked %ge3A_713 {strides = array<i32>} : memref<6016xf32, #tpu.memory_space<vmem>>, vector<16xf32>, vector<16xi1>
        %get3A_766 = arith.index_cast %mul3A_686 : i32 to index
        %get3A_767 = tpu.vector_load %arg19[%get3A_766] {strides = array<i32>} : memref<4608xf32, #tpu.memory_space<vmem>>, vector<16xf32>,
        %swap3A_768 = arith.index_cast %scan3A_680 : i32 to index
        %swap3A_769 = tpu.vector_load %arg31[%swap3A_768] masked %ge3A_713 {strides = array<i32>} : memref<6016xf32, #tpu.memory_space<vmem>>, vector<16xf32>, vector<16xi1>
        tpu.vector_store %arg31[%swap3A_768], %get3A_767 masked %ge3A_713 {strides = array<i32>} : memref<6016xf32, #tpu.memory_space<vmem>>, vector<16xf32>, vector<16xi1>
        %swap3A_770 = arith.index_cast %add3A_742 : i32 to index
        %swap3A_771 = tpu.vector_load %arg26[%swap3A_770] masked %ge3A_716 {strides = array<i32>} : memref<6016xf32, #tpu.memory_space<vmem>>, vector<16xf32>, vector<16xi1>
        tpu.vector_store %arg26[%swap3A_770], %get3A_707 masked %ge3A_716 {strides = array<i32>} : memref<6016xf32, #tpu.memory_space<vmem>>, vector<16xf32>, vector<16xi1>
        %get3A_772 = arith.index_cast %mul3A_692 : i32 to index
        %get3A_773 = tpu.vector_load %arg15[%get3A_772] {strides = array<i32>} : memref<4608xf32, #tpu.memory_space<vmem>>, vector<16xf32>,
        %swap3A_774 = arith.index_cast %add3A_742 : i32 to index
        %swap3A_775 = tpu.vector_load %arg27[%swap3A_774] masked %ge3A_716 {strides = array<i32>} : memref<6016xf32, #tpu.memory_space<vmem>>, vector<16xf32>, vector<16xi1>
        tpu.vector_store %arg27[%swap3A_774], %get3A_773 masked %ge3A_716 {strides = array<i32>} : memref<6016xf32, #tpu.memory_space<vmem>>, vector<16xf32>, vector<16xi1>
        %get3A_776 = arith.index_cast %mul3A_692 : i32 to index
        %get3A_777 = tpu.vector_load %arg16[%get3A_776] {strides = array<i32>} : memref<4608xf32, #tpu.memory_space<vmem>>, vector<16xf32>,
        %swap3A_778 = arith.index_cast %add3A_742 : i32 to index
        %swap3A_779 = tpu.vector_load %arg28[%swap3A_778] masked %ge3A_716 {strides = array<i32>} : memref<6016xf32, #tpu.memory_space<vmem>>, vector<16xf32>, vector<16xi1>
        tpu.vector_store %arg28[%swap3A_778], %get3A_777 masked %ge3A_716 {strides = array<i32>} : memref<6016xf32, #tpu.memory_space<vmem>>, vector<16xf32>, vector<16xi1>
        %get3A_780 = arith.index_cast %mul3A_692 : i32 to index
        %get3A_781 = tpu.vector_load %arg17[%get3A_780] {strides = array<i32>} : memref<4608xf32, #tpu.memory_space<vmem>>, vector<16xf32>,
        %swap3A_782 = arith.index_cast %add3A_742 : i32 to index
        %swap3A_783 = tpu.vector_load %arg29[%swap3A_782] masked %ge3A_716 {strides = array<i32>} : memref<6016xf32, #tpu.memory_space<vmem>>, vector<16xf32>, vector<16xi1>
        tpu.vector_store %arg29[%swap3A_782], %get3A_781 masked %ge3A_716 {strides = array<i32>} : memref<6016xf32, #tpu.memory_space<vmem>>, vector<16xf32>, vector<16xi1>
        %get3A_784 = arith.index_cast %mul3A_692 : i32 to index
        %get3A_785 = tpu.vector_load %arg18[%get3A_784] {strides = array<i32>} : memref<4608xf32, #tpu.memory_space<vmem>>, vector<16xf32>,
        %swap3A_786 = arith.index_cast %add3A_742 : i32 to index
        %swap3A_787 = tpu.vector_load %arg30[%swap3A_786] masked %ge3A_716 {strides = array<i32>} : memref<6016xf32, #tpu.memory_space<vmem>>, vector<16xf32>, vector<16xi1>
        tpu.vector_store %arg30[%swap3A_786], %get3A_785 masked %ge3A_716 {strides = array<i32>} : memref<6016xf32, #tpu.memory_space<vmem>>, vector<16xf32>, vector<16xi1>
        %get3A_788 = arith.index_cast %mul3A_692 : i32 to index
        %get3A_789 = tpu.vector_load %arg19[%get3A_788] {strides = array<i32>} : memref<4608xf32, #tpu.memory_space<vmem>>, vector<16xf32>,
        %swap3A_790 = arith.index_cast %add3A_742 : i32 to index
        %swap3A_791 = tpu.vector_load %arg31[%swap3A_790] masked %ge3A_716 {strides = array<i32>} : memref<6016xf32, #tpu.memory_space<vmem>>, vector<16xf32>, vector<16xi1>
        tpu.vector_store %arg31[%swap3A_790], %get3A_789 masked %ge3A_716 {strides = array<i32>} : memref<6016xf32, #tpu.memory_space<vmem>>, vector<16xf32>, vector<16xi1>
        %swap3A_792 = arith.index_cast %add3A_744 : i32 to index
        %swap3A_793 = tpu.vector_load %arg26[%swap3A_792] masked %ge3A_719 {strides = array<i32>} : memref<6016xf32, #tpu.memory_space<vmem>>, vector<16xf32>, vector<16xi1>
        tpu.vector_store %arg26[%swap3A_792], %get3A_709 masked %ge3A_719 {strides = array<i32>} : memref<6016xf32, #tpu.memory_space<vmem>>, vector<16xf32>, vector<16xi1>
        %get3A_794 = arith.index_cast %mul3A_698 : i32 to index
        %get3A_795 = tpu.vector_load %arg15[%get3A_794] {strides = array<i32>} : memref<4608xf32, #tpu.memory_space<vmem>>, vector<16xf32>,
        %swap3A_796 = arith.index_cast %add3A_744 : i32 to index
        %swap3A_797 = tpu.vector_load %arg27[%swap3A_796] masked %ge3A_719 {strides = array<i32>} : memref<6016xf32, #tpu.memory_space<vmem>>, vector<16xf32>, vector<16xi1>
        tpu.vector_store %arg27[%swap3A_796], %get3A_795 masked %ge3A_719 {strides = array<i32>} : memref<6016xf32, #tpu.memory_space<vmem>>, vector<16xf32>, vector<16xi1>
        %get3A_798 = arith.index_cast %mul3A_698 : i32 to index
        %get3A_799 = tpu.vector_load %arg16[%get3A_798] {strides = array<i32>} : memref<4608xf32, #tpu.memory_space<vmem>>, vector<16xf32>,
        %swap3A_800 = arith.index_cast %add3A_744 : i32 to index
        %swap3A_801 = tpu.vector_load %arg28[%swap3A_800] masked %ge3A_719 {strides = array<i32>} : memref<6016xf32, #tpu.memory_space<vmem>>, vector<16xf32>, vector<16xi1>
        tpu.vector_store %arg28[%swap3A_800], %get3A_799 masked %ge3A_719 {strides = array<i32>} : memref<6016xf32, #tpu.memory_space<vmem>>, vector<16xf32>, vector<16xi1>
        %get3A_802 = arith.index_cast %mul3A_698 : i32 to index
        %get3A_803 = tpu.vector_load %arg17[%get3A_802] {strides = array<i32>} : memref<4608xf32, #tpu.memory_space<vmem>>, vector<16xf32>,
        %swap3A_804 = arith.index_cast %add3A_744 : i32 to index
        %swap3A_805 = tpu.vector_load %arg29[%swap3A_804] masked %ge3A_719 {strides = array<i32>} : memref<6016xf32, #tpu.memory_space<vmem>>, vector<16xf32>, vector<16xi1>
        tpu.vector_store %arg29[%swap3A_804], %get3A_803 masked %ge3A_719 {strides = array<i32>} : memref<6016xf32, #tpu.memory_space<vmem>>, vector<16xf32>, vector<16xi1>
        %get3A_806 = arith.index_cast %mul3A_698 : i32 to index
        %get3A_807 = tpu.vector_load %arg18[%get3A_806] {strides = array<i32>} : memref<4608xf32, #tpu.memory_space<vmem>>, vector<16xf32>,
        %swap3A_808 = arith.index_cast %add3A_744 : i32 to index
        %swap3A_809 = tpu.vector_load %arg30[%swap3A_808] masked %ge3A_719 {strides = array<i32>} : memref<6016xf32, #tpu.memory_space<vmem>>, vector<16xf32>, vector<16xi1>
        tpu.vector_store %arg30[%swap3A_808], %get3A_807 masked %ge3A_719 {strides = array<i32>} : memref<6016xf32, #tpu.memory_space<vmem>>, vector<16xf32>, vector<16xi1>
        %get3A_810 = arith.index_cast %mul3A_698 : i32 to index
        %get3A_811 = tpu.vector_load %arg19[%get3A_810] {strides = array<i32>} : memref<4608xf32, #tpu.memory_space<vmem>>, vector<16xf32>,
        %swap3A_812 = arith.index_cast %add3A_744 : i32 to index
        %swap3A_813 = tpu.vector_load %arg31[%swap3A_812] masked %ge3A_719 {strides = array<i32>} : memref<6016xf32, #tpu.memory_space<vmem>>, vector<16xf32>, vector<16xi1>
        tpu.vector_store %arg31[%swap3A_812], %get3A_811 masked %ge3A_719 {strides = array<i32>} : memref<6016xf32, #tpu.memory_space<vmem>>, vector<16xf32>, vector<16xi1>
        %swap3A_814 = arith.index_cast %add3A_747 : i32 to index
        %swap3A_815 = tpu.vector_load %arg26[%swap3A_814] masked %ge3A_722 {strides = array<i32>} : memref<6016xf32, #tpu.memory_space<vmem>>, vector<16xf32>, vector<16xi1>
        tpu.vector_store %arg26[%swap3A_814], %get3A_711 masked %ge3A_722 {strides = array<i32>} : memref<6016xf32, #tpu.memory_space<vmem>>, vector<16xf32>, vector<16xi1>
        %get3A_816 = arith.index_cast %mul3A_704 : i32 to index
        %get3A_817 = tpu.vector_load %arg15[%get3A_816] {strides = array<i32>} : memref<4608xf32, #tpu.memory_space<vmem>>, vector<16xf32>,
        %swap3A_818 = arith.index_cast %add3A_747 : i32 to index
        %swap3A_819 = tpu.vector_load %arg27[%swap3A_818] masked %ge3A_722 {strides = array<i32>} : memref<6016xf32, #tpu.memory_space<vmem>>, vector<16xf32>, vector<16xi1>
        tpu.vector_store %arg27[%swap3A_818], %get3A_817 masked %ge3A_722 {strides = array<i32>} : memref<6016xf32, #tpu.memory_space<vmem>>, vector<16xf32>, vector<16xi1>
        %get3A_820 = arith.index_cast %mul3A_704 : i32 to index
        %get3A_821 = tpu.vector_load %arg16[%get3A_820] {strides = array<i32>} : memref<4608xf32, #tpu.memory_space<vmem>>, vector<16xf32>,
        %swap3A_822 = arith.index_cast %add3A_747 : i32 to index
        %swap3A_823 = tpu.vector_load %arg28[%swap3A_822] masked %ge3A_722 {strides = array<i32>} : memref<6016xf32, #tpu.memory_space<vmem>>, vector<16xf32>, vector<16xi1>
        tpu.vector_store %arg28[%swap3A_822], %get3A_821 masked %ge3A_722 {strides = array<i32>} : memref<6016xf32, #tpu.memory_space<vmem>>, vector<16xf32>, vector<16xi1>
        %get3A_824 = arith.index_cast %mul3A_704 : i32 to index
        %get3A_825 = tpu.vector_load %arg17[%get3A_824] {strides = array<i32>} : memref<4608xf32, #tpu.memory_space<vmem>>, vector<16xf32>,
        %swap3A_826 = arith.index_cast %add3A_747 : i32 to index
        %swap3A_827 = tpu.vector_load %arg29[%swap3A_826] masked %ge3A_722 {strides = array<i32>} : memref<6016xf32, #tpu.memory_space<vmem>>, vector<16xf32>, vector<16xi1>
        tpu.vector_store %arg29[%swap3A_826], %get3A_825 masked %ge3A_722 {strides = array<i32>} : memref<6016xf32, #tpu.memory_space<vmem>>, vector<16xf32>, vector<16xi1>
        %get3A_828 = arith.index_cast %mul3A_704 : i32 to index
        %get3A_829 = tpu.vector_load %arg18[%get3A_828] {strides = array<i32>} : memref<4608xf32, #tpu.memory_space<vmem>>, vector<16xf32>,
        %swap3A_830 = arith.index_cast %add3A_747 : i32 to index
        %swap3A_831 = tpu.vector_load %arg30[%swap3A_830] masked %ge3A_722 {strides = array<i32>} : memref<6016xf32, #tpu.memory_space<vmem>>, vector<16xf32>, vector<16xi1>
        tpu.vector_store %arg30[%swap3A_830], %get3A_829 masked %ge3A_722 {strides = array<i32>} : memref<6016xf32, #tpu.memory_space<vmem>>, vector<16xf32>, vector<16xi1>
        %get3A_832 = arith.index_cast %mul3A_704 : i32 to index
        %get3A_833 = tpu.vector_load %arg19[%get3A_832] {strides = array<i32>} : memref<4608xf32, #tpu.memory_space<vmem>>, vector<16xf32>,
        %swap3A_834 = arith.index_cast %add3A_747 : i32 to index
        %swap3A_835 = tpu.vector_load %arg31[%swap3A_834] masked %ge3A_722 {strides = array<i32>} : memref<6016xf32, #tpu.memory_space<vmem>>, vector<16xf32>, vector<16xi1>
        tpu.vector_store %arg31[%swap3A_834], %get3A_833 masked %ge3A_722 {strides = array<i32>} : memref<6016xf32, #tpu.memory_space<vmem>>, vector<16xf32>, vector<16xi1>
        %add3A_836 = arith.addi %add3A_747, %reduce_sum3A_741 : i32
        scf.yield %add3A_836 : i32
      }
      %scan3A_108 = arith.constant 72 : i32
      %dma_wait3A_109 = arith.constant 4608 : i32
      %dma_wait3A_110 = tpu.memref_slice %arg2[%add3A, %dma_wait3A_109] : memref<4x36864xf32, #tpu.memory_space<hbm>> -> memref<1x4608xf32, #tpu.memory_space<hbm>>
      %dma_wait3A_111 = tpu.memref_squeeze %dma_wait3A_110 : memref<1x4608xf32, #tpu.memory_space<hbm>> -> memref<4608xf32, #tpu.memory_space<hbm>>
      %dma_wait3A_112 = arith.constant 4608 : i32
      %dma_wait3A_113 = tpu.memref_slice %arg2[%add3A, %dma_wait3A_112] : memref<4x36864xf32, #tpu.memory_space<hbm>> -> memref<1x4608xf32, #tpu.memory_space<hbm>>
      %dma_wait3A_114 = tpu.memref_squeeze %dma_wait3A_113 : memref<1x4608xf32, #tpu.memory_space<hbm>> -> memref<4608xf32, #tpu.memory_space<hbm>>
      tpu.wait_dma2 semaphore(%arg33 : memref<!tpu.dma_semaphore, #tpu.memory_space<semaphore_mem>>) src(%dma_wait3A_114 : memref<4608xf32, #tpu.memory_space<hbm>>) dst(%arg20 : memref<4608xf32, #tpu.memory_space<vmem>>)
      %dma_wait3A_115 = arith.constant 4608 : i32
      %dma_wait3A_116 = tpu.memref_slice %arg3[%add3A, %dma_wait3A_115] : memref<4x36864xf32, #tpu.memory_space<hbm>> -> memref<1x4608xf32, #tpu.memory_space<hbm>>
      %dma_wait3A_117 = tpu.memref_squeeze %dma_wait3A_116 : memref<1x4608xf32, #tpu.memory_space<hbm>> -> memref<4608xf32, #tpu.memory_space<hbm>>
      %dma_wait3A_118 = arith.constant 4608 : i32
      %dma_wait3A_119 = tpu.memref_slice %arg3[%add3A, %dma_wait3A_118] : memref<4x36864xf32, #tpu.memory_space<hbm>> -> memref<1x4608xf32, #tpu.memory_space<hbm>>
      %dma_wait3A_120 = tpu.memref_squeeze %dma_wait3A_119 : memref<1x4608xf32, #tpu.memory_space<hbm>> -> memref<4608xf32, #tpu.memory_space<hbm>>
      tpu.wait_dma2 semaphore(%arg33 : memref<!tpu.dma_semaphore, #tpu.memory_space<semaphore_mem>>) src(%dma_wait3A_120 : memref<4608xf32, #tpu.memory_space<hbm>>) dst(%arg21 : memref<4608xf32, #tpu.memory_space<vmem>>)
      %dma_wait3A_121 = arith.constant 4608 : i32
      %dma_wait3A_122 = tpu.memref_slice %arg4[%add3A, %dma_wait3A_121] : memref<4x36864xf32, #tpu.memory_space<hbm>> -> memref<1x4608xf32, #tpu.memory_space<hbm>>
      %dma_wait3A_123 = tpu.memref_squeeze %dma_wait3A_122 : memref<1x4608xf32, #tpu.memory_space<hbm>> -> memref<4608xf32, #tpu.memory_space<hbm>>
      %dma_wait3A_124 = arith.constant 4608 : i32
      %dma_wait3A_125 = tpu.memref_slice %arg4[%add3A, %dma_wait3A_124] : memref<4x36864xf32, #tpu.memory_space<hbm>> -> memref<1x4608xf32, #tpu.memory_space<hbm>>
      %dma_wait3A_126 = tpu.memref_squeeze %dma_wait3A_125 : memref<1x4608xf32, #tpu.memory_space<hbm>> -> memref<4608xf32, #tpu.memory_space<hbm>>
      tpu.wait_dma2 semaphore(%arg33 : memref<!tpu.dma_semaphore, #tpu.memory_space<semaphore_mem>>) src(%dma_wait3A_126 : memref<4608xf32, #tpu.memory_space<hbm>>) dst(%arg22 : memref<4608xf32, #tpu.memory_space<vmem>>)
      %dma_wait3A_127 = arith.constant 4608 : i32
      %dma_wait3A_128 = tpu.memref_slice %arg5[%add3A, %dma_wait3A_127] : memref<4x36864xf32, #tpu.memory_space<hbm>> -> memref<1x4608xf32, #tpu.memory_space<hbm>>
      %dma_wait3A_129 = tpu.memref_squeeze %dma_wait3A_128 : memref<1x4608xf32, #tpu.memory_space<hbm>> -> memref<4608xf32, #tpu.memory_space<hbm>>
      %dma_wait3A_130 = arith.constant 4608 : i32
      %dma_wait3A_131 = tpu.memref_slice %arg5[%add3A, %dma_wait3A_130] : memref<4x36864xf32, #tpu.memory_space<hbm>> -> memref<1x4608xf32, #tpu.memory_space<hbm>>
      %dma_wait3A_132 = tpu.memref_squeeze %dma_wait3A_131 : memref<1x4608xf32, #tpu.memory_space<hbm>> -> memref<4608xf32, #tpu.memory_space<hbm>>
      tpu.wait_dma2 semaphore(%arg33 : memref<!tpu.dma_semaphore, #tpu.memory_space<semaphore_mem>>) src(%dma_wait3A_132 : memref<4608xf32, #tpu.memory_space<hbm>>) dst(%arg23 : memref<4608xf32, #tpu.memory_space<vmem>>)
      %dma_wait3A_133 = arith.constant 4608 : i32
      %dma_wait3A_134 = tpu.memref_slice %arg6[%add3A, %dma_wait3A_133] : memref<4x36864xf32, #tpu.memory_space<hbm>> -> memref<1x4608xf32, #tpu.memory_space<hbm>>
      %dma_wait3A_135 = tpu.memref_squeeze %dma_wait3A_134 : memref<1x4608xf32, #tpu.memory_space<hbm>> -> memref<4608xf32, #tpu.memory_space<hbm>>
      %dma_wait3A_136 = arith.constant 4608 : i32
      %dma_wait3A_137 = tpu.memref_slice %arg6[%add3A, %dma_wait3A_136] : memref<4x36864xf32, #tpu.memory_space<hbm>> -> memref<1x4608xf32, #tpu.memory_space<hbm>>
      %dma_wait3A_138 = tpu.memref_squeeze %dma_wait3A_137 : memref<1x4608xf32, #tpu.memory_space<hbm>> -> memref<4608xf32, #tpu.memory_space<hbm>>
      tpu.wait_dma2 semaphore(%arg33 : memref<!tpu.dma_semaphore, #tpu.memory_space<semaphore_mem>>) src(%dma_wait3A_138 : memref<4608xf32, #tpu.memory_space<hbm>>) dst(%arg24 : memref<4608xf32, #tpu.memory_space<vmem>>)
      %dma_wait3A_139 = arith.constant 4608 : i32
      %dma_wait3A_140 = tpu.memref_slice %arg7[%dma_wait3A_139] : memref<36864xf32, #tpu.memory_space<hbm>> -> memref<4608xf32, #tpu.memory_space<hbm>>
      %dma_wait3A_141 = arith.constant 4608 : i32
      %dma_wait3A_142 = tpu.memref_slice %arg7[%dma_wait3A_141] : memref<36864xf32, #tpu.memory_space<hbm>> -> memref<4608xf32, #tpu.memory_space<hbm>>
      tpu.wait_dma2 semaphore(%arg33 : memref<!tpu.dma_semaphore, #tpu.memory_space<semaphore_mem>>) src(%dma_wait3A_142 : memref<4608xf32, #tpu.memory_space<hbm>>) dst(%arg25 : memref<4608xf32, #tpu.memory_space<vmem>>)
      %dma_start3A_143 = arith.constant 9216 : i32
      %dma_start3A_144 = tpu.memref_slice %arg2[%add3A, %dma_start3A_143] : memref<4x36864xf32, #tpu.memory_space<hbm>> -> memref<1x4608xf32, #tpu.memory_space<hbm>>
      %dma_start3A_145 = tpu.memref_squeeze %dma_start3A_144 : memref<1x4608xf32, #tpu.memory_space<hbm>> -> memref<4608xf32, #tpu.memory_space<hbm>>
      %dma_start3A_146 = arith.constant 9216 : i32
      %dma_start3A_147 = tpu.memref_slice %arg2[%add3A, %dma_start3A_146] : memref<4x36864xf32, #tpu.memory_space<hbm>> -> memref<1x4608xf32, #tpu.memory_space<hbm>>
      %dma_start3A_148 = tpu.memref_squeeze %dma_start3A_147 : memref<1x4608xf32, #tpu.memory_space<hbm>> -> memref<4608xf32, #tpu.memory_space<hbm>>
      tpu.enqueue_dma source(%dma_start3A_148 : memref<4608xf32, #tpu.memory_space<hbm>>) target(%arg14 : memref<4608xf32, #tpu.memory_space<vmem>>) target_semaphore(%arg32 : memref<!tpu.dma_semaphore, #tpu.memory_space<semaphore_mem>>)
      %dma_start3A_149 = arith.constant 9216 : i32
      %dma_start3A_150 = tpu.memref_slice %arg3[%add3A, %dma_start3A_149] : memref<4x36864xf32, #tpu.memory_space<hbm>> -> memref<1x4608xf32, #tpu.memory_space<hbm>>
      %dma_start3A_151 = tpu.memref_squeeze %dma_start3A_150 : memref<1x4608xf32, #tpu.memory_space<hbm>> -> memref<4608xf32, #tpu.memory_space<hbm>>
      %dma_start3A_152 = arith.constant 9216 : i32
      %dma_start3A_153 = tpu.memref_slice %arg3[%add3A, %dma_start3A_152] : memref<4x36864xf32, #tpu.memory_space<hbm>> -> memref<1x4608xf32, #tpu.memory_space<hbm>>
      %dma_start3A_154 = tpu.memref_squeeze %dma_start3A_153 : memref<1x4608xf32, #tpu.memory_space<hbm>> -> memref<4608xf32, #tpu.memory_space<hbm>>
      tpu.enqueue_dma source(%dma_start3A_154 : memref<4608xf32, #tpu.memory_space<hbm>>) target(%arg15 : memref<4608xf32, #tpu.memory_space<vmem>>) target_semaphore(%arg32 : memref<!tpu.dma_semaphore, #tpu.memory_space<semaphore_mem>>)
      %dma_start3A_155 = arith.constant 9216 : i32
      %dma_start3A_156 = tpu.memref_slice %arg4[%add3A, %dma_start3A_155] : memref<4x36864xf32, #tpu.memory_space<hbm>> -> memref<1x4608xf32, #tpu.memory_space<hbm>>
      %dma_start3A_157 = tpu.memref_squeeze %dma_start3A_156 : memref<1x4608xf32, #tpu.memory_space<hbm>> -> memref<4608xf32, #tpu.memory_space<hbm>>
      %dma_start3A_158 = arith.constant 9216 : i32
      %dma_start3A_159 = tpu.memref_slice %arg4[%add3A, %dma_start3A_158] : memref<4x36864xf32, #tpu.memory_space<hbm>> -> memref<1x4608xf32, #tpu.memory_space<hbm>>
      %dma_start3A_160 = tpu.memref_squeeze %dma_start3A_159 : memref<1x4608xf32, #tpu.memory_space<hbm>> -> memref<4608xf32, #tpu.memory_space<hbm>>
      tpu.enqueue_dma source(%dma_start3A_160 : memref<4608xf32, #tpu.memory_space<hbm>>) target(%arg16 : memref<4608xf32, #tpu.memory_space<vmem>>) target_semaphore(%arg32 : memref<!tpu.dma_semaphore, #tpu.memory_space<semaphore_mem>>)
      %dma_start3A_161 = arith.constant 9216 : i32
      %dma_start3A_162 = tpu.memref_slice %arg5[%add3A, %dma_start3A_161] : memref<4x36864xf32, #tpu.memory_space<hbm>> -> memref<1x4608xf32, #tpu.memory_space<hbm>>
      %dma_start3A_163 = tpu.memref_squeeze %dma_start3A_162 : memref<1x4608xf32, #tpu.memory_space<hbm>> -> memref<4608xf32, #tpu.memory_space<hbm>>
      %dma_start3A_164 = arith.constant 9216 : i32
      %dma_start3A_165 = tpu.memref_slice %arg5[%add3A, %dma_start3A_164] : memref<4x36864xf32, #tpu.memory_space<hbm>> -> memref<1x4608xf32, #tpu.memory_space<hbm>>
      %dma_start3A_166 = tpu.memref_squeeze %dma_start3A_165 : memref<1x4608xf32, #tpu.memory_space<hbm>> -> memref<4608xf32, #tpu.memory_space<hbm>>
      tpu.enqueue_dma source(%dma_start3A_166 : memref<4608xf32, #tpu.memory_space<hbm>>) target(%arg17 : memref<4608xf32, #tpu.memory_space<vmem>>) target_semaphore(%arg32 : memref<!tpu.dma_semaphore, #tpu.memory_space<semaphore_mem>>)
      %dma_start3A_167 = arith.constant 9216 : i32
      %dma_start3A_168 = tpu.memref_slice %arg6[%add3A, %dma_start3A_167] : memref<4x36864xf32, #tpu.memory_space<hbm>> -> memref<1x4608xf32, #tpu.memory_space<hbm>>
      %dma_start3A_169 = tpu.memref_squeeze %dma_start3A_168 : memref<1x4608xf32, #tpu.memory_space<hbm>> -> memref<4608xf32, #tpu.memory_space<hbm>>
      %dma_start3A_170 = arith.constant 9216 : i32
      %dma_start3A_171 = tpu.memref_slice %arg6[%add3A, %dma_start3A_170] : memref<4x36864xf32, #tpu.memory_space<hbm>> -> memref<1x4608xf32, #tpu.memory_space<hbm>>
      %dma_start3A_172 = tpu.memref_squeeze %dma_start3A_171 : memref<1x4608xf32, #tpu.memory_space<hbm>> -> memref<4608xf32, #tpu.memory_space<hbm>>
      tpu.enqueue_dma source(%dma_start3A_172 : memref<4608xf32, #tpu.memory_space<hbm>>) target(%arg18 : memref<4608xf32, #tpu.memory_space<vmem>>) target_semaphore(%arg32 : memref<!tpu.dma_semaphore, #tpu.memory_space<semaphore_mem>>)
      %dma_start3A_173 = arith.constant 9216 : i32
      %dma_start3A_174 = tpu.memref_slice %arg7[%dma_start3A_173] : memref<36864xf32, #tpu.memory_space<hbm>> -> memref<4608xf32, #tpu.memory_space<hbm>>
      %dma_start3A_175 = arith.constant 9216 : i32
      %dma_start3A_176 = tpu.memref_slice %arg7[%dma_start3A_175] : memref<36864xf32, #tpu.memory_space<hbm>> -> memref<4608xf32, #tpu.memory_space<hbm>>
      tpu.enqueue_dma source(%dma_start3A_176 : memref<4608xf32, #tpu.memory_space<hbm>>) target(%arg19 : memref<4608xf32, #tpu.memory_space<vmem>>) target_semaphore(%arg32 : memref<!tpu.dma_semaphore, #tpu.memory_space<semaphore_mem>>)
      %scan3A_177 = arith.constant 0 : i32
      %scan3A_178 = arith.constant 72 : i32
      %scan3A_179 = arith.addi %scan3A_177, %scan3A_178 : i32
      %scan3A_180 = arith.constant 1 : i32
      %scan3A_181 = scf.for %scan3A_679 = %scan3A_177 to %scan3A_179 step %scan3A_180 iter_args(%scan3A_680 = %scan3A_107) -> (i32)  : i32 {
        %mul3A_681 = arith.constant 4 : i32
        %mul3A_682 = arith.muli %scan3A_679, %mul3A_681 : i32
        %add3A_683 = arith.constant 0 : i32
        %add3A_684 = arith.addi %mul3A_682, %add3A_683 : i32
        %mul3A_685 = arith.constant 16 : i32
        %mul3A_686 = arith.muli %add3A_684, %mul3A_685 : i32
        %mul3A_687 = arith.constant 4 : i32
        %mul3A_688 = arith.muli %scan3A_679, %mul3A_687 : i32
        %add3A_689 = arith.constant 1 : i32
        %add3A_690 = arith.addi %mul3A_688, %add3A_689 : i32
        %mul3A_691 = arith.constant 16 : i32
        %mul3A_692 = arith.muli %add3A_690, %mul3A_691 : i32
        %mul3A_693 = arith.constant 4 : i32
        %mul3A_694 = arith.muli %scan3A_679, %mul3A_693 : i32
        %add3A_695 = arith.constant 2 : i32
        %add3A_696 = arith.addi %mul3A_694, %add3A_695 : i32
        %mul3A_697 = arith.constant 16 : i32
        %mul3A_698 = arith.muli %add3A_696, %mul3A_697 : i32
        %mul3A_699 = arith.constant 4 : i32
        %mul3A_700 = arith.muli %scan3A_679, %mul3A_699 : i32
        %add3A_701 = arith.constant 3 : i32
        %add3A_702 = arith.addi %mul3A_700, %add3A_701 : i32
        %mul3A_703 = arith.constant 16 : i32
        %mul3A_704 = arith.muli %add3A_702, %mul3A_703 : i32
        %get3A = arith.index_cast %mul3A_686 : i32 to index
        %get3A_705 = tpu.vector_load %arg20[%get3A] {strides = array<i32>} : memref<4608xf32, #tpu.memory_space<vmem>>, vector<16xf32>,
        %get3A_706 = arith.index_cast %mul3A_692 : i32 to index
        %get3A_707 = tpu.vector_load %arg20[%get3A_706] {strides = array<i32>} : memref<4608xf32, #tpu.memory_space<vmem>>, vector<16xf32>,
        %get3A_708 = arith.index_cast %mul3A_698 : i32 to index
        %get3A_709 = tpu.vector_load %arg20[%get3A_708] {strides = array<i32>} : memref<4608xf32, #tpu.memory_space<vmem>>, vector<16xf32>,
        %get3A_710 = arith.index_cast %mul3A_704 : i32 to index
        %get3A_711 = tpu.vector_load %arg20[%get3A_710] {strides = array<i32>} : memref<4608xf32, #tpu.memory_space<vmem>>, vector<16xf32>,
        %ge3A = arith.constant 0.000000e+00 : f32
        %ge3A_712 = vector.broadcast %ge3A : f32 to vector<16xf32>
        %ge3A_713 = arith.cmpf oge, %get3A_705, %ge3A_712 : vector<16xf32>
        %ge3A_714 = arith.constant 0.000000e+00 : f32
        %ge3A_715 = vector.broadcast %ge3A_714 : f32 to vector<16xf32>
        %ge3A_716 = arith.cmpf oge, %get3A_707, %ge3A_715 : vector<16xf32>
        %ge3A_717 = arith.constant 0.000000e+00 : f32
        %ge3A_718 = vector.broadcast %ge3A_717 : f32 to vector<16xf32>
        %ge3A_719 = arith.cmpf oge, %get3A_709, %ge3A_718 : vector<16xf32>
        %ge3A_720 = arith.constant 0.000000e+00 : f32
        %ge3A_721 = vector.broadcast %ge3A_720 : f32 to vector<16xf32>
        %ge3A_722 = arith.cmpf oge, %get3A_711, %ge3A_721 : vector<16xf32>
        %convert_element_type3A_723 = arith.extui %ge3A_713 : vector<16xi1> to vector<16xi32>
        %reduce_sum3A = arith.constant true
        %reduce_sum3A_724 = vector.broadcast %reduce_sum3A : i1 to vector<16xi1>
        %reduce_sum3A_725 = tpu.scan <sum>, %convert_element_type3A_723 masked %reduce_sum3A_724 : vector<16xi32>, vector<16xi1> -> vector<16xi32>
        %reduce_sum3A_726 = vector.extract %reduce_sum3A_725[15] : i32 from vector<16xi32>
        %convert_element_type3A_727 = arith.extui %ge3A_716 : vector<16xi1> to vector<16xi32>
        %reduce_sum3A_728 = arith.constant true
        %reduce_sum3A_729 = vector.broadcast %reduce_sum3A_728 : i1 to vector<16xi1>
        %reduce_sum3A_730 = tpu.scan <sum>, %convert_element_type3A_727 masked %reduce_sum3A_729 : vector<16xi32>, vector<16xi1> -> vector<16xi32>
        %reduce_sum3A_731 = vector.extract %reduce_sum3A_730[15] : i32 from vector<16xi32>
        %convert_element_type3A_732 = arith.extui %ge3A_719 : vector<16xi1> to vector<16xi32>
        %reduce_sum3A_733 = arith.constant true
        %reduce_sum3A_734 = vector.broadcast %reduce_sum3A_733 : i1 to vector<16xi1>
        %reduce_sum3A_735 = tpu.scan <sum>, %convert_element_type3A_732 masked %reduce_sum3A_734 : vector<16xi32>, vector<16xi1> -> vector<16xi32>
        %reduce_sum3A_736 = vector.extract %reduce_sum3A_735[15] : i32 from vector<16xi32>
        %convert_element_type3A_737 = arith.extui %ge3A_722 : vector<16xi1> to vector<16xi32>
        %reduce_sum3A_738 = arith.constant true
        %reduce_sum3A_739 = vector.broadcast %reduce_sum3A_738 : i1 to vector<16xi1>
        %reduce_sum3A_740 = tpu.scan <sum>, %convert_element_type3A_737 masked %reduce_sum3A_739 : vector<16xi32>, vector<16xi1> -> vector<16xi32>
        %reduce_sum3A_741 = vector.extract %reduce_sum3A_740[15] : i32 from vector<16xi32>
        %add3A_742 = arith.addi %scan3A_680, %reduce_sum3A_726 : i32
        %add3A_743 = arith.addi %scan3A_680, %reduce_sum3A_726 : i32
        %add3A_744 = arith.addi %add3A_743, %reduce_sum3A_731 : i32
        %add3A_745 = arith.addi %scan3A_680, %reduce_sum3A_726 : i32
        %add3A_746 = arith.addi %add3A_745, %reduce_sum3A_731 : i32
        %add3A_747 = arith.addi %add3A_746, %reduce_sum3A_736 : i32
        %swap3A_748 = arith.index_cast %scan3A_680 : i32 to index
        %swap3A_749 = tpu.vector_load %arg26[%swap3A_748] masked %ge3A_713 {strides = array<i32>} : memref<6016xf32, #tpu.memory_space<vmem>>, vector<16xf32>, vector<16xi1>
        tpu.vector_store %arg26[%swap3A_748], %get3A_705 masked %ge3A_713 {strides = array<i32>} : memref<6016xf32, #tpu.memory_space<vmem>>, vector<16xf32>, vector<16xi1>
        %get3A_750 = arith.index_cast %mul3A_686 : i32 to index
        %get3A_751 = tpu.vector_load %arg21[%get3A_750] {strides = array<i32>} : memref<4608xf32, #tpu.memory_space<vmem>>, vector<16xf32>,
        %swap3A_752 = arith.index_cast %scan3A_680 : i32 to index
        %swap3A_753 = tpu.vector_load %arg27[%swap3A_752] masked %ge3A_713 {strides = array<i32>} : memref<6016xf32, #tpu.memory_space<vmem>>, vector<16xf32>, vector<16xi1>
        tpu.vector_store %arg27[%swap3A_752], %get3A_751 masked %ge3A_713 {strides = array<i32>} : memref<6016xf32, #tpu.memory_space<vmem>>, vector<16xf32>, vector<16xi1>
        %get3A_754 = arith.index_cast %mul3A_686 : i32 to index
        %get3A_755 = tpu.vector_load %arg22[%get3A_754] {strides = array<i32>} : memref<4608xf32, #tpu.memory_space<vmem>>, vector<16xf32>,
        %swap3A_756 = arith.index_cast %scan3A_680 : i32 to index
        %swap3A_757 = tpu.vector_load %arg28[%swap3A_756] masked %ge3A_713 {strides = array<i32>} : memref<6016xf32, #tpu.memory_space<vmem>>, vector<16xf32>, vector<16xi1>
        tpu.vector_store %arg28[%swap3A_756], %get3A_755 masked %ge3A_713 {strides = array<i32>} : memref<6016xf32, #tpu.memory_space<vmem>>, vector<16xf32>, vector<16xi1>
        %get3A_758 = arith.index_cast %mul3A_686 : i32 to index
        %get3A_759 = tpu.vector_load %arg23[%get3A_758] {strides = array<i32>} : memref<4608xf32, #tpu.memory_space<vmem>>, vector<16xf32>,
        %swap3A_760 = arith.index_cast %scan3A_680 : i32 to index
        %swap3A_761 = tpu.vector_load %arg29[%swap3A_760] masked %ge3A_713 {strides = array<i32>} : memref<6016xf32, #tpu.memory_space<vmem>>, vector<16xf32>, vector<16xi1>
        tpu.vector_store %arg29[%swap3A_760], %get3A_759 masked %ge3A_713 {strides = array<i32>} : memref<6016xf32, #tpu.memory_space<vmem>>, vector<16xf32>, vector<16xi1>
        %get3A_762 = arith.index_cast %mul3A_686 : i32 to index
        %get3A_763 = tpu.vector_load %arg24[%get3A_762] {strides = array<i32>} : memref<4608xf32, #tpu.memory_space<vmem>>, vector<16xf32>,
        %swap3A_764 = arith.index_cast %scan3A_680 : i32 to index
        %swap3A_765 = tpu.vector_load %arg30[%swap3A_764] masked %ge3A_713 {strides = array<i32>} : memref<6016xf32, #tpu.memory_space<vmem>>, vector<16xf32>, vector<16xi1>
        tpu.vector_store %arg30[%swap3A_764], %get3A_763 masked %ge3A_713 {strides = array<i32>} : memref<6016xf32, #tpu.memory_space<vmem>>, vector<16xf32>, vector<16xi1>
        %get3A_766 = arith.index_cast %mul3A_686 : i32 to index
        %get3A_767 = tpu.vector_load %arg25[%get3A_766] {strides = array<i32>} : memref<4608xf32, #tpu.memory_space<vmem>>, vector<16xf32>,
        %swap3A_768 = arith.index_cast %scan3A_680 : i32 to index
        %swap3A_769 = tpu.vector_load %arg31[%swap3A_768] masked %ge3A_713 {strides = array<i32>} : memref<6016xf32, #tpu.memory_space<vmem>>, vector<16xf32>, vector<16xi1>
        tpu.vector_store %arg31[%swap3A_768], %get3A_767 masked %ge3A_713 {strides = array<i32>} : memref<6016xf32, #tpu.memory_space<vmem>>, vector<16xf32>, vector<16xi1>
        %swap3A_770 = arith.index_cast %add3A_742 : i32 to index
        %swap3A_771 = tpu.vector_load %arg26[%swap3A_770] masked %ge3A_716 {strides = array<i32>} : memref<6016xf32, #tpu.memory_space<vmem>>, vector<16xf32>, vector<16xi1>
        tpu.vector_store %arg26[%swap3A_770], %get3A_707 masked %ge3A_716 {strides = array<i32>} : memref<6016xf32, #tpu.memory_space<vmem>>, vector<16xf32>, vector<16xi1>
        %get3A_772 = arith.index_cast %mul3A_692 : i32 to index
        %get3A_773 = tpu.vector_load %arg21[%get3A_772] {strides = array<i32>} : memref<4608xf32, #tpu.memory_space<vmem>>, vector<16xf32>,
        %swap3A_774 = arith.index_cast %add3A_742 : i32 to index
        %swap3A_775 = tpu.vector_load %arg27[%swap3A_774] masked %ge3A_716 {strides = array<i32>} : memref<6016xf32, #tpu.memory_space<vmem>>, vector<16xf32>, vector<16xi1>
        tpu.vector_store %arg27[%swap3A_774], %get3A_773 masked %ge3A_716 {strides = array<i32>} : memref<6016xf32, #tpu.memory_space<vmem>>, vector<16xf32>, vector<16xi1>
        %get3A_776 = arith.index_cast %mul3A_692 : i32 to index
        %get3A_777 = tpu.vector_load %arg22[%get3A_776] {strides = array<i32>} : memref<4608xf32, #tpu.memory_space<vmem>>, vector<16xf32>,
        %swap3A_778 = arith.index_cast %add3A_742 : i32 to index
        %swap3A_779 = tpu.vector_load %arg28[%swap3A_778] masked %ge3A_716 {strides = array<i32>} : memref<6016xf32, #tpu.memory_space<vmem>>, vector<16xf32>, vector<16xi1>
        tpu.vector_store %arg28[%swap3A_778], %get3A_777 masked %ge3A_716 {strides = array<i32>} : memref<6016xf32, #tpu.memory_space<vmem>>, vector<16xf32>, vector<16xi1>
        %get3A_780 = arith.index_cast %mul3A_692 : i32 to index
        %get3A_781 = tpu.vector_load %arg23[%get3A_780] {strides = array<i32>} : memref<4608xf32, #tpu.memory_space<vmem>>, vector<16xf32>,
        %swap3A_782 = arith.index_cast %add3A_742 : i32 to index
        %swap3A_783 = tpu.vector_load %arg29[%swap3A_782] masked %ge3A_716 {strides = array<i32>} : memref<6016xf32, #tpu.memory_space<vmem>>, vector<16xf32>, vector<16xi1>
        tpu.vector_store %arg29[%swap3A_782], %get3A_781 masked %ge3A_716 {strides = array<i32>} : memref<6016xf32, #tpu.memory_space<vmem>>, vector<16xf32>, vector<16xi1>
        %get3A_784 = arith.index_cast %mul3A_692 : i32 to index
        %get3A_785 = tpu.vector_load %arg24[%get3A_784] {strides = array<i32>} : memref<4608xf32, #tpu.memory_space<vmem>>, vector<16xf32>,
        %swap3A_786 = arith.index_cast %add3A_742 : i32 to index
        %swap3A_787 = tpu.vector_load %arg30[%swap3A_786] masked %ge3A_716 {strides = array<i32>} : memref<6016xf32, #tpu.memory_space<vmem>>, vector<16xf32>, vector<16xi1>
        tpu.vector_store %arg30[%swap3A_786], %get3A_785 masked %ge3A_716 {strides = array<i32>} : memref<6016xf32, #tpu.memory_space<vmem>>, vector<16xf32>, vector<16xi1>
        %get3A_788 = arith.index_cast %mul3A_692 : i32 to index
        %get3A_789 = tpu.vector_load %arg25[%get3A_788] {strides = array<i32>} : memref<4608xf32, #tpu.memory_space<vmem>>, vector<16xf32>,
        %swap3A_790 = arith.index_cast %add3A_742 : i32 to index
        %swap3A_791 = tpu.vector_load %arg31[%swap3A_790] masked %ge3A_716 {strides = array<i32>} : memref<6016xf32, #tpu.memory_space<vmem>>, vector<16xf32>, vector<16xi1>
        tpu.vector_store %arg31[%swap3A_790], %get3A_789 masked %ge3A_716 {strides = array<i32>} : memref<6016xf32, #tpu.memory_space<vmem>>, vector<16xf32>, vector<16xi1>
        %swap3A_792 = arith.index_cast %add3A_744 : i32 to index
        %swap3A_793 = tpu.vector_load %arg26[%swap3A_792] masked %ge3A_719 {strides = array<i32>} : memref<6016xf32, #tpu.memory_space<vmem>>, vector<16xf32>, vector<16xi1>
        tpu.vector_store %arg26[%swap3A_792], %get3A_709 masked %ge3A_719 {strides = array<i32>} : memref<6016xf32, #tpu.memory_space<vmem>>, vector<16xf32>, vector<16xi1>
        %get3A_794 = arith.index_cast %mul3A_698 : i32 to index
        %get3A_795 = tpu.vector_load %arg21[%get3A_794] {strides = array<i32>} : memref<4608xf32, #tpu.memory_space<vmem>>, vector<16xf32>,
        %swap3A_796 = arith.index_cast %add3A_744 : i32 to index
        %swap3A_797 = tpu.vector_load %arg27[%swap3A_796] masked %ge3A_719 {strides = array<i32>} : memref<6016xf32, #tpu.memory_space<vmem>>, vector<16xf32>, vector<16xi1>
        tpu.vector_store %arg27[%swap3A_796], %get3A_795 masked %ge3A_719 {strides = array<i32>} : memref<6016xf32, #tpu.memory_space<vmem>>, vector<16xf32>, vector<16xi1>
        %get3A_798 = arith.index_cast %mul3A_698 : i32 to index
        %get3A_799 = tpu.vector_load %arg22[%get3A_798] {strides = array<i32>} : memref<4608xf32, #tpu.memory_space<vmem>>, vector<16xf32>,
        %swap3A_800 = arith.index_cast %add3A_744 : i32 to index
        %swap3A_801 = tpu.vector_load %arg28[%swap3A_800] masked %ge3A_719 {strides = array<i32>} : memref<6016xf32, #tpu.memory_space<vmem>>, vector<16xf32>, vector<16xi1>
        tpu.vector_store %arg28[%swap3A_800], %get3A_799 masked %ge3A_719 {strides = array<i32>} : memref<6016xf32, #tpu.memory_space<vmem>>, vector<16xf32>, vector<16xi1>
        %get3A_802 = arith.index_cast %mul3A_698 : i32 to index
        %get3A_803 = tpu.vector_load %arg23[%get3A_802] {strides = array<i32>} : memref<4608xf32, #tpu.memory_space<vmem>>, vector<16xf32>,
        %swap3A_804 = arith.index_cast %add3A_744 : i32 to index
        %swap3A_805 = tpu.vector_load %arg29[%swap3A_804] masked %ge3A_719 {strides = array<i32>} : memref<6016xf32, #tpu.memory_space<vmem>>, vector<16xf32>, vector<16xi1>
        tpu.vector_store %arg29[%swap3A_804], %get3A_803 masked %ge3A_719 {strides = array<i32>} : memref<6016xf32, #tpu.memory_space<vmem>>, vector<16xf32>, vector<16xi1>
        %get3A_806 = arith.index_cast %mul3A_698 : i32 to index
        %get3A_807 = tpu.vector_load %arg24[%get3A_806] {strides = array<i32>} : memref<4608xf32, #tpu.memory_space<vmem>>, vector<16xf32>,
        %swap3A_808 = arith.index_cast %add3A_744 : i32 to index
        %swap3A_809 = tpu.vector_load %arg30[%swap3A_808] masked %ge3A_719 {strides = array<i32>} : memref<6016xf32, #tpu.memory_space<vmem>>, vector<16xf32>, vector<16xi1>
        tpu.vector_store %arg30[%swap3A_808], %get3A_807 masked %ge3A_719 {strides = array<i32>} : memref<6016xf32, #tpu.memory_space<vmem>>, vector<16xf32>, vector<16xi1>
        %get3A_810 = arith.index_cast %mul3A_698 : i32 to index
        %get3A_811 = tpu.vector_load %arg25[%get3A_810] {strides = array<i32>} : memref<4608xf32, #tpu.memory_space<vmem>>, vector<16xf32>,
        %swap3A_812 = arith.index_cast %add3A_744 : i32 to index
        %swap3A_813 = tpu.vector_load %arg31[%swap3A_812] masked %ge3A_719 {strides = array<i32>} : memref<6016xf32, #tpu.memory_space<vmem>>, vector<16xf32>, vector<16xi1>
        tpu.vector_store %arg31[%swap3A_812], %get3A_811 masked %ge3A_719 {strides = array<i32>} : memref<6016xf32, #tpu.memory_space<vmem>>, vector<16xf32>, vector<16xi1>
        %swap3A_814 = arith.index_cast %add3A_747 : i32 to index
        %swap3A_815 = tpu.vector_load %arg26[%swap3A_814] masked %ge3A_722 {strides = array<i32>} : memref<6016xf32, #tpu.memory_space<vmem>>, vector<16xf32>, vector<16xi1>
        tpu.vector_store %arg26[%swap3A_814], %get3A_711 masked %ge3A_722 {strides = array<i32>} : memref<6016xf32, #tpu.memory_space<vmem>>, vector<16xf32>, vector<16xi1>
        %get3A_816 = arith.index_cast %mul3A_704 : i32 to index
        %get3A_817 = tpu.vector_load %arg21[%get3A_816] {strides = array<i32>} : memref<4608xf32, #tpu.memory_space<vmem>>, vector<16xf32>,
        %swap3A_818 = arith.index_cast %add3A_747 : i32 to index
        %swap3A_819 = tpu.vector_load %arg27[%swap3A_818] masked %ge3A_722 {strides = array<i32>} : memref<6016xf32, #tpu.memory_space<vmem>>, vector<16xf32>, vector<16xi1>
        tpu.vector_store %arg27[%swap3A_818], %get3A_817 masked %ge3A_722 {strides = array<i32>} : memref<6016xf32, #tpu.memory_space<vmem>>, vector<16xf32>, vector<16xi1>
        %get3A_820 = arith.index_cast %mul3A_704 : i32 to index
        %get3A_821 = tpu.vector_load %arg22[%get3A_820] {strides = array<i32>} : memref<4608xf32, #tpu.memory_space<vmem>>, vector<16xf32>,
        %swap3A_822 = arith.index_cast %add3A_747 : i32 to index
        %swap3A_823 = tpu.vector_load %arg28[%swap3A_822] masked %ge3A_722 {strides = array<i32>} : memref<6016xf32, #tpu.memory_space<vmem>>, vector<16xf32>, vector<16xi1>
        tpu.vector_store %arg28[%swap3A_822], %get3A_821 masked %ge3A_722 {strides = array<i32>} : memref<6016xf32, #tpu.memory_space<vmem>>, vector<16xf32>, vector<16xi1>
        %get3A_824 = arith.index_cast %mul3A_704 : i32 to index
        %get3A_825 = tpu.vector_load %arg23[%get3A_824] {strides = array<i32>} : memref<4608xf32, #tpu.memory_space<vmem>>, vector<16xf32>,
        %swap3A_826 = arith.index_cast %add3A_747 : i32 to index
        %swap3A_827 = tpu.vector_load %arg29[%swap3A_826] masked %ge3A_722 {strides = array<i32>} : memref<6016xf32, #tpu.memory_space<vmem>>, vector<16xf32>, vector<16xi1>
        tpu.vector_store %arg29[%swap3A_826], %get3A_825 masked %ge3A_722 {strides = array<i32>} : memref<6016xf32, #tpu.memory_space<vmem>>, vector<16xf32>, vector<16xi1>
        %get3A_828 = arith.index_cast %mul3A_704 : i32 to index
        %get3A_829 = tpu.vector_load %arg24[%get3A_828] {strides = array<i32>} : memref<4608xf32, #tpu.memory_space<vmem>>, vector<16xf32>,
        %swap3A_830 = arith.index_cast %add3A_747 : i32 to index
        %swap3A_831 = tpu.vector_load %arg30[%swap3A_830] masked %ge3A_722 {strides = array<i32>} : memref<6016xf32, #tpu.memory_space<vmem>>, vector<16xf32>, vector<16xi1>
        tpu.vector_store %arg30[%swap3A_830], %get3A_829 masked %ge3A_722 {strides = array<i32>} : memref<6016xf32, #tpu.memory_space<vmem>>, vector<16xf32>, vector<16xi1>
        %get3A_832 = arith.index_cast %mul3A_704 : i32 to index
        %get3A_833 = tpu.vector_load %arg25[%get3A_832] {strides = array<i32>} : memref<4608xf32, #tpu.memory_space<vmem>>, vector<16xf32>,
        %swap3A_834 = arith.index_cast %add3A_747 : i32 to index
        %swap3A_835 = tpu.vector_load %arg31[%swap3A_834] masked %ge3A_722 {strides = array<i32>} : memref<6016xf32, #tpu.memory_space<vmem>>, vector<16xf32>, vector<16xi1>
        tpu.vector_store %arg31[%swap3A_834], %get3A_833 masked %ge3A_722 {strides = array<i32>} : memref<6016xf32, #tpu.memory_space<vmem>>, vector<16xf32>, vector<16xi1>
        %add3A_836 = arith.addi %add3A_747, %reduce_sum3A_741 : i32
        scf.yield %add3A_836 : i32
      }
      %scan3A_182 = arith.constant 72 : i32
      %dma_wait3A_183 = arith.constant 9216 : i32
      %dma_wait3A_184 = tpu.memref_slice %arg2[%add3A, %dma_wait3A_183] : memref<4x36864xf32, #tpu.memory_space<hbm>> -> memref<1x4608xf32, #tpu.memory_space<hbm>>
      %dma_wait3A_185 = tpu.memref_squeeze %dma_wait3A_184 : memref<1x4608xf32, #tpu.memory_space<hbm>> -> memref<4608xf32, #tpu.memory_space<hbm>>
      %dma_wait3A_186 = arith.constant 9216 : i32
      %dma_wait3A_187 = tpu.memref_slice %arg2[%add3A, %dma_wait3A_186] : memref<4x36864xf32, #tpu.memory_space<hbm>> -> memref<1x4608xf32, #tpu.memory_space<hbm>>
      %dma_wait3A_188 = tpu.memref_squeeze %dma_wait3A_187 : memref<1x4608xf32, #tpu.memory_space<hbm>> -> memref<4608xf32, #tpu.memory_space<hbm>>
      tpu.wait_dma2 semaphore(%arg32 : memref<!tpu.dma_semaphore, #tpu.memory_space<semaphore_mem>>) src(%dma_wait3A_188 : memref<4608xf32, #tpu.memory_space<hbm>>) dst(%arg14 : memref<4608xf32, #tpu.memory_space<vmem>>)
      %dma_wait3A_189 = arith.constant 9216 : i32
      %dma_wait3A_190 = tpu.memref_slice %arg3[%add3A, %dma_wait3A_189] : memref<4x36864xf32, #tpu.memory_space<hbm>> -> memref<1x4608xf32, #tpu.memory_space<hbm>>
      %dma_wait3A_191 = tpu.memref_squeeze %dma_wait3A_190 : memref<1x4608xf32, #tpu.memory_space<hbm>> -> memref<4608xf32, #tpu.memory_space<hbm>>
      %dma_wait3A_192 = arith.constant 9216 : i32
      %dma_wait3A_193 = tpu.memref_slice %arg3[%add3A, %dma_wait3A_192] : memref<4x36864xf32, #tpu.memory_space<hbm>> -> memref<1x4608xf32, #tpu.memory_space<hbm>>
      %dma_wait3A_194 = tpu.memref_squeeze %dma_wait3A_193 : memref<1x4608xf32, #tpu.memory_space<hbm>> -> memref<4608xf32, #tpu.memory_space<hbm>>
      tpu.wait_dma2 semaphore(%arg32 : memref<!tpu.dma_semaphore, #tpu.memory_space<semaphore_mem>>) src(%dma_wait3A_194 : memref<4608xf32, #tpu.memory_space<hbm>>) dst(%arg15 : memref<4608xf32, #tpu.memory_space<vmem>>)
      %dma_wait3A_195 = arith.constant 9216 : i32
      %dma_wait3A_196 = tpu.memref_slice %arg4[%add3A, %dma_wait3A_195] : memref<4x36864xf32, #tpu.memory_space<hbm>> -> memref<1x4608xf32, #tpu.memory_space<hbm>>
      %dma_wait3A_197 = tpu.memref_squeeze %dma_wait3A_196 : memref<1x4608xf32, #tpu.memory_space<hbm>> -> memref<4608xf32, #tpu.memory_space<hbm>>
      %dma_wait3A_198 = arith.constant 9216 : i32
      %dma_wait3A_199 = tpu.memref_slice %arg4[%add3A, %dma_wait3A_198] : memref<4x36864xf32, #tpu.memory_space<hbm>> -> memref<1x4608xf32, #tpu.memory_space<hbm>>
      %dma_wait3A_200 = tpu.memref_squeeze %dma_wait3A_199 : memref<1x4608xf32, #tpu.memory_space<hbm>> -> memref<4608xf32, #tpu.memory_space<hbm>>
      tpu.wait_dma2 semaphore(%arg32 : memref<!tpu.dma_semaphore, #tpu.memory_space<semaphore_mem>>) src(%dma_wait3A_200 : memref<4608xf32, #tpu.memory_space<hbm>>) dst(%arg16 : memref<4608xf32, #tpu.memory_space<vmem>>)
      %dma_wait3A_201 = arith.constant 9216 : i32
      %dma_wait3A_202 = tpu.memref_slice %arg5[%add3A, %dma_wait3A_201] : memref<4x36864xf32, #tpu.memory_space<hbm>> -> memref<1x4608xf32, #tpu.memory_space<hbm>>
      %dma_wait3A_203 = tpu.memref_squeeze %dma_wait3A_202 : memref<1x4608xf32, #tpu.memory_space<hbm>> -> memref<4608xf32, #tpu.memory_space<hbm>>
      %dma_wait3A_204 = arith.constant 9216 : i32
      %dma_wait3A_205 = tpu.memref_slice %arg5[%add3A, %dma_wait3A_204] : memref<4x36864xf32, #tpu.memory_space<hbm>> -> memref<1x4608xf32, #tpu.memory_space<hbm>>
      %dma_wait3A_206 = tpu.memref_squeeze %dma_wait3A_205 : memref<1x4608xf32, #tpu.memory_space<hbm>> -> memref<4608xf32, #tpu.memory_space<hbm>>
      tpu.wait_dma2 semaphore(%arg32 : memref<!tpu.dma_semaphore, #tpu.memory_space<semaphore_mem>>) src(%dma_wait3A_206 : memref<4608xf32, #tpu.memory_space<hbm>>) dst(%arg17 : memref<4608xf32, #tpu.memory_space<vmem>>)
      %dma_wait3A_207 = arith.constant 9216 : i32
      %dma_wait3A_208 = tpu.memref_slice %arg6[%add3A, %dma_wait3A_207] : memref<4x36864xf32, #tpu.memory_space<hbm>> -> memref<1x4608xf32, #tpu.memory_space<hbm>>
      %dma_wait3A_209 = tpu.memref_squeeze %dma_wait3A_208 : memref<1x4608xf32, #tpu.memory_space<hbm>> -> memref<4608xf32, #tpu.memory_space<hbm>>
      %dma_wait3A_210 = arith.constant 9216 : i32
      %dma_wait3A_211 = tpu.memref_slice %arg6[%add3A, %dma_wait3A_210] : memref<4x36864xf32, #tpu.memory_space<hbm>> -> memref<1x4608xf32, #tpu.memory_space<hbm>>
      %dma_wait3A_212 = tpu.memref_squeeze %dma_wait3A_211 : memref<1x4608xf32, #tpu.memory_space<hbm>> -> memref<4608xf32, #tpu.memory_space<hbm>>
      tpu.wait_dma2 semaphore(%arg32 : memref<!tpu.dma_semaphore, #tpu.memory_space<semaphore_mem>>) src(%dma_wait3A_212 : memref<4608xf32, #tpu.memory_space<hbm>>) dst(%arg18 : memref<4608xf32, #tpu.memory_space<vmem>>)
      %dma_wait3A_213 = arith.constant 9216 : i32
      %dma_wait3A_214 = tpu.memref_slice %arg7[%dma_wait3A_213] : memref<36864xf32, #tpu.memory_space<hbm>> -> memref<4608xf32, #tpu.memory_space<hbm>>
      %dma_wait3A_215 = arith.constant 9216 : i32
      %dma_wait3A_216 = tpu.memref_slice %arg7[%dma_wait3A_215] : memref<36864xf32, #tpu.memory_space<hbm>> -> memref<4608xf32, #tpu.memory_space<hbm>>
      tpu.wait_dma2 semaphore(%arg32 : memref<!tpu.dma_semaphore, #tpu.memory_space<semaphore_mem>>) src(%dma_wait3A_216 : memref<4608xf32, #tpu.memory_space<hbm>>) dst(%arg19 : memref<4608xf32, #tpu.memory_space<vmem>>)
      %dma_start3A_217 = arith.constant 13824 : i32
      %dma_start3A_218 = tpu.memref_slice %arg2[%add3A, %dma_start3A_217] : memref<4x36864xf32, #tpu.memory_space<hbm>> -> memref<1x4608xf32, #tpu.memory_space<hbm>>
      %dma_start3A_219 = tpu.memref_squeeze %dma_start3A_218 : memref<1x4608xf32, #tpu.memory_space<hbm>> -> memref<4608xf32, #tpu.memory_space<hbm>>
      %dma_start3A_220 = arith.constant 13824 : i32
      %dma_start3A_221 = tpu.memref_slice %arg2[%add3A, %dma_start3A_220] : memref<4x36864xf32, #tpu.memory_space<hbm>> -> memref<1x4608xf32, #tpu.memory_space<hbm>>
      %dma_start3A_222 = tpu.memref_squeeze %dma_start3A_221 : memref<1x4608xf32, #tpu.memory_space<hbm>> -> memref<4608xf32, #tpu.memory_space<hbm>>
      tpu.enqueue_dma source(%dma_start3A_222 : memref<4608xf32, #tpu.memory_space<hbm>>) target(%arg20 : memref<4608xf32, #tpu.memory_space<vmem>>) target_semaphore(%arg33 : memref<!tpu.dma_semaphore, #tpu.memory_space<semaphore_mem>>)
      %dma_start3A_223 = arith.constant 13824 : i32
      %dma_start3A_224 = tpu.memref_slice %arg3[%add3A, %dma_start3A_223] : memref<4x36864xf32, #tpu.memory_space<hbm>> -> memref<1x4608xf32, #tpu.memory_space<hbm>>
      %dma_start3A_225 = tpu.memref_squeeze %dma_start3A_224 : memref<1x4608xf32, #tpu.memory_space<hbm>> -> memref<4608xf32, #tpu.memory_space<hbm>>
      %dma_start3A_226 = arith.constant 13824 : i32
      %dma_start3A_227 = tpu.memref_slice %arg3[%add3A, %dma_start3A_226] : memref<4x36864xf32, #tpu.memory_space<hbm>> -> memref<1x4608xf32, #tpu.memory_space<hbm>>
      %dma_start3A_228 = tpu.memref_squeeze %dma_start3A_227 : memref<1x4608xf32, #tpu.memory_space<hbm>> -> memref<4608xf32, #tpu.memory_space<hbm>>
      tpu.enqueue_dma source(%dma_start3A_228 : memref<4608xf32, #tpu.memory_space<hbm>>) target(%arg21 : memref<4608xf32, #tpu.memory_space<vmem>>) target_semaphore(%arg33 : memref<!tpu.dma_semaphore, #tpu.memory_space<semaphore_mem>>)
      %dma_start3A_229 = arith.constant 13824 : i32
      %dma_start3A_230 = tpu.memref_slice %arg4[%add3A, %dma_start3A_229] : memref<4x36864xf32, #tpu.memory_space<hbm>> -> memref<1x4608xf32, #tpu.memory_space<hbm>>
      %dma_start3A_231 = tpu.memref_squeeze %dma_start3A_230 : memref<1x4608xf32, #tpu.memory_space<hbm>> -> memref<4608xf32, #tpu.memory_space<hbm>>
      %dma_start3A_232 = arith.constant 13824 : i32
      %dma_start3A_233 = tpu.memref_slice %arg4[%add3A, %dma_start3A_232] : memref<4x36864xf32, #tpu.memory_space<hbm>> -> memref<1x4608xf32, #tpu.memory_space<hbm>>
      %dma_start3A_234 = tpu.memref_squeeze %dma_start3A_233 : memref<1x4608xf32, #tpu.memory_space<hbm>> -> memref<4608xf32, #tpu.memory_space<hbm>>
      tpu.enqueue_dma source(%dma_start3A_234 : memref<4608xf32, #tpu.memory_space<hbm>>) target(%arg22 : memref<4608xf32, #tpu.memory_space<vmem>>) target_semaphore(%arg33 : memref<!tpu.dma_semaphore, #tpu.memory_space<semaphore_mem>>)
      %dma_start3A_235 = arith.constant 13824 : i32
      %dma_start3A_236 = tpu.memref_slice %arg5[%add3A, %dma_start3A_235] : memref<4x36864xf32, #tpu.memory_space<hbm>> -> memref<1x4608xf32, #tpu.memory_space<hbm>>
      %dma_start3A_237 = tpu.memref_squeeze %dma_start3A_236 : memref<1x4608xf32, #tpu.memory_space<hbm>> -> memref<4608xf32, #tpu.memory_space<hbm>>
      %dma_start3A_238 = arith.constant 13824 : i32
      %dma_start3A_239 = tpu.memref_slice %arg5[%add3A, %dma_start3A_238] : memref<4x36864xf32, #tpu.memory_space<hbm>> -> memref<1x4608xf32, #tpu.memory_space<hbm>>
      %dma_start3A_240 = tpu.memref_squeeze %dma_start3A_239 : memref<1x4608xf32, #tpu.memory_space<hbm>> -> memref<4608xf32, #tpu.memory_space<hbm>>
      tpu.enqueue_dma source(%dma_start3A_240 : memref<4608xf32, #tpu.memory_space<hbm>>) target(%arg23 : memref<4608xf32, #tpu.memory_space<vmem>>) target_semaphore(%arg33 : memref<!tpu.dma_semaphore, #tpu.memory_space<semaphore_mem>>)
      %dma_start3A_241 = arith.constant 13824 : i32
      %dma_start3A_242 = tpu.memref_slice %arg6[%add3A, %dma_start3A_241] : memref<4x36864xf32, #tpu.memory_space<hbm>> -> memref<1x4608xf32, #tpu.memory_space<hbm>>
      %dma_start3A_243 = tpu.memref_squeeze %dma_start3A_242 : memref<1x4608xf32, #tpu.memory_space<hbm>> -> memref<4608xf32, #tpu.memory_space<hbm>>
      %dma_start3A_244 = arith.constant 13824 : i32
      %dma_start3A_245 = tpu.memref_slice %arg6[%add3A, %dma_start3A_244] : memref<4x36864xf32, #tpu.memory_space<hbm>> -> memref<1x4608xf32, #tpu.memory_space<hbm>>
      %dma_start3A_246 = tpu.memref_squeeze %dma_start3A_245 : memref<1x4608xf32, #tpu.memory_space<hbm>> -> memref<4608xf32, #tpu.memory_space<hbm>>
      tpu.enqueue_dma source(%dma_start3A_246 : memref<4608xf32, #tpu.memory_space<hbm>>) target(%arg24 : memref<4608xf32, #tpu.memory_space<vmem>>) target_semaphore(%arg33 : memref<!tpu.dma_semaphore, #tpu.memory_space<semaphore_mem>>)
      %dma_start3A_247 = arith.constant 13824 : i32
      %dma_start3A_248 = tpu.memref_slice %arg7[%dma_start3A_247] : memref<36864xf32, #tpu.memory_space<hbm>> -> memref<4608xf32, #tpu.memory_space<hbm>>
      %dma_start3A_249 = arith.constant 13824 : i32
      %dma_start3A_250 = tpu.memref_slice %arg7[%dma_start3A_249] : memref<36864xf32, #tpu.memory_space<hbm>> -> memref<4608xf32, #tpu.memory_space<hbm>>
      tpu.enqueue_dma source(%dma_start3A_250 : memref<4608xf32, #tpu.memory_space<hbm>>) target(%arg25 : memref<4608xf32, #tpu.memory_space<vmem>>) target_semaphore(%arg33 : memref<!tpu.dma_semaphore, #tpu.memory_space<semaphore_mem>>)
      %scan3A_251 = arith.constant 0 : i32
      %scan3A_252 = arith.constant 72 : i32
      %scan3A_253 = arith.addi %scan3A_251, %scan3A_252 : i32
      %scan3A_254 = arith.constant 1 : i32
      %scan3A_255 = scf.for %scan3A_679 = %scan3A_251 to %scan3A_253 step %scan3A_254 iter_args(%scan3A_680 = %scan3A_181) -> (i32)  : i32 {
        %mul3A_681 = arith.constant 4 : i32
        %mul3A_682 = arith.muli %scan3A_679, %mul3A_681 : i32
        %add3A_683 = arith.constant 0 : i32
        %add3A_684 = arith.addi %mul3A_682, %add3A_683 : i32
        %mul3A_685 = arith.constant 16 : i32
        %mul3A_686 = arith.muli %add3A_684, %mul3A_685 : i32
        %mul3A_687 = arith.constant 4 : i32
        %mul3A_688 = arith.muli %scan3A_679, %mul3A_687 : i32
        %add3A_689 = arith.constant 1 : i32
        %add3A_690 = arith.addi %mul3A_688, %add3A_689 : i32
        %mul3A_691 = arith.constant 16 : i32
        %mul3A_692 = arith.muli %add3A_690, %mul3A_691 : i32
        %mul3A_693 = arith.constant 4 : i32
        %mul3A_694 = arith.muli %scan3A_679, %mul3A_693 : i32
        %add3A_695 = arith.constant 2 : i32
        %add3A_696 = arith.addi %mul3A_694, %add3A_695 : i32
        %mul3A_697 = arith.constant 16 : i32
        %mul3A_698 = arith.muli %add3A_696, %mul3A_697 : i32
        %mul3A_699 = arith.constant 4 : i32
        %mul3A_700 = arith.muli %scan3A_679, %mul3A_699 : i32
        %add3A_701 = arith.constant 3 : i32
        %add3A_702 = arith.addi %mul3A_700, %add3A_701 : i32
        %mul3A_703 = arith.constant 16 : i32
        %mul3A_704 = arith.muli %add3A_702, %mul3A_703 : i32
        %get3A = arith.index_cast %mul3A_686 : i32 to index
        %get3A_705 = tpu.vector_load %arg14[%get3A] {strides = array<i32>} : memref<4608xf32, #tpu.memory_space<vmem>>, vector<16xf32>,
        %get3A_706 = arith.index_cast %mul3A_692 : i32 to index
        %get3A_707 = tpu.vector_load %arg14[%get3A_706] {strides = array<i32>} : memref<4608xf32, #tpu.memory_space<vmem>>, vector<16xf32>,
        %get3A_708 = arith.index_cast %mul3A_698 : i32 to index
        %get3A_709 = tpu.vector_load %arg14[%get3A_708] {strides = array<i32>} : memref<4608xf32, #tpu.memory_space<vmem>>, vector<16xf32>,
        %get3A_710 = arith.index_cast %mul3A_704 : i32 to index
        %get3A_711 = tpu.vector_load %arg14[%get3A_710] {strides = array<i32>} : memref<4608xf32, #tpu.memory_space<vmem>>, vector<16xf32>,
        %ge3A = arith.constant 0.000000e+00 : f32
        %ge3A_712 = vector.broadcast %ge3A : f32 to vector<16xf32>
        %ge3A_713 = arith.cmpf oge, %get3A_705, %ge3A_712 : vector<16xf32>
        %ge3A_714 = arith.constant 0.000000e+00 : f32
        %ge3A_715 = vector.broadcast %ge3A_714 : f32 to vector<16xf32>
        %ge3A_716 = arith.cmpf oge, %get3A_707, %ge3A_715 : vector<16xf32>
        %ge3A_717 = arith.constant 0.000000e+00 : f32
        %ge3A_718 = vector.broadcast %ge3A_717 : f32 to vector<16xf32>
        %ge3A_719 = arith.cmpf oge, %get3A_709, %ge3A_718 : vector<16xf32>
        %ge3A_720 = arith.constant 0.000000e+00 : f32
        %ge3A_721 = vector.broadcast %ge3A_720 : f32 to vector<16xf32>
        %ge3A_722 = arith.cmpf oge, %get3A_711, %ge3A_721 : vector<16xf32>
        %convert_element_type3A_723 = arith.extui %ge3A_713 : vector<16xi1> to vector<16xi32>
        %reduce_sum3A = arith.constant true
        %reduce_sum3A_724 = vector.broadcast %reduce_sum3A : i1 to vector<16xi1>
        %reduce_sum3A_725 = tpu.scan <sum>, %convert_element_type3A_723 masked %reduce_sum3A_724 : vector<16xi32>, vector<16xi1> -> vector<16xi32>
        %reduce_sum3A_726 = vector.extract %reduce_sum3A_725[15] : i32 from vector<16xi32>
        %convert_element_type3A_727 = arith.extui %ge3A_716 : vector<16xi1> to vector<16xi32>
        %reduce_sum3A_728 = arith.constant true
        %reduce_sum3A_729 = vector.broadcast %reduce_sum3A_728 : i1 to vector<16xi1>
        %reduce_sum3A_730 = tpu.scan <sum>, %convert_element_type3A_727 masked %reduce_sum3A_729 : vector<16xi32>, vector<16xi1> -> vector<16xi32>
        %reduce_sum3A_731 = vector.extract %reduce_sum3A_730[15] : i32 from vector<16xi32>
        %convert_element_type3A_732 = arith.extui %ge3A_719 : vector<16xi1> to vector<16xi32>
        %reduce_sum3A_733 = arith.constant true
        %reduce_sum3A_734 = vector.broadcast %reduce_sum3A_733 : i1 to vector<16xi1>
        %reduce_sum3A_735 = tpu.scan <sum>, %convert_element_type3A_732 masked %reduce_sum3A_734 : vector<16xi32>, vector<16xi1> -> vector<16xi32>
        %reduce_sum3A_736 = vector.extract %reduce_sum3A_735[15] : i32 from vector<16xi32>
        %convert_element_type3A_737 = arith.extui %ge3A_722 : vector<16xi1> to vector<16xi32>
        %reduce_sum3A_738 = arith.constant true
        %reduce_sum3A_739 = vector.broadcast %reduce_sum3A_738 : i1 to vector<16xi1>
        %reduce_sum3A_740 = tpu.scan <sum>, %convert_element_type3A_737 masked %reduce_sum3A_739 : vector<16xi32>, vector<16xi1> -> vector<16xi32>
        %reduce_sum3A_741 = vector.extract %reduce_sum3A_740[15] : i32 from vector<16xi32>
        %add3A_742 = arith.addi %scan3A_680, %reduce_sum3A_726 : i32
        %add3A_743 = arith.addi %scan3A_680, %reduce_sum3A_726 : i32
        %add3A_744 = arith.addi %add3A_743, %reduce_sum3A_731 : i32
        %add3A_745 = arith.addi %scan3A_680, %reduce_sum3A_726 : i32
        %add3A_746 = arith.addi %add3A_745, %reduce_sum3A_731 : i32
        %add3A_747 = arith.addi %add3A_746, %reduce_sum3A_736 : i32
        %swap3A_748 = arith.index_cast %scan3A_680 : i32 to index
        %swap3A_749 = tpu.vector_load %arg26[%swap3A_748] masked %ge3A_713 {strides = array<i32>} : memref<6016xf32, #tpu.memory_space<vmem>>, vector<16xf32>, vector<16xi1>
        tpu.vector_store %arg26[%swap3A_748], %get3A_705 masked %ge3A_713 {strides = array<i32>} : memref<6016xf32, #tpu.memory_space<vmem>>, vector<16xf32>, vector<16xi1>
        %get3A_750 = arith.index_cast %mul3A_686 : i32 to index
        %get3A_751 = tpu.vector_load %arg15[%get3A_750] {strides = array<i32>} : memref<4608xf32, #tpu.memory_space<vmem>>, vector<16xf32>,
        %swap3A_752 = arith.index_cast %scan3A_680 : i32 to index
        %swap3A_753 = tpu.vector_load %arg27[%swap3A_752] masked %ge3A_713 {strides = array<i32>} : memref<6016xf32, #tpu.memory_space<vmem>>, vector<16xf32>, vector<16xi1>
        tpu.vector_store %arg27[%swap3A_752], %get3A_751 masked %ge3A_713 {strides = array<i32>} : memref<6016xf32, #tpu.memory_space<vmem>>, vector<16xf32>, vector<16xi1>
        %get3A_754 = arith.index_cast %mul3A_686 : i32 to index
        %get3A_755 = tpu.vector_load %arg16[%get3A_754] {strides = array<i32>} : memref<4608xf32, #tpu.memory_space<vmem>>, vector<16xf32>,
        %swap3A_756 = arith.index_cast %scan3A_680 : i32 to index
        %swap3A_757 = tpu.vector_load %arg28[%swap3A_756] masked %ge3A_713 {strides = array<i32>} : memref<6016xf32, #tpu.memory_space<vmem>>, vector<16xf32>, vector<16xi1>
        tpu.vector_store %arg28[%swap3A_756], %get3A_755 masked %ge3A_713 {strides = array<i32>} : memref<6016xf32, #tpu.memory_space<vmem>>, vector<16xf32>, vector<16xi1>
        %get3A_758 = arith.index_cast %mul3A_686 : i32 to index
        %get3A_759 = tpu.vector_load %arg17[%get3A_758] {strides = array<i32>} : memref<4608xf32, #tpu.memory_space<vmem>>, vector<16xf32>,
        %swap3A_760 = arith.index_cast %scan3A_680 : i32 to index
        %swap3A_761 = tpu.vector_load %arg29[%swap3A_760] masked %ge3A_713 {strides = array<i32>} : memref<6016xf32, #tpu.memory_space<vmem>>, vector<16xf32>, vector<16xi1>
        tpu.vector_store %arg29[%swap3A_760], %get3A_759 masked %ge3A_713 {strides = array<i32>} : memref<6016xf32, #tpu.memory_space<vmem>>, vector<16xf32>, vector<16xi1>
        %get3A_762 = arith.index_cast %mul3A_686 : i32 to index
        %get3A_763 = tpu.vector_load %arg18[%get3A_762] {strides = array<i32>} : memref<4608xf32, #tpu.memory_space<vmem>>, vector<16xf32>,
        %swap3A_764 = arith.index_cast %scan3A_680 : i32 to index
        %swap3A_765 = tpu.vector_load %arg30[%swap3A_764] masked %ge3A_713 {strides = array<i32>} : memref<6016xf32, #tpu.memory_space<vmem>>, vector<16xf32>, vector<16xi1>
        tpu.vector_store %arg30[%swap3A_764], %get3A_763 masked %ge3A_713 {strides = array<i32>} : memref<6016xf32, #tpu.memory_space<vmem>>, vector<16xf32>, vector<16xi1>
        %get3A_766 = arith.index_cast %mul3A_686 : i32 to index
        %get3A_767 = tpu.vector_load %arg19[%get3A_766] {strides = array<i32>} : memref<4608xf32, #tpu.memory_space<vmem>>, vector<16xf32>,
        %swap3A_768 = arith.index_cast %scan3A_680 : i32 to index
        %swap3A_769 = tpu.vector_load %arg31[%swap3A_768] masked %ge3A_713 {strides = array<i32>} : memref<6016xf32, #tpu.memory_space<vmem>>, vector<16xf32>, vector<16xi1>
        tpu.vector_store %arg31[%swap3A_768], %get3A_767 masked %ge3A_713 {strides = array<i32>} : memref<6016xf32, #tpu.memory_space<vmem>>, vector<16xf32>, vector<16xi1>
        %swap3A_770 = arith.index_cast %add3A_742 : i32 to index
        %swap3A_771 = tpu.vector_load %arg26[%swap3A_770] masked %ge3A_716 {strides = array<i32>} : memref<6016xf32, #tpu.memory_space<vmem>>, vector<16xf32>, vector<16xi1>
        tpu.vector_store %arg26[%swap3A_770], %get3A_707 masked %ge3A_716 {strides = array<i32>} : memref<6016xf32, #tpu.memory_space<vmem>>, vector<16xf32>, vector<16xi1>
        %get3A_772 = arith.index_cast %mul3A_692 : i32 to index
        %get3A_773 = tpu.vector_load %arg15[%get3A_772] {strides = array<i32>} : memref<4608xf32, #tpu.memory_space<vmem>>, vector<16xf32>,
        %swap3A_774 = arith.index_cast %add3A_742 : i32 to index
        %swap3A_775 = tpu.vector_load %arg27[%swap3A_774] masked %ge3A_716 {strides = array<i32>} : memref<6016xf32, #tpu.memory_space<vmem>>, vector<16xf32>, vector<16xi1>
        tpu.vector_store %arg27[%swap3A_774], %get3A_773 masked %ge3A_716 {strides = array<i32>} : memref<6016xf32, #tpu.memory_space<vmem>>, vector<16xf32>, vector<16xi1>
        %get3A_776 = arith.index_cast %mul3A_692 : i32 to index
        %get3A_777 = tpu.vector_load %arg16[%get3A_776] {strides = array<i32>} : memref<4608xf32, #tpu.memory_space<vmem>>, vector<16xf32>,
        %swap3A_778 = arith.index_cast %add3A_742 : i32 to index
        %swap3A_779 = tpu.vector_load %arg28[%swap3A_778] masked %ge3A_716 {strides = array<i32>} : memref<6016xf32, #tpu.memory_space<vmem>>, vector<16xf32>, vector<16xi1>
        tpu.vector_store %arg28[%swap3A_778], %get3A_777 masked %ge3A_716 {strides = array<i32>} : memref<6016xf32, #tpu.memory_space<vmem>>, vector<16xf32>, vector<16xi1>
        %get3A_780 = arith.index_cast %mul3A_692 : i32 to index
        %get3A_781 = tpu.vector_load %arg17[%get3A_780] {strides = array<i32>} : memref<4608xf32, #tpu.memory_space<vmem>>, vector<16xf32>,
        %swap3A_782 = arith.index_cast %add3A_742 : i32 to index
        %swap3A_783 = tpu.vector_load %arg29[%swap3A_782] masked %ge3A_716 {strides = array<i32>} : memref<6016xf32, #tpu.memory_space<vmem>>, vector<16xf32>, vector<16xi1>
        tpu.vector_store %arg29[%swap3A_782], %get3A_781 masked %ge3A_716 {strides = array<i32>} : memref<6016xf32, #tpu.memory_space<vmem>>, vector<16xf32>, vector<16xi1>
        %get3A_784 = arith.index_cast %mul3A_692 : i32 to index
        %get3A_785 = tpu.vector_load %arg18[%get3A_784] {strides = array<i32>} : memref<4608xf32, #tpu.memory_space<vmem>>, vector<16xf32>,
        %swap3A_786 = arith.index_cast %add3A_742 : i32 to index
        %swap3A_787 = tpu.vector_load %arg30[%swap3A_786] masked %ge3A_716 {strides = array<i32>} : memref<6016xf32, #tpu.memory_space<vmem>>, vector<16xf32>, vector<16xi1>
        tpu.vector_store %arg30[%swap3A_786], %get3A_785 masked %ge3A_716 {strides = array<i32>} : memref<6016xf32, #tpu.memory_space<vmem>>, vector<16xf32>, vector<16xi1>
        %get3A_788 = arith.index_cast %mul3A_692 : i32 to index
        %get3A_789 = tpu.vector_load %arg19[%get3A_788] {strides = array<i32>} : memref<4608xf32, #tpu.memory_space<vmem>>, vector<16xf32>,
        %swap3A_790 = arith.index_cast %add3A_742 : i32 to index
        %swap3A_791 = tpu.vector_load %arg31[%swap3A_790] masked %ge3A_716 {strides = array<i32>} : memref<6016xf32, #tpu.memory_space<vmem>>, vector<16xf32>, vector<16xi1>
        tpu.vector_store %arg31[%swap3A_790], %get3A_789 masked %ge3A_716 {strides = array<i32>} : memref<6016xf32, #tpu.memory_space<vmem>>, vector<16xf32>, vector<16xi1>
        %swap3A_792 = arith.index_cast %add3A_744 : i32 to index
        %swap3A_793 = tpu.vector_load %arg26[%swap3A_792] masked %ge3A_719 {strides = array<i32>} : memref<6016xf32, #tpu.memory_space<vmem>>, vector<16xf32>, vector<16xi1>
        tpu.vector_store %arg26[%swap3A_792], %get3A_709 masked %ge3A_719 {strides = array<i32>} : memref<6016xf32, #tpu.memory_space<vmem>>, vector<16xf32>, vector<16xi1>
        %get3A_794 = arith.index_cast %mul3A_698 : i32 to index
        %get3A_795 = tpu.vector_load %arg15[%get3A_794] {strides = array<i32>} : memref<4608xf32, #tpu.memory_space<vmem>>, vector<16xf32>,
        %swap3A_796 = arith.index_cast %add3A_744 : i32 to index
        %swap3A_797 = tpu.vector_load %arg27[%swap3A_796] masked %ge3A_719 {strides = array<i32>} : memref<6016xf32, #tpu.memory_space<vmem>>, vector<16xf32>, vector<16xi1>
        tpu.vector_store %arg27[%swap3A_796], %get3A_795 masked %ge3A_719 {strides = array<i32>} : memref<6016xf32, #tpu.memory_space<vmem>>, vector<16xf32>, vector<16xi1>
        %get3A_798 = arith.index_cast %mul3A_698 : i32 to index
        %get3A_799 = tpu.vector_load %arg16[%get3A_798] {strides = array<i32>} : memref<4608xf32, #tpu.memory_space<vmem>>, vector<16xf32>,
        %swap3A_800 = arith.index_cast %add3A_744 : i32 to index
        %swap3A_801 = tpu.vector_load %arg28[%swap3A_800] masked %ge3A_719 {strides = array<i32>} : memref<6016xf32, #tpu.memory_space<vmem>>, vector<16xf32>, vector<16xi1>
        tpu.vector_store %arg28[%swap3A_800], %get3A_799 masked %ge3A_719 {strides = array<i32>} : memref<6016xf32, #tpu.memory_space<vmem>>, vector<16xf32>, vector<16xi1>
        %get3A_802 = arith.index_cast %mul3A_698 : i32 to index
        %get3A_803 = tpu.vector_load %arg17[%get3A_802] {strides = array<i32>} : memref<4608xf32, #tpu.memory_space<vmem>>, vector<16xf32>,
        %swap3A_804 = arith.index_cast %add3A_744 : i32 to index
        %swap3A_805 = tpu.vector_load %arg29[%swap3A_804] masked %ge3A_719 {strides = array<i32>} : memref<6016xf32, #tpu.memory_space<vmem>>, vector<16xf32>, vector<16xi1>
        tpu.vector_store %arg29[%swap3A_804], %get3A_803 masked %ge3A_719 {strides = array<i32>} : memref<6016xf32, #tpu.memory_space<vmem>>, vector<16xf32>, vector<16xi1>
        %get3A_806 = arith.index_cast %mul3A_698 : i32 to index
        %get3A_807 = tpu.vector_load %arg18[%get3A_806] {strides = array<i32>} : memref<4608xf32, #tpu.memory_space<vmem>>, vector<16xf32>,
        %swap3A_808 = arith.index_cast %add3A_744 : i32 to index
        %swap3A_809 = tpu.vector_load %arg30[%swap3A_808] masked %ge3A_719 {strides = array<i32>} : memref<6016xf32, #tpu.memory_space<vmem>>, vector<16xf32>, vector<16xi1>
        tpu.vector_store %arg30[%swap3A_808], %get3A_807 masked %ge3A_719 {strides = array<i32>} : memref<6016xf32, #tpu.memory_space<vmem>>, vector<16xf32>, vector<16xi1>
        %get3A_810 = arith.index_cast %mul3A_698 : i32 to index
        %get3A_811 = tpu.vector_load %arg19[%get3A_810] {strides = array<i32>} : memref<4608xf32, #tpu.memory_space<vmem>>, vector<16xf32>,
        %swap3A_812 = arith.index_cast %add3A_744 : i32 to index
        %swap3A_813 = tpu.vector_load %arg31[%swap3A_812] masked %ge3A_719 {strides = array<i32>} : memref<6016xf32, #tpu.memory_space<vmem>>, vector<16xf32>, vector<16xi1>
        tpu.vector_store %arg31[%swap3A_812], %get3A_811 masked %ge3A_719 {strides = array<i32>} : memref<6016xf32, #tpu.memory_space<vmem>>, vector<16xf32>, vector<16xi1>
        %swap3A_814 = arith.index_cast %add3A_747 : i32 to index
        %swap3A_815 = tpu.vector_load %arg26[%swap3A_814] masked %ge3A_722 {strides = array<i32>} : memref<6016xf32, #tpu.memory_space<vmem>>, vector<16xf32>, vector<16xi1>
        tpu.vector_store %arg26[%swap3A_814], %get3A_711 masked %ge3A_722 {strides = array<i32>} : memref<6016xf32, #tpu.memory_space<vmem>>, vector<16xf32>, vector<16xi1>
        %get3A_816 = arith.index_cast %mul3A_704 : i32 to index
        %get3A_817 = tpu.vector_load %arg15[%get3A_816] {strides = array<i32>} : memref<4608xf32, #tpu.memory_space<vmem>>, vector<16xf32>,
        %swap3A_818 = arith.index_cast %add3A_747 : i32 to index
        %swap3A_819 = tpu.vector_load %arg27[%swap3A_818] masked %ge3A_722 {strides = array<i32>} : memref<6016xf32, #tpu.memory_space<vmem>>, vector<16xf32>, vector<16xi1>
        tpu.vector_store %arg27[%swap3A_818], %get3A_817 masked %ge3A_722 {strides = array<i32>} : memref<6016xf32, #tpu.memory_space<vmem>>, vector<16xf32>, vector<16xi1>
        %get3A_820 = arith.index_cast %mul3A_704 : i32 to index
        %get3A_821 = tpu.vector_load %arg16[%get3A_820] {strides = array<i32>} : memref<4608xf32, #tpu.memory_space<vmem>>, vector<16xf32>,
        %swap3A_822 = arith.index_cast %add3A_747 : i32 to index
        %swap3A_823 = tpu.vector_load %arg28[%swap3A_822] masked %ge3A_722 {strides = array<i32>} : memref<6016xf32, #tpu.memory_space<vmem>>, vector<16xf32>, vector<16xi1>
        tpu.vector_store %arg28[%swap3A_822], %get3A_821 masked %ge3A_722 {strides = array<i32>} : memref<6016xf32, #tpu.memory_space<vmem>>, vector<16xf32>, vector<16xi1>
        %get3A_824 = arith.index_cast %mul3A_704 : i32 to index
        %get3A_825 = tpu.vector_load %arg17[%get3A_824] {strides = array<i32>} : memref<4608xf32, #tpu.memory_space<vmem>>, vector<16xf32>,
        %swap3A_826 = arith.index_cast %add3A_747 : i32 to index
        %swap3A_827 = tpu.vector_load %arg29[%swap3A_826] masked %ge3A_722 {strides = array<i32>} : memref<6016xf32, #tpu.memory_space<vmem>>, vector<16xf32>, vector<16xi1>
        tpu.vector_store %arg29[%swap3A_826], %get3A_825 masked %ge3A_722 {strides = array<i32>} : memref<6016xf32, #tpu.memory_space<vmem>>, vector<16xf32>, vector<16xi1>
        %get3A_828 = arith.index_cast %mul3A_704 : i32 to index
        %get3A_829 = tpu.vector_load %arg18[%get3A_828] {strides = array<i32>} : memref<4608xf32, #tpu.memory_space<vmem>>, vector<16xf32>,
        %swap3A_830 = arith.index_cast %add3A_747 : i32 to index
        %swap3A_831 = tpu.vector_load %arg30[%swap3A_830] masked %ge3A_722 {strides = array<i32>} : memref<6016xf32, #tpu.memory_space<vmem>>, vector<16xf32>, vector<16xi1>
        tpu.vector_store %arg30[%swap3A_830], %get3A_829 masked %ge3A_722 {strides = array<i32>} : memref<6016xf32, #tpu.memory_space<vmem>>, vector<16xf32>, vector<16xi1>
        %get3A_832 = arith.index_cast %mul3A_704 : i32 to index
        %get3A_833 = tpu.vector_load %arg19[%get3A_832] {strides = array<i32>} : memref<4608xf32, #tpu.memory_space<vmem>>, vector<16xf32>,
        %swap3A_834 = arith.index_cast %add3A_747 : i32 to index
        %swap3A_835 = tpu.vector_load %arg31[%swap3A_834] masked %ge3A_722 {strides = array<i32>} : memref<6016xf32, #tpu.memory_space<vmem>>, vector<16xf32>, vector<16xi1>
        tpu.vector_store %arg31[%swap3A_834], %get3A_833 masked %ge3A_722 {strides = array<i32>} : memref<6016xf32, #tpu.memory_space<vmem>>, vector<16xf32>, vector<16xi1>
        %add3A_836 = arith.addi %add3A_747, %reduce_sum3A_741 : i32
        scf.yield %add3A_836 : i32
      }
      %scan3A_256 = arith.constant 72 : i32
      %dma_wait3A_257 = arith.constant 13824 : i32
      %dma_wait3A_258 = tpu.memref_slice %arg2[%add3A, %dma_wait3A_257] : memref<4x36864xf32, #tpu.memory_space<hbm>> -> memref<1x4608xf32, #tpu.memory_space<hbm>>
      %dma_wait3A_259 = tpu.memref_squeeze %dma_wait3A_258 : memref<1x4608xf32, #tpu.memory_space<hbm>> -> memref<4608xf32, #tpu.memory_space<hbm>>
      %dma_wait3A_260 = arith.constant 13824 : i32
      %dma_wait3A_261 = tpu.memref_slice %arg2[%add3A, %dma_wait3A_260] : memref<4x36864xf32, #tpu.memory_space<hbm>> -> memref<1x4608xf32, #tpu.memory_space<hbm>>
      %dma_wait3A_262 = tpu.memref_squeeze %dma_wait3A_261 : memref<1x4608xf32, #tpu.memory_space<hbm>> -> memref<4608xf32, #tpu.memory_space<hbm>>
      tpu.wait_dma2 semaphore(%arg33 : memref<!tpu.dma_semaphore, #tpu.memory_space<semaphore_mem>>) src(%dma_wait3A_262 : memref<4608xf32, #tpu.memory_space<hbm>>) dst(%arg20 : memref<4608xf32, #tpu.memory_space<vmem>>)
      %dma_wait3A_263 = arith.constant 13824 : i32
      %dma_wait3A_264 = tpu.memref_slice %arg3[%add3A, %dma_wait3A_263] : memref<4x36864xf32, #tpu.memory_space<hbm>> -> memref<1x4608xf32, #tpu.memory_space<hbm>>
      %dma_wait3A_265 = tpu.memref_squeeze %dma_wait3A_264 : memref<1x4608xf32, #tpu.memory_space<hbm>> -> memref<4608xf32, #tpu.memory_space<hbm>>
      %dma_wait3A_266 = arith.constant 13824 : i32
      %dma_wait3A_267 = tpu.memref_slice %arg3[%add3A, %dma_wait3A_266] : memref<4x36864xf32, #tpu.memory_space<hbm>> -> memref<1x4608xf32, #tpu.memory_space<hbm>>
      %dma_wait3A_268 = tpu.memref_squeeze %dma_wait3A_267 : memref<1x4608xf32, #tpu.memory_space<hbm>> -> memref<4608xf32, #tpu.memory_space<hbm>>
      tpu.wait_dma2 semaphore(%arg33 : memref<!tpu.dma_semaphore, #tpu.memory_space<semaphore_mem>>) src(%dma_wait3A_268 : memref<4608xf32, #tpu.memory_space<hbm>>) dst(%arg21 : memref<4608xf32, #tpu.memory_space<vmem>>)
      %dma_wait3A_269 = arith.constant 13824 : i32
      %dma_wait3A_270 = tpu.memref_slice %arg4[%add3A, %dma_wait3A_269] : memref<4x36864xf32, #tpu.memory_space<hbm>> -> memref<1x4608xf32, #tpu.memory_space<hbm>>
      %dma_wait3A_271 = tpu.memref_squeeze %dma_wait3A_270 : memref<1x4608xf32, #tpu.memory_space<hbm>> -> memref<4608xf32, #tpu.memory_space<hbm>>
      %dma_wait3A_272 = arith.constant 13824 : i32
      %dma_wait3A_273 = tpu.memref_slice %arg4[%add3A, %dma_wait3A_272] : memref<4x36864xf32, #tpu.memory_space<hbm>> -> memref<1x4608xf32, #tpu.memory_space<hbm>>
      %dma_wait3A_274 = tpu.memref_squeeze %dma_wait3A_273 : memref<1x4608xf32, #tpu.memory_space<hbm>> -> memref<4608xf32, #tpu.memory_space<hbm>>
      tpu.wait_dma2 semaphore(%arg33 : memref<!tpu.dma_semaphore, #tpu.memory_space<semaphore_mem>>) src(%dma_wait3A_274 : memref<4608xf32, #tpu.memory_space<hbm>>) dst(%arg22 : memref<4608xf32, #tpu.memory_space<vmem>>)
      %dma_wait3A_275 = arith.constant 13824 : i32
      %dma_wait3A_276 = tpu.memref_slice %arg5[%add3A, %dma_wait3A_275] : memref<4x36864xf32, #tpu.memory_space<hbm>> -> memref<1x4608xf32, #tpu.memory_space<hbm>>
      %dma_wait3A_277 = tpu.memref_squeeze %dma_wait3A_276 : memref<1x4608xf32, #tpu.memory_space<hbm>> -> memref<4608xf32, #tpu.memory_space<hbm>>
      %dma_wait3A_278 = arith.constant 13824 : i32
      %dma_wait3A_279 = tpu.memref_slice %arg5[%add3A, %dma_wait3A_278] : memref<4x36864xf32, #tpu.memory_space<hbm>> -> memref<1x4608xf32, #tpu.memory_space<hbm>>
      %dma_wait3A_280 = tpu.memref_squeeze %dma_wait3A_279 : memref<1x4608xf32, #tpu.memory_space<hbm>> -> memref<4608xf32, #tpu.memory_space<hbm>>
      tpu.wait_dma2 semaphore(%arg33 : memref<!tpu.dma_semaphore, #tpu.memory_space<semaphore_mem>>) src(%dma_wait3A_280 : memref<4608xf32, #tpu.memory_space<hbm>>) dst(%arg23 : memref<4608xf32, #tpu.memory_space<vmem>>)
      %dma_wait3A_281 = arith.constant 13824 : i32
      %dma_wait3A_282 = tpu.memref_slice %arg6[%add3A, %dma_wait3A_281] : memref<4x36864xf32, #tpu.memory_space<hbm>> -> memref<1x4608xf32, #tpu.memory_space<hbm>>
      %dma_wait3A_283 = tpu.memref_squeeze %dma_wait3A_282 : memref<1x4608xf32, #tpu.memory_space<hbm>> -> memref<4608xf32, #tpu.memory_space<hbm>>
      %dma_wait3A_284 = arith.constant 13824 : i32
      %dma_wait3A_285 = tpu.memref_slice %arg6[%add3A, %dma_wait3A_284] : memref<4x36864xf32, #tpu.memory_space<hbm>> -> memref<1x4608xf32, #tpu.memory_space<hbm>>
      %dma_wait3A_286 = tpu.memref_squeeze %dma_wait3A_285 : memref<1x4608xf32, #tpu.memory_space<hbm>> -> memref<4608xf32, #tpu.memory_space<hbm>>
      tpu.wait_dma2 semaphore(%arg33 : memref<!tpu.dma_semaphore, #tpu.memory_space<semaphore_mem>>) src(%dma_wait3A_286 : memref<4608xf32, #tpu.memory_space<hbm>>) dst(%arg24 : memref<4608xf32, #tpu.memory_space<vmem>>)
      %dma_wait3A_287 = arith.constant 13824 : i32
      %dma_wait3A_288 = tpu.memref_slice %arg7[%dma_wait3A_287] : memref<36864xf32, #tpu.memory_space<hbm>> -> memref<4608xf32, #tpu.memory_space<hbm>>
      %dma_wait3A_289 = arith.constant 13824 : i32
      %dma_wait3A_290 = tpu.memref_slice %arg7[%dma_wait3A_289] : memref<36864xf32, #tpu.memory_space<hbm>> -> memref<4608xf32, #tpu.memory_space<hbm>>
      tpu.wait_dma2 semaphore(%arg33 : memref<!tpu.dma_semaphore, #tpu.memory_space<semaphore_mem>>) src(%dma_wait3A_290 : memref<4608xf32, #tpu.memory_space<hbm>>) dst(%arg25 : memref<4608xf32, #tpu.memory_space<vmem>>)
      %dma_start3A_291 = arith.constant 18432 : i32
      %dma_start3A_292 = tpu.memref_slice %arg2[%add3A, %dma_start3A_291] : memref<4x36864xf32, #tpu.memory_space<hbm>> -> memref<1x4608xf32, #tpu.memory_space<hbm>>
      %dma_start3A_293 = tpu.memref_squeeze %dma_start3A_292 : memref<1x4608xf32, #tpu.memory_space<hbm>> -> memref<4608xf32, #tpu.memory_space<hbm>>
      %dma_start3A_294 = arith.constant 18432 : i32
      %dma_start3A_295 = tpu.memref_slice %arg2[%add3A, %dma_start3A_294] : memref<4x36864xf32, #tpu.memory_space<hbm>> -> memref<1x4608xf32, #tpu.memory_space<hbm>>
      %dma_start3A_296 = tpu.memref_squeeze %dma_start3A_295 : memref<1x4608xf32, #tpu.memory_space<hbm>> -> memref<4608xf32, #tpu.memory_space<hbm>>
      tpu.enqueue_dma source(%dma_start3A_296 : memref<4608xf32, #tpu.memory_space<hbm>>) target(%arg14 : memref<4608xf32, #tpu.memory_space<vmem>>) target_semaphore(%arg32 : memref<!tpu.dma_semaphore, #tpu.memory_space<semaphore_mem>>)
      %dma_start3A_297 = arith.constant 18432 : i32
      %dma_start3A_298 = tpu.memref_slice %arg3[%add3A, %dma_start3A_297] : memref<4x36864xf32, #tpu.memory_space<hbm>> -> memref<1x4608xf32, #tpu.memory_space<hbm>>
      %dma_start3A_299 = tpu.memref_squeeze %dma_start3A_298 : memref<1x4608xf32, #tpu.memory_space<hbm>> -> memref<4608xf32, #tpu.memory_space<hbm>>
      %dma_start3A_300 = arith.constant 18432 : i32
      %dma_start3A_301 = tpu.memref_slice %arg3[%add3A, %dma_start3A_300] : memref<4x36864xf32, #tpu.memory_space<hbm>> -> memref<1x4608xf32, #tpu.memory_space<hbm>>
      %dma_start3A_302 = tpu.memref_squeeze %dma_start3A_301 : memref<1x4608xf32, #tpu.memory_space<hbm>> -> memref<4608xf32, #tpu.memory_space<hbm>>
      tpu.enqueue_dma source(%dma_start3A_302 : memref<4608xf32, #tpu.memory_space<hbm>>) target(%arg15 : memref<4608xf32, #tpu.memory_space<vmem>>) target_semaphore(%arg32 : memref<!tpu.dma_semaphore, #tpu.memory_space<semaphore_mem>>)
      %dma_start3A_303 = arith.constant 18432 : i32
      %dma_start3A_304 = tpu.memref_slice %arg4[%add3A, %dma_start3A_303] : memref<4x36864xf32, #tpu.memory_space<hbm>> -> memref<1x4608xf32, #tpu.memory_space<hbm>>
      %dma_start3A_305 = tpu.memref_squeeze %dma_start3A_304 : memref<1x4608xf32, #tpu.memory_space<hbm>> -> memref<4608xf32, #tpu.memory_space<hbm>>
      %dma_start3A_306 = arith.constant 18432 : i32
      %dma_start3A_307 = tpu.memref_slice %arg4[%add3A, %dma_start3A_306] : memref<4x36864xf32, #tpu.memory_space<hbm>> -> memref<1x4608xf32, #tpu.memory_space<hbm>>
      %dma_start3A_308 = tpu.memref_squeeze %dma_start3A_307 : memref<1x4608xf32, #tpu.memory_space<hbm>> -> memref<4608xf32, #tpu.memory_space<hbm>>
      tpu.enqueue_dma source(%dma_start3A_308 : memref<4608xf32, #tpu.memory_space<hbm>>) target(%arg16 : memref<4608xf32, #tpu.memory_space<vmem>>) target_semaphore(%arg32 : memref<!tpu.dma_semaphore, #tpu.memory_space<semaphore_mem>>)
      %dma_start3A_309 = arith.constant 18432 : i32
      %dma_start3A_310 = tpu.memref_slice %arg5[%add3A, %dma_start3A_309] : memref<4x36864xf32, #tpu.memory_space<hbm>> -> memref<1x4608xf32, #tpu.memory_space<hbm>>
      %dma_start3A_311 = tpu.memref_squeeze %dma_start3A_310 : memref<1x4608xf32, #tpu.memory_space<hbm>> -> memref<4608xf32, #tpu.memory_space<hbm>>
      %dma_start3A_312 = arith.constant 18432 : i32
      %dma_start3A_313 = tpu.memref_slice %arg5[%add3A, %dma_start3A_312] : memref<4x36864xf32, #tpu.memory_space<hbm>> -> memref<1x4608xf32, #tpu.memory_space<hbm>>
      %dma_start3A_314 = tpu.memref_squeeze %dma_start3A_313 : memref<1x4608xf32, #tpu.memory_space<hbm>> -> memref<4608xf32, #tpu.memory_space<hbm>>
      tpu.enqueue_dma source(%dma_start3A_314 : memref<4608xf32, #tpu.memory_space<hbm>>) target(%arg17 : memref<4608xf32, #tpu.memory_space<vmem>>) target_semaphore(%arg32 : memref<!tpu.dma_semaphore, #tpu.memory_space<semaphore_mem>>)
      %dma_start3A_315 = arith.constant 18432 : i32
      %dma_start3A_316 = tpu.memref_slice %arg6[%add3A, %dma_start3A_315] : memref<4x36864xf32, #tpu.memory_space<hbm>> -> memref<1x4608xf32, #tpu.memory_space<hbm>>
      %dma_start3A_317 = tpu.memref_squeeze %dma_start3A_316 : memref<1x4608xf32, #tpu.memory_space<hbm>> -> memref<4608xf32, #tpu.memory_space<hbm>>
      %dma_start3A_318 = arith.constant 18432 : i32
      %dma_start3A_319 = tpu.memref_slice %arg6[%add3A, %dma_start3A_318] : memref<4x36864xf32, #tpu.memory_space<hbm>> -> memref<1x4608xf32, #tpu.memory_space<hbm>>
      %dma_start3A_320 = tpu.memref_squeeze %dma_start3A_319 : memref<1x4608xf32, #tpu.memory_space<hbm>> -> memref<4608xf32, #tpu.memory_space<hbm>>
      tpu.enqueue_dma source(%dma_start3A_320 : memref<4608xf32, #tpu.memory_space<hbm>>) target(%arg18 : memref<4608xf32, #tpu.memory_space<vmem>>) target_semaphore(%arg32 : memref<!tpu.dma_semaphore, #tpu.memory_space<semaphore_mem>>)
      %dma_start3A_321 = arith.constant 18432 : i32
      %dma_start3A_322 = tpu.memref_slice %arg7[%dma_start3A_321] : memref<36864xf32, #tpu.memory_space<hbm>> -> memref<4608xf32, #tpu.memory_space<hbm>>
      %dma_start3A_323 = arith.constant 18432 : i32
      %dma_start3A_324 = tpu.memref_slice %arg7[%dma_start3A_323] : memref<36864xf32, #tpu.memory_space<hbm>> -> memref<4608xf32, #tpu.memory_space<hbm>>
      tpu.enqueue_dma source(%dma_start3A_324 : memref<4608xf32, #tpu.memory_space<hbm>>) target(%arg19 : memref<4608xf32, #tpu.memory_space<vmem>>) target_semaphore(%arg32 : memref<!tpu.dma_semaphore, #tpu.memory_space<semaphore_mem>>)
      %scan3A_325 = arith.constant 0 : i32
      %scan3A_326 = arith.constant 72 : i32
      %scan3A_327 = arith.addi %scan3A_325, %scan3A_326 : i32
      %scan3A_328 = arith.constant 1 : i32
      %scan3A_329 = scf.for %scan3A_679 = %scan3A_325 to %scan3A_327 step %scan3A_328 iter_args(%scan3A_680 = %scan3A_255) -> (i32)  : i32 {
        %mul3A_681 = arith.constant 4 : i32
        %mul3A_682 = arith.muli %scan3A_679, %mul3A_681 : i32
        %add3A_683 = arith.constant 0 : i32
        %add3A_684 = arith.addi %mul3A_682, %add3A_683 : i32
        %mul3A_685 = arith.constant 16 : i32
        %mul3A_686 = arith.muli %add3A_684, %mul3A_685 : i32
        %mul3A_687 = arith.constant 4 : i32
        %mul3A_688 = arith.muli %scan3A_679, %mul3A_687 : i32
        %add3A_689 = arith.constant 1 : i32
        %add3A_690 = arith.addi %mul3A_688, %add3A_689 : i32
        %mul3A_691 = arith.constant 16 : i32
        %mul3A_692 = arith.muli %add3A_690, %mul3A_691 : i32
        %mul3A_693 = arith.constant 4 : i32
        %mul3A_694 = arith.muli %scan3A_679, %mul3A_693 : i32
        %add3A_695 = arith.constant 2 : i32
        %add3A_696 = arith.addi %mul3A_694, %add3A_695 : i32
        %mul3A_697 = arith.constant 16 : i32
        %mul3A_698 = arith.muli %add3A_696, %mul3A_697 : i32
        %mul3A_699 = arith.constant 4 : i32
        %mul3A_700 = arith.muli %scan3A_679, %mul3A_699 : i32
        %add3A_701 = arith.constant 3 : i32
        %add3A_702 = arith.addi %mul3A_700, %add3A_701 : i32
        %mul3A_703 = arith.constant 16 : i32
        %mul3A_704 = arith.muli %add3A_702, %mul3A_703 : i32
        %get3A = arith.index_cast %mul3A_686 : i32 to index
        %get3A_705 = tpu.vector_load %arg20[%get3A] {strides = array<i32>} : memref<4608xf32, #tpu.memory_space<vmem>>, vector<16xf32>,
        %get3A_706 = arith.index_cast %mul3A_692 : i32 to index
        %get3A_707 = tpu.vector_load %arg20[%get3A_706] {strides = array<i32>} : memref<4608xf32, #tpu.memory_space<vmem>>, vector<16xf32>,
        %get3A_708 = arith.index_cast %mul3A_698 : i32 to index
        %get3A_709 = tpu.vector_load %arg20[%get3A_708] {strides = array<i32>} : memref<4608xf32, #tpu.memory_space<vmem>>, vector<16xf32>,
        %get3A_710 = arith.index_cast %mul3A_704 : i32 to index
        %get3A_711 = tpu.vector_load %arg20[%get3A_710] {strides = array<i32>} : memref<4608xf32, #tpu.memory_space<vmem>>, vector<16xf32>,
        %ge3A = arith.constant 0.000000e+00 : f32
        %ge3A_712 = vector.broadcast %ge3A : f32 to vector<16xf32>
        %ge3A_713 = arith.cmpf oge, %get3A_705, %ge3A_712 : vector<16xf32>
        %ge3A_714 = arith.constant 0.000000e+00 : f32
        %ge3A_715 = vector.broadcast %ge3A_714 : f32 to vector<16xf32>
        %ge3A_716 = arith.cmpf oge, %get3A_707, %ge3A_715 : vector<16xf32>
        %ge3A_717 = arith.constant 0.000000e+00 : f32
        %ge3A_718 = vector.broadcast %ge3A_717 : f32 to vector<16xf32>
        %ge3A_719 = arith.cmpf oge, %get3A_709, %ge3A_718 : vector<16xf32>
        %ge3A_720 = arith.constant 0.000000e+00 : f32
        %ge3A_721 = vector.broadcast %ge3A_720 : f32 to vector<16xf32>
        %ge3A_722 = arith.cmpf oge, %get3A_711, %ge3A_721 : vector<16xf32>
        %convert_element_type3A_723 = arith.extui %ge3A_713 : vector<16xi1> to vector<16xi32>
        %reduce_sum3A = arith.constant true
        %reduce_sum3A_724 = vector.broadcast %reduce_sum3A : i1 to vector<16xi1>
        %reduce_sum3A_725 = tpu.scan <sum>, %convert_element_type3A_723 masked %reduce_sum3A_724 : vector<16xi32>, vector<16xi1> -> vector<16xi32>
        %reduce_sum3A_726 = vector.extract %reduce_sum3A_725[15] : i32 from vector<16xi32>
        %convert_element_type3A_727 = arith.extui %ge3A_716 : vector<16xi1> to vector<16xi32>
        %reduce_sum3A_728 = arith.constant true
        %reduce_sum3A_729 = vector.broadcast %reduce_sum3A_728 : i1 to vector<16xi1>
        %reduce_sum3A_730 = tpu.scan <sum>, %convert_element_type3A_727 masked %reduce_sum3A_729 : vector<16xi32>, vector<16xi1> -> vector<16xi32>
        %reduce_sum3A_731 = vector.extract %reduce_sum3A_730[15] : i32 from vector<16xi32>
        %convert_element_type3A_732 = arith.extui %ge3A_719 : vector<16xi1> to vector<16xi32>
        %reduce_sum3A_733 = arith.constant true
        %reduce_sum3A_734 = vector.broadcast %reduce_sum3A_733 : i1 to vector<16xi1>
        %reduce_sum3A_735 = tpu.scan <sum>, %convert_element_type3A_732 masked %reduce_sum3A_734 : vector<16xi32>, vector<16xi1> -> vector<16xi32>
        %reduce_sum3A_736 = vector.extract %reduce_sum3A_735[15] : i32 from vector<16xi32>
        %convert_element_type3A_737 = arith.extui %ge3A_722 : vector<16xi1> to vector<16xi32>
        %reduce_sum3A_738 = arith.constant true
        %reduce_sum3A_739 = vector.broadcast %reduce_sum3A_738 : i1 to vector<16xi1>
        %reduce_sum3A_740 = tpu.scan <sum>, %convert_element_type3A_737 masked %reduce_sum3A_739 : vector<16xi32>, vector<16xi1> -> vector<16xi32>
        %reduce_sum3A_741 = vector.extract %reduce_sum3A_740[15] : i32 from vector<16xi32>
        %add3A_742 = arith.addi %scan3A_680, %reduce_sum3A_726 : i32
        %add3A_743 = arith.addi %scan3A_680, %reduce_sum3A_726 : i32
        %add3A_744 = arith.addi %add3A_743, %reduce_sum3A_731 : i32
        %add3A_745 = arith.addi %scan3A_680, %reduce_sum3A_726 : i32
        %add3A_746 = arith.addi %add3A_745, %reduce_sum3A_731 : i32
        %add3A_747 = arith.addi %add3A_746, %reduce_sum3A_736 : i32
        %swap3A_748 = arith.index_cast %scan3A_680 : i32 to index
        %swap3A_749 = tpu.vector_load %arg26[%swap3A_748] masked %ge3A_713 {strides = array<i32>} : memref<6016xf32, #tpu.memory_space<vmem>>, vector<16xf32>, vector<16xi1>
        tpu.vector_store %arg26[%swap3A_748], %get3A_705 masked %ge3A_713 {strides = array<i32>} : memref<6016xf32, #tpu.memory_space<vmem>>, vector<16xf32>, vector<16xi1>
        %get3A_750 = arith.index_cast %mul3A_686 : i32 to index
        %get3A_751 = tpu.vector_load %arg21[%get3A_750] {strides = array<i32>} : memref<4608xf32, #tpu.memory_space<vmem>>, vector<16xf32>,
        %swap3A_752 = arith.index_cast %scan3A_680 : i32 to index
        %swap3A_753 = tpu.vector_load %arg27[%swap3A_752] masked %ge3A_713 {strides = array<i32>} : memref<6016xf32, #tpu.memory_space<vmem>>, vector<16xf32>, vector<16xi1>
        tpu.vector_store %arg27[%swap3A_752], %get3A_751 masked %ge3A_713 {strides = array<i32>} : memref<6016xf32, #tpu.memory_space<vmem>>, vector<16xf32>, vector<16xi1>
        %get3A_754 = arith.index_cast %mul3A_686 : i32 to index
        %get3A_755 = tpu.vector_load %arg22[%get3A_754] {strides = array<i32>} : memref<4608xf32, #tpu.memory_space<vmem>>, vector<16xf32>,
        %swap3A_756 = arith.index_cast %scan3A_680 : i32 to index
        %swap3A_757 = tpu.vector_load %arg28[%swap3A_756] masked %ge3A_713 {strides = array<i32>} : memref<6016xf32, #tpu.memory_space<vmem>>, vector<16xf32>, vector<16xi1>
        tpu.vector_store %arg28[%swap3A_756], %get3A_755 masked %ge3A_713 {strides = array<i32>} : memref<6016xf32, #tpu.memory_space<vmem>>, vector<16xf32>, vector<16xi1>
        %get3A_758 = arith.index_cast %mul3A_686 : i32 to index
        %get3A_759 = tpu.vector_load %arg23[%get3A_758] {strides = array<i32>} : memref<4608xf32, #tpu.memory_space<vmem>>, vector<16xf32>,
        %swap3A_760 = arith.index_cast %scan3A_680 : i32 to index
        %swap3A_761 = tpu.vector_load %arg29[%swap3A_760] masked %ge3A_713 {strides = array<i32>} : memref<6016xf32, #tpu.memory_space<vmem>>, vector<16xf32>, vector<16xi1>
        tpu.vector_store %arg29[%swap3A_760], %get3A_759 masked %ge3A_713 {strides = array<i32>} : memref<6016xf32, #tpu.memory_space<vmem>>, vector<16xf32>, vector<16xi1>
        %get3A_762 = arith.index_cast %mul3A_686 : i32 to index
        %get3A_763 = tpu.vector_load %arg24[%get3A_762] {strides = array<i32>} : memref<4608xf32, #tpu.memory_space<vmem>>, vector<16xf32>,
        %swap3A_764 = arith.index_cast %scan3A_680 : i32 to index
        %swap3A_765 = tpu.vector_load %arg30[%swap3A_764] masked %ge3A_713 {strides = array<i32>} : memref<6016xf32, #tpu.memory_space<vmem>>, vector<16xf32>, vector<16xi1>
        tpu.vector_store %arg30[%swap3A_764], %get3A_763 masked %ge3A_713 {strides = array<i32>} : memref<6016xf32, #tpu.memory_space<vmem>>, vector<16xf32>, vector<16xi1>
        %get3A_766 = arith.index_cast %mul3A_686 : i32 to index
        %get3A_767 = tpu.vector_load %arg25[%get3A_766] {strides = array<i32>} : memref<4608xf32, #tpu.memory_space<vmem>>, vector<16xf32>,
        %swap3A_768 = arith.index_cast %scan3A_680 : i32 to index
        %swap3A_769 = tpu.vector_load %arg31[%swap3A_768] masked %ge3A_713 {strides = array<i32>} : memref<6016xf32, #tpu.memory_space<vmem>>, vector<16xf32>, vector<16xi1>
        tpu.vector_store %arg31[%swap3A_768], %get3A_767 masked %ge3A_713 {strides = array<i32>} : memref<6016xf32, #tpu.memory_space<vmem>>, vector<16xf32>, vector<16xi1>
        %swap3A_770 = arith.index_cast %add3A_742 : i32 to index
        %swap3A_771 = tpu.vector_load %arg26[%swap3A_770] masked %ge3A_716 {strides = array<i32>} : memref<6016xf32, #tpu.memory_space<vmem>>, vector<16xf32>, vector<16xi1>
        tpu.vector_store %arg26[%swap3A_770], %get3A_707 masked %ge3A_716 {strides = array<i32>} : memref<6016xf32, #tpu.memory_space<vmem>>, vector<16xf32>, vector<16xi1>
        %get3A_772 = arith.index_cast %mul3A_692 : i32 to index
        %get3A_773 = tpu.vector_load %arg21[%get3A_772] {strides = array<i32>} : memref<4608xf32, #tpu.memory_space<vmem>>, vector<16xf32>,
        %swap3A_774 = arith.index_cast %add3A_742 : i32 to index
        %swap3A_775 = tpu.vector_load %arg27[%swap3A_774] masked %ge3A_716 {strides = array<i32>} : memref<6016xf32, #tpu.memory_space<vmem>>, vector<16xf32>, vector<16xi1>
        tpu.vector_store %arg27[%swap3A_774], %get3A_773 masked %ge3A_716 {strides = array<i32>} : memref<6016xf32, #tpu.memory_space<vmem>>, vector<16xf32>, vector<16xi1>
        %get3A_776 = arith.index_cast %mul3A_692 : i32 to index
        %get3A_777 = tpu.vector_load %arg22[%get3A_776] {strides = array<i32>} : memref<4608xf32, #tpu.memory_space<vmem>>, vector<16xf32>,
        %swap3A_778 = arith.index_cast %add3A_742 : i32 to index
        %swap3A_779 = tpu.vector_load %arg28[%swap3A_778] masked %ge3A_716 {strides = array<i32>} : memref<6016xf32, #tpu.memory_space<vmem>>, vector<16xf32>, vector<16xi1>
        tpu.vector_store %arg28[%swap3A_778], %get3A_777 masked %ge3A_716 {strides = array<i32>} : memref<6016xf32, #tpu.memory_space<vmem>>, vector<16xf32>, vector<16xi1>
        %get3A_780 = arith.index_cast %mul3A_692 : i32 to index
        %get3A_781 = tpu.vector_load %arg23[%get3A_780] {strides = array<i32>} : memref<4608xf32, #tpu.memory_space<vmem>>, vector<16xf32>,
        %swap3A_782 = arith.index_cast %add3A_742 : i32 to index
        %swap3A_783 = tpu.vector_load %arg29[%swap3A_782] masked %ge3A_716 {strides = array<i32>} : memref<6016xf32, #tpu.memory_space<vmem>>, vector<16xf32>, vector<16xi1>
        tpu.vector_store %arg29[%swap3A_782], %get3A_781 masked %ge3A_716 {strides = array<i32>} : memref<6016xf32, #tpu.memory_space<vmem>>, vector<16xf32>, vector<16xi1>
        %get3A_784 = arith.index_cast %mul3A_692 : i32 to index
        %get3A_785 = tpu.vector_load %arg24[%get3A_784] {strides = array<i32>} : memref<4608xf32, #tpu.memory_space<vmem>>, vector<16xf32>,
        %swap3A_786 = arith.index_cast %add3A_742 : i32 to index
        %swap3A_787 = tpu.vector_load %arg30[%swap3A_786] masked %ge3A_716 {strides = array<i32>} : memref<6016xf32, #tpu.memory_space<vmem>>, vector<16xf32>, vector<16xi1>
        tpu.vector_store %arg30[%swap3A_786], %get3A_785 masked %ge3A_716 {strides = array<i32>} : memref<6016xf32, #tpu.memory_space<vmem>>, vector<16xf32>, vector<16xi1>
        %get3A_788 = arith.index_cast %mul3A_692 : i32 to index
        %get3A_789 = tpu.vector_load %arg25[%get3A_788] {strides = array<i32>} : memref<4608xf32, #tpu.memory_space<vmem>>, vector<16xf32>,
        %swap3A_790 = arith.index_cast %add3A_742 : i32 to index
        %swap3A_791 = tpu.vector_load %arg31[%swap3A_790] masked %ge3A_716 {strides = array<i32>} : memref<6016xf32, #tpu.memory_space<vmem>>, vector<16xf32>, vector<16xi1>
        tpu.vector_store %arg31[%swap3A_790], %get3A_789 masked %ge3A_716 {strides = array<i32>} : memref<6016xf32, #tpu.memory_space<vmem>>, vector<16xf32>, vector<16xi1>
        %swap3A_792 = arith.index_cast %add3A_744 : i32 to index
        %swap3A_793 = tpu.vector_load %arg26[%swap3A_792] masked %ge3A_719 {strides = array<i32>} : memref<6016xf32, #tpu.memory_space<vmem>>, vector<16xf32>, vector<16xi1>
        tpu.vector_store %arg26[%swap3A_792], %get3A_709 masked %ge3A_719 {strides = array<i32>} : memref<6016xf32, #tpu.memory_space<vmem>>, vector<16xf32>, vector<16xi1>
        %get3A_794 = arith.index_cast %mul3A_698 : i32 to index
        %get3A_795 = tpu.vector_load %arg21[%get3A_794] {strides = array<i32>} : memref<4608xf32, #tpu.memory_space<vmem>>, vector<16xf32>,
        %swap3A_796 = arith.index_cast %add3A_744 : i32 to index
        %swap3A_797 = tpu.vector_load %arg27[%swap3A_796] masked %ge3A_719 {strides = array<i32>} : memref<6016xf32, #tpu.memory_space<vmem>>, vector<16xf32>, vector<16xi1>
        tpu.vector_store %arg27[%swap3A_796], %get3A_795 masked %ge3A_719 {strides = array<i32>} : memref<6016xf32, #tpu.memory_space<vmem>>, vector<16xf32>, vector<16xi1>
        %get3A_798 = arith.index_cast %mul3A_698 : i32 to index
        %get3A_799 = tpu.vector_load %arg22[%get3A_798] {strides = array<i32>} : memref<4608xf32, #tpu.memory_space<vmem>>, vector<16xf32>,
        %swap3A_800 = arith.index_cast %add3A_744 : i32 to index
        %swap3A_801 = tpu.vector_load %arg28[%swap3A_800] masked %ge3A_719 {strides = array<i32>} : memref<6016xf32, #tpu.memory_space<vmem>>, vector<16xf32>, vector<16xi1>
        tpu.vector_store %arg28[%swap3A_800], %get3A_799 masked %ge3A_719 {strides = array<i32>} : memref<6016xf32, #tpu.memory_space<vmem>>, vector<16xf32>, vector<16xi1>
        %get3A_802 = arith.index_cast %mul3A_698 : i32 to index
        %get3A_803 = tpu.vector_load %arg23[%get3A_802] {strides = array<i32>} : memref<4608xf32, #tpu.memory_space<vmem>>, vector<16xf32>,
        %swap3A_804 = arith.index_cast %add3A_744 : i32 to index
        %swap3A_805 = tpu.vector_load %arg29[%swap3A_804] masked %ge3A_719 {strides = array<i32>} : memref<6016xf32, #tpu.memory_space<vmem>>, vector<16xf32>, vector<16xi1>
        tpu.vector_store %arg29[%swap3A_804], %get3A_803 masked %ge3A_719 {strides = array<i32>} : memref<6016xf32, #tpu.memory_space<vmem>>, vector<16xf32>, vector<16xi1>
        %get3A_806 = arith.index_cast %mul3A_698 : i32 to index
        %get3A_807 = tpu.vector_load %arg24[%get3A_806] {strides = array<i32>} : memref<4608xf32, #tpu.memory_space<vmem>>, vector<16xf32>,
        %swap3A_808 = arith.index_cast %add3A_744 : i32 to index
        %swap3A_809 = tpu.vector_load %arg30[%swap3A_808] masked %ge3A_719 {strides = array<i32>} : memref<6016xf32, #tpu.memory_space<vmem>>, vector<16xf32>, vector<16xi1>
        tpu.vector_store %arg30[%swap3A_808], %get3A_807 masked %ge3A_719 {strides = array<i32>} : memref<6016xf32, #tpu.memory_space<vmem>>, vector<16xf32>, vector<16xi1>
        %get3A_810 = arith.index_cast %mul3A_698 : i32 to index
        %get3A_811 = tpu.vector_load %arg25[%get3A_810] {strides = array<i32>} : memref<4608xf32, #tpu.memory_space<vmem>>, vector<16xf32>,
        %swap3A_812 = arith.index_cast %add3A_744 : i32 to index
        %swap3A_813 = tpu.vector_load %arg31[%swap3A_812] masked %ge3A_719 {strides = array<i32>} : memref<6016xf32, #tpu.memory_space<vmem>>, vector<16xf32>, vector<16xi1>
        tpu.vector_store %arg31[%swap3A_812], %get3A_811 masked %ge3A_719 {strides = array<i32>} : memref<6016xf32, #tpu.memory_space<vmem>>, vector<16xf32>, vector<16xi1>
        %swap3A_814 = arith.index_cast %add3A_747 : i32 to index
        %swap3A_815 = tpu.vector_load %arg26[%swap3A_814] masked %ge3A_722 {strides = array<i32>} : memref<6016xf32, #tpu.memory_space<vmem>>, vector<16xf32>, vector<16xi1>
        tpu.vector_store %arg26[%swap3A_814], %get3A_711 masked %ge3A_722 {strides = array<i32>} : memref<6016xf32, #tpu.memory_space<vmem>>, vector<16xf32>, vector<16xi1>
        %get3A_816 = arith.index_cast %mul3A_704 : i32 to index
        %get3A_817 = tpu.vector_load %arg21[%get3A_816] {strides = array<i32>} : memref<4608xf32, #tpu.memory_space<vmem>>, vector<16xf32>,
        %swap3A_818 = arith.index_cast %add3A_747 : i32 to index
        %swap3A_819 = tpu.vector_load %arg27[%swap3A_818] masked %ge3A_722 {strides = array<i32>} : memref<6016xf32, #tpu.memory_space<vmem>>, vector<16xf32>, vector<16xi1>
        tpu.vector_store %arg27[%swap3A_818], %get3A_817 masked %ge3A_722 {strides = array<i32>} : memref<6016xf32, #tpu.memory_space<vmem>>, vector<16xf32>, vector<16xi1>
        %get3A_820 = arith.index_cast %mul3A_704 : i32 to index
        %get3A_821 = tpu.vector_load %arg22[%get3A_820] {strides = array<i32>} : memref<4608xf32, #tpu.memory_space<vmem>>, vector<16xf32>,
        %swap3A_822 = arith.index_cast %add3A_747 : i32 to index
        %swap3A_823 = tpu.vector_load %arg28[%swap3A_822] masked %ge3A_722 {strides = array<i32>} : memref<6016xf32, #tpu.memory_space<vmem>>, vector<16xf32>, vector<16xi1>
        tpu.vector_store %arg28[%swap3A_822], %get3A_821 masked %ge3A_722 {strides = array<i32>} : memref<6016xf32, #tpu.memory_space<vmem>>, vector<16xf32>, vector<16xi1>
        %get3A_824 = arith.index_cast %mul3A_704 : i32 to index
        %get3A_825 = tpu.vector_load %arg23[%get3A_824] {strides = array<i32>} : memref<4608xf32, #tpu.memory_space<vmem>>, vector<16xf32>,
        %swap3A_826 = arith.index_cast %add3A_747 : i32 to index
        %swap3A_827 = tpu.vector_load %arg29[%swap3A_826] masked %ge3A_722 {strides = array<i32>} : memref<6016xf32, #tpu.memory_space<vmem>>, vector<16xf32>, vector<16xi1>
        tpu.vector_store %arg29[%swap3A_826], %get3A_825 masked %ge3A_722 {strides = array<i32>} : memref<6016xf32, #tpu.memory_space<vmem>>, vector<16xf32>, vector<16xi1>
        %get3A_828 = arith.index_cast %mul3A_704 : i32 to index
        %get3A_829 = tpu.vector_load %arg24[%get3A_828] {strides = array<i32>} : memref<4608xf32, #tpu.memory_space<vmem>>, vector<16xf32>,
        %swap3A_830 = arith.index_cast %add3A_747 : i32 to index
        %swap3A_831 = tpu.vector_load %arg30[%swap3A_830] masked %ge3A_722 {strides = array<i32>} : memref<6016xf32, #tpu.memory_space<vmem>>, vector<16xf32>, vector<16xi1>
        tpu.vector_store %arg30[%swap3A_830], %get3A_829 masked %ge3A_722 {strides = array<i32>} : memref<6016xf32, #tpu.memory_space<vmem>>, vector<16xf32>, vector<16xi1>
        %get3A_832 = arith.index_cast %mul3A_704 : i32 to index
        %get3A_833 = tpu.vector_load %arg25[%get3A_832] {strides = array<i32>} : memref<4608xf32, #tpu.memory_space<vmem>>, vector<16xf32>,
        %swap3A_834 = arith.index_cast %add3A_747 : i32 to index
        %swap3A_835 = tpu.vector_load %arg31[%swap3A_834] masked %ge3A_722 {strides = array<i32>} : memref<6016xf32, #tpu.memory_space<vmem>>, vector<16xf32>, vector<16xi1>
        tpu.vector_store %arg31[%swap3A_834], %get3A_833 masked %ge3A_722 {strides = array<i32>} : memref<6016xf32, #tpu.memory_space<vmem>>, vector<16xf32>, vector<16xi1>
        %add3A_836 = arith.addi %add3A_747, %reduce_sum3A_741 : i32
        scf.yield %add3A_836 : i32
      }
      %scan3A_330 = arith.constant 72 : i32
      %dma_wait3A_331 = arith.constant 18432 : i32
      %dma_wait3A_332 = tpu.memref_slice %arg2[%add3A, %dma_wait3A_331] : memref<4x36864xf32, #tpu.memory_space<hbm>> -> memref<1x4608xf32, #tpu.memory_space<hbm>>
      %dma_wait3A_333 = tpu.memref_squeeze %dma_wait3A_332 : memref<1x4608xf32, #tpu.memory_space<hbm>> -> memref<4608xf32, #tpu.memory_space<hbm>>
      %dma_wait3A_334 = arith.constant 18432 : i32
      %dma_wait3A_335 = tpu.memref_slice %arg2[%add3A, %dma_wait3A_334] : memref<4x36864xf32, #tpu.memory_space<hbm>> -> memref<1x4608xf32, #tpu.memory_space<hbm>>
      %dma_wait3A_336 = tpu.memref_squeeze %dma_wait3A_335 : memref<1x4608xf32, #tpu.memory_space<hbm>> -> memref<4608xf32, #tpu.memory_space<hbm>>
      tpu.wait_dma2 semaphore(%arg32 : memref<!tpu.dma_semaphore, #tpu.memory_space<semaphore_mem>>) src(%dma_wait3A_336 : memref<4608xf32, #tpu.memory_space<hbm>>) dst(%arg14 : memref<4608xf32, #tpu.memory_space<vmem>>)
      %dma_wait3A_337 = arith.constant 18432 : i32
      %dma_wait3A_338 = tpu.memref_slice %arg3[%add3A, %dma_wait3A_337] : memref<4x36864xf32, #tpu.memory_space<hbm>> -> memref<1x4608xf32, #tpu.memory_space<hbm>>
      %dma_wait3A_339 = tpu.memref_squeeze %dma_wait3A_338 : memref<1x4608xf32, #tpu.memory_space<hbm>> -> memref<4608xf32, #tpu.memory_space<hbm>>
      %dma_wait3A_340 = arith.constant 18432 : i32
      %dma_wait3A_341 = tpu.memref_slice %arg3[%add3A, %dma_wait3A_340] : memref<4x36864xf32, #tpu.memory_space<hbm>> -> memref<1x4608xf32, #tpu.memory_space<hbm>>
      %dma_wait3A_342 = tpu.memref_squeeze %dma_wait3A_341 : memref<1x4608xf32, #tpu.memory_space<hbm>> -> memref<4608xf32, #tpu.memory_space<hbm>>
      tpu.wait_dma2 semaphore(%arg32 : memref<!tpu.dma_semaphore, #tpu.memory_space<semaphore_mem>>) src(%dma_wait3A_342 : memref<4608xf32, #tpu.memory_space<hbm>>) dst(%arg15 : memref<4608xf32, #tpu.memory_space<vmem>>)
      %dma_wait3A_343 = arith.constant 18432 : i32
      %dma_wait3A_344 = tpu.memref_slice %arg4[%add3A, %dma_wait3A_343] : memref<4x36864xf32, #tpu.memory_space<hbm>> -> memref<1x4608xf32, #tpu.memory_space<hbm>>
      %dma_wait3A_345 = tpu.memref_squeeze %dma_wait3A_344 : memref<1x4608xf32, #tpu.memory_space<hbm>> -> memref<4608xf32, #tpu.memory_space<hbm>>
      %dma_wait3A_346 = arith.constant 18432 : i32
      %dma_wait3A_347 = tpu.memref_slice %arg4[%add3A, %dma_wait3A_346] : memref<4x36864xf32, #tpu.memory_space<hbm>> -> memref<1x4608xf32, #tpu.memory_space<hbm>>
      %dma_wait3A_348 = tpu.memref_squeeze %dma_wait3A_347 : memref<1x4608xf32, #tpu.memory_space<hbm>> -> memref<4608xf32, #tpu.memory_space<hbm>>
      tpu.wait_dma2 semaphore(%arg32 : memref<!tpu.dma_semaphore, #tpu.memory_space<semaphore_mem>>) src(%dma_wait3A_348 : memref<4608xf32, #tpu.memory_space<hbm>>) dst(%arg16 : memref<4608xf32, #tpu.memory_space<vmem>>)
      %dma_wait3A_349 = arith.constant 18432 : i32
      %dma_wait3A_350 = tpu.memref_slice %arg5[%add3A, %dma_wait3A_349] : memref<4x36864xf32, #tpu.memory_space<hbm>> -> memref<1x4608xf32, #tpu.memory_space<hbm>>
      %dma_wait3A_351 = tpu.memref_squeeze %dma_wait3A_350 : memref<1x4608xf32, #tpu.memory_space<hbm>> -> memref<4608xf32, #tpu.memory_space<hbm>>
      %dma_wait3A_352 = arith.constant 18432 : i32
      %dma_wait3A_353 = tpu.memref_slice %arg5[%add3A, %dma_wait3A_352] : memref<4x36864xf32, #tpu.memory_space<hbm>> -> memref<1x4608xf32, #tpu.memory_space<hbm>>
      %dma_wait3A_354 = tpu.memref_squeeze %dma_wait3A_353 : memref<1x4608xf32, #tpu.memory_space<hbm>> -> memref<4608xf32, #tpu.memory_space<hbm>>
      tpu.wait_dma2 semaphore(%arg32 : memref<!tpu.dma_semaphore, #tpu.memory_space<semaphore_mem>>) src(%dma_wait3A_354 : memref<4608xf32, #tpu.memory_space<hbm>>) dst(%arg17 : memref<4608xf32, #tpu.memory_space<vmem>>)
      %dma_wait3A_355 = arith.constant 18432 : i32
      %dma_wait3A_356 = tpu.memref_slice %arg6[%add3A, %dma_wait3A_355] : memref<4x36864xf32, #tpu.memory_space<hbm>> -> memref<1x4608xf32, #tpu.memory_space<hbm>>
      %dma_wait3A_357 = tpu.memref_squeeze %dma_wait3A_356 : memref<1x4608xf32, #tpu.memory_space<hbm>> -> memref<4608xf32, #tpu.memory_space<hbm>>
      %dma_wait3A_358 = arith.constant 18432 : i32
      %dma_wait3A_359 = tpu.memref_slice %arg6[%add3A, %dma_wait3A_358] : memref<4x36864xf32, #tpu.memory_space<hbm>> -> memref<1x4608xf32, #tpu.memory_space<hbm>>
      %dma_wait3A_360 = tpu.memref_squeeze %dma_wait3A_359 : memref<1x4608xf32, #tpu.memory_space<hbm>> -> memref<4608xf32, #tpu.memory_space<hbm>>
      tpu.wait_dma2 semaphore(%arg32 : memref<!tpu.dma_semaphore, #tpu.memory_space<semaphore_mem>>) src(%dma_wait3A_360 : memref<4608xf32, #tpu.memory_space<hbm>>) dst(%arg18 : memref<4608xf32, #tpu.memory_space<vmem>>)
      %dma_wait3A_361 = arith.constant 18432 : i32
      %dma_wait3A_362 = tpu.memref_slice %arg7[%dma_wait3A_361] : memref<36864xf32, #tpu.memory_space<hbm>> -> memref<4608xf32, #tpu.memory_space<hbm>>
      %dma_wait3A_363 = arith.constant 18432 : i32
      %dma_wait3A_364 = tpu.memref_slice %arg7[%dma_wait3A_363] : memref<36864xf32, #tpu.memory_space<hbm>> -> memref<4608xf32, #tpu.memory_space<hbm>>
      tpu.wait_dma2 semaphore(%arg32 : memref<!tpu.dma_semaphore, #tpu.memory_space<semaphore_mem>>) src(%dma_wait3A_364 : memref<4608xf32, #tpu.memory_space<hbm>>) dst(%arg19 : memref<4608xf32, #tpu.memory_space<vmem>>)
      %dma_start3A_365 = arith.constant 23040 : i32
      %dma_start3A_366 = tpu.memref_slice %arg2[%add3A, %dma_start3A_365] : memref<4x36864xf32, #tpu.memory_space<hbm>> -> memref<1x4608xf32, #tpu.memory_space<hbm>>
      %dma_start3A_367 = tpu.memref_squeeze %dma_start3A_366 : memref<1x4608xf32, #tpu.memory_space<hbm>> -> memref<4608xf32, #tpu.memory_space<hbm>>
      %dma_start3A_368 = arith.constant 23040 : i32
      %dma_start3A_369 = tpu.memref_slice %arg2[%add3A, %dma_start3A_368] : memref<4x36864xf32, #tpu.memory_space<hbm>> -> memref<1x4608xf32, #tpu.memory_space<hbm>>
      %dma_start3A_370 = tpu.memref_squeeze %dma_start3A_369 : memref<1x4608xf32, #tpu.memory_space<hbm>> -> memref<4608xf32, #tpu.memory_space<hbm>>
      tpu.enqueue_dma source(%dma_start3A_370 : memref<4608xf32, #tpu.memory_space<hbm>>) target(%arg20 : memref<4608xf32, #tpu.memory_space<vmem>>) target_semaphore(%arg33 : memref<!tpu.dma_semaphore, #tpu.memory_space<semaphore_mem>>)
      %dma_start3A_371 = arith.constant 23040 : i32
      %dma_start3A_372 = tpu.memref_slice %arg3[%add3A, %dma_start3A_371] : memref<4x36864xf32, #tpu.memory_space<hbm>> -> memref<1x4608xf32, #tpu.memory_space<hbm>>
      %dma_start3A_373 = tpu.memref_squeeze %dma_start3A_372 : memref<1x4608xf32, #tpu.memory_space<hbm>> -> memref<4608xf32, #tpu.memory_space<hbm>>
      %dma_start3A_374 = arith.constant 23040 : i32
      %dma_start3A_375 = tpu.memref_slice %arg3[%add3A, %dma_start3A_374] : memref<4x36864xf32, #tpu.memory_space<hbm>> -> memref<1x4608xf32, #tpu.memory_space<hbm>>
      %dma_start3A_376 = tpu.memref_squeeze %dma_start3A_375 : memref<1x4608xf32, #tpu.memory_space<hbm>> -> memref<4608xf32, #tpu.memory_space<hbm>>
      tpu.enqueue_dma source(%dma_start3A_376 : memref<4608xf32, #tpu.memory_space<hbm>>) target(%arg21 : memref<4608xf32, #tpu.memory_space<vmem>>) target_semaphore(%arg33 : memref<!tpu.dma_semaphore, #tpu.memory_space<semaphore_mem>>)
      %dma_start3A_377 = arith.constant 23040 : i32
      %dma_start3A_378 = tpu.memref_slice %arg4[%add3A, %dma_start3A_377] : memref<4x36864xf32, #tpu.memory_space<hbm>> -> memref<1x4608xf32, #tpu.memory_space<hbm>>
      %dma_start3A_379 = tpu.memref_squeeze %dma_start3A_378 : memref<1x4608xf32, #tpu.memory_space<hbm>> -> memref<4608xf32, #tpu.memory_space<hbm>>
      %dma_start3A_380 = arith.constant 23040 : i32
      %dma_start3A_381 = tpu.memref_slice %arg4[%add3A, %dma_start3A_380] : memref<4x36864xf32, #tpu.memory_space<hbm>> -> memref<1x4608xf32, #tpu.memory_space<hbm>>
      %dma_start3A_382 = tpu.memref_squeeze %dma_start3A_381 : memref<1x4608xf32, #tpu.memory_space<hbm>> -> memref<4608xf32, #tpu.memory_space<hbm>>
      tpu.enqueue_dma source(%dma_start3A_382 : memref<4608xf32, #tpu.memory_space<hbm>>) target(%arg22 : memref<4608xf32, #tpu.memory_space<vmem>>) target_semaphore(%arg33 : memref<!tpu.dma_semaphore, #tpu.memory_space<semaphore_mem>>)
      %dma_start3A_383 = arith.constant 23040 : i32
      %dma_start3A_384 = tpu.memref_slice %arg5[%add3A, %dma_start3A_383] : memref<4x36864xf32, #tpu.memory_space<hbm>> -> memref<1x4608xf32, #tpu.memory_space<hbm>>
      %dma_start3A_385 = tpu.memref_squeeze %dma_start3A_384 : memref<1x4608xf32, #tpu.memory_space<hbm>> -> memref<4608xf32, #tpu.memory_space<hbm>>
      %dma_start3A_386 = arith.constant 23040 : i32
      %dma_start3A_387 = tpu.memref_slice %arg5[%add3A, %dma_start3A_386] : memref<4x36864xf32, #tpu.memory_space<hbm>> -> memref<1x4608xf32, #tpu.memory_space<hbm>>
      %dma_start3A_388 = tpu.memref_squeeze %dma_start3A_387 : memref<1x4608xf32, #tpu.memory_space<hbm>> -> memref<4608xf32, #tpu.memory_space<hbm>>
      tpu.enqueue_dma source(%dma_start3A_388 : memref<4608xf32, #tpu.memory_space<hbm>>) target(%arg23 : memref<4608xf32, #tpu.memory_space<vmem>>) target_semaphore(%arg33 : memref<!tpu.dma_semaphore, #tpu.memory_space<semaphore_mem>>)
      %dma_start3A_389 = arith.constant 23040 : i32
      %dma_start3A_390 = tpu.memref_slice %arg6[%add3A, %dma_start3A_389] : memref<4x36864xf32, #tpu.memory_space<hbm>> -> memref<1x4608xf32, #tpu.memory_space<hbm>>
      %dma_start3A_391 = tpu.memref_squeeze %dma_start3A_390 : memref<1x4608xf32, #tpu.memory_space<hbm>> -> memref<4608xf32, #tpu.memory_space<hbm>>
      %dma_start3A_392 = arith.constant 23040 : i32
      %dma_start3A_393 = tpu.memref_slice %arg6[%add3A, %dma_start3A_392] : memref<4x36864xf32, #tpu.memory_space<hbm>> -> memref<1x4608xf32, #tpu.memory_space<hbm>>
      %dma_start3A_394 = tpu.memref_squeeze %dma_start3A_393 : memref<1x4608xf32, #tpu.memory_space<hbm>> -> memref<4608xf32, #tpu.memory_space<hbm>>
      tpu.enqueue_dma source(%dma_start3A_394 : memref<4608xf32, #tpu.memory_space<hbm>>) target(%arg24 : memref<4608xf32, #tpu.memory_space<vmem>>) target_semaphore(%arg33 : memref<!tpu.dma_semaphore, #tpu.memory_space<semaphore_mem>>)
      %dma_start3A_395 = arith.constant 23040 : i32
      %dma_start3A_396 = tpu.memref_slice %arg7[%dma_start3A_395] : memref<36864xf32, #tpu.memory_space<hbm>> -> memref<4608xf32, #tpu.memory_space<hbm>>
      %dma_start3A_397 = arith.constant 23040 : i32
      %dma_start3A_398 = tpu.memref_slice %arg7[%dma_start3A_397] : memref<36864xf32, #tpu.memory_space<hbm>> -> memref<4608xf32, #tpu.memory_space<hbm>>
      tpu.enqueue_dma source(%dma_start3A_398 : memref<4608xf32, #tpu.memory_space<hbm>>) target(%arg25 : memref<4608xf32, #tpu.memory_space<vmem>>) target_semaphore(%arg33 : memref<!tpu.dma_semaphore, #tpu.memory_space<semaphore_mem>>)
      %scan3A_399 = arith.constant 0 : i32
      %scan3A_400 = arith.constant 72 : i32
      %scan3A_401 = arith.addi %scan3A_399, %scan3A_400 : i32
      %scan3A_402 = arith.constant 1 : i32
      %scan3A_403 = scf.for %scan3A_679 = %scan3A_399 to %scan3A_401 step %scan3A_402 iter_args(%scan3A_680 = %scan3A_329) -> (i32)  : i32 {
        %mul3A_681 = arith.constant 4 : i32
        %mul3A_682 = arith.muli %scan3A_679, %mul3A_681 : i32
        %add3A_683 = arith.constant 0 : i32
        %add3A_684 = arith.addi %mul3A_682, %add3A_683 : i32
        %mul3A_685 = arith.constant 16 : i32
        %mul3A_686 = arith.muli %add3A_684, %mul3A_685 : i32
        %mul3A_687 = arith.constant 4 : i32
        %mul3A_688 = arith.muli %scan3A_679, %mul3A_687 : i32
        %add3A_689 = arith.constant 1 : i32
        %add3A_690 = arith.addi %mul3A_688, %add3A_689 : i32
        %mul3A_691 = arith.constant 16 : i32
        %mul3A_692 = arith.muli %add3A_690, %mul3A_691 : i32
        %mul3A_693 = arith.constant 4 : i32
        %mul3A_694 = arith.muli %scan3A_679, %mul3A_693 : i32
        %add3A_695 = arith.constant 2 : i32
        %add3A_696 = arith.addi %mul3A_694, %add3A_695 : i32
        %mul3A_697 = arith.constant 16 : i32
        %mul3A_698 = arith.muli %add3A_696, %mul3A_697 : i32
        %mul3A_699 = arith.constant 4 : i32
        %mul3A_700 = arith.muli %scan3A_679, %mul3A_699 : i32
        %add3A_701 = arith.constant 3 : i32
        %add3A_702 = arith.addi %mul3A_700, %add3A_701 : i32
        %mul3A_703 = arith.constant 16 : i32
        %mul3A_704 = arith.muli %add3A_702, %mul3A_703 : i32
        %get3A = arith.index_cast %mul3A_686 : i32 to index
        %get3A_705 = tpu.vector_load %arg14[%get3A] {strides = array<i32>} : memref<4608xf32, #tpu.memory_space<vmem>>, vector<16xf32>,
        %get3A_706 = arith.index_cast %mul3A_692 : i32 to index
        %get3A_707 = tpu.vector_load %arg14[%get3A_706] {strides = array<i32>} : memref<4608xf32, #tpu.memory_space<vmem>>, vector<16xf32>,
        %get3A_708 = arith.index_cast %mul3A_698 : i32 to index
        %get3A_709 = tpu.vector_load %arg14[%get3A_708] {strides = array<i32>} : memref<4608xf32, #tpu.memory_space<vmem>>, vector<16xf32>,
        %get3A_710 = arith.index_cast %mul3A_704 : i32 to index
        %get3A_711 = tpu.vector_load %arg14[%get3A_710] {strides = array<i32>} : memref<4608xf32, #tpu.memory_space<vmem>>, vector<16xf32>,
        %ge3A = arith.constant 0.000000e+00 : f32
        %ge3A_712 = vector.broadcast %ge3A : f32 to vector<16xf32>
        %ge3A_713 = arith.cmpf oge, %get3A_705, %ge3A_712 : vector<16xf32>
        %ge3A_714 = arith.constant 0.000000e+00 : f32
        %ge3A_715 = vector.broadcast %ge3A_714 : f32 to vector<16xf32>
        %ge3A_716 = arith.cmpf oge, %get3A_707, %ge3A_715 : vector<16xf32>
        %ge3A_717 = arith.constant 0.000000e+00 : f32
        %ge3A_718 = vector.broadcast %ge3A_717 : f32 to vector<16xf32>
        %ge3A_719 = arith.cmpf oge, %get3A_709, %ge3A_718 : vector<16xf32>
        %ge3A_720 = arith.constant 0.000000e+00 : f32
        %ge3A_721 = vector.broadcast %ge3A_720 : f32 to vector<16xf32>
        %ge3A_722 = arith.cmpf oge, %get3A_711, %ge3A_721 : vector<16xf32>
        %convert_element_type3A_723 = arith.extui %ge3A_713 : vector<16xi1> to vector<16xi32>
        %reduce_sum3A = arith.constant true
        %reduce_sum3A_724 = vector.broadcast %reduce_sum3A : i1 to vector<16xi1>
        %reduce_sum3A_725 = tpu.scan <sum>, %convert_element_type3A_723 masked %reduce_sum3A_724 : vector<16xi32>, vector<16xi1> -> vector<16xi32>
        %reduce_sum3A_726 = vector.extract %reduce_sum3A_725[15] : i32 from vector<16xi32>
        %convert_element_type3A_727 = arith.extui %ge3A_716 : vector<16xi1> to vector<16xi32>
        %reduce_sum3A_728 = arith.constant true
        %reduce_sum3A_729 = vector.broadcast %reduce_sum3A_728 : i1 to vector<16xi1>
        %reduce_sum3A_730 = tpu.scan <sum>, %convert_element_type3A_727 masked %reduce_sum3A_729 : vector<16xi32>, vector<16xi1> -> vector<16xi32>
        %reduce_sum3A_731 = vector.extract %reduce_sum3A_730[15] : i32 from vector<16xi32>
        %convert_element_type3A_732 = arith.extui %ge3A_719 : vector<16xi1> to vector<16xi32>
        %reduce_sum3A_733 = arith.constant true
        %reduce_sum3A_734 = vector.broadcast %reduce_sum3A_733 : i1 to vector<16xi1>
        %reduce_sum3A_735 = tpu.scan <sum>, %convert_element_type3A_732 masked %reduce_sum3A_734 : vector<16xi32>, vector<16xi1> -> vector<16xi32>
        %reduce_sum3A_736 = vector.extract %reduce_sum3A_735[15] : i32 from vector<16xi32>
        %convert_element_type3A_737 = arith.extui %ge3A_722 : vector<16xi1> to vector<16xi32>
        %reduce_sum3A_738 = arith.constant true
        %reduce_sum3A_739 = vector.broadcast %reduce_sum3A_738 : i1 to vector<16xi1>
        %reduce_sum3A_740 = tpu.scan <sum>, %convert_element_type3A_737 masked %reduce_sum3A_739 : vector<16xi32>, vector<16xi1> -> vector<16xi32>
        %reduce_sum3A_741 = vector.extract %reduce_sum3A_740[15] : i32 from vector<16xi32>
        %add3A_742 = arith.addi %scan3A_680, %reduce_sum3A_726 : i32
        %add3A_743 = arith.addi %scan3A_680, %reduce_sum3A_726 : i32
        %add3A_744 = arith.addi %add3A_743, %reduce_sum3A_731 : i32
        %add3A_745 = arith.addi %scan3A_680, %reduce_sum3A_726 : i32
        %add3A_746 = arith.addi %add3A_745, %reduce_sum3A_731 : i32
        %add3A_747 = arith.addi %add3A_746, %reduce_sum3A_736 : i32
        %swap3A_748 = arith.index_cast %scan3A_680 : i32 to index
        %swap3A_749 = tpu.vector_load %arg26[%swap3A_748] masked %ge3A_713 {strides = array<i32>} : memref<6016xf32, #tpu.memory_space<vmem>>, vector<16xf32>, vector<16xi1>
        tpu.vector_store %arg26[%swap3A_748], %get3A_705 masked %ge3A_713 {strides = array<i32>} : memref<6016xf32, #tpu.memory_space<vmem>>, vector<16xf32>, vector<16xi1>
        %get3A_750 = arith.index_cast %mul3A_686 : i32 to index
        %get3A_751 = tpu.vector_load %arg15[%get3A_750] {strides = array<i32>} : memref<4608xf32, #tpu.memory_space<vmem>>, vector<16xf32>,
        %swap3A_752 = arith.index_cast %scan3A_680 : i32 to index
        %swap3A_753 = tpu.vector_load %arg27[%swap3A_752] masked %ge3A_713 {strides = array<i32>} : memref<6016xf32, #tpu.memory_space<vmem>>, vector<16xf32>, vector<16xi1>
        tpu.vector_store %arg27[%swap3A_752], %get3A_751 masked %ge3A_713 {strides = array<i32>} : memref<6016xf32, #tpu.memory_space<vmem>>, vector<16xf32>, vector<16xi1>
        %get3A_754 = arith.index_cast %mul3A_686 : i32 to index
        %get3A_755 = tpu.vector_load %arg16[%get3A_754] {strides = array<i32>} : memref<4608xf32, #tpu.memory_space<vmem>>, vector<16xf32>,
        %swap3A_756 = arith.index_cast %scan3A_680 : i32 to index
        %swap3A_757 = tpu.vector_load %arg28[%swap3A_756] masked %ge3A_713 {strides = array<i32>} : memref<6016xf32, #tpu.memory_space<vmem>>, vector<16xf32>, vector<16xi1>
        tpu.vector_store %arg28[%swap3A_756], %get3A_755 masked %ge3A_713 {strides = array<i32>} : memref<6016xf32, #tpu.memory_space<vmem>>, vector<16xf32>, vector<16xi1>
        %get3A_758 = arith.index_cast %mul3A_686 : i32 to index
        %get3A_759 = tpu.vector_load %arg17[%get3A_758] {strides = array<i32>} : memref<4608xf32, #tpu.memory_space<vmem>>, vector<16xf32>,
        %swap3A_760 = arith.index_cast %scan3A_680 : i32 to index
        %swap3A_761 = tpu.vector_load %arg29[%swap3A_760] masked %ge3A_713 {strides = array<i32>} : memref<6016xf32, #tpu.memory_space<vmem>>, vector<16xf32>, vector<16xi1>
        tpu.vector_store %arg29[%swap3A_760], %get3A_759 masked %ge3A_713 {strides = array<i32>} : memref<6016xf32, #tpu.memory_space<vmem>>, vector<16xf32>, vector<16xi1>
        %get3A_762 = arith.index_cast %mul3A_686 : i32 to index
        %get3A_763 = tpu.vector_load %arg18[%get3A_762] {strides = array<i32>} : memref<4608xf32, #tpu.memory_space<vmem>>, vector<16xf32>,
        %swap3A_764 = arith.index_cast %scan3A_680 : i32 to index
        %swap3A_765 = tpu.vector_load %arg30[%swap3A_764] masked %ge3A_713 {strides = array<i32>} : memref<6016xf32, #tpu.memory_space<vmem>>, vector<16xf32>, vector<16xi1>
        tpu.vector_store %arg30[%swap3A_764], %get3A_763 masked %ge3A_713 {strides = array<i32>} : memref<6016xf32, #tpu.memory_space<vmem>>, vector<16xf32>, vector<16xi1>
        %get3A_766 = arith.index_cast %mul3A_686 : i32 to index
        %get3A_767 = tpu.vector_load %arg19[%get3A_766] {strides = array<i32>} : memref<4608xf32, #tpu.memory_space<vmem>>, vector<16xf32>,
        %swap3A_768 = arith.index_cast %scan3A_680 : i32 to index
        %swap3A_769 = tpu.vector_load %arg31[%swap3A_768] masked %ge3A_713 {strides = array<i32>} : memref<6016xf32, #tpu.memory_space<vmem>>, vector<16xf32>, vector<16xi1>
        tpu.vector_store %arg31[%swap3A_768], %get3A_767 masked %ge3A_713 {strides = array<i32>} : memref<6016xf32, #tpu.memory_space<vmem>>, vector<16xf32>, vector<16xi1>
        %swap3A_770 = arith.index_cast %add3A_742 : i32 to index
        %swap3A_771 = tpu.vector_load %arg26[%swap3A_770] masked %ge3A_716 {strides = array<i32>} : memref<6016xf32, #tpu.memory_space<vmem>>, vector<16xf32>, vector<16xi1>
        tpu.vector_store %arg26[%swap3A_770], %get3A_707 masked %ge3A_716 {strides = array<i32>} : memref<6016xf32, #tpu.memory_space<vmem>>, vector<16xf32>, vector<16xi1>
        %get3A_772 = arith.index_cast %mul3A_692 : i32 to index
        %get3A_773 = tpu.vector_load %arg15[%get3A_772] {strides = array<i32>} : memref<4608xf32, #tpu.memory_space<vmem>>, vector<16xf32>,
        %swap3A_774 = arith.index_cast %add3A_742 : i32 to index
        %swap3A_775 = tpu.vector_load %arg27[%swap3A_774] masked %ge3A_716 {strides = array<i32>} : memref<6016xf32, #tpu.memory_space<vmem>>, vector<16xf32>, vector<16xi1>
        tpu.vector_store %arg27[%swap3A_774], %get3A_773 masked %ge3A_716 {strides = array<i32>} : memref<6016xf32, #tpu.memory_space<vmem>>, vector<16xf32>, vector<16xi1>
        %get3A_776 = arith.index_cast %mul3A_692 : i32 to index
        %get3A_777 = tpu.vector_load %arg16[%get3A_776] {strides = array<i32>} : memref<4608xf32, #tpu.memory_space<vmem>>, vector<16xf32>,
        %swap3A_778 = arith.index_cast %add3A_742 : i32 to index
        %swap3A_779 = tpu.vector_load %arg28[%swap3A_778] masked %ge3A_716 {strides = array<i32>} : memref<6016xf32, #tpu.memory_space<vmem>>, vector<16xf32>, vector<16xi1>
        tpu.vector_store %arg28[%swap3A_778], %get3A_777 masked %ge3A_716 {strides = array<i32>} : memref<6016xf32, #tpu.memory_space<vmem>>, vector<16xf32>, vector<16xi1>
        %get3A_780 = arith.index_cast %mul3A_692 : i32 to index
        %get3A_781 = tpu.vector_load %arg17[%get3A_780] {strides = array<i32>} : memref<4608xf32, #tpu.memory_space<vmem>>, vector<16xf32>,
        %swap3A_782 = arith.index_cast %add3A_742 : i32 to index
        %swap3A_783 = tpu.vector_load %arg29[%swap3A_782] masked %ge3A_716 {strides = array<i32>} : memref<6016xf32, #tpu.memory_space<vmem>>, vector<16xf32>, vector<16xi1>
        tpu.vector_store %arg29[%swap3A_782], %get3A_781 masked %ge3A_716 {strides = array<i32>} : memref<6016xf32, #tpu.memory_space<vmem>>, vector<16xf32>, vector<16xi1>
        %get3A_784 = arith.index_cast %mul3A_692 : i32 to index
        %get3A_785 = tpu.vector_load %arg18[%get3A_784] {strides = array<i32>} : memref<4608xf32, #tpu.memory_space<vmem>>, vector<16xf32>,
        %swap3A_786 = arith.index_cast %add3A_742 : i32 to index
        %swap3A_787 = tpu.vector_load %arg30[%swap3A_786] masked %ge3A_716 {strides = array<i32>} : memref<6016xf32, #tpu.memory_space<vmem>>, vector<16xf32>, vector<16xi1>
        tpu.vector_store %arg30[%swap3A_786], %get3A_785 masked %ge3A_716 {strides = array<i32>} : memref<6016xf32, #tpu.memory_space<vmem>>, vector<16xf32>, vector<16xi1>
        %get3A_788 = arith.index_cast %mul3A_692 : i32 to index
        %get3A_789 = tpu.vector_load %arg19[%get3A_788] {strides = array<i32>} : memref<4608xf32, #tpu.memory_space<vmem>>, vector<16xf32>,
        %swap3A_790 = arith.index_cast %add3A_742 : i32 to index
        %swap3A_791 = tpu.vector_load %arg31[%swap3A_790] masked %ge3A_716 {strides = array<i32>} : memref<6016xf32, #tpu.memory_space<vmem>>, vector<16xf32>, vector<16xi1>
        tpu.vector_store %arg31[%swap3A_790], %get3A_789 masked %ge3A_716 {strides = array<i32>} : memref<6016xf32, #tpu.memory_space<vmem>>, vector<16xf32>, vector<16xi1>
        %swap3A_792 = arith.index_cast %add3A_744 : i32 to index
        %swap3A_793 = tpu.vector_load %arg26[%swap3A_792] masked %ge3A_719 {strides = array<i32>} : memref<6016xf32, #tpu.memory_space<vmem>>, vector<16xf32>, vector<16xi1>
        tpu.vector_store %arg26[%swap3A_792], %get3A_709 masked %ge3A_719 {strides = array<i32>} : memref<6016xf32, #tpu.memory_space<vmem>>, vector<16xf32>, vector<16xi1>
        %get3A_794 = arith.index_cast %mul3A_698 : i32 to index
        %get3A_795 = tpu.vector_load %arg15[%get3A_794] {strides = array<i32>} : memref<4608xf32, #tpu.memory_space<vmem>>, vector<16xf32>,
        %swap3A_796 = arith.index_cast %add3A_744 : i32 to index
        %swap3A_797 = tpu.vector_load %arg27[%swap3A_796] masked %ge3A_719 {strides = array<i32>} : memref<6016xf32, #tpu.memory_space<vmem>>, vector<16xf32>, vector<16xi1>
        tpu.vector_store %arg27[%swap3A_796], %get3A_795 masked %ge3A_719 {strides = array<i32>} : memref<6016xf32, #tpu.memory_space<vmem>>, vector<16xf32>, vector<16xi1>
        %get3A_798 = arith.index_cast %mul3A_698 : i32 to index
        %get3A_799 = tpu.vector_load %arg16[%get3A_798] {strides = array<i32>} : memref<4608xf32, #tpu.memory_space<vmem>>, vector<16xf32>,
        %swap3A_800 = arith.index_cast %add3A_744 : i32 to index
        %swap3A_801 = tpu.vector_load %arg28[%swap3A_800] masked %ge3A_719 {strides = array<i32>} : memref<6016xf32, #tpu.memory_space<vmem>>, vector<16xf32>, vector<16xi1>
        tpu.vector_store %arg28[%swap3A_800], %get3A_799 masked %ge3A_719 {strides = array<i32>} : memref<6016xf32, #tpu.memory_space<vmem>>, vector<16xf32>, vector<16xi1>
        %get3A_802 = arith.index_cast %mul3A_698 : i32 to index
        %get3A_803 = tpu.vector_load %arg17[%get3A_802] {strides = array<i32>} : memref<4608xf32, #tpu.memory_space<vmem>>, vector<16xf32>,
        %swap3A_804 = arith.index_cast %add3A_744 : i32 to index
        %swap3A_805 = tpu.vector_load %arg29[%swap3A_804] masked %ge3A_719 {strides = array<i32>} : memref<6016xf32, #tpu.memory_space<vmem>>, vector<16xf32>, vector<16xi1>
        tpu.vector_store %arg29[%swap3A_804], %get3A_803 masked %ge3A_719 {strides = array<i32>} : memref<6016xf32, #tpu.memory_space<vmem>>, vector<16xf32>, vector<16xi1>
        %get3A_806 = arith.index_cast %mul3A_698 : i32 to index
        %get3A_807 = tpu.vector_load %arg18[%get3A_806] {strides = array<i32>} : memref<4608xf32, #tpu.memory_space<vmem>>, vector<16xf32>,
        %swap3A_808 = arith.index_cast %add3A_744 : i32 to index
        %swap3A_809 = tpu.vector_load %arg30[%swap3A_808] masked %ge3A_719 {strides = array<i32>} : memref<6016xf32, #tpu.memory_space<vmem>>, vector<16xf32>, vector<16xi1>
        tpu.vector_store %arg30[%swap3A_808], %get3A_807 masked %ge3A_719 {strides = array<i32>} : memref<6016xf32, #tpu.memory_space<vmem>>, vector<16xf32>, vector<16xi1>
        %get3A_810 = arith.index_cast %mul3A_698 : i32 to index
        %get3A_811 = tpu.vector_load %arg19[%get3A_810] {strides = array<i32>} : memref<4608xf32, #tpu.memory_space<vmem>>, vector<16xf32>,
        %swap3A_812 = arith.index_cast %add3A_744 : i32 to index
        %swap3A_813 = tpu.vector_load %arg31[%swap3A_812] masked %ge3A_719 {strides = array<i32>} : memref<6016xf32, #tpu.memory_space<vmem>>, vector<16xf32>, vector<16xi1>
        tpu.vector_store %arg31[%swap3A_812], %get3A_811 masked %ge3A_719 {strides = array<i32>} : memref<6016xf32, #tpu.memory_space<vmem>>, vector<16xf32>, vector<16xi1>
        %swap3A_814 = arith.index_cast %add3A_747 : i32 to index
        %swap3A_815 = tpu.vector_load %arg26[%swap3A_814] masked %ge3A_722 {strides = array<i32>} : memref<6016xf32, #tpu.memory_space<vmem>>, vector<16xf32>, vector<16xi1>
        tpu.vector_store %arg26[%swap3A_814], %get3A_711 masked %ge3A_722 {strides = array<i32>} : memref<6016xf32, #tpu.memory_space<vmem>>, vector<16xf32>, vector<16xi1>
        %get3A_816 = arith.index_cast %mul3A_704 : i32 to index
        %get3A_817 = tpu.vector_load %arg15[%get3A_816] {strides = array<i32>} : memref<4608xf32, #tpu.memory_space<vmem>>, vector<16xf32>,
        %swap3A_818 = arith.index_cast %add3A_747 : i32 to index
        %swap3A_819 = tpu.vector_load %arg27[%swap3A_818] masked %ge3A_722 {strides = array<i32>} : memref<6016xf32, #tpu.memory_space<vmem>>, vector<16xf32>, vector<16xi1>
        tpu.vector_store %arg27[%swap3A_818], %get3A_817 masked %ge3A_722 {strides = array<i32>} : memref<6016xf32, #tpu.memory_space<vmem>>, vector<16xf32>, vector<16xi1>
        %get3A_820 = arith.index_cast %mul3A_704 : i32 to index
        %get3A_821 = tpu.vector_load %arg16[%get3A_820] {strides = array<i32>} : memref<4608xf32, #tpu.memory_space<vmem>>, vector<16xf32>,
        %swap3A_822 = arith.index_cast %add3A_747 : i32 to index
        %swap3A_823 = tpu.vector_load %arg28[%swap3A_822] masked %ge3A_722 {strides = array<i32>} : memref<6016xf32, #tpu.memory_space<vmem>>, vector<16xf32>, vector<16xi1>
        tpu.vector_store %arg28[%swap3A_822], %get3A_821 masked %ge3A_722 {strides = array<i32>} : memref<6016xf32, #tpu.memory_space<vmem>>, vector<16xf32>, vector<16xi1>
        %get3A_824 = arith.index_cast %mul3A_704 : i32 to index
        %get3A_825 = tpu.vector_load %arg17[%get3A_824] {strides = array<i32>} : memref<4608xf32, #tpu.memory_space<vmem>>, vector<16xf32>,
        %swap3A_826 = arith.index_cast %add3A_747 : i32 to index
        %swap3A_827 = tpu.vector_load %arg29[%swap3A_826] masked %ge3A_722 {strides = array<i32>} : memref<6016xf32, #tpu.memory_space<vmem>>, vector<16xf32>, vector<16xi1>
        tpu.vector_store %arg29[%swap3A_826], %get3A_825 masked %ge3A_722 {strides = array<i32>} : memref<6016xf32, #tpu.memory_space<vmem>>, vector<16xf32>, vector<16xi1>
        %get3A_828 = arith.index_cast %mul3A_704 : i32 to index
        %get3A_829 = tpu.vector_load %arg18[%get3A_828] {strides = array<i32>} : memref<4608xf32, #tpu.memory_space<vmem>>, vector<16xf32>,
        %swap3A_830 = arith.index_cast %add3A_747 : i32 to index
        %swap3A_831 = tpu.vector_load %arg30[%swap3A_830] masked %ge3A_722 {strides = array<i32>} : memref<6016xf32, #tpu.memory_space<vmem>>, vector<16xf32>, vector<16xi1>
        tpu.vector_store %arg30[%swap3A_830], %get3A_829 masked %ge3A_722 {strides = array<i32>} : memref<6016xf32, #tpu.memory_space<vmem>>, vector<16xf32>, vector<16xi1>
        %get3A_832 = arith.index_cast %mul3A_704 : i32 to index
        %get3A_833 = tpu.vector_load %arg19[%get3A_832] {strides = array<i32>} : memref<4608xf32, #tpu.memory_space<vmem>>, vector<16xf32>,
        %swap3A_834 = arith.index_cast %add3A_747 : i32 to index
        %swap3A_835 = tpu.vector_load %arg31[%swap3A_834] masked %ge3A_722 {strides = array<i32>} : memref<6016xf32, #tpu.memory_space<vmem>>, vector<16xf32>, vector<16xi1>
        tpu.vector_store %arg31[%swap3A_834], %get3A_833 masked %ge3A_722 {strides = array<i32>} : memref<6016xf32, #tpu.memory_space<vmem>>, vector<16xf32>, vector<16xi1>
        %add3A_836 = arith.addi %add3A_747, %reduce_sum3A_741 : i32
        scf.yield %add3A_836 : i32
      }
      %scan3A_404 = arith.constant 72 : i32
      %dma_wait3A_405 = arith.constant 23040 : i32
      %dma_wait3A_406 = tpu.memref_slice %arg2[%add3A, %dma_wait3A_405] : memref<4x36864xf32, #tpu.memory_space<hbm>> -> memref<1x4608xf32, #tpu.memory_space<hbm>>
      %dma_wait3A_407 = tpu.memref_squeeze %dma_wait3A_406 : memref<1x4608xf32, #tpu.memory_space<hbm>> -> memref<4608xf32, #tpu.memory_space<hbm>>
      %dma_wait3A_408 = arith.constant 23040 : i32
      %dma_wait3A_409 = tpu.memref_slice %arg2[%add3A, %dma_wait3A_408] : memref<4x36864xf32, #tpu.memory_space<hbm>> -> memref<1x4608xf32, #tpu.memory_space<hbm>>
      %dma_wait3A_410 = tpu.memref_squeeze %dma_wait3A_409 : memref<1x4608xf32, #tpu.memory_space<hbm>> -> memref<4608xf32, #tpu.memory_space<hbm>>
      tpu.wait_dma2 semaphore(%arg33 : memref<!tpu.dma_semaphore, #tpu.memory_space<semaphore_mem>>) src(%dma_wait3A_410 : memref<4608xf32, #tpu.memory_space<hbm>>) dst(%arg20 : memref<4608xf32, #tpu.memory_space<vmem>>)
      %dma_wait3A_411 = arith.constant 23040 : i32
      %dma_wait3A_412 = tpu.memref_slice %arg3[%add3A, %dma_wait3A_411] : memref<4x36864xf32, #tpu.memory_space<hbm>> -> memref<1x4608xf32, #tpu.memory_space<hbm>>
      %dma_wait3A_413 = tpu.memref_squeeze %dma_wait3A_412 : memref<1x4608xf32, #tpu.memory_space<hbm>> -> memref<4608xf32, #tpu.memory_space<hbm>>
      %dma_wait3A_414 = arith.constant 23040 : i32
      %dma_wait3A_415 = tpu.memref_slice %arg3[%add3A, %dma_wait3A_414] : memref<4x36864xf32, #tpu.memory_space<hbm>> -> memref<1x4608xf32, #tpu.memory_space<hbm>>
      %dma_wait3A_416 = tpu.memref_squeeze %dma_wait3A_415 : memref<1x4608xf32, #tpu.memory_space<hbm>> -> memref<4608xf32, #tpu.memory_space<hbm>>
      tpu.wait_dma2 semaphore(%arg33 : memref<!tpu.dma_semaphore, #tpu.memory_space<semaphore_mem>>) src(%dma_wait3A_416 : memref<4608xf32, #tpu.memory_space<hbm>>) dst(%arg21 : memref<4608xf32, #tpu.memory_space<vmem>>)
      %dma_wait3A_417 = arith.constant 23040 : i32
      %dma_wait3A_418 = tpu.memref_slice %arg4[%add3A, %dma_wait3A_417] : memref<4x36864xf32, #tpu.memory_space<hbm>> -> memref<1x4608xf32, #tpu.memory_space<hbm>>
      %dma_wait3A_419 = tpu.memref_squeeze %dma_wait3A_418 : memref<1x4608xf32, #tpu.memory_space<hbm>> -> memref<4608xf32, #tpu.memory_space<hbm>>
      %dma_wait3A_420 = arith.constant 23040 : i32
      %dma_wait3A_421 = tpu.memref_slice %arg4[%add3A, %dma_wait3A_420] : memref<4x36864xf32, #tpu.memory_space<hbm>> -> memref<1x4608xf32, #tpu.memory_space<hbm>>
      %dma_wait3A_422 = tpu.memref_squeeze %dma_wait3A_421 : memref<1x4608xf32, #tpu.memory_space<hbm>> -> memref<4608xf32, #tpu.memory_space<hbm>>
      tpu.wait_dma2 semaphore(%arg33 : memref<!tpu.dma_semaphore, #tpu.memory_space<semaphore_mem>>) src(%dma_wait3A_422 : memref<4608xf32, #tpu.memory_space<hbm>>) dst(%arg22 : memref<4608xf32, #tpu.memory_space<vmem>>)
      %dma_wait3A_423 = arith.constant 23040 : i32
      %dma_wait3A_424 = tpu.memref_slice %arg5[%add3A, %dma_wait3A_423] : memref<4x36864xf32, #tpu.memory_space<hbm>> -> memref<1x4608xf32, #tpu.memory_space<hbm>>
      %dma_wait3A_425 = tpu.memref_squeeze %dma_wait3A_424 : memref<1x4608xf32, #tpu.memory_space<hbm>> -> memref<4608xf32, #tpu.memory_space<hbm>>
      %dma_wait3A_426 = arith.constant 23040 : i32
      %dma_wait3A_427 = tpu.memref_slice %arg5[%add3A, %dma_wait3A_426] : memref<4x36864xf32, #tpu.memory_space<hbm>> -> memref<1x4608xf32, #tpu.memory_space<hbm>>
      %dma_wait3A_428 = tpu.memref_squeeze %dma_wait3A_427 : memref<1x4608xf32, #tpu.memory_space<hbm>> -> memref<4608xf32, #tpu.memory_space<hbm>>
      tpu.wait_dma2 semaphore(%arg33 : memref<!tpu.dma_semaphore, #tpu.memory_space<semaphore_mem>>) src(%dma_wait3A_428 : memref<4608xf32, #tpu.memory_space<hbm>>) dst(%arg23 : memref<4608xf32, #tpu.memory_space<vmem>>)
      %dma_wait3A_429 = arith.constant 23040 : i32
      %dma_wait3A_430 = tpu.memref_slice %arg6[%add3A, %dma_wait3A_429] : memref<4x36864xf32, #tpu.memory_space<hbm>> -> memref<1x4608xf32, #tpu.memory_space<hbm>>
      %dma_wait3A_431 = tpu.memref_squeeze %dma_wait3A_430 : memref<1x4608xf32, #tpu.memory_space<hbm>> -> memref<4608xf32, #tpu.memory_space<hbm>>
      %dma_wait3A_432 = arith.constant 23040 : i32
      %dma_wait3A_433 = tpu.memref_slice %arg6[%add3A, %dma_wait3A_432] : memref<4x36864xf32, #tpu.memory_space<hbm>> -> memref<1x4608xf32, #tpu.memory_space<hbm>>
      %dma_wait3A_434 = tpu.memref_squeeze %dma_wait3A_433 : memref<1x4608xf32, #tpu.memory_space<hbm>> -> memref<4608xf32, #tpu.memory_space<hbm>>
      tpu.wait_dma2 semaphore(%arg33 : memref<!tpu.dma_semaphore, #tpu.memory_space<semaphore_mem>>) src(%dma_wait3A_434 : memref<4608xf32, #tpu.memory_space<hbm>>) dst(%arg24 : memref<4608xf32, #tpu.memory_space<vmem>>)
      %dma_wait3A_435 = arith.constant 23040 : i32
      %dma_wait3A_436 = tpu.memref_slice %arg7[%dma_wait3A_435] : memref<36864xf32, #tpu.memory_space<hbm>> -> memref<4608xf32, #tpu.memory_space<hbm>>
      %dma_wait3A_437 = arith.constant 23040 : i32
      %dma_wait3A_438 = tpu.memref_slice %arg7[%dma_wait3A_437] : memref<36864xf32, #tpu.memory_space<hbm>> -> memref<4608xf32, #tpu.memory_space<hbm>>
      tpu.wait_dma2 semaphore(%arg33 : memref<!tpu.dma_semaphore, #tpu.memory_space<semaphore_mem>>) src(%dma_wait3A_438 : memref<4608xf32, #tpu.memory_space<hbm>>) dst(%arg25 : memref<4608xf32, #tpu.memory_space<vmem>>)
      %dma_start3A_439 = arith.constant 27648 : i32
      %dma_start3A_440 = tpu.memref_slice %arg2[%add3A, %dma_start3A_439] : memref<4x36864xf32, #tpu.memory_space<hbm>> -> memref<1x4608xf32, #tpu.memory_space<hbm>>
      %dma_start3A_441 = tpu.memref_squeeze %dma_start3A_440 : memref<1x4608xf32, #tpu.memory_space<hbm>> -> memref<4608xf32, #tpu.memory_space<hbm>>
      %dma_start3A_442 = arith.constant 27648 : i32
      %dma_start3A_443 = tpu.memref_slice %arg2[%add3A, %dma_start3A_442] : memref<4x36864xf32, #tpu.memory_space<hbm>> -> memref<1x4608xf32, #tpu.memory_space<hbm>>
      %dma_start3A_444 = tpu.memref_squeeze %dma_start3A_443 : memref<1x4608xf32, #tpu.memory_space<hbm>> -> memref<4608xf32, #tpu.memory_space<hbm>>
      tpu.enqueue_dma source(%dma_start3A_444 : memref<4608xf32, #tpu.memory_space<hbm>>) target(%arg14 : memref<4608xf32, #tpu.memory_space<vmem>>) target_semaphore(%arg32 : memref<!tpu.dma_semaphore, #tpu.memory_space<semaphore_mem>>)
      %dma_start3A_445 = arith.constant 27648 : i32
      %dma_start3A_446 = tpu.memref_slice %arg3[%add3A, %dma_start3A_445] : memref<4x36864xf32, #tpu.memory_space<hbm>> -> memref<1x4608xf32, #tpu.memory_space<hbm>>
      %dma_start3A_447 = tpu.memref_squeeze %dma_start3A_446 : memref<1x4608xf32, #tpu.memory_space<hbm>> -> memref<4608xf32, #tpu.memory_space<hbm>>
      %dma_start3A_448 = arith.constant 27648 : i32
      %dma_start3A_449 = tpu.memref_slice %arg3[%add3A, %dma_start3A_448] : memref<4x36864xf32, #tpu.memory_space<hbm>> -> memref<1x4608xf32, #tpu.memory_space<hbm>>
      %dma_start3A_450 = tpu.memref_squeeze %dma_start3A_449 : memref<1x4608xf32, #tpu.memory_space<hbm>> -> memref<4608xf32, #tpu.memory_space<hbm>>
      tpu.enqueue_dma source(%dma_start3A_450 : memref<4608xf32, #tpu.memory_space<hbm>>) target(%arg15 : memref<4608xf32, #tpu.memory_space<vmem>>) target_semaphore(%arg32 : memref<!tpu.dma_semaphore, #tpu.memory_space<semaphore_mem>>)
      %dma_start3A_451 = arith.constant 27648 : i32
      %dma_start3A_452 = tpu.memref_slice %arg4[%add3A, %dma_start3A_451] : memref<4x36864xf32, #tpu.memory_space<hbm>> -> memref<1x4608xf32, #tpu.memory_space<hbm>>
      %dma_start3A_453 = tpu.memref_squeeze %dma_start3A_452 : memref<1x4608xf32, #tpu.memory_space<hbm>> -> memref<4608xf32, #tpu.memory_space<hbm>>
      %dma_start3A_454 = arith.constant 27648 : i32
      %dma_start3A_455 = tpu.memref_slice %arg4[%add3A, %dma_start3A_454] : memref<4x36864xf32, #tpu.memory_space<hbm>> -> memref<1x4608xf32, #tpu.memory_space<hbm>>
      %dma_start3A_456 = tpu.memref_squeeze %dma_start3A_455 : memref<1x4608xf32, #tpu.memory_space<hbm>> -> memref<4608xf32, #tpu.memory_space<hbm>>
      tpu.enqueue_dma source(%dma_start3A_456 : memref<4608xf32, #tpu.memory_space<hbm>>) target(%arg16 : memref<4608xf32, #tpu.memory_space<vmem>>) target_semaphore(%arg32 : memref<!tpu.dma_semaphore, #tpu.memory_space<semaphore_mem>>)
      %dma_start3A_457 = arith.constant 27648 : i32
      %dma_start3A_458 = tpu.memref_slice %arg5[%add3A, %dma_start3A_457] : memref<4x36864xf32, #tpu.memory_space<hbm>> -> memref<1x4608xf32, #tpu.memory_space<hbm>>
      %dma_start3A_459 = tpu.memref_squeeze %dma_start3A_458 : memref<1x4608xf32, #tpu.memory_space<hbm>> -> memref<4608xf32, #tpu.memory_space<hbm>>
      %dma_start3A_460 = arith.constant 27648 : i32
      %dma_start3A_461 = tpu.memref_slice %arg5[%add3A, %dma_start3A_460] : memref<4x36864xf32, #tpu.memory_space<hbm>> -> memref<1x4608xf32, #tpu.memory_space<hbm>>
      %dma_start3A_462 = tpu.memref_squeeze %dma_start3A_461 : memref<1x4608xf32, #tpu.memory_space<hbm>> -> memref<4608xf32, #tpu.memory_space<hbm>>
      tpu.enqueue_dma source(%dma_start3A_462 : memref<4608xf32, #tpu.memory_space<hbm>>) target(%arg17 : memref<4608xf32, #tpu.memory_space<vmem>>) target_semaphore(%arg32 : memref<!tpu.dma_semaphore, #tpu.memory_space<semaphore_mem>>)
      %dma_start3A_463 = arith.constant 27648 : i32
      %dma_start3A_464 = tpu.memref_slice %arg6[%add3A, %dma_start3A_463] : memref<4x36864xf32, #tpu.memory_space<hbm>> -> memref<1x4608xf32, #tpu.memory_space<hbm>>
      %dma_start3A_465 = tpu.memref_squeeze %dma_start3A_464 : memref<1x4608xf32, #tpu.memory_space<hbm>> -> memref<4608xf32, #tpu.memory_space<hbm>>
      %dma_start3A_466 = arith.constant 27648 : i32
      %dma_start3A_467 = tpu.memref_slice %arg6[%add3A, %dma_start3A_466] : memref<4x36864xf32, #tpu.memory_space<hbm>> -> memref<1x4608xf32, #tpu.memory_space<hbm>>
      %dma_start3A_468 = tpu.memref_squeeze %dma_start3A_467 : memref<1x4608xf32, #tpu.memory_space<hbm>> -> memref<4608xf32, #tpu.memory_space<hbm>>
      tpu.enqueue_dma source(%dma_start3A_468 : memref<4608xf32, #tpu.memory_space<hbm>>) target(%arg18 : memref<4608xf32, #tpu.memory_space<vmem>>) target_semaphore(%arg32 : memref<!tpu.dma_semaphore, #tpu.memory_space<semaphore_mem>>)
      %dma_start3A_469 = arith.constant 27648 : i32
      %dma_start3A_470 = tpu.memref_slice %arg7[%dma_start3A_469] : memref<36864xf32, #tpu.memory_space<hbm>> -> memref<4608xf32, #tpu.memory_space<hbm>>
      %dma_start3A_471 = arith.constant 27648 : i32
      %dma_start3A_472 = tpu.memref_slice %arg7[%dma_start3A_471] : memref<36864xf32, #tpu.memory_space<hbm>> -> memref<4608xf32, #tpu.memory_space<hbm>>
      tpu.enqueue_dma source(%dma_start3A_472 : memref<4608xf32, #tpu.memory_space<hbm>>) target(%arg19 : memref<4608xf32, #tpu.memory_space<vmem>>) target_semaphore(%arg32 : memref<!tpu.dma_semaphore, #tpu.memory_space<semaphore_mem>>)
      %scan3A_473 = arith.constant 0 : i32
      %scan3A_474 = arith.constant 72 : i32
      %scan3A_475 = arith.addi %scan3A_473, %scan3A_474 : i32
      %scan3A_476 = arith.constant 1 : i32
      %scan3A_477 = scf.for %scan3A_679 = %scan3A_473 to %scan3A_475 step %scan3A_476 iter_args(%scan3A_680 = %scan3A_403) -> (i32)  : i32 {
        %mul3A_681 = arith.constant 4 : i32
        %mul3A_682 = arith.muli %scan3A_679, %mul3A_681 : i32
        %add3A_683 = arith.constant 0 : i32
        %add3A_684 = arith.addi %mul3A_682, %add3A_683 : i32
        %mul3A_685 = arith.constant 16 : i32
        %mul3A_686 = arith.muli %add3A_684, %mul3A_685 : i32
        %mul3A_687 = arith.constant 4 : i32
        %mul3A_688 = arith.muli %scan3A_679, %mul3A_687 : i32
        %add3A_689 = arith.constant 1 : i32
        %add3A_690 = arith.addi %mul3A_688, %add3A_689 : i32
        %mul3A_691 = arith.constant 16 : i32
        %mul3A_692 = arith.muli %add3A_690, %mul3A_691 : i32
        %mul3A_693 = arith.constant 4 : i32
        %mul3A_694 = arith.muli %scan3A_679, %mul3A_693 : i32
        %add3A_695 = arith.constant 2 : i32
        %add3A_696 = arith.addi %mul3A_694, %add3A_695 : i32
        %mul3A_697 = arith.constant 16 : i32
        %mul3A_698 = arith.muli %add3A_696, %mul3A_697 : i32
        %mul3A_699 = arith.constant 4 : i32
        %mul3A_700 = arith.muli %scan3A_679, %mul3A_699 : i32
        %add3A_701 = arith.constant 3 : i32
        %add3A_702 = arith.addi %mul3A_700, %add3A_701 : i32
        %mul3A_703 = arith.constant 16 : i32
        %mul3A_704 = arith.muli %add3A_702, %mul3A_703 : i32
        %get3A = arith.index_cast %mul3A_686 : i32 to index
        %get3A_705 = tpu.vector_load %arg20[%get3A] {strides = array<i32>} : memref<4608xf32, #tpu.memory_space<vmem>>, vector<16xf32>,
        %get3A_706 = arith.index_cast %mul3A_692 : i32 to index
        %get3A_707 = tpu.vector_load %arg20[%get3A_706] {strides = array<i32>} : memref<4608xf32, #tpu.memory_space<vmem>>, vector<16xf32>,
        %get3A_708 = arith.index_cast %mul3A_698 : i32 to index
        %get3A_709 = tpu.vector_load %arg20[%get3A_708] {strides = array<i32>} : memref<4608xf32, #tpu.memory_space<vmem>>, vector<16xf32>,
        %get3A_710 = arith.index_cast %mul3A_704 : i32 to index
        %get3A_711 = tpu.vector_load %arg20[%get3A_710] {strides = array<i32>} : memref<4608xf32, #tpu.memory_space<vmem>>, vector<16xf32>,
        %ge3A = arith.constant 0.000000e+00 : f32
        %ge3A_712 = vector.broadcast %ge3A : f32 to vector<16xf32>
        %ge3A_713 = arith.cmpf oge, %get3A_705, %ge3A_712 : vector<16xf32>
        %ge3A_714 = arith.constant 0.000000e+00 : f32
        %ge3A_715 = vector.broadcast %ge3A_714 : f32 to vector<16xf32>
        %ge3A_716 = arith.cmpf oge, %get3A_707, %ge3A_715 : vector<16xf32>
        %ge3A_717 = arith.constant 0.000000e+00 : f32
        %ge3A_718 = vector.broadcast %ge3A_717 : f32 to vector<16xf32>
        %ge3A_719 = arith.cmpf oge, %get3A_709, %ge3A_718 : vector<16xf32>
        %ge3A_720 = arith.constant 0.000000e+00 : f32
        %ge3A_721 = vector.broadcast %ge3A_720 : f32 to vector<16xf32>
        %ge3A_722 = arith.cmpf oge, %get3A_711, %ge3A_721 : vector<16xf32>
        %convert_element_type3A_723 = arith.extui %ge3A_713 : vector<16xi1> to vector<16xi32>
        %reduce_sum3A = arith.constant true
        %reduce_sum3A_724 = vector.broadcast %reduce_sum3A : i1 to vector<16xi1>
        %reduce_sum3A_725 = tpu.scan <sum>, %convert_element_type3A_723 masked %reduce_sum3A_724 : vector<16xi32>, vector<16xi1> -> vector<16xi32>
        %reduce_sum3A_726 = vector.extract %reduce_sum3A_725[15] : i32 from vector<16xi32>
        %convert_element_type3A_727 = arith.extui %ge3A_716 : vector<16xi1> to vector<16xi32>
        %reduce_sum3A_728 = arith.constant true
        %reduce_sum3A_729 = vector.broadcast %reduce_sum3A_728 : i1 to vector<16xi1>
        %reduce_sum3A_730 = tpu.scan <sum>, %convert_element_type3A_727 masked %reduce_sum3A_729 : vector<16xi32>, vector<16xi1> -> vector<16xi32>
        %reduce_sum3A_731 = vector.extract %reduce_sum3A_730[15] : i32 from vector<16xi32>
        %convert_element_type3A_732 = arith.extui %ge3A_719 : vector<16xi1> to vector<16xi32>
        %reduce_sum3A_733 = arith.constant true
        %reduce_sum3A_734 = vector.broadcast %reduce_sum3A_733 : i1 to vector<16xi1>
        %reduce_sum3A_735 = tpu.scan <sum>, %convert_element_type3A_732 masked %reduce_sum3A_734 : vector<16xi32>, vector<16xi1> -> vector<16xi32>
        %reduce_sum3A_736 = vector.extract %reduce_sum3A_735[15] : i32 from vector<16xi32>
        %convert_element_type3A_737 = arith.extui %ge3A_722 : vector<16xi1> to vector<16xi32>
        %reduce_sum3A_738 = arith.constant true
        %reduce_sum3A_739 = vector.broadcast %reduce_sum3A_738 : i1 to vector<16xi1>
        %reduce_sum3A_740 = tpu.scan <sum>, %convert_element_type3A_737 masked %reduce_sum3A_739 : vector<16xi32>, vector<16xi1> -> vector<16xi32>
        %reduce_sum3A_741 = vector.extract %reduce_sum3A_740[15] : i32 from vector<16xi32>
        %add3A_742 = arith.addi %scan3A_680, %reduce_sum3A_726 : i32
        %add3A_743 = arith.addi %scan3A_680, %reduce_sum3A_726 : i32
        %add3A_744 = arith.addi %add3A_743, %reduce_sum3A_731 : i32
        %add3A_745 = arith.addi %scan3A_680, %reduce_sum3A_726 : i32
        %add3A_746 = arith.addi %add3A_745, %reduce_sum3A_731 : i32
        %add3A_747 = arith.addi %add3A_746, %reduce_sum3A_736 : i32
        %swap3A_748 = arith.index_cast %scan3A_680 : i32 to index
        %swap3A_749 = tpu.vector_load %arg26[%swap3A_748] masked %ge3A_713 {strides = array<i32>} : memref<6016xf32, #tpu.memory_space<vmem>>, vector<16xf32>, vector<16xi1>
        tpu.vector_store %arg26[%swap3A_748], %get3A_705 masked %ge3A_713 {strides = array<i32>} : memref<6016xf32, #tpu.memory_space<vmem>>, vector<16xf32>, vector<16xi1>
        %get3A_750 = arith.index_cast %mul3A_686 : i32 to index
        %get3A_751 = tpu.vector_load %arg21[%get3A_750] {strides = array<i32>} : memref<4608xf32, #tpu.memory_space<vmem>>, vector<16xf32>,
        %swap3A_752 = arith.index_cast %scan3A_680 : i32 to index
        %swap3A_753 = tpu.vector_load %arg27[%swap3A_752] masked %ge3A_713 {strides = array<i32>} : memref<6016xf32, #tpu.memory_space<vmem>>, vector<16xf32>, vector<16xi1>
        tpu.vector_store %arg27[%swap3A_752], %get3A_751 masked %ge3A_713 {strides = array<i32>} : memref<6016xf32, #tpu.memory_space<vmem>>, vector<16xf32>, vector<16xi1>
        %get3A_754 = arith.index_cast %mul3A_686 : i32 to index
        %get3A_755 = tpu.vector_load %arg22[%get3A_754] {strides = array<i32>} : memref<4608xf32, #tpu.memory_space<vmem>>, vector<16xf32>,
        %swap3A_756 = arith.index_cast %scan3A_680 : i32 to index
        %swap3A_757 = tpu.vector_load %arg28[%swap3A_756] masked %ge3A_713 {strides = array<i32>} : memref<6016xf32, #tpu.memory_space<vmem>>, vector<16xf32>, vector<16xi1>
        tpu.vector_store %arg28[%swap3A_756], %get3A_755 masked %ge3A_713 {strides = array<i32>} : memref<6016xf32, #tpu.memory_space<vmem>>, vector<16xf32>, vector<16xi1>
        %get3A_758 = arith.index_cast %mul3A_686 : i32 to index
        %get3A_759 = tpu.vector_load %arg23[%get3A_758] {strides = array<i32>} : memref<4608xf32, #tpu.memory_space<vmem>>, vector<16xf32>,
        %swap3A_760 = arith.index_cast %scan3A_680 : i32 to index
        %swap3A_761 = tpu.vector_load %arg29[%swap3A_760] masked %ge3A_713 {strides = array<i32>} : memref<6016xf32, #tpu.memory_space<vmem>>, vector<16xf32>, vector<16xi1>
        tpu.vector_store %arg29[%swap3A_760], %get3A_759 masked %ge3A_713 {strides = array<i32>} : memref<6016xf32, #tpu.memory_space<vmem>>, vector<16xf32>, vector<16xi1>
        %get3A_762 = arith.index_cast %mul3A_686 : i32 to index
        %get3A_763 = tpu.vector_load %arg24[%get3A_762] {strides = array<i32>} : memref<4608xf32, #tpu.memory_space<vmem>>, vector<16xf32>,
        %swap3A_764 = arith.index_cast %scan3A_680 : i32 to index
        %swap3A_765 = tpu.vector_load %arg30[%swap3A_764] masked %ge3A_713 {strides = array<i32>} : memref<6016xf32, #tpu.memory_space<vmem>>, vector<16xf32>, vector<16xi1>
        tpu.vector_store %arg30[%swap3A_764], %get3A_763 masked %ge3A_713 {strides = array<i32>} : memref<6016xf32, #tpu.memory_space<vmem>>, vector<16xf32>, vector<16xi1>
        %get3A_766 = arith.index_cast %mul3A_686 : i32 to index
        %get3A_767 = tpu.vector_load %arg25[%get3A_766] {strides = array<i32>} : memref<4608xf32, #tpu.memory_space<vmem>>, vector<16xf32>,
        %swap3A_768 = arith.index_cast %scan3A_680 : i32 to index
        %swap3A_769 = tpu.vector_load %arg31[%swap3A_768] masked %ge3A_713 {strides = array<i32>} : memref<6016xf32, #tpu.memory_space<vmem>>, vector<16xf32>, vector<16xi1>
        tpu.vector_store %arg31[%swap3A_768], %get3A_767 masked %ge3A_713 {strides = array<i32>} : memref<6016xf32, #tpu.memory_space<vmem>>, vector<16xf32>, vector<16xi1>
        %swap3A_770 = arith.index_cast %add3A_742 : i32 to index
        %swap3A_771 = tpu.vector_load %arg26[%swap3A_770] masked %ge3A_716 {strides = array<i32>} : memref<6016xf32, #tpu.memory_space<vmem>>, vector<16xf32>, vector<16xi1>
        tpu.vector_store %arg26[%swap3A_770], %get3A_707 masked %ge3A_716 {strides = array<i32>} : memref<6016xf32, #tpu.memory_space<vmem>>, vector<16xf32>, vector<16xi1>
        %get3A_772 = arith.index_cast %mul3A_692 : i32 to index
        %get3A_773 = tpu.vector_load %arg21[%get3A_772] {strides = array<i32>} : memref<4608xf32, #tpu.memory_space<vmem>>, vector<16xf32>,
        %swap3A_774 = arith.index_cast %add3A_742 : i32 to index
        %swap3A_775 = tpu.vector_load %arg27[%swap3A_774] masked %ge3A_716 {strides = array<i32>} : memref<6016xf32, #tpu.memory_space<vmem>>, vector<16xf32>, vector<16xi1>
        tpu.vector_store %arg27[%swap3A_774], %get3A_773 masked %ge3A_716 {strides = array<i32>} : memref<6016xf32, #tpu.memory_space<vmem>>, vector<16xf32>, vector<16xi1>
        %get3A_776 = arith.index_cast %mul3A_692 : i32 to index
        %get3A_777 = tpu.vector_load %arg22[%get3A_776] {strides = array<i32>} : memref<4608xf32, #tpu.memory_space<vmem>>, vector<16xf32>,
        %swap3A_778 = arith.index_cast %add3A_742 : i32 to index
        %swap3A_779 = tpu.vector_load %arg28[%swap3A_778] masked %ge3A_716 {strides = array<i32>} : memref<6016xf32, #tpu.memory_space<vmem>>, vector<16xf32>, vector<16xi1>
        tpu.vector_store %arg28[%swap3A_778], %get3A_777 masked %ge3A_716 {strides = array<i32>} : memref<6016xf32, #tpu.memory_space<vmem>>, vector<16xf32>, vector<16xi1>
        %get3A_780 = arith.index_cast %mul3A_692 : i32 to index
        %get3A_781 = tpu.vector_load %arg23[%get3A_780] {strides = array<i32>} : memref<4608xf32, #tpu.memory_space<vmem>>, vector<16xf32>,
        %swap3A_782 = arith.index_cast %add3A_742 : i32 to index
        %swap3A_783 = tpu.vector_load %arg29[%swap3A_782] masked %ge3A_716 {strides = array<i32>} : memref<6016xf32, #tpu.memory_space<vmem>>, vector<16xf32>, vector<16xi1>
        tpu.vector_store %arg29[%swap3A_782], %get3A_781 masked %ge3A_716 {strides = array<i32>} : memref<6016xf32, #tpu.memory_space<vmem>>, vector<16xf32>, vector<16xi1>
        %get3A_784 = arith.index_cast %mul3A_692 : i32 to index
        %get3A_785 = tpu.vector_load %arg24[%get3A_784] {strides = array<i32>} : memref<4608xf32, #tpu.memory_space<vmem>>, vector<16xf32>,
        %swap3A_786 = arith.index_cast %add3A_742 : i32 to index
        %swap3A_787 = tpu.vector_load %arg30[%swap3A_786] masked %ge3A_716 {strides = array<i32>} : memref<6016xf32, #tpu.memory_space<vmem>>, vector<16xf32>, vector<16xi1>
        tpu.vector_store %arg30[%swap3A_786], %get3A_785 masked %ge3A_716 {strides = array<i32>} : memref<6016xf32, #tpu.memory_space<vmem>>, vector<16xf32>, vector<16xi1>
        %get3A_788 = arith.index_cast %mul3A_692 : i32 to index
        %get3A_789 = tpu.vector_load %arg25[%get3A_788] {strides = array<i32>} : memref<4608xf32, #tpu.memory_space<vmem>>, vector<16xf32>,
        %swap3A_790 = arith.index_cast %add3A_742 : i32 to index
        %swap3A_791 = tpu.vector_load %arg31[%swap3A_790] masked %ge3A_716 {strides = array<i32>} : memref<6016xf32, #tpu.memory_space<vmem>>, vector<16xf32>, vector<16xi1>
        tpu.vector_store %arg31[%swap3A_790], %get3A_789 masked %ge3A_716 {strides = array<i32>} : memref<6016xf32, #tpu.memory_space<vmem>>, vector<16xf32>, vector<16xi1>
        %swap3A_792 = arith.index_cast %add3A_744 : i32 to index
        %swap3A_793 = tpu.vector_load %arg26[%swap3A_792] masked %ge3A_719 {strides = array<i32>} : memref<6016xf32, #tpu.memory_space<vmem>>, vector<16xf32>, vector<16xi1>
        tpu.vector_store %arg26[%swap3A_792], %get3A_709 masked %ge3A_719 {strides = array<i32>} : memref<6016xf32, #tpu.memory_space<vmem>>, vector<16xf32>, vector<16xi1>
        %get3A_794 = arith.index_cast %mul3A_698 : i32 to index
        %get3A_795 = tpu.vector_load %arg21[%get3A_794] {strides = array<i32>} : memref<4608xf32, #tpu.memory_space<vmem>>, vector<16xf32>,
        %swap3A_796 = arith.index_cast %add3A_744 : i32 to index
        %swap3A_797 = tpu.vector_load %arg27[%swap3A_796] masked %ge3A_719 {strides = array<i32>} : memref<6016xf32, #tpu.memory_space<vmem>>, vector<16xf32>, vector<16xi1>
        tpu.vector_store %arg27[%swap3A_796], %get3A_795 masked %ge3A_719 {strides = array<i32>} : memref<6016xf32, #tpu.memory_space<vmem>>, vector<16xf32>, vector<16xi1>
        %get3A_798 = arith.index_cast %mul3A_698 : i32 to index
        %get3A_799 = tpu.vector_load %arg22[%get3A_798] {strides = array<i32>} : memref<4608xf32, #tpu.memory_space<vmem>>, vector<16xf32>,
        %swap3A_800 = arith.index_cast %add3A_744 : i32 to index
        %swap3A_801 = tpu.vector_load %arg28[%swap3A_800] masked %ge3A_719 {strides = array<i32>} : memref<6016xf32, #tpu.memory_space<vmem>>, vector<16xf32>, vector<16xi1>
        tpu.vector_store %arg28[%swap3A_800], %get3A_799 masked %ge3A_719 {strides = array<i32>} : memref<6016xf32, #tpu.memory_space<vmem>>, vector<16xf32>, vector<16xi1>
        %get3A_802 = arith.index_cast %mul3A_698 : i32 to index
        %get3A_803 = tpu.vector_load %arg23[%get3A_802] {strides = array<i32>} : memref<4608xf32, #tpu.memory_space<vmem>>, vector<16xf32>,
        %swap3A_804 = arith.index_cast %add3A_744 : i32 to index
        %swap3A_805 = tpu.vector_load %arg29[%swap3A_804] masked %ge3A_719 {strides = array<i32>} : memref<6016xf32, #tpu.memory_space<vmem>>, vector<16xf32>, vector<16xi1>
        tpu.vector_store %arg29[%swap3A_804], %get3A_803 masked %ge3A_719 {strides = array<i32>} : memref<6016xf32, #tpu.memory_space<vmem>>, vector<16xf32>, vector<16xi1>
        %get3A_806 = arith.index_cast %mul3A_698 : i32 to index
        %get3A_807 = tpu.vector_load %arg24[%get3A_806] {strides = array<i32>} : memref<4608xf32, #tpu.memory_space<vmem>>, vector<16xf32>,
        %swap3A_808 = arith.index_cast %add3A_744 : i32 to index
        %swap3A_809 = tpu.vector_load %arg30[%swap3A_808] masked %ge3A_719 {strides = array<i32>} : memref<6016xf32, #tpu.memory_space<vmem>>, vector<16xf32>, vector<16xi1>
        tpu.vector_store %arg30[%swap3A_808], %get3A_807 masked %ge3A_719 {strides = array<i32>} : memref<6016xf32, #tpu.memory_space<vmem>>, vector<16xf32>, vector<16xi1>
        %get3A_810 = arith.index_cast %mul3A_698 : i32 to index
        %get3A_811 = tpu.vector_load %arg25[%get3A_810] {strides = array<i32>} : memref<4608xf32, #tpu.memory_space<vmem>>, vector<16xf32>,
        %swap3A_812 = arith.index_cast %add3A_744 : i32 to index
        %swap3A_813 = tpu.vector_load %arg31[%swap3A_812] masked %ge3A_719 {strides = array<i32>} : memref<6016xf32, #tpu.memory_space<vmem>>, vector<16xf32>, vector<16xi1>
        tpu.vector_store %arg31[%swap3A_812], %get3A_811 masked %ge3A_719 {strides = array<i32>} : memref<6016xf32, #tpu.memory_space<vmem>>, vector<16xf32>, vector<16xi1>
        %swap3A_814 = arith.index_cast %add3A_747 : i32 to index
        %swap3A_815 = tpu.vector_load %arg26[%swap3A_814] masked %ge3A_722 {strides = array<i32>} : memref<6016xf32, #tpu.memory_space<vmem>>, vector<16xf32>, vector<16xi1>
        tpu.vector_store %arg26[%swap3A_814], %get3A_711 masked %ge3A_722 {strides = array<i32>} : memref<6016xf32, #tpu.memory_space<vmem>>, vector<16xf32>, vector<16xi1>
        %get3A_816 = arith.index_cast %mul3A_704 : i32 to index
        %get3A_817 = tpu.vector_load %arg21[%get3A_816] {strides = array<i32>} : memref<4608xf32, #tpu.memory_space<vmem>>, vector<16xf32>,
        %swap3A_818 = arith.index_cast %add3A_747 : i32 to index
        %swap3A_819 = tpu.vector_load %arg27[%swap3A_818] masked %ge3A_722 {strides = array<i32>} : memref<6016xf32, #tpu.memory_space<vmem>>, vector<16xf32>, vector<16xi1>
        tpu.vector_store %arg27[%swap3A_818], %get3A_817 masked %ge3A_722 {strides = array<i32>} : memref<6016xf32, #tpu.memory_space<vmem>>, vector<16xf32>, vector<16xi1>
        %get3A_820 = arith.index_cast %mul3A_704 : i32 to index
        %get3A_821 = tpu.vector_load %arg22[%get3A_820] {strides = array<i32>} : memref<4608xf32, #tpu.memory_space<vmem>>, vector<16xf32>,
        %swap3A_822 = arith.index_cast %add3A_747 : i32 to index
        %swap3A_823 = tpu.vector_load %arg28[%swap3A_822] masked %ge3A_722 {strides = array<i32>} : memref<6016xf32, #tpu.memory_space<vmem>>, vector<16xf32>, vector<16xi1>
        tpu.vector_store %arg28[%swap3A_822], %get3A_821 masked %ge3A_722 {strides = array<i32>} : memref<6016xf32, #tpu.memory_space<vmem>>, vector<16xf32>, vector<16xi1>
        %get3A_824 = arith.index_cast %mul3A_704 : i32 to index
        %get3A_825 = tpu.vector_load %arg23[%get3A_824] {strides = array<i32>} : memref<4608xf32, #tpu.memory_space<vmem>>, vector<16xf32>,
        %swap3A_826 = arith.index_cast %add3A_747 : i32 to index
        %swap3A_827 = tpu.vector_load %arg29[%swap3A_826] masked %ge3A_722 {strides = array<i32>} : memref<6016xf32, #tpu.memory_space<vmem>>, vector<16xf32>, vector<16xi1>
        tpu.vector_store %arg29[%swap3A_826], %get3A_825 masked %ge3A_722 {strides = array<i32>} : memref<6016xf32, #tpu.memory_space<vmem>>, vector<16xf32>, vector<16xi1>
        %get3A_828 = arith.index_cast %mul3A_704 : i32 to index
        %get3A_829 = tpu.vector_load %arg24[%get3A_828] {strides = array<i32>} : memref<4608xf32, #tpu.memory_space<vmem>>, vector<16xf32>,
        %swap3A_830 = arith.index_cast %add3A_747 : i32 to index
        %swap3A_831 = tpu.vector_load %arg30[%swap3A_830] masked %ge3A_722 {strides = array<i32>} : memref<6016xf32, #tpu.memory_space<vmem>>, vector<16xf32>, vector<16xi1>
        tpu.vector_store %arg30[%swap3A_830], %get3A_829 masked %ge3A_722 {strides = array<i32>} : memref<6016xf32, #tpu.memory_space<vmem>>, vector<16xf32>, vector<16xi1>
        %get3A_832 = arith.index_cast %mul3A_704 : i32 to index
        %get3A_833 = tpu.vector_load %arg25[%get3A_832] {strides = array<i32>} : memref<4608xf32, #tpu.memory_space<vmem>>, vector<16xf32>,
        %swap3A_834 = arith.index_cast %add3A_747 : i32 to index
        %swap3A_835 = tpu.vector_load %arg31[%swap3A_834] masked %ge3A_722 {strides = array<i32>} : memref<6016xf32, #tpu.memory_space<vmem>>, vector<16xf32>, vector<16xi1>
        tpu.vector_store %arg31[%swap3A_834], %get3A_833 masked %ge3A_722 {strides = array<i32>} : memref<6016xf32, #tpu.memory_space<vmem>>, vector<16xf32>, vector<16xi1>
        %add3A_836 = arith.addi %add3A_747, %reduce_sum3A_741 : i32
        scf.yield %add3A_836 : i32
      }
      %scan3A_478 = arith.constant 72 : i32
      %dma_wait3A_479 = arith.constant 27648 : i32
      %dma_wait3A_480 = tpu.memref_slice %arg2[%add3A, %dma_wait3A_479] : memref<4x36864xf32, #tpu.memory_space<hbm>> -> memref<1x4608xf32, #tpu.memory_space<hbm>>
      %dma_wait3A_481 = tpu.memref_squeeze %dma_wait3A_480 : memref<1x4608xf32, #tpu.memory_space<hbm>> -> memref<4608xf32, #tpu.memory_space<hbm>>
      %dma_wait3A_482 = arith.constant 27648 : i32
      %dma_wait3A_483 = tpu.memref_slice %arg2[%add3A, %dma_wait3A_482] : memref<4x36864xf32, #tpu.memory_space<hbm>> -> memref<1x4608xf32, #tpu.memory_space<hbm>>
      %dma_wait3A_484 = tpu.memref_squeeze %dma_wait3A_483 : memref<1x4608xf32, #tpu.memory_space<hbm>> -> memref<4608xf32, #tpu.memory_space<hbm>>
      tpu.wait_dma2 semaphore(%arg32 : memref<!tpu.dma_semaphore, #tpu.memory_space<semaphore_mem>>) src(%dma_wait3A_484 : memref<4608xf32, #tpu.memory_space<hbm>>) dst(%arg14 : memref<4608xf32, #tpu.memory_space<vmem>>)
      %dma_wait3A_485 = arith.constant 27648 : i32
      %dma_wait3A_486 = tpu.memref_slice %arg3[%add3A, %dma_wait3A_485] : memref<4x36864xf32, #tpu.memory_space<hbm>> -> memref<1x4608xf32, #tpu.memory_space<hbm>>
      %dma_wait3A_487 = tpu.memref_squeeze %dma_wait3A_486 : memref<1x4608xf32, #tpu.memory_space<hbm>> -> memref<4608xf32, #tpu.memory_space<hbm>>
      %dma_wait3A_488 = arith.constant 27648 : i32
      %dma_wait3A_489 = tpu.memref_slice %arg3[%add3A, %dma_wait3A_488] : memref<4x36864xf32, #tpu.memory_space<hbm>> -> memref<1x4608xf32, #tpu.memory_space<hbm>>
      %dma_wait3A_490 = tpu.memref_squeeze %dma_wait3A_489 : memref<1x4608xf32, #tpu.memory_space<hbm>> -> memref<4608xf32, #tpu.memory_space<hbm>>
      tpu.wait_dma2 semaphore(%arg32 : memref<!tpu.dma_semaphore, #tpu.memory_space<semaphore_mem>>) src(%dma_wait3A_490 : memref<4608xf32, #tpu.memory_space<hbm>>) dst(%arg15 : memref<4608xf32, #tpu.memory_space<vmem>>)
      %dma_wait3A_491 = arith.constant 27648 : i32
      %dma_wait3A_492 = tpu.memref_slice %arg4[%add3A, %dma_wait3A_491] : memref<4x36864xf32, #tpu.memory_space<hbm>> -> memref<1x4608xf32, #tpu.memory_space<hbm>>
      %dma_wait3A_493 = tpu.memref_squeeze %dma_wait3A_492 : memref<1x4608xf32, #tpu.memory_space<hbm>> -> memref<4608xf32, #tpu.memory_space<hbm>>
      %dma_wait3A_494 = arith.constant 27648 : i32
      %dma_wait3A_495 = tpu.memref_slice %arg4[%add3A, %dma_wait3A_494] : memref<4x36864xf32, #tpu.memory_space<hbm>> -> memref<1x4608xf32, #tpu.memory_space<hbm>>
      %dma_wait3A_496 = tpu.memref_squeeze %dma_wait3A_495 : memref<1x4608xf32, #tpu.memory_space<hbm>> -> memref<4608xf32, #tpu.memory_space<hbm>>
      tpu.wait_dma2 semaphore(%arg32 : memref<!tpu.dma_semaphore, #tpu.memory_space<semaphore_mem>>) src(%dma_wait3A_496 : memref<4608xf32, #tpu.memory_space<hbm>>) dst(%arg16 : memref<4608xf32, #tpu.memory_space<vmem>>)
      %dma_wait3A_497 = arith.constant 27648 : i32
      %dma_wait3A_498 = tpu.memref_slice %arg5[%add3A, %dma_wait3A_497] : memref<4x36864xf32, #tpu.memory_space<hbm>> -> memref<1x4608xf32, #tpu.memory_space<hbm>>
      %dma_wait3A_499 = tpu.memref_squeeze %dma_wait3A_498 : memref<1x4608xf32, #tpu.memory_space<hbm>> -> memref<4608xf32, #tpu.memory_space<hbm>>
      %dma_wait3A_500 = arith.constant 27648 : i32
      %dma_wait3A_501 = tpu.memref_slice %arg5[%add3A, %dma_wait3A_500] : memref<4x36864xf32, #tpu.memory_space<hbm>> -> memref<1x4608xf32, #tpu.memory_space<hbm>>
      %dma_wait3A_502 = tpu.memref_squeeze %dma_wait3A_501 : memref<1x4608xf32, #tpu.memory_space<hbm>> -> memref<4608xf32, #tpu.memory_space<hbm>>
      tpu.wait_dma2 semaphore(%arg32 : memref<!tpu.dma_semaphore, #tpu.memory_space<semaphore_mem>>) src(%dma_wait3A_502 : memref<4608xf32, #tpu.memory_space<hbm>>) dst(%arg17 : memref<4608xf32, #tpu.memory_space<vmem>>)
      %dma_wait3A_503 = arith.constant 27648 : i32
      %dma_wait3A_504 = tpu.memref_slice %arg6[%add3A, %dma_wait3A_503] : memref<4x36864xf32, #tpu.memory_space<hbm>> -> memref<1x4608xf32, #tpu.memory_space<hbm>>
      %dma_wait3A_505 = tpu.memref_squeeze %dma_wait3A_504 : memref<1x4608xf32, #tpu.memory_space<hbm>> -> memref<4608xf32, #tpu.memory_space<hbm>>
      %dma_wait3A_506 = arith.constant 27648 : i32
      %dma_wait3A_507 = tpu.memref_slice %arg6[%add3A, %dma_wait3A_506] : memref<4x36864xf32, #tpu.memory_space<hbm>> -> memref<1x4608xf32, #tpu.memory_space<hbm>>
      %dma_wait3A_508 = tpu.memref_squeeze %dma_wait3A_507 : memref<1x4608xf32, #tpu.memory_space<hbm>> -> memref<4608xf32, #tpu.memory_space<hbm>>
      tpu.wait_dma2 semaphore(%arg32 : memref<!tpu.dma_semaphore, #tpu.memory_space<semaphore_mem>>) src(%dma_wait3A_508 : memref<4608xf32, #tpu.memory_space<hbm>>) dst(%arg18 : memref<4608xf32, #tpu.memory_space<vmem>>)
      %dma_wait3A_509 = arith.constant 27648 : i32
      %dma_wait3A_510 = tpu.memref_slice %arg7[%dma_wait3A_509] : memref<36864xf32, #tpu.memory_space<hbm>> -> memref<4608xf32, #tpu.memory_space<hbm>>
      %dma_wait3A_511 = arith.constant 27648 : i32
      %dma_wait3A_512 = tpu.memref_slice %arg7[%dma_wait3A_511] : memref<36864xf32, #tpu.memory_space<hbm>> -> memref<4608xf32, #tpu.memory_space<hbm>>
      tpu.wait_dma2 semaphore(%arg32 : memref<!tpu.dma_semaphore, #tpu.memory_space<semaphore_mem>>) src(%dma_wait3A_512 : memref<4608xf32, #tpu.memory_space<hbm>>) dst(%arg19 : memref<4608xf32, #tpu.memory_space<vmem>>)
      %dma_start3A_513 = arith.constant 32256 : i32
      %dma_start3A_514 = tpu.memref_slice %arg2[%add3A, %dma_start3A_513] : memref<4x36864xf32, #tpu.memory_space<hbm>> -> memref<1x4608xf32, #tpu.memory_space<hbm>>
      %dma_start3A_515 = tpu.memref_squeeze %dma_start3A_514 : memref<1x4608xf32, #tpu.memory_space<hbm>> -> memref<4608xf32, #tpu.memory_space<hbm>>
      %dma_start3A_516 = arith.constant 32256 : i32
      %dma_start3A_517 = tpu.memref_slice %arg2[%add3A, %dma_start3A_516] : memref<4x36864xf32, #tpu.memory_space<hbm>> -> memref<1x4608xf32, #tpu.memory_space<hbm>>
      %dma_start3A_518 = tpu.memref_squeeze %dma_start3A_517 : memref<1x4608xf32, #tpu.memory_space<hbm>> -> memref<4608xf32, #tpu.memory_space<hbm>>
      tpu.enqueue_dma source(%dma_start3A_518 : memref<4608xf32, #tpu.memory_space<hbm>>) target(%arg20 : memref<4608xf32, #tpu.memory_space<vmem>>) target_semaphore(%arg33 : memref<!tpu.dma_semaphore, #tpu.memory_space<semaphore_mem>>)
      %dma_start3A_519 = arith.constant 32256 : i32
      %dma_start3A_520 = tpu.memref_slice %arg3[%add3A, %dma_start3A_519] : memref<4x36864xf32, #tpu.memory_space<hbm>> -> memref<1x4608xf32, #tpu.memory_space<hbm>>
      %dma_start3A_521 = tpu.memref_squeeze %dma_start3A_520 : memref<1x4608xf32, #tpu.memory_space<hbm>> -> memref<4608xf32, #tpu.memory_space<hbm>>
      %dma_start3A_522 = arith.constant 32256 : i32
      %dma_start3A_523 = tpu.memref_slice %arg3[%add3A, %dma_start3A_522] : memref<4x36864xf32, #tpu.memory_space<hbm>> -> memref<1x4608xf32, #tpu.memory_space<hbm>>
      %dma_start3A_524 = tpu.memref_squeeze %dma_start3A_523 : memref<1x4608xf32, #tpu.memory_space<hbm>> -> memref<4608xf32, #tpu.memory_space<hbm>>
      tpu.enqueue_dma source(%dma_start3A_524 : memref<4608xf32, #tpu.memory_space<hbm>>) target(%arg21 : memref<4608xf32, #tpu.memory_space<vmem>>) target_semaphore(%arg33 : memref<!tpu.dma_semaphore, #tpu.memory_space<semaphore_mem>>)
      %dma_start3A_525 = arith.constant 32256 : i32
      %dma_start3A_526 = tpu.memref_slice %arg4[%add3A, %dma_start3A_525] : memref<4x36864xf32, #tpu.memory_space<hbm>> -> memref<1x4608xf32, #tpu.memory_space<hbm>>
      %dma_start3A_527 = tpu.memref_squeeze %dma_start3A_526 : memref<1x4608xf32, #tpu.memory_space<hbm>> -> memref<4608xf32, #tpu.memory_space<hbm>>
      %dma_start3A_528 = arith.constant 32256 : i32
      %dma_start3A_529 = tpu.memref_slice %arg4[%add3A, %dma_start3A_528] : memref<4x36864xf32, #tpu.memory_space<hbm>> -> memref<1x4608xf32, #tpu.memory_space<hbm>>
      %dma_start3A_530 = tpu.memref_squeeze %dma_start3A_529 : memref<1x4608xf32, #tpu.memory_space<hbm>> -> memref<4608xf32, #tpu.memory_space<hbm>>
      tpu.enqueue_dma source(%dma_start3A_530 : memref<4608xf32, #tpu.memory_space<hbm>>) target(%arg22 : memref<4608xf32, #tpu.memory_space<vmem>>) target_semaphore(%arg33 : memref<!tpu.dma_semaphore, #tpu.memory_space<semaphore_mem>>)
      %dma_start3A_531 = arith.constant 32256 : i32
      %dma_start3A_532 = tpu.memref_slice %arg5[%add3A, %dma_start3A_531] : memref<4x36864xf32, #tpu.memory_space<hbm>> -> memref<1x4608xf32, #tpu.memory_space<hbm>>
      %dma_start3A_533 = tpu.memref_squeeze %dma_start3A_532 : memref<1x4608xf32, #tpu.memory_space<hbm>> -> memref<4608xf32, #tpu.memory_space<hbm>>
      %dma_start3A_534 = arith.constant 32256 : i32
      %dma_start3A_535 = tpu.memref_slice %arg5[%add3A, %dma_start3A_534] : memref<4x36864xf32, #tpu.memory_space<hbm>> -> memref<1x4608xf32, #tpu.memory_space<hbm>>
      %dma_start3A_536 = tpu.memref_squeeze %dma_start3A_535 : memref<1x4608xf32, #tpu.memory_space<hbm>> -> memref<4608xf32, #tpu.memory_space<hbm>>
      tpu.enqueue_dma source(%dma_start3A_536 : memref<4608xf32, #tpu.memory_space<hbm>>) target(%arg23 : memref<4608xf32, #tpu.memory_space<vmem>>) target_semaphore(%arg33 : memref<!tpu.dma_semaphore, #tpu.memory_space<semaphore_mem>>)
      %dma_start3A_537 = arith.constant 32256 : i32
      %dma_start3A_538 = tpu.memref_slice %arg6[%add3A, %dma_start3A_537] : memref<4x36864xf32, #tpu.memory_space<hbm>> -> memref<1x4608xf32, #tpu.memory_space<hbm>>
      %dma_start3A_539 = tpu.memref_squeeze %dma_start3A_538 : memref<1x4608xf32, #tpu.memory_space<hbm>> -> memref<4608xf32, #tpu.memory_space<hbm>>
      %dma_start3A_540 = arith.constant 32256 : i32
      %dma_start3A_541 = tpu.memref_slice %arg6[%add3A, %dma_start3A_540] : memref<4x36864xf32, #tpu.memory_space<hbm>> -> memref<1x4608xf32, #tpu.memory_space<hbm>>
      %dma_start3A_542 = tpu.memref_squeeze %dma_start3A_541 : memref<1x4608xf32, #tpu.memory_space<hbm>> -> memref<4608xf32, #tpu.memory_space<hbm>>
      tpu.enqueue_dma source(%dma_start3A_542 : memref<4608xf32, #tpu.memory_space<hbm>>) target(%arg24 : memref<4608xf32, #tpu.memory_space<vmem>>) target_semaphore(%arg33 : memref<!tpu.dma_semaphore, #tpu.memory_space<semaphore_mem>>)
      %dma_start3A_543 = arith.constant 32256 : i32
      %dma_start3A_544 = tpu.memref_slice %arg7[%dma_start3A_543] : memref<36864xf32, #tpu.memory_space<hbm>> -> memref<4608xf32, #tpu.memory_space<hbm>>
      %dma_start3A_545 = arith.constant 32256 : i32
      %dma_start3A_546 = tpu.memref_slice %arg7[%dma_start3A_545] : memref<36864xf32, #tpu.memory_space<hbm>> -> memref<4608xf32, #tpu.memory_space<hbm>>
      tpu.enqueue_dma source(%dma_start3A_546 : memref<4608xf32, #tpu.memory_space<hbm>>) target(%arg25 : memref<4608xf32, #tpu.memory_space<vmem>>) target_semaphore(%arg33 : memref<!tpu.dma_semaphore, #tpu.memory_space<semaphore_mem>>)
      %scan3A_547 = arith.constant 0 : i32
      %scan3A_548 = arith.constant 72 : i32
      %scan3A_549 = arith.addi %scan3A_547, %scan3A_548 : i32
      %scan3A_550 = arith.constant 1 : i32
      %scan3A_551 = scf.for %scan3A_679 = %scan3A_547 to %scan3A_549 step %scan3A_550 iter_args(%scan3A_680 = %scan3A_477) -> (i32)  : i32 {
        %mul3A_681 = arith.constant 4 : i32
        %mul3A_682 = arith.muli %scan3A_679, %mul3A_681 : i32
        %add3A_683 = arith.constant 0 : i32
        %add3A_684 = arith.addi %mul3A_682, %add3A_683 : i32
        %mul3A_685 = arith.constant 16 : i32
        %mul3A_686 = arith.muli %add3A_684, %mul3A_685 : i32
        %mul3A_687 = arith.constant 4 : i32
        %mul3A_688 = arith.muli %scan3A_679, %mul3A_687 : i32
        %add3A_689 = arith.constant 1 : i32
        %add3A_690 = arith.addi %mul3A_688, %add3A_689 : i32
        %mul3A_691 = arith.constant 16 : i32
        %mul3A_692 = arith.muli %add3A_690, %mul3A_691 : i32
        %mul3A_693 = arith.constant 4 : i32
        %mul3A_694 = arith.muli %scan3A_679, %mul3A_693 : i32
        %add3A_695 = arith.constant 2 : i32
        %add3A_696 = arith.addi %mul3A_694, %add3A_695 : i32
        %mul3A_697 = arith.constant 16 : i32
        %mul3A_698 = arith.muli %add3A_696, %mul3A_697 : i32
        %mul3A_699 = arith.constant 4 : i32
        %mul3A_700 = arith.muli %scan3A_679, %mul3A_699 : i32
        %add3A_701 = arith.constant 3 : i32
        %add3A_702 = arith.addi %mul3A_700, %add3A_701 : i32
        %mul3A_703 = arith.constant 16 : i32
        %mul3A_704 = arith.muli %add3A_702, %mul3A_703 : i32
        %get3A = arith.index_cast %mul3A_686 : i32 to index
        %get3A_705 = tpu.vector_load %arg14[%get3A] {strides = array<i32>} : memref<4608xf32, #tpu.memory_space<vmem>>, vector<16xf32>,
        %get3A_706 = arith.index_cast %mul3A_692 : i32 to index
        %get3A_707 = tpu.vector_load %arg14[%get3A_706] {strides = array<i32>} : memref<4608xf32, #tpu.memory_space<vmem>>, vector<16xf32>,
        %get3A_708 = arith.index_cast %mul3A_698 : i32 to index
        %get3A_709 = tpu.vector_load %arg14[%get3A_708] {strides = array<i32>} : memref<4608xf32, #tpu.memory_space<vmem>>, vector<16xf32>,
        %get3A_710 = arith.index_cast %mul3A_704 : i32 to index
        %get3A_711 = tpu.vector_load %arg14[%get3A_710] {strides = array<i32>} : memref<4608xf32, #tpu.memory_space<vmem>>, vector<16xf32>,
        %ge3A = arith.constant 0.000000e+00 : f32
        %ge3A_712 = vector.broadcast %ge3A : f32 to vector<16xf32>
        %ge3A_713 = arith.cmpf oge, %get3A_705, %ge3A_712 : vector<16xf32>
        %ge3A_714 = arith.constant 0.000000e+00 : f32
        %ge3A_715 = vector.broadcast %ge3A_714 : f32 to vector<16xf32>
        %ge3A_716 = arith.cmpf oge, %get3A_707, %ge3A_715 : vector<16xf32>
        %ge3A_717 = arith.constant 0.000000e+00 : f32
        %ge3A_718 = vector.broadcast %ge3A_717 : f32 to vector<16xf32>
        %ge3A_719 = arith.cmpf oge, %get3A_709, %ge3A_718 : vector<16xf32>
        %ge3A_720 = arith.constant 0.000000e+00 : f32
        %ge3A_721 = vector.broadcast %ge3A_720 : f32 to vector<16xf32>
        %ge3A_722 = arith.cmpf oge, %get3A_711, %ge3A_721 : vector<16xf32>
        %convert_element_type3A_723 = arith.extui %ge3A_713 : vector<16xi1> to vector<16xi32>
        %reduce_sum3A = arith.constant true
        %reduce_sum3A_724 = vector.broadcast %reduce_sum3A : i1 to vector<16xi1>
        %reduce_sum3A_725 = tpu.scan <sum>, %convert_element_type3A_723 masked %reduce_sum3A_724 : vector<16xi32>, vector<16xi1> -> vector<16xi32>
        %reduce_sum3A_726 = vector.extract %reduce_sum3A_725[15] : i32 from vector<16xi32>
        %convert_element_type3A_727 = arith.extui %ge3A_716 : vector<16xi1> to vector<16xi32>
        %reduce_sum3A_728 = arith.constant true
        %reduce_sum3A_729 = vector.broadcast %reduce_sum3A_728 : i1 to vector<16xi1>
        %reduce_sum3A_730 = tpu.scan <sum>, %convert_element_type3A_727 masked %reduce_sum3A_729 : vector<16xi32>, vector<16xi1> -> vector<16xi32>
        %reduce_sum3A_731 = vector.extract %reduce_sum3A_730[15] : i32 from vector<16xi32>
        %convert_element_type3A_732 = arith.extui %ge3A_719 : vector<16xi1> to vector<16xi32>
        %reduce_sum3A_733 = arith.constant true
        %reduce_sum3A_734 = vector.broadcast %reduce_sum3A_733 : i1 to vector<16xi1>
        %reduce_sum3A_735 = tpu.scan <sum>, %convert_element_type3A_732 masked %reduce_sum3A_734 : vector<16xi32>, vector<16xi1> -> vector<16xi32>
        %reduce_sum3A_736 = vector.extract %reduce_sum3A_735[15] : i32 from vector<16xi32>
        %convert_element_type3A_737 = arith.extui %ge3A_722 : vector<16xi1> to vector<16xi32>
        %reduce_sum3A_738 = arith.constant true
        %reduce_sum3A_739 = vector.broadcast %reduce_sum3A_738 : i1 to vector<16xi1>
        %reduce_sum3A_740 = tpu.scan <sum>, %convert_element_type3A_737 masked %reduce_sum3A_739 : vector<16xi32>, vector<16xi1> -> vector<16xi32>
        %reduce_sum3A_741 = vector.extract %reduce_sum3A_740[15] : i32 from vector<16xi32>
        %add3A_742 = arith.addi %scan3A_680, %reduce_sum3A_726 : i32
        %add3A_743 = arith.addi %scan3A_680, %reduce_sum3A_726 : i32
        %add3A_744 = arith.addi %add3A_743, %reduce_sum3A_731 : i32
        %add3A_745 = arith.addi %scan3A_680, %reduce_sum3A_726 : i32
        %add3A_746 = arith.addi %add3A_745, %reduce_sum3A_731 : i32
        %add3A_747 = arith.addi %add3A_746, %reduce_sum3A_736 : i32
        %swap3A_748 = arith.index_cast %scan3A_680 : i32 to index
        %swap3A_749 = tpu.vector_load %arg26[%swap3A_748] masked %ge3A_713 {strides = array<i32>} : memref<6016xf32, #tpu.memory_space<vmem>>, vector<16xf32>, vector<16xi1>
        tpu.vector_store %arg26[%swap3A_748], %get3A_705 masked %ge3A_713 {strides = array<i32>} : memref<6016xf32, #tpu.memory_space<vmem>>, vector<16xf32>, vector<16xi1>
        %get3A_750 = arith.index_cast %mul3A_686 : i32 to index
        %get3A_751 = tpu.vector_load %arg15[%get3A_750] {strides = array<i32>} : memref<4608xf32, #tpu.memory_space<vmem>>, vector<16xf32>,
        %swap3A_752 = arith.index_cast %scan3A_680 : i32 to index
        %swap3A_753 = tpu.vector_load %arg27[%swap3A_752] masked %ge3A_713 {strides = array<i32>} : memref<6016xf32, #tpu.memory_space<vmem>>, vector<16xf32>, vector<16xi1>
        tpu.vector_store %arg27[%swap3A_752], %get3A_751 masked %ge3A_713 {strides = array<i32>} : memref<6016xf32, #tpu.memory_space<vmem>>, vector<16xf32>, vector<16xi1>
        %get3A_754 = arith.index_cast %mul3A_686 : i32 to index
        %get3A_755 = tpu.vector_load %arg16[%get3A_754] {strides = array<i32>} : memref<4608xf32, #tpu.memory_space<vmem>>, vector<16xf32>,
        %swap3A_756 = arith.index_cast %scan3A_680 : i32 to index
        %swap3A_757 = tpu.vector_load %arg28[%swap3A_756] masked %ge3A_713 {strides = array<i32>} : memref<6016xf32, #tpu.memory_space<vmem>>, vector<16xf32>, vector<16xi1>
        tpu.vector_store %arg28[%swap3A_756], %get3A_755 masked %ge3A_713 {strides = array<i32>} : memref<6016xf32, #tpu.memory_space<vmem>>, vector<16xf32>, vector<16xi1>
        %get3A_758 = arith.index_cast %mul3A_686 : i32 to index
        %get3A_759 = tpu.vector_load %arg17[%get3A_758] {strides = array<i32>} : memref<4608xf32, #tpu.memory_space<vmem>>, vector<16xf32>,
        %swap3A_760 = arith.index_cast %scan3A_680 : i32 to index
        %swap3A_761 = tpu.vector_load %arg29[%swap3A_760] masked %ge3A_713 {strides = array<i32>} : memref<6016xf32, #tpu.memory_space<vmem>>, vector<16xf32>, vector<16xi1>
        tpu.vector_store %arg29[%swap3A_760], %get3A_759 masked %ge3A_713 {strides = array<i32>} : memref<6016xf32, #tpu.memory_space<vmem>>, vector<16xf32>, vector<16xi1>
        %get3A_762 = arith.index_cast %mul3A_686 : i32 to index
        %get3A_763 = tpu.vector_load %arg18[%get3A_762] {strides = array<i32>} : memref<4608xf32, #tpu.memory_space<vmem>>, vector<16xf32>,
        %swap3A_764 = arith.index_cast %scan3A_680 : i32 to index
        %swap3A_765 = tpu.vector_load %arg30[%swap3A_764] masked %ge3A_713 {strides = array<i32>} : memref<6016xf32, #tpu.memory_space<vmem>>, vector<16xf32>, vector<16xi1>
        tpu.vector_store %arg30[%swap3A_764], %get3A_763 masked %ge3A_713 {strides = array<i32>} : memref<6016xf32, #tpu.memory_space<vmem>>, vector<16xf32>, vector<16xi1>
        %get3A_766 = arith.index_cast %mul3A_686 : i32 to index
        %get3A_767 = tpu.vector_load %arg19[%get3A_766] {strides = array<i32>} : memref<4608xf32, #tpu.memory_space<vmem>>, vector<16xf32>,
        %swap3A_768 = arith.index_cast %scan3A_680 : i32 to index
        %swap3A_769 = tpu.vector_load %arg31[%swap3A_768] masked %ge3A_713 {strides = array<i32>} : memref<6016xf32, #tpu.memory_space<vmem>>, vector<16xf32>, vector<16xi1>
        tpu.vector_store %arg31[%swap3A_768], %get3A_767 masked %ge3A_713 {strides = array<i32>} : memref<6016xf32, #tpu.memory_space<vmem>>, vector<16xf32>, vector<16xi1>
        %swap3A_770 = arith.index_cast %add3A_742 : i32 to index
        %swap3A_771 = tpu.vector_load %arg26[%swap3A_770] masked %ge3A_716 {strides = array<i32>} : memref<6016xf32, #tpu.memory_space<vmem>>, vector<16xf32>, vector<16xi1>
        tpu.vector_store %arg26[%swap3A_770], %get3A_707 masked %ge3A_716 {strides = array<i32>} : memref<6016xf32, #tpu.memory_space<vmem>>, vector<16xf32>, vector<16xi1>
        %get3A_772 = arith.index_cast %mul3A_692 : i32 to index
        %get3A_773 = tpu.vector_load %arg15[%get3A_772] {strides = array<i32>} : memref<4608xf32, #tpu.memory_space<vmem>>, vector<16xf32>,
        %swap3A_774 = arith.index_cast %add3A_742 : i32 to index
        %swap3A_775 = tpu.vector_load %arg27[%swap3A_774] masked %ge3A_716 {strides = array<i32>} : memref<6016xf32, #tpu.memory_space<vmem>>, vector<16xf32>, vector<16xi1>
        tpu.vector_store %arg27[%swap3A_774], %get3A_773 masked %ge3A_716 {strides = array<i32>} : memref<6016xf32, #tpu.memory_space<vmem>>, vector<16xf32>, vector<16xi1>
        %get3A_776 = arith.index_cast %mul3A_692 : i32 to index
        %get3A_777 = tpu.vector_load %arg16[%get3A_776] {strides = array<i32>} : memref<4608xf32, #tpu.memory_space<vmem>>, vector<16xf32>,
        %swap3A_778 = arith.index_cast %add3A_742 : i32 to index
        %swap3A_779 = tpu.vector_load %arg28[%swap3A_778] masked %ge3A_716 {strides = array<i32>} : memref<6016xf32, #tpu.memory_space<vmem>>, vector<16xf32>, vector<16xi1>
        tpu.vector_store %arg28[%swap3A_778], %get3A_777 masked %ge3A_716 {strides = array<i32>} : memref<6016xf32, #tpu.memory_space<vmem>>, vector<16xf32>, vector<16xi1>
        %get3A_780 = arith.index_cast %mul3A_692 : i32 to index
        %get3A_781 = tpu.vector_load %arg17[%get3A_780] {strides = array<i32>} : memref<4608xf32, #tpu.memory_space<vmem>>, vector<16xf32>,
        %swap3A_782 = arith.index_cast %add3A_742 : i32 to index
        %swap3A_783 = tpu.vector_load %arg29[%swap3A_782] masked %ge3A_716 {strides = array<i32>} : memref<6016xf32, #tpu.memory_space<vmem>>, vector<16xf32>, vector<16xi1>
        tpu.vector_store %arg29[%swap3A_782], %get3A_781 masked %ge3A_716 {strides = array<i32>} : memref<6016xf32, #tpu.memory_space<vmem>>, vector<16xf32>, vector<16xi1>
        %get3A_784 = arith.index_cast %mul3A_692 : i32 to index
        %get3A_785 = tpu.vector_load %arg18[%get3A_784] {strides = array<i32>} : memref<4608xf32, #tpu.memory_space<vmem>>, vector<16xf32>,
        %swap3A_786 = arith.index_cast %add3A_742 : i32 to index
        %swap3A_787 = tpu.vector_load %arg30[%swap3A_786] masked %ge3A_716 {strides = array<i32>} : memref<6016xf32, #tpu.memory_space<vmem>>, vector<16xf32>, vector<16xi1>
        tpu.vector_store %arg30[%swap3A_786], %get3A_785 masked %ge3A_716 {strides = array<i32>} : memref<6016xf32, #tpu.memory_space<vmem>>, vector<16xf32>, vector<16xi1>
        %get3A_788 = arith.index_cast %mul3A_692 : i32 to index
        %get3A_789 = tpu.vector_load %arg19[%get3A_788] {strides = array<i32>} : memref<4608xf32, #tpu.memory_space<vmem>>, vector<16xf32>,
        %swap3A_790 = arith.index_cast %add3A_742 : i32 to index
        %swap3A_791 = tpu.vector_load %arg31[%swap3A_790] masked %ge3A_716 {strides = array<i32>} : memref<6016xf32, #tpu.memory_space<vmem>>, vector<16xf32>, vector<16xi1>
        tpu.vector_store %arg31[%swap3A_790], %get3A_789 masked %ge3A_716 {strides = array<i32>} : memref<6016xf32, #tpu.memory_space<vmem>>, vector<16xf32>, vector<16xi1>
        %swap3A_792 = arith.index_cast %add3A_744 : i32 to index
        %swap3A_793 = tpu.vector_load %arg26[%swap3A_792] masked %ge3A_719 {strides = array<i32>} : memref<6016xf32, #tpu.memory_space<vmem>>, vector<16xf32>, vector<16xi1>
        tpu.vector_store %arg26[%swap3A_792], %get3A_709 masked %ge3A_719 {strides = array<i32>} : memref<6016xf32, #tpu.memory_space<vmem>>, vector<16xf32>, vector<16xi1>
        %get3A_794 = arith.index_cast %mul3A_698 : i32 to index
        %get3A_795 = tpu.vector_load %arg15[%get3A_794] {strides = array<i32>} : memref<4608xf32, #tpu.memory_space<vmem>>, vector<16xf32>,
        %swap3A_796 = arith.index_cast %add3A_744 : i32 to index
        %swap3A_797 = tpu.vector_load %arg27[%swap3A_796] masked %ge3A_719 {strides = array<i32>} : memref<6016xf32, #tpu.memory_space<vmem>>, vector<16xf32>, vector<16xi1>
        tpu.vector_store %arg27[%swap3A_796], %get3A_795 masked %ge3A_719 {strides = array<i32>} : memref<6016xf32, #tpu.memory_space<vmem>>, vector<16xf32>, vector<16xi1>
        %get3A_798 = arith.index_cast %mul3A_698 : i32 to index
        %get3A_799 = tpu.vector_load %arg16[%get3A_798] {strides = array<i32>} : memref<4608xf32, #tpu.memory_space<vmem>>, vector<16xf32>,
        %swap3A_800 = arith.index_cast %add3A_744 : i32 to index
        %swap3A_801 = tpu.vector_load %arg28[%swap3A_800] masked %ge3A_719 {strides = array<i32>} : memref<6016xf32, #tpu.memory_space<vmem>>, vector<16xf32>, vector<16xi1>
        tpu.vector_store %arg28[%swap3A_800], %get3A_799 masked %ge3A_719 {strides = array<i32>} : memref<6016xf32, #tpu.memory_space<vmem>>, vector<16xf32>, vector<16xi1>
        %get3A_802 = arith.index_cast %mul3A_698 : i32 to index
        %get3A_803 = tpu.vector_load %arg17[%get3A_802] {strides = array<i32>} : memref<4608xf32, #tpu.memory_space<vmem>>, vector<16xf32>,
        %swap3A_804 = arith.index_cast %add3A_744 : i32 to index
        %swap3A_805 = tpu.vector_load %arg29[%swap3A_804] masked %ge3A_719 {strides = array<i32>} : memref<6016xf32, #tpu.memory_space<vmem>>, vector<16xf32>, vector<16xi1>
        tpu.vector_store %arg29[%swap3A_804], %get3A_803 masked %ge3A_719 {strides = array<i32>} : memref<6016xf32, #tpu.memory_space<vmem>>, vector<16xf32>, vector<16xi1>
        %get3A_806 = arith.index_cast %mul3A_698 : i32 to index
        %get3A_807 = tpu.vector_load %arg18[%get3A_806] {strides = array<i32>} : memref<4608xf32, #tpu.memory_space<vmem>>, vector<16xf32>,
        %swap3A_808 = arith.index_cast %add3A_744 : i32 to index
        %swap3A_809 = tpu.vector_load %arg30[%swap3A_808] masked %ge3A_719 {strides = array<i32>} : memref<6016xf32, #tpu.memory_space<vmem>>, vector<16xf32>, vector<16xi1>
        tpu.vector_store %arg30[%swap3A_808], %get3A_807 masked %ge3A_719 {strides = array<i32>} : memref<6016xf32, #tpu.memory_space<vmem>>, vector<16xf32>, vector<16xi1>
        %get3A_810 = arith.index_cast %mul3A_698 : i32 to index
        %get3A_811 = tpu.vector_load %arg19[%get3A_810] {strides = array<i32>} : memref<4608xf32, #tpu.memory_space<vmem>>, vector<16xf32>,
        %swap3A_812 = arith.index_cast %add3A_744 : i32 to index
        %swap3A_813 = tpu.vector_load %arg31[%swap3A_812] masked %ge3A_719 {strides = array<i32>} : memref<6016xf32, #tpu.memory_space<vmem>>, vector<16xf32>, vector<16xi1>
        tpu.vector_store %arg31[%swap3A_812], %get3A_811 masked %ge3A_719 {strides = array<i32>} : memref<6016xf32, #tpu.memory_space<vmem>>, vector<16xf32>, vector<16xi1>
        %swap3A_814 = arith.index_cast %add3A_747 : i32 to index
        %swap3A_815 = tpu.vector_load %arg26[%swap3A_814] masked %ge3A_722 {strides = array<i32>} : memref<6016xf32, #tpu.memory_space<vmem>>, vector<16xf32>, vector<16xi1>
        tpu.vector_store %arg26[%swap3A_814], %get3A_711 masked %ge3A_722 {strides = array<i32>} : memref<6016xf32, #tpu.memory_space<vmem>>, vector<16xf32>, vector<16xi1>
        %get3A_816 = arith.index_cast %mul3A_704 : i32 to index
        %get3A_817 = tpu.vector_load %arg15[%get3A_816] {strides = array<i32>} : memref<4608xf32, #tpu.memory_space<vmem>>, vector<16xf32>,
        %swap3A_818 = arith.index_cast %add3A_747 : i32 to index
        %swap3A_819 = tpu.vector_load %arg27[%swap3A_818] masked %ge3A_722 {strides = array<i32>} : memref<6016xf32, #tpu.memory_space<vmem>>, vector<16xf32>, vector<16xi1>
        tpu.vector_store %arg27[%swap3A_818], %get3A_817 masked %ge3A_722 {strides = array<i32>} : memref<6016xf32, #tpu.memory_space<vmem>>, vector<16xf32>, vector<16xi1>
        %get3A_820 = arith.index_cast %mul3A_704 : i32 to index
        %get3A_821 = tpu.vector_load %arg16[%get3A_820] {strides = array<i32>} : memref<4608xf32, #tpu.memory_space<vmem>>, vector<16xf32>,
        %swap3A_822 = arith.index_cast %add3A_747 : i32 to index
        %swap3A_823 = tpu.vector_load %arg28[%swap3A_822] masked %ge3A_722 {strides = array<i32>} : memref<6016xf32, #tpu.memory_space<vmem>>, vector<16xf32>, vector<16xi1>
        tpu.vector_store %arg28[%swap3A_822], %get3A_821 masked %ge3A_722 {strides = array<i32>} : memref<6016xf32, #tpu.memory_space<vmem>>, vector<16xf32>, vector<16xi1>
        %get3A_824 = arith.index_cast %mul3A_704 : i32 to index
        %get3A_825 = tpu.vector_load %arg17[%get3A_824] {strides = array<i32>} : memref<4608xf32, #tpu.memory_space<vmem>>, vector<16xf32>,
        %swap3A_826 = arith.index_cast %add3A_747 : i32 to index
        %swap3A_827 = tpu.vector_load %arg29[%swap3A_826] masked %ge3A_722 {strides = array<i32>} : memref<6016xf32, #tpu.memory_space<vmem>>, vector<16xf32>, vector<16xi1>
        tpu.vector_store %arg29[%swap3A_826], %get3A_825 masked %ge3A_722 {strides = array<i32>} : memref<6016xf32, #tpu.memory_space<vmem>>, vector<16xf32>, vector<16xi1>
        %get3A_828 = arith.index_cast %mul3A_704 : i32 to index
        %get3A_829 = tpu.vector_load %arg18[%get3A_828] {strides = array<i32>} : memref<4608xf32, #tpu.memory_space<vmem>>, vector<16xf32>,
        %swap3A_830 = arith.index_cast %add3A_747 : i32 to index
        %swap3A_831 = tpu.vector_load %arg30[%swap3A_830] masked %ge3A_722 {strides = array<i32>} : memref<6016xf32, #tpu.memory_space<vmem>>, vector<16xf32>, vector<16xi1>
        tpu.vector_store %arg30[%swap3A_830], %get3A_829 masked %ge3A_722 {strides = array<i32>} : memref<6016xf32, #tpu.memory_space<vmem>>, vector<16xf32>, vector<16xi1>
        %get3A_832 = arith.index_cast %mul3A_704 : i32 to index
        %get3A_833 = tpu.vector_load %arg19[%get3A_832] {strides = array<i32>} : memref<4608xf32, #tpu.memory_space<vmem>>, vector<16xf32>,
        %swap3A_834 = arith.index_cast %add3A_747 : i32 to index
        %swap3A_835 = tpu.vector_load %arg31[%swap3A_834] masked %ge3A_722 {strides = array<i32>} : memref<6016xf32, #tpu.memory_space<vmem>>, vector<16xf32>, vector<16xi1>
        tpu.vector_store %arg31[%swap3A_834], %get3A_833 masked %ge3A_722 {strides = array<i32>} : memref<6016xf32, #tpu.memory_space<vmem>>, vector<16xf32>, vector<16xi1>
        %add3A_836 = arith.addi %add3A_747, %reduce_sum3A_741 : i32
        scf.yield %add3A_836 : i32
      }
      %scan3A_552 = arith.constant 72 : i32
      %dma_wait3A_553 = arith.constant 32256 : i32
      %dma_wait3A_554 = tpu.memref_slice %arg2[%add3A, %dma_wait3A_553] : memref<4x36864xf32, #tpu.memory_space<hbm>> -> memref<1x4608xf32, #tpu.memory_space<hbm>>
      %dma_wait3A_555 = tpu.memref_squeeze %dma_wait3A_554 : memref<1x4608xf32, #tpu.memory_space<hbm>> -> memref<4608xf32, #tpu.memory_space<hbm>>
      %dma_wait3A_556 = arith.constant 32256 : i32
      %dma_wait3A_557 = tpu.memref_slice %arg2[%add3A, %dma_wait3A_556] : memref<4x36864xf32, #tpu.memory_space<hbm>> -> memref<1x4608xf32, #tpu.memory_space<hbm>>
      %dma_wait3A_558 = tpu.memref_squeeze %dma_wait3A_557 : memref<1x4608xf32, #tpu.memory_space<hbm>> -> memref<4608xf32, #tpu.memory_space<hbm>>
      tpu.wait_dma2 semaphore(%arg33 : memref<!tpu.dma_semaphore, #tpu.memory_space<semaphore_mem>>) src(%dma_wait3A_558 : memref<4608xf32, #tpu.memory_space<hbm>>) dst(%arg20 : memref<4608xf32, #tpu.memory_space<vmem>>)
      %dma_wait3A_559 = arith.constant 32256 : i32
      %dma_wait3A_560 = tpu.memref_slice %arg3[%add3A, %dma_wait3A_559] : memref<4x36864xf32, #tpu.memory_space<hbm>> -> memref<1x4608xf32, #tpu.memory_space<hbm>>
      %dma_wait3A_561 = tpu.memref_squeeze %dma_wait3A_560 : memref<1x4608xf32, #tpu.memory_space<hbm>> -> memref<4608xf32, #tpu.memory_space<hbm>>
      %dma_wait3A_562 = arith.constant 32256 : i32
      %dma_wait3A_563 = tpu.memref_slice %arg3[%add3A, %dma_wait3A_562] : memref<4x36864xf32, #tpu.memory_space<hbm>> -> memref<1x4608xf32, #tpu.memory_space<hbm>>
      %dma_wait3A_564 = tpu.memref_squeeze %dma_wait3A_563 : memref<1x4608xf32, #tpu.memory_space<hbm>> -> memref<4608xf32, #tpu.memory_space<hbm>>
      tpu.wait_dma2 semaphore(%arg33 : memref<!tpu.dma_semaphore, #tpu.memory_space<semaphore_mem>>) src(%dma_wait3A_564 : memref<4608xf32, #tpu.memory_space<hbm>>) dst(%arg21 : memref<4608xf32, #tpu.memory_space<vmem>>)
      %dma_wait3A_565 = arith.constant 32256 : i32
      %dma_wait3A_566 = tpu.memref_slice %arg4[%add3A, %dma_wait3A_565] : memref<4x36864xf32, #tpu.memory_space<hbm>> -> memref<1x4608xf32, #tpu.memory_space<hbm>>
      %dma_wait3A_567 = tpu.memref_squeeze %dma_wait3A_566 : memref<1x4608xf32, #tpu.memory_space<hbm>> -> memref<4608xf32, #tpu.memory_space<hbm>>
      %dma_wait3A_568 = arith.constant 32256 : i32
      %dma_wait3A_569 = tpu.memref_slice %arg4[%add3A, %dma_wait3A_568] : memref<4x36864xf32, #tpu.memory_space<hbm>> -> memref<1x4608xf32, #tpu.memory_space<hbm>>
      %dma_wait3A_570 = tpu.memref_squeeze %dma_wait3A_569 : memref<1x4608xf32, #tpu.memory_space<hbm>> -> memref<4608xf32, #tpu.memory_space<hbm>>
      tpu.wait_dma2 semaphore(%arg33 : memref<!tpu.dma_semaphore, #tpu.memory_space<semaphore_mem>>) src(%dma_wait3A_570 : memref<4608xf32, #tpu.memory_space<hbm>>) dst(%arg22 : memref<4608xf32, #tpu.memory_space<vmem>>)
      %dma_wait3A_571 = arith.constant 32256 : i32
      %dma_wait3A_572 = tpu.memref_slice %arg5[%add3A, %dma_wait3A_571] : memref<4x36864xf32, #tpu.memory_space<hbm>> -> memref<1x4608xf32, #tpu.memory_space<hbm>>
      %dma_wait3A_573 = tpu.memref_squeeze %dma_wait3A_572 : memref<1x4608xf32, #tpu.memory_space<hbm>> -> memref<4608xf32, #tpu.memory_space<hbm>>
      %dma_wait3A_574 = arith.constant 32256 : i32
      %dma_wait3A_575 = tpu.memref_slice %arg5[%add3A, %dma_wait3A_574] : memref<4x36864xf32, #tpu.memory_space<hbm>> -> memref<1x4608xf32, #tpu.memory_space<hbm>>
      %dma_wait3A_576 = tpu.memref_squeeze %dma_wait3A_575 : memref<1x4608xf32, #tpu.memory_space<hbm>> -> memref<4608xf32, #tpu.memory_space<hbm>>
      tpu.wait_dma2 semaphore(%arg33 : memref<!tpu.dma_semaphore, #tpu.memory_space<semaphore_mem>>) src(%dma_wait3A_576 : memref<4608xf32, #tpu.memory_space<hbm>>) dst(%arg23 : memref<4608xf32, #tpu.memory_space<vmem>>)
      %dma_wait3A_577 = arith.constant 32256 : i32
      %dma_wait3A_578 = tpu.memref_slice %arg6[%add3A, %dma_wait3A_577] : memref<4x36864xf32, #tpu.memory_space<hbm>> -> memref<1x4608xf32, #tpu.memory_space<hbm>>
      %dma_wait3A_579 = tpu.memref_squeeze %dma_wait3A_578 : memref<1x4608xf32, #tpu.memory_space<hbm>> -> memref<4608xf32, #tpu.memory_space<hbm>>
      %dma_wait3A_580 = arith.constant 32256 : i32
      %dma_wait3A_581 = tpu.memref_slice %arg6[%add3A, %dma_wait3A_580] : memref<4x36864xf32, #tpu.memory_space<hbm>> -> memref<1x4608xf32, #tpu.memory_space<hbm>>
      %dma_wait3A_582 = tpu.memref_squeeze %dma_wait3A_581 : memref<1x4608xf32, #tpu.memory_space<hbm>> -> memref<4608xf32, #tpu.memory_space<hbm>>
      tpu.wait_dma2 semaphore(%arg33 : memref<!tpu.dma_semaphore, #tpu.memory_space<semaphore_mem>>) src(%dma_wait3A_582 : memref<4608xf32, #tpu.memory_space<hbm>>) dst(%arg24 : memref<4608xf32, #tpu.memory_space<vmem>>)
      %dma_wait3A_583 = arith.constant 32256 : i32
      %dma_wait3A_584 = tpu.memref_slice %arg7[%dma_wait3A_583] : memref<36864xf32, #tpu.memory_space<hbm>> -> memref<4608xf32, #tpu.memory_space<hbm>>
      %dma_wait3A_585 = arith.constant 32256 : i32
      %dma_wait3A_586 = tpu.memref_slice %arg7[%dma_wait3A_585] : memref<36864xf32, #tpu.memory_space<hbm>> -> memref<4608xf32, #tpu.memory_space<hbm>>
      tpu.wait_dma2 semaphore(%arg33 : memref<!tpu.dma_semaphore, #tpu.memory_space<semaphore_mem>>) src(%dma_wait3A_586 : memref<4608xf32, #tpu.memory_space<hbm>>) dst(%arg25 : memref<4608xf32, #tpu.memory_space<vmem>>)
      %scan3A_587 = arith.constant 0 : i32
      %scan3A_588 = arith.constant 72 : i32
      %scan3A_589 = arith.addi %scan3A_587, %scan3A_588 : i32
      %scan3A_590 = arith.constant 1 : i32
      %scan3A_591 = scf.for %scan3A_679 = %scan3A_587 to %scan3A_589 step %scan3A_590 iter_args(%scan3A_680 = %scan3A_551) -> (i32)  : i32 {
        %mul3A_681 = arith.constant 4 : i32
        %mul3A_682 = arith.muli %scan3A_679, %mul3A_681 : i32
        %add3A_683 = arith.constant 0 : i32
        %add3A_684 = arith.addi %mul3A_682, %add3A_683 : i32
        %mul3A_685 = arith.constant 16 : i32
        %mul3A_686 = arith.muli %add3A_684, %mul3A_685 : i32
        %mul3A_687 = arith.constant 4 : i32
        %mul3A_688 = arith.muli %scan3A_679, %mul3A_687 : i32
        %add3A_689 = arith.constant 1 : i32
        %add3A_690 = arith.addi %mul3A_688, %add3A_689 : i32
        %mul3A_691 = arith.constant 16 : i32
        %mul3A_692 = arith.muli %add3A_690, %mul3A_691 : i32
        %mul3A_693 = arith.constant 4 : i32
        %mul3A_694 = arith.muli %scan3A_679, %mul3A_693 : i32
        %add3A_695 = arith.constant 2 : i32
        %add3A_696 = arith.addi %mul3A_694, %add3A_695 : i32
        %mul3A_697 = arith.constant 16 : i32
        %mul3A_698 = arith.muli %add3A_696, %mul3A_697 : i32
        %mul3A_699 = arith.constant 4 : i32
        %mul3A_700 = arith.muli %scan3A_679, %mul3A_699 : i32
        %add3A_701 = arith.constant 3 : i32
        %add3A_702 = arith.addi %mul3A_700, %add3A_701 : i32
        %mul3A_703 = arith.constant 16 : i32
        %mul3A_704 = arith.muli %add3A_702, %mul3A_703 : i32
        %get3A = arith.index_cast %mul3A_686 : i32 to index
        %get3A_705 = tpu.vector_load %arg20[%get3A] {strides = array<i32>} : memref<4608xf32, #tpu.memory_space<vmem>>, vector<16xf32>,
        %get3A_706 = arith.index_cast %mul3A_692 : i32 to index
        %get3A_707 = tpu.vector_load %arg20[%get3A_706] {strides = array<i32>} : memref<4608xf32, #tpu.memory_space<vmem>>, vector<16xf32>,
        %get3A_708 = arith.index_cast %mul3A_698 : i32 to index
        %get3A_709 = tpu.vector_load %arg20[%get3A_708] {strides = array<i32>} : memref<4608xf32, #tpu.memory_space<vmem>>, vector<16xf32>,
        %get3A_710 = arith.index_cast %mul3A_704 : i32 to index
        %get3A_711 = tpu.vector_load %arg20[%get3A_710] {strides = array<i32>} : memref<4608xf32, #tpu.memory_space<vmem>>, vector<16xf32>,
        %ge3A = arith.constant 0.000000e+00 : f32
        %ge3A_712 = vector.broadcast %ge3A : f32 to vector<16xf32>
        %ge3A_713 = arith.cmpf oge, %get3A_705, %ge3A_712 : vector<16xf32>
        %ge3A_714 = arith.constant 0.000000e+00 : f32
        %ge3A_715 = vector.broadcast %ge3A_714 : f32 to vector<16xf32>
        %ge3A_716 = arith.cmpf oge, %get3A_707, %ge3A_715 : vector<16xf32>
        %ge3A_717 = arith.constant 0.000000e+00 : f32
        %ge3A_718 = vector.broadcast %ge3A_717 : f32 to vector<16xf32>
        %ge3A_719 = arith.cmpf oge, %get3A_709, %ge3A_718 : vector<16xf32>
        %ge3A_720 = arith.constant 0.000000e+00 : f32
        %ge3A_721 = vector.broadcast %ge3A_720 : f32 to vector<16xf32>
        %ge3A_722 = arith.cmpf oge, %get3A_711, %ge3A_721 : vector<16xf32>
        %convert_element_type3A_723 = arith.extui %ge3A_713 : vector<16xi1> to vector<16xi32>
        %reduce_sum3A = arith.constant true
        %reduce_sum3A_724 = vector.broadcast %reduce_sum3A : i1 to vector<16xi1>
        %reduce_sum3A_725 = tpu.scan <sum>, %convert_element_type3A_723 masked %reduce_sum3A_724 : vector<16xi32>, vector<16xi1> -> vector<16xi32>
        %reduce_sum3A_726 = vector.extract %reduce_sum3A_725[15] : i32 from vector<16xi32>
        %convert_element_type3A_727 = arith.extui %ge3A_716 : vector<16xi1> to vector<16xi32>
        %reduce_sum3A_728 = arith.constant true
        %reduce_sum3A_729 = vector.broadcast %reduce_sum3A_728 : i1 to vector<16xi1>
        %reduce_sum3A_730 = tpu.scan <sum>, %convert_element_type3A_727 masked %reduce_sum3A_729 : vector<16xi32>, vector<16xi1> -> vector<16xi32>
        %reduce_sum3A_731 = vector.extract %reduce_sum3A_730[15] : i32 from vector<16xi32>
        %convert_element_type3A_732 = arith.extui %ge3A_719 : vector<16xi1> to vector<16xi32>
        %reduce_sum3A_733 = arith.constant true
        %reduce_sum3A_734 = vector.broadcast %reduce_sum3A_733 : i1 to vector<16xi1>
        %reduce_sum3A_735 = tpu.scan <sum>, %convert_element_type3A_732 masked %reduce_sum3A_734 : vector<16xi32>, vector<16xi1> -> vector<16xi32>
        %reduce_sum3A_736 = vector.extract %reduce_sum3A_735[15] : i32 from vector<16xi32>
        %convert_element_type3A_737 = arith.extui %ge3A_722 : vector<16xi1> to vector<16xi32>
        %reduce_sum3A_738 = arith.constant true
        %reduce_sum3A_739 = vector.broadcast %reduce_sum3A_738 : i1 to vector<16xi1>
        %reduce_sum3A_740 = tpu.scan <sum>, %convert_element_type3A_737 masked %reduce_sum3A_739 : vector<16xi32>, vector<16xi1> -> vector<16xi32>
        %reduce_sum3A_741 = vector.extract %reduce_sum3A_740[15] : i32 from vector<16xi32>
        %add3A_742 = arith.addi %scan3A_680, %reduce_sum3A_726 : i32
        %add3A_743 = arith.addi %scan3A_680, %reduce_sum3A_726 : i32
        %add3A_744 = arith.addi %add3A_743, %reduce_sum3A_731 : i32
        %add3A_745 = arith.addi %scan3A_680, %reduce_sum3A_726 : i32
        %add3A_746 = arith.addi %add3A_745, %reduce_sum3A_731 : i32
        %add3A_747 = arith.addi %add3A_746, %reduce_sum3A_736 : i32
        %swap3A_748 = arith.index_cast %scan3A_680 : i32 to index
        %swap3A_749 = tpu.vector_load %arg26[%swap3A_748] masked %ge3A_713 {strides = array<i32>} : memref<6016xf32, #tpu.memory_space<vmem>>, vector<16xf32>, vector<16xi1>
        tpu.vector_store %arg26[%swap3A_748], %get3A_705 masked %ge3A_713 {strides = array<i32>} : memref<6016xf32, #tpu.memory_space<vmem>>, vector<16xf32>, vector<16xi1>
        %get3A_750 = arith.index_cast %mul3A_686 : i32 to index
        %get3A_751 = tpu.vector_load %arg21[%get3A_750] {strides = array<i32>} : memref<4608xf32, #tpu.memory_space<vmem>>, vector<16xf32>,
        %swap3A_752 = arith.index_cast %scan3A_680 : i32 to index
        %swap3A_753 = tpu.vector_load %arg27[%swap3A_752] masked %ge3A_713 {strides = array<i32>} : memref<6016xf32, #tpu.memory_space<vmem>>, vector<16xf32>, vector<16xi1>
        tpu.vector_store %arg27[%swap3A_752], %get3A_751 masked %ge3A_713 {strides = array<i32>} : memref<6016xf32, #tpu.memory_space<vmem>>, vector<16xf32>, vector<16xi1>
        %get3A_754 = arith.index_cast %mul3A_686 : i32 to index
        %get3A_755 = tpu.vector_load %arg22[%get3A_754] {strides = array<i32>} : memref<4608xf32, #tpu.memory_space<vmem>>, vector<16xf32>,
        %swap3A_756 = arith.index_cast %scan3A_680 : i32 to index
        %swap3A_757 = tpu.vector_load %arg28[%swap3A_756] masked %ge3A_713 {strides = array<i32>} : memref<6016xf32, #tpu.memory_space<vmem>>, vector<16xf32>, vector<16xi1>
        tpu.vector_store %arg28[%swap3A_756], %get3A_755 masked %ge3A_713 {strides = array<i32>} : memref<6016xf32, #tpu.memory_space<vmem>>, vector<16xf32>, vector<16xi1>
        %get3A_758 = arith.index_cast %mul3A_686 : i32 to index
        %get3A_759 = tpu.vector_load %arg23[%get3A_758] {strides = array<i32>} : memref<4608xf32, #tpu.memory_space<vmem>>, vector<16xf32>,
        %swap3A_760 = arith.index_cast %scan3A_680 : i32 to index
        %swap3A_761 = tpu.vector_load %arg29[%swap3A_760] masked %ge3A_713 {strides = array<i32>} : memref<6016xf32, #tpu.memory_space<vmem>>, vector<16xf32>, vector<16xi1>
        tpu.vector_store %arg29[%swap3A_760], %get3A_759 masked %ge3A_713 {strides = array<i32>} : memref<6016xf32, #tpu.memory_space<vmem>>, vector<16xf32>, vector<16xi1>
        %get3A_762 = arith.index_cast %mul3A_686 : i32 to index
        %get3A_763 = tpu.vector_load %arg24[%get3A_762] {strides = array<i32>} : memref<4608xf32, #tpu.memory_space<vmem>>, vector<16xf32>,
        %swap3A_764 = arith.index_cast %scan3A_680 : i32 to index
        %swap3A_765 = tpu.vector_load %arg30[%swap3A_764] masked %ge3A_713 {strides = array<i32>} : memref<6016xf32, #tpu.memory_space<vmem>>, vector<16xf32>, vector<16xi1>
        tpu.vector_store %arg30[%swap3A_764], %get3A_763 masked %ge3A_713 {strides = array<i32>} : memref<6016xf32, #tpu.memory_space<vmem>>, vector<16xf32>, vector<16xi1>
        %get3A_766 = arith.index_cast %mul3A_686 : i32 to index
        %get3A_767 = tpu.vector_load %arg25[%get3A_766] {strides = array<i32>} : memref<4608xf32, #tpu.memory_space<vmem>>, vector<16xf32>,
        %swap3A_768 = arith.index_cast %scan3A_680 : i32 to index
        %swap3A_769 = tpu.vector_load %arg31[%swap3A_768] masked %ge3A_713 {strides = array<i32>} : memref<6016xf32, #tpu.memory_space<vmem>>, vector<16xf32>, vector<16xi1>
        tpu.vector_store %arg31[%swap3A_768], %get3A_767 masked %ge3A_713 {strides = array<i32>} : memref<6016xf32, #tpu.memory_space<vmem>>, vector<16xf32>, vector<16xi1>
        %swap3A_770 = arith.index_cast %add3A_742 : i32 to index
        %swap3A_771 = tpu.vector_load %arg26[%swap3A_770] masked %ge3A_716 {strides = array<i32>} : memref<6016xf32, #tpu.memory_space<vmem>>, vector<16xf32>, vector<16xi1>
        tpu.vector_store %arg26[%swap3A_770], %get3A_707 masked %ge3A_716 {strides = array<i32>} : memref<6016xf32, #tpu.memory_space<vmem>>, vector<16xf32>, vector<16xi1>
        %get3A_772 = arith.index_cast %mul3A_692 : i32 to index
        %get3A_773 = tpu.vector_load %arg21[%get3A_772] {strides = array<i32>} : memref<4608xf32, #tpu.memory_space<vmem>>, vector<16xf32>,
        %swap3A_774 = arith.index_cast %add3A_742 : i32 to index
        %swap3A_775 = tpu.vector_load %arg27[%swap3A_774] masked %ge3A_716 {strides = array<i32>} : memref<6016xf32, #tpu.memory_space<vmem>>, vector<16xf32>, vector<16xi1>
        tpu.vector_store %arg27[%swap3A_774], %get3A_773 masked %ge3A_716 {strides = array<i32>} : memref<6016xf32, #tpu.memory_space<vmem>>, vector<16xf32>, vector<16xi1>
        %get3A_776 = arith.index_cast %mul3A_692 : i32 to index
        %get3A_777 = tpu.vector_load %arg22[%get3A_776] {strides = array<i32>} : memref<4608xf32, #tpu.memory_space<vmem>>, vector<16xf32>,
        %swap3A_778 = arith.index_cast %add3A_742 : i32 to index
        %swap3A_779 = tpu.vector_load %arg28[%swap3A_778] masked %ge3A_716 {strides = array<i32>} : memref<6016xf32, #tpu.memory_space<vmem>>, vector<16xf32>, vector<16xi1>
        tpu.vector_store %arg28[%swap3A_778], %get3A_777 masked %ge3A_716 {strides = array<i32>} : memref<6016xf32, #tpu.memory_space<vmem>>, vector<16xf32>, vector<16xi1>
        %get3A_780 = arith.index_cast %mul3A_692 : i32 to index
        %get3A_781 = tpu.vector_load %arg23[%get3A_780] {strides = array<i32>} : memref<4608xf32, #tpu.memory_space<vmem>>, vector<16xf32>,
        %swap3A_782 = arith.index_cast %add3A_742 : i32 to index
        %swap3A_783 = tpu.vector_load %arg29[%swap3A_782] masked %ge3A_716 {strides = array<i32>} : memref<6016xf32, #tpu.memory_space<vmem>>, vector<16xf32>, vector<16xi1>
        tpu.vector_store %arg29[%swap3A_782], %get3A_781 masked %ge3A_716 {strides = array<i32>} : memref<6016xf32, #tpu.memory_space<vmem>>, vector<16xf32>, vector<16xi1>
        %get3A_784 = arith.index_cast %mul3A_692 : i32 to index
        %get3A_785 = tpu.vector_load %arg24[%get3A_784] {strides = array<i32>} : memref<4608xf32, #tpu.memory_space<vmem>>, vector<16xf32>,
        %swap3A_786 = arith.index_cast %add3A_742 : i32 to index
        %swap3A_787 = tpu.vector_load %arg30[%swap3A_786] masked %ge3A_716 {strides = array<i32>} : memref<6016xf32, #tpu.memory_space<vmem>>, vector<16xf32>, vector<16xi1>
        tpu.vector_store %arg30[%swap3A_786], %get3A_785 masked %ge3A_716 {strides = array<i32>} : memref<6016xf32, #tpu.memory_space<vmem>>, vector<16xf32>, vector<16xi1>
        %get3A_788 = arith.index_cast %mul3A_692 : i32 to index
        %get3A_789 = tpu.vector_load %arg25[%get3A_788] {strides = array<i32>} : memref<4608xf32, #tpu.memory_space<vmem>>, vector<16xf32>,
        %swap3A_790 = arith.index_cast %add3A_742 : i32 to index
        %swap3A_791 = tpu.vector_load %arg31[%swap3A_790] masked %ge3A_716 {strides = array<i32>} : memref<6016xf32, #tpu.memory_space<vmem>>, vector<16xf32>, vector<16xi1>
        tpu.vector_store %arg31[%swap3A_790], %get3A_789 masked %ge3A_716 {strides = array<i32>} : memref<6016xf32, #tpu.memory_space<vmem>>, vector<16xf32>, vector<16xi1>
        %swap3A_792 = arith.index_cast %add3A_744 : i32 to index
        %swap3A_793 = tpu.vector_load %arg26[%swap3A_792] masked %ge3A_719 {strides = array<i32>} : memref<6016xf32, #tpu.memory_space<vmem>>, vector<16xf32>, vector<16xi1>
        tpu.vector_store %arg26[%swap3A_792], %get3A_709 masked %ge3A_719 {strides = array<i32>} : memref<6016xf32, #tpu.memory_space<vmem>>, vector<16xf32>, vector<16xi1>
        %get3A_794 = arith.index_cast %mul3A_698 : i32 to index
        %get3A_795 = tpu.vector_load %arg21[%get3A_794] {strides = array<i32>} : memref<4608xf32, #tpu.memory_space<vmem>>, vector<16xf32>,
        %swap3A_796 = arith.index_cast %add3A_744 : i32 to index
        %swap3A_797 = tpu.vector_load %arg27[%swap3A_796] masked %ge3A_719 {strides = array<i32>} : memref<6016xf32, #tpu.memory_space<vmem>>, vector<16xf32>, vector<16xi1>
        tpu.vector_store %arg27[%swap3A_796], %get3A_795 masked %ge3A_719 {strides = array<i32>} : memref<6016xf32, #tpu.memory_space<vmem>>, vector<16xf32>, vector<16xi1>
        %get3A_798 = arith.index_cast %mul3A_698 : i32 to index
        %get3A_799 = tpu.vector_load %arg22[%get3A_798] {strides = array<i32>} : memref<4608xf32, #tpu.memory_space<vmem>>, vector<16xf32>,
        %swap3A_800 = arith.index_cast %add3A_744 : i32 to index
        %swap3A_801 = tpu.vector_load %arg28[%swap3A_800] masked %ge3A_719 {strides = array<i32>} : memref<6016xf32, #tpu.memory_space<vmem>>, vector<16xf32>, vector<16xi1>
        tpu.vector_store %arg28[%swap3A_800], %get3A_799 masked %ge3A_719 {strides = array<i32>} : memref<6016xf32, #tpu.memory_space<vmem>>, vector<16xf32>, vector<16xi1>
        %get3A_802 = arith.index_cast %mul3A_698 : i32 to index
        %get3A_803 = tpu.vector_load %arg23[%get3A_802] {strides = array<i32>} : memref<4608xf32, #tpu.memory_space<vmem>>, vector<16xf32>,
        %swap3A_804 = arith.index_cast %add3A_744 : i32 to index
        %swap3A_805 = tpu.vector_load %arg29[%swap3A_804] masked %ge3A_719 {strides = array<i32>} : memref<6016xf32, #tpu.memory_space<vmem>>, vector<16xf32>, vector<16xi1>
        tpu.vector_store %arg29[%swap3A_804], %get3A_803 masked %ge3A_719 {strides = array<i32>} : memref<6016xf32, #tpu.memory_space<vmem>>, vector<16xf32>, vector<16xi1>
        %get3A_806 = arith.index_cast %mul3A_698 : i32 to index
        %get3A_807 = tpu.vector_load %arg24[%get3A_806] {strides = array<i32>} : memref<4608xf32, #tpu.memory_space<vmem>>, vector<16xf32>,
        %swap3A_808 = arith.index_cast %add3A_744 : i32 to index
        %swap3A_809 = tpu.vector_load %arg30[%swap3A_808] masked %ge3A_719 {strides = array<i32>} : memref<6016xf32, #tpu.memory_space<vmem>>, vector<16xf32>, vector<16xi1>
        tpu.vector_store %arg30[%swap3A_808], %get3A_807 masked %ge3A_719 {strides = array<i32>} : memref<6016xf32, #tpu.memory_space<vmem>>, vector<16xf32>, vector<16xi1>
        %get3A_810 = arith.index_cast %mul3A_698 : i32 to index
        %get3A_811 = tpu.vector_load %arg25[%get3A_810] {strides = array<i32>} : memref<4608xf32, #tpu.memory_space<vmem>>, vector<16xf32>,
        %swap3A_812 = arith.index_cast %add3A_744 : i32 to index
        %swap3A_813 = tpu.vector_load %arg31[%swap3A_812] masked %ge3A_719 {strides = array<i32>} : memref<6016xf32, #tpu.memory_space<vmem>>, vector<16xf32>, vector<16xi1>
        tpu.vector_store %arg31[%swap3A_812], %get3A_811 masked %ge3A_719 {strides = array<i32>} : memref<6016xf32, #tpu.memory_space<vmem>>, vector<16xf32>, vector<16xi1>
        %swap3A_814 = arith.index_cast %add3A_747 : i32 to index
        %swap3A_815 = tpu.vector_load %arg26[%swap3A_814] masked %ge3A_722 {strides = array<i32>} : memref<6016xf32, #tpu.memory_space<vmem>>, vector<16xf32>, vector<16xi1>
        tpu.vector_store %arg26[%swap3A_814], %get3A_711 masked %ge3A_722 {strides = array<i32>} : memref<6016xf32, #tpu.memory_space<vmem>>, vector<16xf32>, vector<16xi1>
        %get3A_816 = arith.index_cast %mul3A_704 : i32 to index
        %get3A_817 = tpu.vector_load %arg21[%get3A_816] {strides = array<i32>} : memref<4608xf32, #tpu.memory_space<vmem>>, vector<16xf32>,
        %swap3A_818 = arith.index_cast %add3A_747 : i32 to index
        %swap3A_819 = tpu.vector_load %arg27[%swap3A_818] masked %ge3A_722 {strides = array<i32>} : memref<6016xf32, #tpu.memory_space<vmem>>, vector<16xf32>, vector<16xi1>
        tpu.vector_store %arg27[%swap3A_818], %get3A_817 masked %ge3A_722 {strides = array<i32>} : memref<6016xf32, #tpu.memory_space<vmem>>, vector<16xf32>, vector<16xi1>
        %get3A_820 = arith.index_cast %mul3A_704 : i32 to index
        %get3A_821 = tpu.vector_load %arg22[%get3A_820] {strides = array<i32>} : memref<4608xf32, #tpu.memory_space<vmem>>, vector<16xf32>,
        %swap3A_822 = arith.index_cast %add3A_747 : i32 to index
        %swap3A_823 = tpu.vector_load %arg28[%swap3A_822] masked %ge3A_722 {strides = array<i32>} : memref<6016xf32, #tpu.memory_space<vmem>>, vector<16xf32>, vector<16xi1>
        tpu.vector_store %arg28[%swap3A_822], %get3A_821 masked %ge3A_722 {strides = array<i32>} : memref<6016xf32, #tpu.memory_space<vmem>>, vector<16xf32>, vector<16xi1>
        %get3A_824 = arith.index_cast %mul3A_704 : i32 to index
        %get3A_825 = tpu.vector_load %arg23[%get3A_824] {strides = array<i32>} : memref<4608xf32, #tpu.memory_space<vmem>>, vector<16xf32>,
        %swap3A_826 = arith.index_cast %add3A_747 : i32 to index
        %swap3A_827 = tpu.vector_load %arg29[%swap3A_826] masked %ge3A_722 {strides = array<i32>} : memref<6016xf32, #tpu.memory_space<vmem>>, vector<16xf32>, vector<16xi1>
        tpu.vector_store %arg29[%swap3A_826], %get3A_825 masked %ge3A_722 {strides = array<i32>} : memref<6016xf32, #tpu.memory_space<vmem>>, vector<16xf32>, vector<16xi1>
        %get3A_828 = arith.index_cast %mul3A_704 : i32 to index
        %get3A_829 = tpu.vector_load %arg24[%get3A_828] {strides = array<i32>} : memref<4608xf32, #tpu.memory_space<vmem>>, vector<16xf32>,
        %swap3A_830 = arith.index_cast %add3A_747 : i32 to index
        %swap3A_831 = tpu.vector_load %arg30[%swap3A_830] masked %ge3A_722 {strides = array<i32>} : memref<6016xf32, #tpu.memory_space<vmem>>, vector<16xf32>, vector<16xi1>
        tpu.vector_store %arg30[%swap3A_830], %get3A_829 masked %ge3A_722 {strides = array<i32>} : memref<6016xf32, #tpu.memory_space<vmem>>, vector<16xf32>, vector<16xi1>
        %get3A_832 = arith.index_cast %mul3A_704 : i32 to index
        %get3A_833 = tpu.vector_load %arg25[%get3A_832] {strides = array<i32>} : memref<4608xf32, #tpu.memory_space<vmem>>, vector<16xf32>,
        %swap3A_834 = arith.index_cast %add3A_747 : i32 to index
        %swap3A_835 = tpu.vector_load %arg31[%swap3A_834] masked %ge3A_722 {strides = array<i32>} : memref<6016xf32, #tpu.memory_space<vmem>>, vector<16xf32>, vector<16xi1>
        tpu.vector_store %arg31[%swap3A_834], %get3A_833 masked %ge3A_722 {strides = array<i32>} : memref<6016xf32, #tpu.memory_space<vmem>>, vector<16xf32>, vector<16xi1>
        %add3A_836 = arith.addi %add3A_747, %reduce_sum3A_741 : i32
        scf.yield %add3A_836 : i32
      }
      %scan3A_592 = arith.constant 72 : i32
      %broadcast_in_dim3A = arith.constant 0.000000e+00 : f32
      %broadcast_in_dim3A_593 = vector.broadcast %broadcast_in_dim3A : f32 to vector<16xf32>
      %broadcast_in_dim3A_594 = arith.constant -1.000000e+00 : f32
      %broadcast_in_dim3A_595 = vector.broadcast %broadcast_in_dim3A_594 : f32 to vector<16xf32>
      %swap3A = arith.constant 6000 : index
      %swap3A_596 = tpu.vector_load %arg26[%swap3A] {strides = array<i32>} : memref<6016xf32, #tpu.memory_space<vmem>>, vector<16xf32>,
      tpu.vector_store %arg26[%swap3A], %broadcast_in_dim3A_595 {strides = array<i32>} : memref<6016xf32, #tpu.memory_space<vmem>>, vector<16xf32>,
      %swap3A_597 = arith.constant 6000 : index
      %swap3A_598 = tpu.vector_load %arg27[%swap3A_597] {strides = array<i32>} : memref<6016xf32, #tpu.memory_space<vmem>>, vector<16xf32>,
      tpu.vector_store %arg27[%swap3A_597], %broadcast_in_dim3A_593 {strides = array<i32>} : memref<6016xf32, #tpu.memory_space<vmem>>, vector<16xf32>,
      %swap3A_599 = arith.constant 6000 : index
      %swap3A_600 = tpu.vector_load %arg28[%swap3A_599] {strides = array<i32>} : memref<6016xf32, #tpu.memory_space<vmem>>, vector<16xf32>,
      tpu.vector_store %arg28[%swap3A_599], %broadcast_in_dim3A_593 {strides = array<i32>} : memref<6016xf32, #tpu.memory_space<vmem>>, vector<16xf32>,
      %swap3A_601 = arith.constant 6000 : index
      %swap3A_602 = tpu.vector_load %arg29[%swap3A_601] {strides = array<i32>} : memref<6016xf32, #tpu.memory_space<vmem>>, vector<16xf32>,
      tpu.vector_store %arg29[%swap3A_601], %broadcast_in_dim3A_593 {strides = array<i32>} : memref<6016xf32, #tpu.memory_space<vmem>>, vector<16xf32>,
      %swap3A_603 = arith.constant 6000 : index
      %swap3A_604 = tpu.vector_load %arg30[%swap3A_603] {strides = array<i32>} : memref<6016xf32, #tpu.memory_space<vmem>>, vector<16xf32>,
      tpu.vector_store %arg30[%swap3A_603], %broadcast_in_dim3A_593 {strides = array<i32>} : memref<6016xf32, #tpu.memory_space<vmem>>, vector<16xf32>,
      %swap3A_605 = arith.constant 6000 : index
      %swap3A_606 = tpu.vector_load %arg31[%swap3A_605] {strides = array<i32>} : memref<6016xf32, #tpu.memory_space<vmem>>, vector<16xf32>,
      tpu.vector_store %arg31[%swap3A_605], %broadcast_in_dim3A_593 {strides = array<i32>} : memref<6016xf32, #tpu.memory_space<vmem>>, vector<16xf32>,
      %dma_start3A_607 = arith.constant 0 : i32
      %dma_start3A_608 = tpu.memref_slice %arg8[%add3A, %dma_start3A_607] : memref<4x6016xf32, #tpu.memory_space<hbm>> -> memref<1x6016xf32, #tpu.memory_space<hbm>>
      %dma_start3A_609 = tpu.memref_squeeze %dma_start3A_608 : memref<1x6016xf32, #tpu.memory_space<hbm>> -> memref<6016xf32, #tpu.memory_space<hbm>>
      %dma_start3A_610 = arith.constant 0 : i32
      %dma_start3A_611 = tpu.memref_slice %arg8[%add3A, %dma_start3A_610] : memref<4x6016xf32, #tpu.memory_space<hbm>> -> memref<1x6016xf32, #tpu.memory_space<hbm>>
      %dma_start3A_612 = tpu.memref_squeeze %dma_start3A_611 : memref<1x6016xf32, #tpu.memory_space<hbm>> -> memref<6016xf32, #tpu.memory_space<hbm>>
      tpu.enqueue_dma source(%arg26 : memref<6016xf32, #tpu.memory_space<vmem>>) target(%dma_start3A_612 : memref<6016xf32, #tpu.memory_space<hbm>>) target_semaphore(%arg32 : memref<!tpu.dma_semaphore, #tpu.memory_space<semaphore_mem>>)
      %dma_start3A_613 = arith.constant 0 : i32
      %dma_start3A_614 = tpu.memref_slice %arg9[%add3A, %dma_start3A_613] : memref<4x6016xf32, #tpu.memory_space<hbm>> -> memref<1x6016xf32, #tpu.memory_space<hbm>>
      %dma_start3A_615 = tpu.memref_squeeze %dma_start3A_614 : memref<1x6016xf32, #tpu.memory_space<hbm>> -> memref<6016xf32, #tpu.memory_space<hbm>>
      %dma_start3A_616 = arith.constant 0 : i32
      %dma_start3A_617 = tpu.memref_slice %arg9[%add3A, %dma_start3A_616] : memref<4x6016xf32, #tpu.memory_space<hbm>> -> memref<1x6016xf32, #tpu.memory_space<hbm>>
      %dma_start3A_618 = tpu.memref_squeeze %dma_start3A_617 : memref<1x6016xf32, #tpu.memory_space<hbm>> -> memref<6016xf32, #tpu.memory_space<hbm>>
      tpu.enqueue_dma source(%arg27 : memref<6016xf32, #tpu.memory_space<vmem>>) target(%dma_start3A_618 : memref<6016xf32, #tpu.memory_space<hbm>>) target_semaphore(%arg32 : memref<!tpu.dma_semaphore, #tpu.memory_space<semaphore_mem>>)
      %dma_start3A_619 = arith.constant 0 : i32
      %dma_start3A_620 = tpu.memref_slice %arg10[%add3A, %dma_start3A_619] : memref<4x6016xf32, #tpu.memory_space<hbm>> -> memref<1x6016xf32, #tpu.memory_space<hbm>>
      %dma_start3A_621 = tpu.memref_squeeze %dma_start3A_620 : memref<1x6016xf32, #tpu.memory_space<hbm>> -> memref<6016xf32, #tpu.memory_space<hbm>>
      %dma_start3A_622 = arith.constant 0 : i32
      %dma_start3A_623 = tpu.memref_slice %arg10[%add3A, %dma_start3A_622] : memref<4x6016xf32, #tpu.memory_space<hbm>> -> memref<1x6016xf32, #tpu.memory_space<hbm>>
      %dma_start3A_624 = tpu.memref_squeeze %dma_start3A_623 : memref<1x6016xf32, #tpu.memory_space<hbm>> -> memref<6016xf32, #tpu.memory_space<hbm>>
      tpu.enqueue_dma source(%arg28 : memref<6016xf32, #tpu.memory_space<vmem>>) target(%dma_start3A_624 : memref<6016xf32, #tpu.memory_space<hbm>>) target_semaphore(%arg32 : memref<!tpu.dma_semaphore, #tpu.memory_space<semaphore_mem>>)
      %dma_start3A_625 = arith.constant 0 : i32
      %dma_start3A_626 = tpu.memref_slice %arg11[%add3A, %dma_start3A_625] : memref<4x6016xf32, #tpu.memory_space<hbm>> -> memref<1x6016xf32, #tpu.memory_space<hbm>>
      %dma_start3A_627 = tpu.memref_squeeze %dma_start3A_626 : memref<1x6016xf32, #tpu.memory_space<hbm>> -> memref<6016xf32, #tpu.memory_space<hbm>>
      %dma_start3A_628 = arith.constant 0 : i32
      %dma_start3A_629 = tpu.memref_slice %arg11[%add3A, %dma_start3A_628] : memref<4x6016xf32, #tpu.memory_space<hbm>> -> memref<1x6016xf32, #tpu.memory_space<hbm>>
      %dma_start3A_630 = tpu.memref_squeeze %dma_start3A_629 : memref<1x6016xf32, #tpu.memory_space<hbm>> -> memref<6016xf32, #tpu.memory_space<hbm>>
      tpu.enqueue_dma source(%arg29 : memref<6016xf32, #tpu.memory_space<vmem>>) target(%dma_start3A_630 : memref<6016xf32, #tpu.memory_space<hbm>>) target_semaphore(%arg32 : memref<!tpu.dma_semaphore, #tpu.memory_space<semaphore_mem>>)
      %dma_start3A_631 = arith.constant 0 : i32
      %dma_start3A_632 = tpu.memref_slice %arg12[%add3A, %dma_start3A_631] : memref<4x6016xf32, #tpu.memory_space<hbm>> -> memref<1x6016xf32, #tpu.memory_space<hbm>>
      %dma_start3A_633 = tpu.memref_squeeze %dma_start3A_632 : memref<1x6016xf32, #tpu.memory_space<hbm>> -> memref<6016xf32, #tpu.memory_space<hbm>>
      %dma_start3A_634 = arith.constant 0 : i32
      %dma_start3A_635 = tpu.memref_slice %arg12[%add3A, %dma_start3A_634] : memref<4x6016xf32, #tpu.memory_space<hbm>> -> memref<1x6016xf32, #tpu.memory_space<hbm>>
      %dma_start3A_636 = tpu.memref_squeeze %dma_start3A_635 : memref<1x6016xf32, #tpu.memory_space<hbm>> -> memref<6016xf32, #tpu.memory_space<hbm>>
      tpu.enqueue_dma source(%arg30 : memref<6016xf32, #tpu.memory_space<vmem>>) target(%dma_start3A_636 : memref<6016xf32, #tpu.memory_space<hbm>>) target_semaphore(%arg32 : memref<!tpu.dma_semaphore, #tpu.memory_space<semaphore_mem>>)
      %dma_start3A_637 = arith.constant 0 : i32
      %dma_start3A_638 = tpu.memref_slice %arg13[%add3A, %dma_start3A_637] : memref<4x6016xf32, #tpu.memory_space<hbm>> -> memref<1x6016xf32, #tpu.memory_space<hbm>>
      %dma_start3A_639 = tpu.memref_squeeze %dma_start3A_638 : memref<1x6016xf32, #tpu.memory_space<hbm>> -> memref<6016xf32, #tpu.memory_space<hbm>>
      %dma_start3A_640 = arith.constant 0 : i32
      %dma_start3A_641 = tpu.memref_slice %arg13[%add3A, %dma_start3A_640] : memref<4x6016xf32, #tpu.memory_space<hbm>> -> memref<1x6016xf32, #tpu.memory_space<hbm>>
      %dma_start3A_642 = tpu.memref_squeeze %dma_start3A_641 : memref<1x6016xf32, #tpu.memory_space<hbm>> -> memref<6016xf32, #tpu.memory_space<hbm>>
      tpu.enqueue_dma source(%arg31 : memref<6016xf32, #tpu.memory_space<vmem>>) target(%dma_start3A_642 : memref<6016xf32, #tpu.memory_space<hbm>>) target_semaphore(%arg32 : memref<!tpu.dma_semaphore, #tpu.memory_space<semaphore_mem>>)
      %dma_wait3A_643 = arith.constant 0 : i32
      %dma_wait3A_644 = tpu.memref_slice %arg8[%add3A, %dma_wait3A_643] : memref<4x6016xf32, #tpu.memory_space<hbm>> -> memref<1x6016xf32, #tpu.memory_space<hbm>>
      %dma_wait3A_645 = tpu.memref_squeeze %dma_wait3A_644 : memref<1x6016xf32, #tpu.memory_space<hbm>> -> memref<6016xf32, #tpu.memory_space<hbm>>
      %dma_wait3A_646 = arith.constant 0 : i32
      %dma_wait3A_647 = tpu.memref_slice %arg8[%add3A, %dma_wait3A_646] : memref<4x6016xf32, #tpu.memory_space<hbm>> -> memref<1x6016xf32, #tpu.memory_space<hbm>>
      %dma_wait3A_648 = tpu.memref_squeeze %dma_wait3A_647 : memref<1x6016xf32, #tpu.memory_space<hbm>> -> memref<6016xf32, #tpu.memory_space<hbm>>
      tpu.wait_dma2 semaphore(%arg32 : memref<!tpu.dma_semaphore, #tpu.memory_space<semaphore_mem>>) src(%arg26 : memref<6016xf32, #tpu.memory_space<vmem>>) dst(%dma_wait3A_648 : memref<6016xf32, #tpu.memory_space<hbm>>)
      %dma_wait3A_649 = arith.constant 0 : i32
      %dma_wait3A_650 = tpu.memref_slice %arg9[%add3A, %dma_wait3A_649] : memref<4x6016xf32, #tpu.memory_space<hbm>> -> memref<1x6016xf32, #tpu.memory_space<hbm>>
      %dma_wait3A_651 = tpu.memref_squeeze %dma_wait3A_650 : memref<1x6016xf32, #tpu.memory_space<hbm>> -> memref<6016xf32, #tpu.memory_space<hbm>>
      %dma_wait3A_652 = arith.constant 0 : i32
      %dma_wait3A_653 = tpu.memref_slice %arg9[%add3A, %dma_wait3A_652] : memref<4x6016xf32, #tpu.memory_space<hbm>> -> memref<1x6016xf32, #tpu.memory_space<hbm>>
      %dma_wait3A_654 = tpu.memref_squeeze %dma_wait3A_653 : memref<1x6016xf32, #tpu.memory_space<hbm>> -> memref<6016xf32, #tpu.memory_space<hbm>>
      tpu.wait_dma2 semaphore(%arg32 : memref<!tpu.dma_semaphore, #tpu.memory_space<semaphore_mem>>) src(%arg27 : memref<6016xf32, #tpu.memory_space<vmem>>) dst(%dma_wait3A_654 : memref<6016xf32, #tpu.memory_space<hbm>>)
      %dma_wait3A_655 = arith.constant 0 : i32
      %dma_wait3A_656 = tpu.memref_slice %arg10[%add3A, %dma_wait3A_655] : memref<4x6016xf32, #tpu.memory_space<hbm>> -> memref<1x6016xf32, #tpu.memory_space<hbm>>
      %dma_wait3A_657 = tpu.memref_squeeze %dma_wait3A_656 : memref<1x6016xf32, #tpu.memory_space<hbm>> -> memref<6016xf32, #tpu.memory_space<hbm>>
      %dma_wait3A_658 = arith.constant 0 : i32
      %dma_wait3A_659 = tpu.memref_slice %arg10[%add3A, %dma_wait3A_658] : memref<4x6016xf32, #tpu.memory_space<hbm>> -> memref<1x6016xf32, #tpu.memory_space<hbm>>
      %dma_wait3A_660 = tpu.memref_squeeze %dma_wait3A_659 : memref<1x6016xf32, #tpu.memory_space<hbm>> -> memref<6016xf32, #tpu.memory_space<hbm>>
      tpu.wait_dma2 semaphore(%arg32 : memref<!tpu.dma_semaphore, #tpu.memory_space<semaphore_mem>>) src(%arg28 : memref<6016xf32, #tpu.memory_space<vmem>>) dst(%dma_wait3A_660 : memref<6016xf32, #tpu.memory_space<hbm>>)
      %dma_wait3A_661 = arith.constant 0 : i32
      %dma_wait3A_662 = tpu.memref_slice %arg11[%add3A, %dma_wait3A_661] : memref<4x6016xf32, #tpu.memory_space<hbm>> -> memref<1x6016xf32, #tpu.memory_space<hbm>>
      %dma_wait3A_663 = tpu.memref_squeeze %dma_wait3A_662 : memref<1x6016xf32, #tpu.memory_space<hbm>> -> memref<6016xf32, #tpu.memory_space<hbm>>
      %dma_wait3A_664 = arith.constant 0 : i32
      %dma_wait3A_665 = tpu.memref_slice %arg11[%add3A, %dma_wait3A_664] : memref<4x6016xf32, #tpu.memory_space<hbm>> -> memref<1x6016xf32, #tpu.memory_space<hbm>>
      %dma_wait3A_666 = tpu.memref_squeeze %dma_wait3A_665 : memref<1x6016xf32, #tpu.memory_space<hbm>> -> memref<6016xf32, #tpu.memory_space<hbm>>
      tpu.wait_dma2 semaphore(%arg32 : memref<!tpu.dma_semaphore, #tpu.memory_space<semaphore_mem>>) src(%arg29 : memref<6016xf32, #tpu.memory_space<vmem>>) dst(%dma_wait3A_666 : memref<6016xf32, #tpu.memory_space<hbm>>)
      %dma_wait3A_667 = arith.constant 0 : i32
      %dma_wait3A_668 = tpu.memref_slice %arg12[%add3A, %dma_wait3A_667] : memref<4x6016xf32, #tpu.memory_space<hbm>> -> memref<1x6016xf32, #tpu.memory_space<hbm>>
      %dma_wait3A_669 = tpu.memref_squeeze %dma_wait3A_668 : memref<1x6016xf32, #tpu.memory_space<hbm>> -> memref<6016xf32, #tpu.memory_space<hbm>>
      %dma_wait3A_670 = arith.constant 0 : i32
      %dma_wait3A_671 = tpu.memref_slice %arg12[%add3A, %dma_wait3A_670] : memref<4x6016xf32, #tpu.memory_space<hbm>> -> memref<1x6016xf32, #tpu.memory_space<hbm>>
      %dma_wait3A_672 = tpu.memref_squeeze %dma_wait3A_671 : memref<1x6016xf32, #tpu.memory_space<hbm>> -> memref<6016xf32, #tpu.memory_space<hbm>>
      tpu.wait_dma2 semaphore(%arg32 : memref<!tpu.dma_semaphore, #tpu.memory_space<semaphore_mem>>) src(%arg30 : memref<6016xf32, #tpu.memory_space<vmem>>) dst(%dma_wait3A_672 : memref<6016xf32, #tpu.memory_space<hbm>>)
      %dma_wait3A_673 = arith.constant 0 : i32
      %dma_wait3A_674 = tpu.memref_slice %arg13[%add3A, %dma_wait3A_673] : memref<4x6016xf32, #tpu.memory_space<hbm>> -> memref<1x6016xf32, #tpu.memory_space<hbm>>
      %dma_wait3A_675 = tpu.memref_squeeze %dma_wait3A_674 : memref<1x6016xf32, #tpu.memory_space<hbm>> -> memref<6016xf32, #tpu.memory_space<hbm>>
      %dma_wait3A_676 = arith.constant 0 : i32
      %dma_wait3A_677 = tpu.memref_slice %arg13[%add3A, %dma_wait3A_676] : memref<4x6016xf32, #tpu.memory_space<hbm>> -> memref<1x6016xf32, #tpu.memory_space<hbm>>
      %dma_wait3A_678 = tpu.memref_squeeze %dma_wait3A_677 : memref<1x6016xf32, #tpu.memory_space<hbm>> -> memref<6016xf32, #tpu.memory_space<hbm>>
      tpu.wait_dma2 semaphore(%arg32 : memref<!tpu.dma_semaphore, #tpu.memory_space<semaphore_mem>>) src(%arg31 : memref<6016xf32, #tpu.memory_space<vmem>>) dst(%dma_wait3A_678 : memref<6016xf32, #tpu.memory_space<hbm>>)
    } else {
    }
    return
  }
}

module attributes {stable_mosaic.version = 14 : i64} {
  func.func @_prep_kernel(%arg0: memref<4x288x128xf32, #tpu.memory_space<vmem>>, %arg1: memref<4x288x128xf32, #tpu.memory_space<vmem>>, %arg2: memref<4x288x128xf32, #tpu.memory_space<vmem>>, %arg3: memref<4x288x128xf32, #tpu.memory_space<vmem>>, %arg4: memref<4x288x128xf32, #tpu.memory_space<vmem>>, %arg5: memref<4x288x128xf32, #tpu.memory_space<vmem>>, %arg6: memref<4x3xf32, #tpu.memory_space<vmem>>, %arg7: memref<4x288x128xf32, #tpu.memory_space<vmem>>, %arg8: memref<4x288x128xf32, #tpu.memory_space<vmem>>, %arg9: memref<4x288x128xf32, #tpu.memory_space<vmem>>, %arg10: memref<4x288x128xf32, #tpu.memory_space<vmem>>, %arg11: memref<4x288x128xf32, #tpu.memory_space<vmem>>) attributes {dimension_semantics = [], scalar_prefetch = 0 : i64, scratch_operands = 0 : i64, tpu.core_type = #tpu.core_type<tc>} {
    %iota3A = tpu.iota {dimensions = array<i32: 0>} : vector<288x128xi32>
    %iota3A_0 = tpu.iota {dimensions = array<i32: 1>} : vector<288x128xi32>
    %mul3A = arith.constant 128 : i32
    %mul3A_1 = vector.broadcast %mul3A : i32 to vector<288x128xi32>
    %mul3A_2 = arith.muli %iota3A, %mul3A_1 : vector<288x128xi32>
    %add3A = arith.addi %mul3A_2, %iota3A_0 : vector<288x128xi32>
    %and3A = arith.constant 4095 : i32
    %and3A_3 = vector.broadcast %and3A : i32 to vector<288x128xi32>
    %and3A_4 = arith.andi %add3A, %and3A_3 : vector<288x128xi32>
    %mul3A_5 = arith.constant 9 : i32
    %mul3A_6 = vector.broadcast %mul3A_5 : i32 to vector<288x128xi32>
    %mul3A_7 = arith.muli %and3A_4, %mul3A_6 : vector<288x128xi32>
    %shift_right_arithmetic3A = arith.constant 12 : i32
    %shift_right_arithmetic3A_8 = vector.broadcast %shift_right_arithmetic3A : i32 to vector<288x128xi32>
    %shift_right_arithmetic3A_9 = arith.shrsi %add3A, %shift_right_arithmetic3A_8 : vector<288x128xi32>
    %add3A_10 = arith.addi %mul3A_7, %shift_right_arithmetic3A_9 : vector<288x128xi32>
    %get3A = arith.constant 0 : index
    %get3A_11 = arith.constant 0 : index
    %get3A_12 = arith.constant 0 : index
    %get3A_13 = vector.load %arg5[%get3A, %get3A_11, %get3A_12] : memref<4x288x128xf32, #tpu.memory_space<vmem>>, vector<1x288x128xf32>
    %get3A_14 = vector.shape_cast %get3A_13 : vector<1x288x128xf32> to vector<288x128xf32>
    %get3A_15 = arith.constant 1 : index
    %get3A_16 = arith.constant 0 : index
    %get3A_17 = arith.constant 0 : index
    %get3A_18 = vector.load %arg5[%get3A_15, %get3A_16, %get3A_17] : memref<4x288x128xf32, #tpu.memory_space<vmem>>, vector<1x288x128xf32>
    %get3A_19 = vector.shape_cast %get3A_18 : vector<1x288x128xf32> to vector<288x128xf32>
    %get3A_20 = arith.constant 2 : index
    %get3A_21 = arith.constant 0 : index
    %get3A_22 = arith.constant 0 : index
    %get3A_23 = vector.load %arg5[%get3A_20, %get3A_21, %get3A_22] : memref<4x288x128xf32, #tpu.memory_space<vmem>>, vector<1x288x128xf32>
    %get3A_24 = vector.shape_cast %get3A_23 : vector<1x288x128xf32> to vector<288x128xf32>
    %get3A_25 = arith.constant 3 : index
    %get3A_26 = arith.constant 0 : index
    %get3A_27 = arith.constant 0 : index
    %get3A_28 = vector.load %arg5[%get3A_25, %get3A_26, %get3A_27] : memref<4x288x128xf32, #tpu.memory_space<vmem>>, vector<1x288x128xf32>
    %get3A_29 = vector.shape_cast %get3A_28 : vector<1x288x128xf32> to vector<288x128xf32>
    %sub3A = arith.subf %get3A_24, %get3A_14 : vector<288x128xf32>
    %add3A_30 = arith.constant 1.000000e+00 : f32
    %add3A_31 = vector.broadcast %add3A_30 : f32 to vector<288x128xf32>
    %add3A_32 = arith.addf %sub3A, %add3A_31 : vector<288x128xf32>
    %sub3A_33 = arith.subf %get3A_29, %get3A_19 : vector<288x128xf32>
    %add3A_34 = arith.constant 1.000000e+00 : f32
    %add3A_35 = vector.broadcast %add3A_34 : f32 to vector<288x128xf32>
    %add3A_36 = arith.addf %sub3A_33, %add3A_35 : vector<288x128xf32>
    %mul3A_37 = arith.constant 5.000000e-01 : f32
    %mul3A_38 = vector.broadcast %mul3A_37 : f32 to vector<288x128xf32>
    %mul3A_39 = arith.mulf %mul3A_38, %add3A_32 : vector<288x128xf32>
    %add3A_40 = arith.addf %get3A_14, %mul3A_39 : vector<288x128xf32>
    %mul3A_41 = arith.constant 5.000000e-01 : f32
    %mul3A_42 = vector.broadcast %mul3A_41 : f32 to vector<288x128xf32>
    %mul3A_43 = arith.mulf %mul3A_42, %add3A_36 : vector<288x128xf32>
    %add3A_44 = arith.addf %get3A_19, %mul3A_43 : vector<288x128xf32>
    %get3A_45 = arith.constant 0 : index
    %get3A_46 = arith.constant 0 : index
    %get3A_47 = arith.constant 0 : index
    %get3A_48 = vector.load %arg1[%get3A_45, %get3A_46, %get3A_47] : memref<4x288x128xf32, #tpu.memory_space<vmem>>, vector<4x288x128xf32>
    %get3A_49 = arith.constant 0 : index
    %get3A_50 = arith.constant 0 : index
    %get3A_51 = arith.constant 0 : index
    %get3A_52 = vector.load %arg2[%get3A_49, %get3A_50, %get3A_51] : memref<4x288x128xf32, #tpu.memory_space<vmem>>, vector<4x288x128xf32>
    %get3A_53 = arith.constant 0 : index
    %get3A_54 = arith.constant 0 : index
    %get3A_55 = arith.constant 0 : index
    %get3A_56 = vector.load %arg3[%get3A_53, %get3A_54, %get3A_55] : memref<4x288x128xf32, #tpu.memory_space<vmem>>, vector<4x288x128xf32>
    %get3A_57 = arith.constant 0 : index
    %get3A_58 = arith.constant 0 : index
    %get3A_59 = arith.constant 0 : index
    %get3A_60 = vector.load %arg4[%get3A_57, %get3A_58, %get3A_59] : memref<4x288x128xf32, #tpu.memory_space<vmem>>, vector<4x288x128xf32>
    %broadcast_in_dim3A = vector.shape_cast %add3A_32 : vector<288x128xf32> to vector<1x288x128xf32>
    %mul3A_61 = vector.broadcast %broadcast_in_dim3A : vector<1x288x128xf32> to vector<4x288x128xf32>
    %mul3A_62 = arith.mulf %get3A_48, %mul3A_61 : vector<4x288x128xf32>
    %broadcast_in_dim3A_63 = vector.shape_cast %add3A_40 : vector<288x128xf32> to vector<1x288x128xf32>
    %add3A_64 = vector.broadcast %broadcast_in_dim3A_63 : vector<1x288x128xf32> to vector<4x288x128xf32>
    %add3A_65 = arith.addf %mul3A_62, %add3A_64 : vector<4x288x128xf32>
    %broadcast_in_dim3A_66 = vector.shape_cast %add3A_36 : vector<288x128xf32> to vector<1x288x128xf32>
    %mul3A_67 = vector.broadcast %broadcast_in_dim3A_66 : vector<1x288x128xf32> to vector<4x288x128xf32>
    %mul3A_68 = arith.mulf %get3A_52, %mul3A_67 : vector<4x288x128xf32>
    %broadcast_in_dim3A_69 = vector.shape_cast %add3A_44 : vector<288x128xf32> to vector<1x288x128xf32>
    %add3A_70 = vector.broadcast %broadcast_in_dim3A_69 : vector<1x288x128xf32> to vector<4x288x128xf32>
    %add3A_71 = arith.addf %mul3A_68, %add3A_70 : vector<4x288x128xf32>
    %exp3A = math.exp %get3A_56 : vector<4x288x128xf32>
    %broadcast_in_dim3A_72 = vector.shape_cast %add3A_32 : vector<288x128xf32> to vector<1x288x128xf32>
    %mul3A_73 = vector.broadcast %broadcast_in_dim3A_72 : vector<1x288x128xf32> to vector<4x288x128xf32>
    %mul3A_74 = arith.mulf %exp3A, %mul3A_73 : vector<4x288x128xf32>
    %exp3A_75 = math.exp %get3A_60 : vector<4x288x128xf32>
    %broadcast_in_dim3A_76 = vector.shape_cast %add3A_36 : vector<288x128xf32> to vector<1x288x128xf32>
    %mul3A_77 = vector.broadcast %broadcast_in_dim3A_76 : vector<1x288x128xf32> to vector<4x288x128xf32>
    %mul3A_78 = arith.mulf %exp3A_75, %mul3A_77 : vector<4x288x128xf32>
    %mul3A_79 = arith.constant 5.000000e-01 : f32
    %mul3A_80 = vector.broadcast %mul3A_79 : f32 to vector<4x288x128xf32>
    %mul3A_81 = arith.mulf %mul3A_80, %mul3A_74 : vector<4x288x128xf32>
    %sub3A_82 = arith.subf %add3A_65, %mul3A_81 : vector<4x288x128xf32>
    %mul3A_83 = arith.constant 5.000000e-01 : f32
    %mul3A_84 = vector.broadcast %mul3A_83 : f32 to vector<4x288x128xf32>
    %mul3A_85 = arith.mulf %mul3A_84, %mul3A_78 : vector<4x288x128xf32>
    %sub3A_86 = arith.subf %add3A_71, %mul3A_85 : vector<4x288x128xf32>
    %mul3A_87 = arith.constant 5.000000e-01 : f32
    %mul3A_88 = vector.broadcast %mul3A_87 : f32 to vector<4x288x128xf32>
    %mul3A_89 = arith.mulf %mul3A_88, %mul3A_74 : vector<4x288x128xf32>
    %add3A_90 = arith.addf %add3A_65, %mul3A_89 : vector<4x288x128xf32>
    %mul3A_91 = arith.constant 5.000000e-01 : f32
    %mul3A_92 = vector.broadcast %mul3A_91 : f32 to vector<4x288x128xf32>
    %mul3A_93 = arith.mulf %mul3A_92, %mul3A_78 : vector<4x288x128xf32>
    %add3A_94 = arith.addf %add3A_71, %mul3A_93 : vector<4x288x128xf32>
    %get3A_95 = arith.constant 0 : index
    %get3A_96 = arith.constant 0 : index
    %get3A_97 = vector.load %arg6[%get3A_95, %get3A_96] : memref<4x3xf32, #tpu.memory_space<vmem>>, vector<4x3xf32>
    %slice3A = vector.extract_strided_slice %get3A_97 {offsets = [0, 0], sizes = [4, 1], strides = [1, 1]} : vector<4x3xf32> to vector<4x1xf32>
    %squeeze3A = vector.shape_cast %slice3A : vector<4x1xf32> to vector<4xf32>
    %reshape3A = vector.shape_cast %squeeze3A : vector<4xf32> to vector<4x1x1xf32>
    %slice3A_98 = vector.extract_strided_slice %get3A_97 {offsets = [0, 1], sizes = [4, 1], strides = [1, 1]} : vector<4x3xf32> to vector<4x1xf32>
    %squeeze3A_99 = vector.shape_cast %slice3A_98 : vector<4x1xf32> to vector<4xf32>
    %reshape3A_100 = vector.shape_cast %squeeze3A_99 : vector<4xf32> to vector<4x1x1xf32>
    %sub3A_101 = arith.constant 1.000000e+00 : f32
    %sub3A_102 = vector.broadcast %sub3A_101 : f32 to vector<4x1x1xf32>
    %sub3A_103 = arith.subf %reshape3A_100, %sub3A_102 : vector<4x1x1xf32>
    %jit3A = arith.constant 0.000000e+00 : f32
    %max3A = vector.broadcast %jit3A : f32 to vector<4x288x128xf32>
    %max3A_104 = arith.maximumf %max3A, %sub3A_82 : vector<4x288x128xf32>
    %min3A = vector.broadcast %sub3A_103 : vector<4x1x1xf32> to vector<4x288x128xf32>
    %min3A_105 = arith.minimumf %min3A, %max3A_104 : vector<4x288x128xf32>
    %sub3A_106 = arith.constant 1.000000e+00 : f32
    %sub3A_107 = vector.broadcast %sub3A_106 : f32 to vector<4x1x1xf32>
    %sub3A_108 = arith.subf %reshape3A, %sub3A_107 : vector<4x1x1xf32>
    %jit3A_109 = arith.constant 0.000000e+00 : f32
    %max3A_110 = vector.broadcast %jit3A_109 : f32 to vector<4x288x128xf32>
    %max3A_111 = arith.maximumf %max3A_110, %sub3A_86 : vector<4x288x128xf32>
    %min3A_112 = vector.broadcast %sub3A_108 : vector<4x1x1xf32> to vector<4x288x128xf32>
    %min3A_113 = arith.minimumf %min3A_112, %max3A_111 : vector<4x288x128xf32>
    %sub3A_114 = arith.constant 1.000000e+00 : f32
    %sub3A_115 = vector.broadcast %sub3A_114 : f32 to vector<4x1x1xf32>
    %sub3A_116 = arith.subf %reshape3A_100, %sub3A_115 : vector<4x1x1xf32>
    %jit3A_117 = arith.constant 0.000000e+00 : f32
    %max3A_118 = vector.broadcast %jit3A_117 : f32 to vector<4x288x128xf32>
    %max3A_119 = arith.maximumf %max3A_118, %add3A_90 : vector<4x288x128xf32>
    %min3A_120 = vector.broadcast %sub3A_116 : vector<4x1x1xf32> to vector<4x288x128xf32>
    %min3A_121 = arith.minimumf %min3A_120, %max3A_119 : vector<4x288x128xf32>
    %sub3A_122 = arith.constant 1.000000e+00 : f32
    %sub3A_123 = vector.broadcast %sub3A_122 : f32 to vector<4x1x1xf32>
    %sub3A_124 = arith.subf %reshape3A, %sub3A_123 : vector<4x1x1xf32>
    %jit3A_125 = arith.constant 0.000000e+00 : f32
    %max3A_126 = vector.broadcast %jit3A_125 : f32 to vector<4x288x128xf32>
    %max3A_127 = arith.maximumf %max3A_126, %add3A_94 : vector<4x288x128xf32>
    %min3A_128 = vector.broadcast %sub3A_124 : vector<4x1x1xf32> to vector<4x288x128xf32>
    %min3A_129 = arith.minimumf %min3A_128, %max3A_127 : vector<4x288x128xf32>
    %get3A_130 = arith.constant 0 : index
    %get3A_131 = arith.constant 0 : index
    %get3A_132 = arith.constant 0 : index
    %get3A_133 = vector.load %arg0[%get3A_130, %get3A_131, %get3A_132] : memref<4x288x128xf32, #tpu.memory_space<vmem>>, vector<4x288x128xf32>
    %bitcast_convert_type3A = tpu.bitcast %get3A_133 : vector<4x288x128xf32> -> vector<4x288x128xi32>
    %broadcast_in_dim3A_134 = arith.constant 0 : i32
    %broadcast_in_dim3A_135 = vector.broadcast %broadcast_in_dim3A_134 : i32 to vector<4x1x1xi32>
    %broadcast_in_dim3A_136 = arith.constant 1073741824 : i32
    %broadcast_in_dim3A_137 = vector.broadcast %broadcast_in_dim3A_136 : i32 to vector<4x1x1xi32>
    %scan3A = arith.constant 0 : i32
    %scan3A_138 = arith.constant 31 : i32
    %scan3A_139 = arith.addi %scan3A, %scan3A_138 : i32
    %scan3A_140 = arith.constant 1 : i32
    %scan3A_141:2 = scf.for %scan3A_185 = %scan3A to %scan3A_139 step %scan3A_140 iter_args(%scan3A_186 = %broadcast_in_dim3A_135, %scan3A_187 = %broadcast_in_dim3A_137) -> (vector<4x1x1xi32>, vector<4x1x1xi32>)  : i32 {
      %sub3A_188 = arith.subi %scan3A_187, %scan3A_186 : vector<4x1x1xi32>
      %shift_right_arithmetic3A_189 = arith.constant 1 : i32
      %shift_right_arithmetic3A_190 = vector.broadcast %shift_right_arithmetic3A_189 : i32 to vector<4x1x1xi32>
      %shift_right_arithmetic3A_191 = arith.shrsi %sub3A_188, %shift_right_arithmetic3A_190 : vector<4x1x1xi32>
      %add3A_192 = arith.addi %scan3A_186, %shift_right_arithmetic3A_191 : vector<4x1x1xi32>
      %gt3A_193 = vector.broadcast %add3A_192 : vector<4x1x1xi32> to vector<4x288x128xi32>
      %gt3A_194 = arith.cmpi sgt, %bitcast_convert_type3A, %gt3A_193 : vector<4x288x128xi32>
      %convert_element_type3A_195 = arith.extui %gt3A_194 : vector<4x288x128xi1> to vector<4x288x128xi32>
      %reduce_sum3A_196 = arith.constant dense<0> : vector<4xi32>
      %reduce_sum3A_197 = vector.multi_reduction <add>, %convert_element_type3A_195, %reduce_sum3A_196 [1, 2] : vector<4x288x128xi32> to vector<4xi32>
      %broadcast_in_dim3A_198 = vector.shape_cast %reduce_sum3A_197 : vector<4xi32> to vector<4x1x1xi32>
      %lt3A_199 = arith.constant 6000 : i32
      %lt3A_200 = vector.broadcast %lt3A_199 : i32 to vector<4x1x1xi32>
      %lt3A_201 = arith.cmpi slt, %broadcast_in_dim3A_198, %lt3A_200 : vector<4x1x1xi32>
      %add3A_202 = arith.constant 1 : i32
      %add3A_203 = vector.broadcast %add3A_202 : i32 to vector<4x1x1xi32>
      %add3A_204 = arith.addi %add3A_192, %add3A_203 : vector<4x1x1xi32>
      %select_n3A_205 = arith.select %lt3A_201, %scan3A_186, %add3A_204 : vector<4x1x1xi1>, vector<4x1x1xi32>
      %select_n3A_206 = arith.select %lt3A_201, %add3A_192, %scan3A_187 : vector<4x1x1xi1>, vector<4x1x1xi32>
      scf.yield %select_n3A_205, %select_n3A_206 : vector<4x1x1xi32>, vector<4x1x1xi32>
    }
    %gt3A = vector.broadcast %scan3A_141#0 : vector<4x1x1xi32> to vector<4x288x128xi32>
    %gt3A_142 = arith.cmpi sgt, %bitcast_convert_type3A, %gt3A : vector<4x288x128xi32>
    %convert_element_type3A = arith.extui %gt3A_142 : vector<4x288x128xi1> to vector<4x288x128xi32>
    %reduce_sum3A = arith.constant dense<0> : vector<4xi32>
    %reduce_sum3A_143 = vector.multi_reduction <add>, %convert_element_type3A, %reduce_sum3A [1, 2] : vector<4x288x128xi32> to vector<4xi32>
    %broadcast_in_dim3A_144 = vector.shape_cast %reduce_sum3A_143 : vector<4xi32> to vector<4x1x1xi32>
    %sub3A_145 = arith.constant 6000 : i32
    %sub3A_146 = vector.broadcast %sub3A_145 : i32 to vector<4x1x1xi32>
    %sub3A_147 = arith.subi %sub3A_146, %broadcast_in_dim3A_144 : vector<4x1x1xi32>
    %eq3A = vector.broadcast %scan3A_141#0 : vector<4x1x1xi32> to vector<4x288x128xi32>
    %eq3A_148 = arith.cmpi eq, %bitcast_convert_type3A, %eq3A : vector<4x288x128xi32>
    %broadcast_in_dim3A_149 = arith.constant 0 : i32
    %broadcast_in_dim3A_150 = vector.broadcast %broadcast_in_dim3A_149 : i32 to vector<4x1x1xi32>
    %broadcast_in_dim3A_151 = arith.constant 65536 : i32
    %broadcast_in_dim3A_152 = vector.broadcast %broadcast_in_dim3A_151 : i32 to vector<4x1x1xi32>
    %scan3A_153 = arith.constant 0 : i32
    %scan3A_154 = arith.constant 17 : i32
    %scan3A_155 = arith.addi %scan3A_153, %scan3A_154 : i32
    %scan3A_156 = arith.constant 1 : i32
    %scan3A_157:2 = scf.for %scan3A_185 = %scan3A_153 to %scan3A_155 step %scan3A_156 iter_args(%scan3A_186 = %broadcast_in_dim3A_150, %scan3A_187 = %broadcast_in_dim3A_152) -> (vector<4x1x1xi32>, vector<4x1x1xi32>)  : i32 {
      %sub3A_188 = arith.subi %scan3A_187, %scan3A_186 : vector<4x1x1xi32>
      %shift_right_arithmetic3A_189 = arith.constant 1 : i32
      %shift_right_arithmetic3A_190 = vector.broadcast %shift_right_arithmetic3A_189 : i32 to vector<4x1x1xi32>
      %shift_right_arithmetic3A_191 = arith.shrsi %sub3A_188, %shift_right_arithmetic3A_190 : vector<4x1x1xi32>
      %add3A_192 = arith.addi %scan3A_186, %shift_right_arithmetic3A_191 : vector<4x1x1xi32>
      %broadcast_in_dim3A_193 = vector.shape_cast %add3A_10 : vector<288x128xi32> to vector<1x288x128xi32>
      %lt3A_194 = vector.broadcast %broadcast_in_dim3A_193 : vector<1x288x128xi32> to vector<4x288x128xi32>
      %lt3A_195 = vector.broadcast %add3A_192 : vector<4x1x1xi32> to vector<4x288x128xi32>
      %lt3A_196 = arith.cmpi slt, %lt3A_194, %lt3A_195 : vector<4x288x128xi32>
      %and3A_197 = arith.andi %eq3A_148, %lt3A_196 : vector<4x288x128xi1>
      %convert_element_type3A_198 = arith.extui %and3A_197 : vector<4x288x128xi1> to vector<4x288x128xi32>
      %reduce_sum3A_199 = arith.constant dense<0> : vector<4xi32>
      %reduce_sum3A_200 = vector.multi_reduction <add>, %convert_element_type3A_198, %reduce_sum3A_199 [1, 2] : vector<4x288x128xi32> to vector<4xi32>
      %broadcast_in_dim3A_201 = vector.shape_cast %reduce_sum3A_200 : vector<4xi32> to vector<4x1x1xi32>
      %ge3A = arith.cmpi sge, %broadcast_in_dim3A_201, %sub3A_147 : vector<4x1x1xi32>
      %add3A_202 = arith.constant 1 : i32
      %add3A_203 = vector.broadcast %add3A_202 : i32 to vector<4x1x1xi32>
      %add3A_204 = arith.addi %add3A_192, %add3A_203 : vector<4x1x1xi32>
      %select_n3A_205 = arith.select %ge3A, %scan3A_186, %add3A_204 : vector<4x1x1xi1>, vector<4x1x1xi32>
      %select_n3A_206 = arith.select %ge3A, %add3A_192, %scan3A_187 : vector<4x1x1xi1>, vector<4x1x1xi32>
      scf.yield %select_n3A_205, %select_n3A_206 : vector<4x1x1xi32>, vector<4x1x1xi32>
    }
    %gt3A_158 = vector.broadcast %scan3A_141#0 : vector<4x1x1xi32> to vector<4x288x128xi32>
    %gt3A_159 = arith.cmpi sgt, %bitcast_convert_type3A, %gt3A_158 : vector<4x288x128xi32>
    %broadcast_in_dim3A_160 = vector.shape_cast %add3A_10 : vector<288x128xi32> to vector<1x288x128xi32>
    %lt3A = vector.broadcast %broadcast_in_dim3A_160 : vector<1x288x128xi32> to vector<4x288x128xi32>
    %lt3A_161 = vector.broadcast %scan3A_157#0 : vector<4x1x1xi32> to vector<4x288x128xi32>
    %lt3A_162 = arith.cmpi slt, %lt3A, %lt3A_161 : vector<4x288x128xi32>
    %and3A_163 = arith.andi %eq3A_148, %lt3A_162 : vector<4x288x128xi1>
    %or3A = arith.ori %gt3A_159, %and3A_163 : vector<4x288x128xi1>
    %jit3A_164 = arith.constant -1.000000e+00 : f32
    %broadcast_in_dim3A_165 = vector.broadcast %jit3A_164 : f32 to vector<4x288x128xf32>
    %select_n3A = arith.select %or3A, %get3A_133, %broadcast_in_dim3A_165 : vector<4x288x128xi1>, vector<4x288x128xf32>
    %swap3A = arith.constant 0 : index
    %swap3A_166 = arith.constant 0 : index
    %swap3A_167 = arith.constant 0 : index
    %swap3A_168 = vector.load %arg7[%swap3A, %swap3A_166, %swap3A_167] : memref<4x288x128xf32, #tpu.memory_space<vmem>>, vector<4x288x128xf32>
    tpu.vector_store %arg7[%swap3A, %swap3A_166, %swap3A_167], %select_n3A {strides = array<i32>} : memref<4x288x128xf32, #tpu.memory_space<vmem>>, vector<4x288x128xf32>,
    %swap3A_169 = arith.constant 0 : index
    %swap3A_170 = arith.constant 0 : index
    %swap3A_171 = arith.constant 0 : index
    %swap3A_172 = vector.load %arg8[%swap3A_169, %swap3A_170, %swap3A_171] : memref<4x288x128xf32, #tpu.memory_space<vmem>>, vector<4x288x128xf32>
    tpu.vector_store %arg8[%swap3A_169, %swap3A_170, %swap3A_171], %min3A_105 {strides = array<i32>} : memref<4x288x128xf32, #tpu.memory_space<vmem>>, vector<4x288x128xf32>,
    %swap3A_173 = arith.constant 0 : index
    %swap3A_174 = arith.constant 0 : index
    %swap3A_175 = arith.constant 0 : index
    %swap3A_176 = vector.load %arg9[%swap3A_173, %swap3A_174, %swap3A_175] : memref<4x288x128xf32, #tpu.memory_space<vmem>>, vector<4x288x128xf32>
    tpu.vector_store %arg9[%swap3A_173, %swap3A_174, %swap3A_175], %min3A_113 {strides = array<i32>} : memref<4x288x128xf32, #tpu.memory_space<vmem>>, vector<4x288x128xf32>,
    %swap3A_177 = arith.constant 0 : index
    %swap3A_178 = arith.constant 0 : index
    %swap3A_179 = arith.constant 0 : index
    %swap3A_180 = vector.load %arg10[%swap3A_177, %swap3A_178, %swap3A_179] : memref<4x288x128xf32, #tpu.memory_space<vmem>>, vector<4x288x128xf32>
    tpu.vector_store %arg10[%swap3A_177, %swap3A_178, %swap3A_179], %min3A_121 {strides = array<i32>} : memref<4x288x128xf32, #tpu.memory_space<vmem>>, vector<4x288x128xf32>,
    %swap3A_181 = arith.constant 0 : index
    %swap3A_182 = arith.constant 0 : index
    %swap3A_183 = arith.constant 0 : index
    %swap3A_184 = vector.load %arg11[%swap3A_181, %swap3A_182, %swap3A_183] : memref<4x288x128xf32, #tpu.memory_space<vmem>>, vector<4x288x128xf32>
    tpu.vector_store %arg11[%swap3A_181, %swap3A_182, %swap3A_183], %min3A_129 {strides = array<i32>} : memref<4x288x128xf32, #tpu.memory_space<vmem>>, vector<4x288x128xf32>,
    return
  }
}

module attributes {stable_mosaic.version = 14 : i64} {
  func.func @_nms_kernel(%arg0: memref<4x47x128xf32, #tpu.memory_space<vmem>>, %arg1: memref<4x47x128xf32, #tpu.memory_space<vmem>>, %arg2: memref<4x47x128xf32, #tpu.memory_space<vmem>>, %arg3: memref<4x47x128xf32, #tpu.memory_space<vmem>>, %arg4: memref<4x47x128xf32, #tpu.memory_space<vmem>>, %arg5: memref<4x47x128xf32, #tpu.memory_space<vmem>>, %arg6: memref<300x4x1xf32, #tpu.memory_space<vmem>>, %arg7: memref<300x4x1xf32, #tpu.memory_space<vmem>>, %arg8: memref<300x4x1xf32, #tpu.memory_space<vmem>>, %arg9: memref<300x4x1xf32, #tpu.memory_space<vmem>>, %arg10: memref<4x47x128xf32, #tpu.memory_space<vmem>>, %arg11: memref<4x47x128xf32, #tpu.memory_space<vmem>>) attributes {dimension_semantics = [], scalar_prefetch = 0 : i64, scratch_operands = 2 : i64, tpu.core_type = #tpu.core_type<tc>} {
    %get3A = arith.constant 0 : index
    %get3A_0 = arith.constant 0 : index
    %get3A_1 = arith.constant 0 : index
    %get3A_2 = vector.load %arg0[%get3A, %get3A_0, %get3A_1] : memref<4x47x128xf32, #tpu.memory_space<vmem>>, vector<4x47x128xf32>
    %swap3A = arith.constant 0 : index
    %swap3A_3 = arith.constant 0 : index
    %swap3A_4 = arith.constant 0 : index
    %swap3A_5 = vector.load %arg10[%swap3A, %swap3A_3, %swap3A_4] : memref<4x47x128xf32, #tpu.memory_space<vmem>>, vector<4x47x128xf32>
    tpu.vector_store %arg10[%swap3A, %swap3A_3, %swap3A_4], %get3A_2 {strides = array<i32>} : memref<4x47x128xf32, #tpu.memory_space<vmem>>, vector<4x47x128xf32>,
    %get3A_6 = arith.constant 0 : index
    %get3A_7 = arith.constant 0 : index
    %get3A_8 = arith.constant 0 : index
    %get3A_9 = vector.load %arg3[%get3A_6, %get3A_7, %get3A_8] : memref<4x47x128xf32, #tpu.memory_space<vmem>>, vector<4x47x128xf32>
    %get3A_10 = arith.constant 0 : index
    %get3A_11 = arith.constant 0 : index
    %get3A_12 = arith.constant 0 : index
    %get3A_13 = vector.load %arg1[%get3A_10, %get3A_11, %get3A_12] : memref<4x47x128xf32, #tpu.memory_space<vmem>>, vector<4x47x128xf32>
    %sub3A = arith.subf %get3A_9, %get3A_13 : vector<4x47x128xf32>
    %add3A = arith.constant 1.000000e+00 : f32
    %add3A_14 = vector.broadcast %add3A : f32 to vector<4x47x128xf32>
    %add3A_15 = arith.addf %sub3A, %add3A_14 : vector<4x47x128xf32>
    %get3A_16 = arith.constant 0 : index
    %get3A_17 = arith.constant 0 : index
    %get3A_18 = arith.constant 0 : index
    %get3A_19 = vector.load %arg4[%get3A_16, %get3A_17, %get3A_18] : memref<4x47x128xf32, #tpu.memory_space<vmem>>, vector<4x47x128xf32>
    %get3A_20 = arith.constant 0 : index
    %get3A_21 = arith.constant 0 : index
    %get3A_22 = arith.constant 0 : index
    %get3A_23 = vector.load %arg2[%get3A_20, %get3A_21, %get3A_22] : memref<4x47x128xf32, #tpu.memory_space<vmem>>, vector<4x47x128xf32>
    %sub3A_24 = arith.subf %get3A_19, %get3A_23 : vector<4x47x128xf32>
    %add3A_25 = arith.constant 1.000000e+00 : f32
    %add3A_26 = vector.broadcast %add3A_25 : f32 to vector<4x47x128xf32>
    %add3A_27 = arith.addf %sub3A_24, %add3A_26 : vector<4x47x128xf32>
    %mul3A = arith.mulf %add3A_15, %add3A_27 : vector<4x47x128xf32>
    %swap3A_28 = arith.constant 0 : index
    %swap3A_29 = arith.constant 0 : index
    %swap3A_30 = arith.constant 0 : index
    %swap3A_31 = vector.load %arg11[%swap3A_28, %swap3A_29, %swap3A_30] : memref<4x47x128xf32, #tpu.memory_space<vmem>>, vector<4x47x128xf32>
    tpu.vector_store %arg11[%swap3A_28, %swap3A_29, %swap3A_30], %mul3A {strides = array<i32>} : memref<4x47x128xf32, #tpu.memory_space<vmem>>, vector<4x47x128xf32>,
    %scan3A = arith.constant 0 : i32
    %scan3A_32 = arith.constant 300 : i32
    %scan3A_33 = arith.addi %scan3A, %scan3A_32 : i32
    %scan3A_34 = arith.constant 1 : i32
    scf.for %scan3A_36 = %scan3A to %scan3A_33 step %scan3A_34  : i32 {
      %get3A_37 = arith.constant 0 : index
      %get3A_38 = arith.constant 0 : index
      %get3A_39 = arith.constant 0 : index
      %get3A_40 = vector.load %arg10[%get3A_37, %get3A_38, %get3A_39] : memref<4x47x128xf32, #tpu.memory_space<vmem>>, vector<4x47x128xf32>
      %reduce_max3A = arith.constant dense<0xFF800000> : vector<4xf32>
      %reduce_max3A_41 = vector.multi_reduction <maximumf>, %get3A_40, %reduce_max3A [1, 2] : vector<4x47x128xf32> to vector<4xf32>
      %broadcast_in_dim3A = vector.shape_cast %reduce_max3A_41 : vector<4xf32> to vector<4x1x1xf32>
      %gt3A = arith.constant -5.000000e-01 : f32
      %gt3A_42 = vector.broadcast %gt3A : f32 to vector<4x1x1xf32>
      %gt3A_43 = arith.cmpf ogt, %broadcast_in_dim3A, %gt3A_42 : vector<4x1x1xf32>
      %convert_element_type3A = arith.extui %gt3A_43 : vector<4x1x1xi1> to vector<4x1x1xi32>
      %convert_element_type3A_44 = arith.sitofp %convert_element_type3A : vector<4x1x1xi32> to vector<4x1x1xf32>
      %eq3A = vector.broadcast %broadcast_in_dim3A : vector<4x1x1xf32> to vector<4x47x128xf32>
      %eq3A_45 = arith.cmpf oeq, %get3A_40, %eq3A : vector<4x47x128xf32>
      %get3A_46 = arith.constant 0 : index
      %get3A_47 = arith.constant 0 : index
      %get3A_48 = arith.constant 0 : index
      %get3A_49 = vector.load %arg5[%get3A_46, %get3A_47, %get3A_48] : memref<4x47x128xf32, #tpu.memory_space<vmem>>, vector<4x47x128xf32>
      %jit3A = arith.constant 1.000000e+09 : f32
      %broadcast_in_dim3A_50 = vector.broadcast %jit3A : f32 to vector<4x47x128xf32>
      %select_n3A = arith.select %eq3A_45, %get3A_49, %broadcast_in_dim3A_50 : vector<4x47x128xi1>, vector<4x47x128xf32>
      %reduce_min3A = arith.constant dense<0x7F800000> : vector<4xf32>
      %reduce_min3A_51 = vector.multi_reduction <minimumf>, %select_n3A, %reduce_min3A [1, 2] : vector<4x47x128xf32> to vector<4xf32>
      %broadcast_in_dim3A_52 = vector.shape_cast %reduce_min3A_51 : vector<4xf32> to vector<4x1x1xf32>
      %eq3A_53 = vector.broadcast %broadcast_in_dim3A_52 : vector<4x1x1xf32> to vector<4x47x128xf32>
      %eq3A_54 = arith.cmpf oeq, %get3A_49, %eq3A_53 : vector<4x47x128xf32>
      %and3A = arith.andi %eq3A_45, %eq3A_54 : vector<4x47x128xi1>
      %convert_element_type3A_55 = arith.extui %and3A : vector<4x47x128xi1> to vector<4x47x128xi32>
      %convert_element_type3A_56 = arith.sitofp %convert_element_type3A_55 : vector<4x47x128xi32> to vector<4x47x128xf32>
      %get3A_57 = arith.constant 0 : index
      %get3A_58 = arith.constant 0 : index
      %get3A_59 = arith.constant 0 : index
      %get3A_60 = vector.load %arg1[%get3A_57, %get3A_58, %get3A_59] : memref<4x47x128xf32, #tpu.memory_space<vmem>>, vector<4x47x128xf32>
      %get3A_61 = arith.constant 0 : index
      %get3A_62 = arith.constant 0 : index
      %get3A_63 = arith.constant 0 : index
      %get3A_64 = vector.load %arg2[%get3A_61, %get3A_62, %get3A_63] : memref<4x47x128xf32, #tpu.memory_space<vmem>>, vector<4x47x128xf32>
      %get3A_65 = arith.constant 0 : index
      %get3A_66 = arith.constant 0 : index
      %get3A_67 = arith.constant 0 : index
      %get3A_68 = vector.load %arg3[%get3A_65, %get3A_66, %get3A_67] : memref<4x47x128xf32, #tpu.memory_space<vmem>>, vector<4x47x128xf32>
      %get3A_69 = arith.constant 0 : index
      %get3A_70 = arith.constant 0 : index
      %get3A_71 = arith.constant 0 : index
      %get3A_72 = vector.load %arg4[%get3A_69, %get3A_70, %get3A_71] : memref<4x47x128xf32, #tpu.memory_space<vmem>>, vector<4x47x128xf32>
      %get3A_73 = arith.constant 0 : index
      %get3A_74 = arith.constant 0 : index
      %get3A_75 = arith.constant 0 : index
      %get3A_76 = vector.load %arg11[%get3A_73, %get3A_74, %get3A_75] : memref<4x47x128xf32, #tpu.memory_space<vmem>>, vector<4x47x128xf32>
      %mul3A_77 = arith.mulf %convert_element_type3A_56, %get3A_60 : vector<4x47x128xf32>
      %reduce_sum3A = arith.constant dense<0.000000e+00> : vector<4xf32>
      %reduce_sum3A_78 = vector.multi_reduction <add>, %mul3A_77, %reduce_sum3A [1, 2] : vector<4x47x128xf32> to vector<4xf32>
      %broadcast_in_dim3A_79 = vector.shape_cast %reduce_sum3A_78 : vector<4xf32> to vector<4x1x1xf32>
      %mul3A_80 = arith.mulf %convert_element_type3A_56, %get3A_64 : vector<4x47x128xf32>
      %reduce_sum3A_81 = arith.constant dense<0.000000e+00> : vector<4xf32>
      %reduce_sum3A_82 = vector.multi_reduction <add>, %mul3A_80, %reduce_sum3A_81 [1, 2] : vector<4x47x128xf32> to vector<4xf32>
      %broadcast_in_dim3A_83 = vector.shape_cast %reduce_sum3A_82 : vector<4xf32> to vector<4x1x1xf32>
      %mul3A_84 = arith.mulf %convert_element_type3A_56, %get3A_68 : vector<4x47x128xf32>
      %reduce_sum3A_85 = arith.constant dense<0.000000e+00> : vector<4xf32>
      %reduce_sum3A_86 = vector.multi_reduction <add>, %mul3A_84, %reduce_sum3A_85 [1, 2] : vector<4x47x128xf32> to vector<4xf32>
      %broadcast_in_dim3A_87 = vector.shape_cast %reduce_sum3A_86 : vector<4xf32> to vector<4x1x1xf32>
      %mul3A_88 = arith.mulf %convert_element_type3A_56, %get3A_72 : vector<4x47x128xf32>
      %reduce_sum3A_89 = arith.constant dense<0.000000e+00> : vector<4xf32>
      %reduce_sum3A_90 = vector.multi_reduction <add>, %mul3A_88, %reduce_sum3A_89 [1, 2] : vector<4x47x128xf32> to vector<4xf32>
      %broadcast_in_dim3A_91 = vector.shape_cast %reduce_sum3A_90 : vector<4xf32> to vector<4x1x1xf32>
      %mul3A_92 = arith.mulf %convert_element_type3A_56, %get3A_76 : vector<4x47x128xf32>
      %reduce_sum3A_93 = arith.constant dense<0.000000e+00> : vector<4xf32>
      %reduce_sum3A_94 = vector.multi_reduction <add>, %mul3A_92, %reduce_sum3A_93 [1, 2] : vector<4x47x128xf32> to vector<4xf32>
      %broadcast_in_dim3A_95 = vector.shape_cast %reduce_sum3A_94 : vector<4xf32> to vector<4x1x1xf32>
      %mul3A_96 = arith.mulf %broadcast_in_dim3A_79, %convert_element_type3A_44 : vector<4x1x1xf32>
      %reshape3A = vector.shape_cast %mul3A_96 : vector<4x1x1xf32> to vector<4x1xf32>
      %swap3A_97 = arith.index_cast %scan3A_36 : i32 to index
      %swap3A_98 = arith.constant 0 : index
      %swap3A_99 = arith.constant 0 : index
      %swap3A_100 = vector.load %arg6[%swap3A_97, %swap3A_98, %swap3A_99] : memref<300x4x1xf32, #tpu.memory_space<vmem>>, vector<1x4x1xf32>
      %swap3A_101 = vector.shape_cast %swap3A_100 : vector<1x4x1xf32> to vector<4x1xf32>
      %swap3A_102 = vector.shape_cast %reshape3A : vector<4x1xf32> to vector<1x4x1xf32>
      tpu.vector_store %arg6[%swap3A_97, %swap3A_98, %swap3A_99], %swap3A_102 {strides = array<i32>} : memref<300x4x1xf32, #tpu.memory_space<vmem>>, vector<1x4x1xf32>,
      %mul3A_103 = arith.mulf %broadcast_in_dim3A_83, %convert_element_type3A_44 : vector<4x1x1xf32>
      %reshape3A_104 = vector.shape_cast %mul3A_103 : vector<4x1x1xf32> to vector<4x1xf32>
      %swap3A_105 = arith.index_cast %scan3A_36 : i32 to index
      %swap3A_106 = arith.constant 0 : index
      %swap3A_107 = arith.constant 0 : index
      %swap3A_108 = vector.load %arg7[%swap3A_105, %swap3A_106, %swap3A_107] : memref<300x4x1xf32, #tpu.memory_space<vmem>>, vector<1x4x1xf32>
      %swap3A_109 = vector.shape_cast %swap3A_108 : vector<1x4x1xf32> to vector<4x1xf32>
      %swap3A_110 = vector.shape_cast %reshape3A_104 : vector<4x1xf32> to vector<1x4x1xf32>
      tpu.vector_store %arg7[%swap3A_105, %swap3A_106, %swap3A_107], %swap3A_110 {strides = array<i32>} : memref<300x4x1xf32, #tpu.memory_space<vmem>>, vector<1x4x1xf32>,
      %mul3A_111 = arith.mulf %broadcast_in_dim3A_87, %convert_element_type3A_44 : vector<4x1x1xf32>
      %reshape3A_112 = vector.shape_cast %mul3A_111 : vector<4x1x1xf32> to vector<4x1xf32>
      %swap3A_113 = arith.index_cast %scan3A_36 : i32 to index
      %swap3A_114 = arith.constant 0 : index
      %swap3A_115 = arith.constant 0 : index
      %swap3A_116 = vector.load %arg8[%swap3A_113, %swap3A_114, %swap3A_115] : memref<300x4x1xf32, #tpu.memory_space<vmem>>, vector<1x4x1xf32>
      %swap3A_117 = vector.shape_cast %swap3A_116 : vector<1x4x1xf32> to vector<4x1xf32>
      %swap3A_118 = vector.shape_cast %reshape3A_112 : vector<4x1xf32> to vector<1x4x1xf32>
      tpu.vector_store %arg8[%swap3A_113, %swap3A_114, %swap3A_115], %swap3A_118 {strides = array<i32>} : memref<300x4x1xf32, #tpu.memory_space<vmem>>, vector<1x4x1xf32>,
      %mul3A_119 = arith.mulf %broadcast_in_dim3A_91, %convert_element_type3A_44 : vector<4x1x1xf32>
      %reshape3A_120 = vector.shape_cast %mul3A_119 : vector<4x1x1xf32> to vector<4x1xf32>
      %swap3A_121 = arith.index_cast %scan3A_36 : i32 to index
      %swap3A_122 = arith.constant 0 : index
      %swap3A_123 = arith.constant 0 : index
      %swap3A_124 = vector.load %arg9[%swap3A_121, %swap3A_122, %swap3A_123] : memref<300x4x1xf32, #tpu.memory_space<vmem>>, vector<1x4x1xf32>
      %swap3A_125 = vector.shape_cast %swap3A_124 : vector<1x4x1xf32> to vector<4x1xf32>
      %swap3A_126 = vector.shape_cast %reshape3A_120 : vector<4x1xf32> to vector<1x4x1xf32>
      tpu.vector_store %arg9[%swap3A_121, %swap3A_122, %swap3A_123], %swap3A_126 {strides = array<i32>} : memref<300x4x1xf32, #tpu.memory_space<vmem>>, vector<1x4x1xf32>,
      %max3A = vector.broadcast %broadcast_in_dim3A_79 : vector<4x1x1xf32> to vector<4x47x128xf32>
      %max3A_127 = arith.maximumf %get3A_60, %max3A : vector<4x47x128xf32>
      %max3A_128 = vector.broadcast %broadcast_in_dim3A_83 : vector<4x1x1xf32> to vector<4x47x128xf32>
      %max3A_129 = arith.maximumf %get3A_64, %max3A_128 : vector<4x47x128xf32>
      %min3A = vector.broadcast %broadcast_in_dim3A_87 : vector<4x1x1xf32> to vector<4x47x128xf32>
      %min3A_130 = arith.minimumf %get3A_68, %min3A : vector<4x47x128xf32>
      %min3A_131 = vector.broadcast %broadcast_in_dim3A_91 : vector<4x1x1xf32> to vector<4x47x128xf32>
      %min3A_132 = arith.minimumf %get3A_72, %min3A_131 : vector<4x47x128xf32>
      %sub3A_133 = arith.subf %min3A_130, %max3A_127 : vector<4x47x128xf32>
      %add3A_134 = arith.constant 1.000000e+00 : f32
      %add3A_135 = vector.broadcast %add3A_134 : f32 to vector<4x47x128xf32>
      %add3A_136 = arith.addf %sub3A_133, %add3A_135 : vector<4x47x128xf32>
      %max3A_137 = arith.constant 0.000000e+00 : f32
      %max3A_138 = vector.broadcast %max3A_137 : f32 to vector<4x47x128xf32>
      %max3A_139 = arith.maximumf %add3A_136, %max3A_138 : vector<4x47x128xf32>
      %sub3A_140 = arith.subf %min3A_132, %max3A_129 : vector<4x47x128xf32>
      %add3A_141 = arith.constant 1.000000e+00 : f32
      %add3A_142 = vector.broadcast %add3A_141 : f32 to vector<4x47x128xf32>
      %add3A_143 = arith.addf %sub3A_140, %add3A_142 : vector<4x47x128xf32>
      %max3A_144 = arith.constant 0.000000e+00 : f32
      %max3A_145 = vector.broadcast %max3A_144 : f32 to vector<4x47x128xf32>
      %max3A_146 = arith.maximumf %add3A_143, %max3A_145 : vector<4x47x128xf32>
      %mul3A_147 = arith.mulf %max3A_139, %max3A_146 : vector<4x47x128xf32>
      %add3A_148 = vector.broadcast %broadcast_in_dim3A_95 : vector<4x1x1xf32> to vector<4x47x128xf32>
      %add3A_149 = arith.addf %get3A_76, %add3A_148 : vector<4x47x128xf32>
      %sub3A_150 = arith.subf %add3A_149, %mul3A_147 : vector<4x47x128xf32>
      %mul3A_151 = arith.constant 0.699999988 : f32
      %mul3A_152 = vector.broadcast %mul3A_151 : f32 to vector<4x47x128xf32>
      %mul3A_153 = arith.mulf %mul3A_152, %sub3A_150 : vector<4x47x128xf32>
      %gt3A_154 = arith.cmpf ogt, %mul3A_147, %mul3A_153 : vector<4x47x128xf32>
      %and3A_155 = vector.broadcast %gt3A_43 : vector<4x1x1xi1> to vector<4x47x128xi1>
      %and3A_156 = arith.andi %gt3A_154, %and3A_155 : vector<4x47x128xi1>
      %jit3A_157 = arith.constant -1.000000e+00 : f32
      %broadcast_in_dim3A_158 = vector.broadcast %jit3A_157 : f32 to vector<4x47x128xf32>
      %select_n3A_159 = arith.select %and3A_156, %broadcast_in_dim3A_158, %get3A_40 : vector<4x47x128xi1>, vector<4x47x128xf32>
      %swap3A_160 = arith.constant 0 : index
      %swap3A_161 = arith.constant 0 : index
      %swap3A_162 = arith.constant 0 : index
      %swap3A_163 = vector.load %arg10[%swap3A_160, %swap3A_161, %swap3A_162] : memref<4x47x128xf32, #tpu.memory_space<vmem>>, vector<4x47x128xf32>
      tpu.vector_store %arg10[%swap3A_160, %swap3A_161, %swap3A_162], %select_n3A_159 {strides = array<i32>} : memref<4x47x128xf32, #tpu.memory_space<vmem>>, vector<4x47x128xf32>,
    }
    %scan3A_35 = arith.constant 300 : i32
    return
  }
}

</mosaic_0001>

<sc_bundles>
// kernel: kernel.5.cloned.1.call-start
scs
__scs_entry_jumppad:
0x0: {  	(pc) =	sbr.rel $0x88, $3  }
0x1: {  	(tag) =	ssettag $0x0;
	lr =	simm.s32 $0x1  }
0x2: {  	[smem:$0x3F9E] =	sst lr;
	_ =	strace $0xD0000000  }
0x3: {  	_ = 	snop  }
0x4: {  	_ = 	snop  }
0x5: {  	_ = 	snop  }
0x6: {  	_ = 	snop  }
0x7: {  	_ = 	snop  }
__scs_overlays_trampoline_lowered:
0x8: {  	[smem:$0x3FAD] =	sst s0  }
0x9: {  	[smem:$0x3FAE] =	sst s1  }
0xa: {  	[smem:$0x3FAF] =	sst s2  }
0xb: {  	[smem:$0x3FB0] =	sst s3  }
0xc: {  	[smem:$0x3FB1] =	sst s4  }
0xd: {  	[smem:$0x3FB2] =	sst s5  }
0xe: {  	[smem:$0x3FB3] =	sst s6  }
0xf: {  	[smem:$0x3FB4] =	sst s7  }
0x10: {  	[smem:$0x3FB5] =	sst s8  }
0x11: {  	[smem:$0x3FB6] =	sst s9;
	s0 =	simm.s32 @!p0 $0x0  }
0x12: {  	s1 =	sld [smem:$0x3F9C];
	s0 =	simm.s32 @p0 $0x1  }
0x13: {  	[smem:$0x3FB7] =	sst s0;
	s0 =	simm.s32 @!p1 $0x0  }
0x14: {  	s2 =	sld [smem:$0x3F9B];
	s0 =	simm.s32 @p1 $0x1  }
0x15: {  	[smem:$0x3FB8] =	sst s0;
	s0 =	simm.s32 @!p2 $0x0  }
0x16: {  	s3 =	sld [smem:$0x3FDB];
	s0 =	simm.s32 @p2 $0x1  }
0x17: {  	s4 =	simm.s32 $0x1BF5;
	[smem:$0x3FBA] =	sst s0  }
0x18: {  	s0 =	sld [smem:$0x3F9D];
	_ =	swait.ge [sflag:s4], $0x0  }
0x19: {  	s7 =	sld [smem:$0x3F9E]  }
0x1a: {  	s8 =	sadd.s32 $0xFFFFE003, lr  }
0x1b: {  	s9 =	sadd.s32 $0xFFFFFEF7, lr;
	s5 =	simm.s32 $0xFFFFFFFF;
	p2 =	slt.u32 s8, $0xFFFFF086  }
0x1c: {  	p1 =	slt.u32 s9, $0xF7A;
	s5 =	simm.s32 @!p2 $0x0  }
0x1d: {  	s5 =	simm.s32 @p1 $0x1;
	p0 =	seq.s32 s7, s2  }
0x1e: {  	s7 =	smul.u32 @!p0 $0xF7A, s2;
	p2 =	seq.s32 @!p0 s5, $0x0  }
0x1f: {  	s9 =	smul.u32 $0xF7A, s1;
	s8 =	simm.s32 @!p0 $0x1BF5;
	p2 =	por !p2, p0  }
0x20: {  	[sflag:s8] =	ssyncset.s32 @!p0 $0xFFFFF086;
	s6 =	sadd.s32 @!p0 s3, s7;
	s7 =	simm.s32 @!p0 $0x108  }
0x21: {  	s3 =	sadd.s32 s3, s9;
	s6 =	sadd.s32 @!p0 $0x88, s6;
	s7 =	simm.s32 @p2 $0x1082  }
0x22: {  	[simem:s7], [sflag:s8] =	dma.local @!p0 [hbm:s6], $0xF7A  }
0x23: {  	s9 =	sor.u32 $0xD0000000, s2;
	s6 =	simm.s32 $0x108;
	_ =	swait.ge @!p0 [sflag:s8], $0x0  }
0x24: {  	s3 =	sadd.s32 $0x88, s3;
	s6 =	simm.s32 @!p1 $0x1082;
	[sflag:s4] =	ssyncset.s32 $0xFFFFF086  }
0x25: {  	[simem:s6], [sflag:s4] =	dma.local [hbm:s3], $0xF7A  }
0x26: {  	[smem:$0x3F9E] =	sst s1;
	(tag) =	ssettag s2;
	_ =	strace s9  }
0x27: {  	s1 =	sld [smem:$0x3FAE]  }
0x28: {  	s2 =	sld [smem:$0x3FAF]  }
0x29: {  	s4 =	sld [smem:$0x3FB1]  }
0x2a: {  	p0 =	seq.s32 s5, $0x0;
	s5 =	sld [smem:$0x3FB2]  }
0x2b: {  	s6 =	sld [smem:$0x3FB3]  }
0x2c: {  	s7 =	sld [smem:$0x3FB4]  }
0x2d: {  	s3 =	simm.s32 $0x108;
	s8 =	sld [smem:$0x3FB5]  }
0x2e: {  	s3 =	simm.s32 @!p0 $0x1082;
	s9 =	sld [smem:$0x3FB6]  }
0x2f: {  	lr =	sadd.s32 s0, s3;
	s0 =	sld [smem:$0x3FAD]  }
0x30: {  	s3 =	sld [smem:$0x3FB0]  }
0x31: {  	[smem:$0x3FB9] =	sst s10  }
0x32: {  	s10 =	sld [smem:$0x3FB7];
	_ =	sdelay $0x3  }
0x33: {  	p0 =	seq.s32 s10, $0x1;
	s10 =	sld [smem:$0x3FB9];
	_ =	sdelay $0x3  }
0x34: {  	[smem:$0x3FB9] =	sst s10  }
0x35: {  	s10 =	sld [smem:$0x3FB8];
	_ =	sdelay $0x3  }
0x36: {  	p1 =	seq.s32 s10, $0x1;
	s10 =	sld [smem:$0x3FB9];
	_ =	sdelay $0x3  }
0x37: {  	[smem:$0x3FB9] =	sst s10  }
0x38: {  	s10 =	sld [smem:$0x3FBA]  }
0x39: {  	_ = 	snop;
	(pc) =	sbr.ind lr, $3  }
0x3a: {  	_ = 	snop  }
0x3b: {  	_ = 	snop  }
0x3c: {  	p2 =	seq.s32 s10, $0x1;
	s10 =	sld [smem:$0x3FB9]  }
0x3d: {  	_ =	shalt  }
0x3e: {  	_ =	shalt  }
0x3f: {  	_ =	shalt  }
0x40: {  	_ =	shalt  }
0x41: {  	_ =	shalt  }
0x42: {  	_ =	shalt  }
0x43: {  	_ =	shalt  }
0x44: {  	_ =	shalt  }
0x45: {  	_ =	shalt  }
0x46: {  	_ =	shalt  }
0x47: {  	_ =	shalt  }
0x48: {  	_ =	shalt  }
0x49: {  	_ =	shalt  }
0x4a: {  	_ =	shalt  }
0x4b: {  	_ =	shalt  }
0x4c: {  	_ =	shalt  }
0x4d: {  	_ =	shalt  }
0x4e: {  	_ =	shalt  }
0x4f: {  	_ =	shalt  }
0x50: {  	_ =	shalt  }
0x51: {  	_ =	shalt  }
0x52: {  	_ =	shalt  }
0x53: {  	_ =	shalt  }
0x54: {  	_ =	shalt  }
0x55: {  	_ =	shalt  }
0x56: {  	_ =	shalt  }
0x57: {  	_ =	shalt  }
0x58: {  	_ =	shalt  }
0x59: {  	_ =	shalt  }
0x5a: {  	_ =	shalt  }
0x5b: {  	_ =	shalt  }
0x5c: {  	_ =	shalt  }
0x5d: {  	_ =	shalt  }
0x5e: {  	_ =	shalt  }
0x5f: {  	_ =	shalt  }
0x60: {  	_ =	shalt  }
0x61: {  	_ =	shalt  }
0x62: {  	_ =	shalt  }
0x63: {  	_ =	shalt  }
0x64: {  	_ =	shalt  }
0x65: {  	_ =	shalt  }
0x66: {  	_ =	shalt  }
0x67: {  	_ =	shalt  }
0x68: {  	_ =	shalt  }
0x69: {  	_ =	shalt  }
0x6a: {  	_ =	shalt  }
0x6b: {  	_ =	shalt  }
0x6c: {  	_ =	shalt  }
0x6d: {  	_ =	shalt  }
0x6e: {  	_ =	shalt  }
0x6f: {  	_ =	shalt  }
0x70: {  	_ =	shalt  }
0x71: {  	_ =	shalt  }
0x72: {  	_ =	shalt  }
0x73: {  	_ =	shalt  }
0x74: {  	_ =	shalt  }
0x75: {  	_ =	shalt  }
0x76: {  	_ =	shalt  }
0x77: {  	_ =	shalt  }
0x78: {  	_ =	shalt  }
0x79: {  	_ =	shalt  }
0x7a: {  	_ =	shalt  }
0x7b: {  	_ =	shalt  }
0x7c: {  	_ =	shalt  }
0x7d: {  	_ =	shalt  }
0x7e: {  	_ =	shalt  }
0x7f: {  	_ =	shalt  }
0x80: {  	_ =	shalt  }
0x81: {  	_ =	shalt  }
0x82: {  	_ =	shalt  }
0x83: {  	_ =	shalt  }
0x84: {  	_ =	shalt  }
0x85: {  	_ =	shalt  }
0x86: {  	_ =	shalt  }
0x87: {  	_ =	shalt  }
.Lfunc_end0:
.L_simem_size_0:
called_computation_lowered:
.L_overlay_start_0:
0x88: {  	s2 =	sld [smem:$0x3FD9]  }
0x89: {  	s3 =	sld [smem:$0x3FFE];
	_ =	sdelay $0x1  }
0x8a: {  	s1 =	srdreg.scid  }
0x8b: {  	s0 =	sand.u32 $0x1, s1  }
0x8c: {  	s16 =	sshll.u32 s0, $0xA;
	s2 =	sadd.s32 s3, s2  }
0x8d: {  	s2 =	sadd.s32 s2, s16  }
0x8e: {  	[smem:$0x3FC5] =	sst s2  }
0x8f: {  	_ = 	snop  }
0x90: {  	(tm) =	ssettm $0x1  }
0x91: {  	s17 =	sld [smem:$0x3FFB];
	_ =	sdelay $0x3  }
0x92: {  	_ =	strace s17  }
0x93: {  	s2 =	sld [smem:$0x3FFC];
	_ =	sdelay $0x3  }
0x94: {  	_ =	strace s2  }
0x95: {  	s2 =	sld [smem:$0x3FFD];
	_ =	sdelay $0x3  }
0x96: {  	_ =	strace s2  }
0x97: {  	_ =	strace $0x8FFFFFFF  }
0x98: {  	s18 =	sld [smem:$0x3FDB];
	_ =	sdelay $0x1  }
0x99: {  	s19 =	simm.s32 $_scs_section_size  }
0x9a: {  	s4 =	simm.s32 $_size__tile_overlayer_lowered;
	s5 =	simm.s32 $_tile_overlayer_lowered  }
0x9b: {  	s22 =	simm.s32 $0x1BFF;
	s21 =	sshll.u32 s5, $0x1;
	s2 =	sadd.s32 s19, s18  }
0x9c: {  	s6 =	simm.s32 $0x0;
	s20 =	sshll.u32 s4, $0x1;
	s4 =	sadd.s32 s21, s2  }
0x9d: {  	[timem:s6], [sflag:s22] =	dma.local [hbm:s4], s20  }
0x9e: {  	_ =	swait.ge [sflag:s22], s20  }
0x9f: {  	s3 =	ssub.s32 $0x0, s20;
	[sflag:s22] =	ssyncset.done $0x0  }
0xa0: {  	[sflag:s22] =	ssyncadd.s32 s3;
	_ =	sdelay $0x1  }
0xa1: {  	s23 =	simm.s32 $0x1B8B  }
0xa2: {  	_ =	swait.ge [sflag:s23], $0x1  }
0xa3: {  	[sflag:s23] =	ssyncset.done $0x0  }
0xa4: {  	s25 =	simm.s32 $0x1B8E;
	s24 =	sld [smem:$0x3FFE];
	[sflag:s23] =	ssyncadd.s32 $0xFFFFFFFF  }
0xa5: {  	s26 =	simm.s32 $execute0_lowered;
	[smem:$0x3FD2] =	sst s25  }
0xa6: {  	s4 =	sshll.u32 s26, $0x1;
	_ =	strace $0x80000046;
	[dreg:$0x1] =	wrdreg $0xFFFFFFFF  }
0xa7: {  	s28 =	simm.s32 $_size_execute0_lowered;
	s2 =	sadd.s32 s2, s4;
	[dreg:$0x0] =	wrdreg $0x0  }
0xa8: {  	s4 =	sshll.u32 s28, $0x1;
	[dreg:$0x2] =	wrdreg s2  }
0xa9: {  	[dreg:$0x3] =	wrdreg s4  }
0xaa: {  	[dreg:$0x4] =	wrdreg $0xC0  }
0xab: {  	_ =	task [dreg:s6], $0x5FFFF  }
0xac: {  	[dreg:$0x1] =	wrdreg $0xFFFFFFFF  }
0xad: {  	[dreg:$0x0] =	wrdreg $0x60  }
0xae: {  	[dreg:$0x2] =	wrdreg s24  }
0xaf: {  	[dreg:$0x3] =	wrdreg $0x9  }
0xb0: {  	_ =	task.clear_ibuf [dreg:s6], $0x4FFFF;
	_ =	strace $0x90000046  }
0xb1: {  	s29 =	simm.s32 $0x9;
	_ =	strace $0x80000048  }
0xb2: {  	_ =	swait.ge [sflag:s29], $0x1  }
0xb3: {  	[sflag:s29] =	ssyncadd.s32 $0xFFFFFFFF  }
0xb4: {  	_ =	strace $0x90000048  }
0xb5: {  	_ =	sfence  }
0xb6: {  	s30 =	sld [smem:$0x0];
	_ =	sdelay $0x2  }
0xb7: {  	s31 =	sshll.u32 s1, $0xD;
	s1 =	sshrl.u32 s1, $0x2  }
0xb8: {  	s3 =	sand.u32 $0x4000, s31;
	s1 =	sadd.s32 s1, s30  }
0xb9: {  	s0 =	sor.u32 s3, s0;
	s1 =	sshll.u32 s1, $0x11  }
0xba: {  	s0 =	sor.u32 s1, s0  }
0xbb: {  	s0 =	sadd.s32 $0x8F2B, s0  }
0xbc: {  	[sflag:s0] =	ssyncadd.remote.s32 $0x1  }
0xbd: {  	_ =	sfence.sel $0xFFFF  }
0xbe: {  	[dreg:$0x0] =	wrdreg $0xFFFFFFFF;
	(pc) =	sbr.abs _section_cstart, $3  }
0xbf: {  	[dreg:$0x1] =	wrdreg $0xFFFFFFFF  }
0xc0: {  	_ =	task.clear_ibuf [dreg:s6], $0x2FFFF;
	_ =	strace $0x9FFFFFFF  }
0xc1: {  	(tm) =	ssettm $0x7FFFFFFF  }
tec
execute0_lowered:
.L_overlay_start_1:
0x0: {  	(tag) =	ssettag $0x1  }
0x1: {  	s1 =	stileid.u32  }
0x2: {  	p0 =	sgt.u32 s1, $0x1  }
.Ltmp0:
0x3: {  	_ = 	snop;
	(pc) =	sbr.rel @p0 .LBB2_19-.Ltmp0, $4  }
0x4: {  	_ = 	snop  }
0x5: {  	s2 =	simm.s32 $0x0  }
0x6: {  	[smem:$0x7FF] =	sst s2  }
0x7: {  	s0 =	rddreg [dreg:$0x0];
	_ =	strace $0x80000047  }
0x8: {  	s1 =	srdreg.scid  }
0x9: {  	s3 =	stileid.u32;
	s1 =	sand.u32 $0x1, s1  }
0xa: {  	s3 =	sshll.u32 s3, $0x5;
	s4 =	sshll.u32 s1, $0x4  }
0xb: {  	s3 =	sor.u32 s4, s3  }
0xc: {  	s5 =	sadd.s32 $0x1C00, s0;
	s8 =	sor.u32 $0x900, s3  }
0xd: {  	s6 =	sadd.s32 $0x13C00, s0;
	s10 =	sadd.s32 s5, s8  }
0xe: {  	s4 =	sadd.s32 $0xF400, s0;
	s17 =	sadd.s32 s6, s8;
	[dreg:$0x2] =	wrdreg s10  }
0xf: {  	s7 =	sadd.s32 $0xAC00, s0;
	s18 =	sadd.s32 s4, s8;
	[dreg:$0x3] =	wrdreg s17  }
0x10: {  	s9 =	sadd.s32 $0x6400, s0;
	s19 =	sadd.s32 s7, s8;
	[dreg:$0x4] =	wrdreg s18  }
0x11: {  	s20 =	sor.u32 $0x1200, s3;
	s8 =	sadd.s32 s9, s8;
	[dreg:$0x5] =	wrdreg s19  }
0x12: {  	s21 =	sadd.s32 s5, s20;
	[dreg:$0x6] =	wrdreg s8  }
0x13: {  	s22 =	sadd.s32 s6, s20;
	[dreg:$0x7] =	wrdreg s21  }
0x14: {  	s23 =	sadd.s32 s4, s20;
	[dreg:$0x8] =	wrdreg s22  }
0x15: {  	s25 =	sor.u32 $0x1B00, s3;
	s24 =	sadd.s32 s7, s20;
	[dreg:$0x9] =	wrdreg s23  }
0x16: {  	s26 =	sadd.s32 s5, s25;
	[dreg:$0xa] =	wrdreg s24  }
0x17: {  	s11 =	sadd.s32 s6, s25;
	[dreg:$0xc] =	wrdreg s26  }
0x18: {  	s12 =	sadd.s32 s4, s25;
	[dreg:$0xd] =	wrdreg s11  }
0x19: {  	s14 =	sor.u32 $0x2400, s3;
	s13 =	sadd.s32 s7, s25;
	[dreg:$0xe] =	wrdreg s12  }
0x1a: {  	s16 =	sadd.s32 s6, s14;
	[dreg:$0xf] =	wrdreg s13  }
0x1b: {  	s10 =	sadd.s32 s9, s20;
	[dreg:$0x12] =	wrdreg s16  }
0x1c: {  	s8 =	sadd.s32 s9, s25;
	[dreg:$0xb] =	wrdreg s10  }
0x1d: {  	s11 =	sadd.s32 s5, s14;
	[dreg:$0x10] =	wrdreg s8  }
0x1e: {  	s17 =	sadd.s32 s4, s14;
	[dreg:$0x11] =	wrdreg s11  }
0x1f: {  	s18 =	sadd.s32 s7, s14;
	[dreg:$0x13] =	wrdreg s17  }
0x20: {  	s19 =	sor.u32 $0x2D00, s3;
	[dreg:$0x14] =	wrdreg s18;
	s8 =	sadd.s32 s9, s14  }
0x21: {  	s20 =	sadd.s32 s5, s19;
	[dreg:$0x15] =	wrdreg s8  }
0x22: {  	s21 =	sadd.s32 s6, s19;
	[dreg:$0x16] =	wrdreg s20  }
0x23: {  	s22 =	sadd.s32 s4, s19;
	[dreg:$0x17] =	wrdreg s21  }
0x24: {  	s23 =	sadd.s32 s7, s19;
	[dreg:$0x18] =	wrdreg s22  }
0x25: {  	s24 =	sor.u32 $0x3600, s3;
	s10 =	sadd.s32 s9, s19;
	[dreg:$0x19] =	wrdreg s23  }
0x26: {  	s25 =	sadd.s32 s5, s24;
	[dreg:$0x1a] =	wrdreg s10  }
0x27: {  	s26 =	sadd.s32 s6, s24;
	[dreg:$0x1b] =	wrdreg s25  }
0x28: {  	s1 =	ssub.s32 $0x2, s1;
	s11 =	sadd.s32 s4, s24;
	[dreg:$0x1c] =	wrdreg s26  }
0x29: {  	s13 =	sor.u32 $0x3F00, s3;
	s12 =	sadd.s32 s7, s24;
	[dreg:$0x1d] =	wrdreg s11  }
0x2a: {  	s15 =	sshrl.u32 s1, $0x1;
	s14 =	sadd.s32 s5, s13;
	[dreg:$0x1e] =	wrdreg s12  }
0x2b: {  	s1 =	ssub.s32 s1, s15;
	s15 =	sadd.s32 s6, s13;
	[smem:$0x7EF] =	sst s14  }
0x2c: {  	s16 =	sadd.s32 s4, s13;
	[smem:$0x7F0] =	sst s15  }
0x2d: {  	s17 =	sadd.s32 s7, s13;
	[smem:$0x7F1] =	sst s16  }
0x2e: {  	s29 =	simm.s32 $0x80;
	s18 =	sadd.s32 s9, s13;
	[smem:$0x7F2] =	sst s17  }
0x2f: {  	s30 =	simm.s32 $0x200;
	s19 =	sadd.s32 s9, s3;
	[smem:$0x7F3] =	sst s18  }
0x30: {  	s31 =	simm.s32 $0x1200;
	s7 =	sadd.s32 s7, s3;
	[smem:$0x7F4] =	sst s19  }
0x31: {  	s28 =	smax.u32 s1, $0x1;
	s4 =	sadd.s32 s4, s3;
	[smem:$0x7F5] =	sst s7  }
0x32: {  	s1 =	simm.s32 $0x3600;
	s8 =	sadd.s32 s9, s24;
	[smem:$0x7F6] =	sst s4  }
0x33: {  	s20 =	sadd.s32 s6, s3;
	s21 =	sadd.s32 s5, s3;
	s3 =	sadd.s32 s3, s0  }
0x34: {  	s22 =	sadd.s32 $0x18400, s0;
	s23 =	sadd.s32 $0x18640, s0;
	[dreg:$0x1f] =	wrdreg s8  }
0x35: {  	s24 =	sadd.s32 $0x18880, s0;
	s25 =	sadd.s32 $0x18AC0, s0;
	[smem:$0x7F7] =	sst s20  }
0x36: {  	s26 =	sadd.s32 $0x18D00, s0;
	s18 =	sadd.s32 $0x18F40, s0;
	[smem:$0x7F8] =	sst s21  }
0x37: {  	s19 =	sadd.s32 $0x19180, s0;
	s4 =	simm.s32 $0x5A00;
	[smem:$0x7F9] =	sst s22  }
0x38: {  	s5 =	simm.s32 $0x1;
	s6 =	simm.s32 $0x6C00;
	[smem:$0x7FA] =	sst s23  }
0x39: {  	s7 =	simm.s32 $0x7E00;
	s9 =	simm.s32 $0xA200;
	[smem:$0x7FB] =	sst s24  }
0x3a: {  	s10 =	simm.s32 $0xB400;
	s11 =	simm.s32 $0xC600;
	[smem:$0x7FC] =	sst s25  }
0x3b: {  	s12 =	simm.s32 $0x2;
	[smem:$0x7FD] =	sst s26;
	s20 =	sadd.s32 $0x193C0, s0  }
0x3c: {  	s21 =	sadd.s32 $0x19600, s3;
	s22 =	sadd.s32 $0x1A200, s3;
	s23 =	sadd.s32 $0x1AE00, s3  }
0x3d: {  	s24 =	sadd.s32 $0x1BA00, s3;
	s25 =	sadd.s32 $0x1C600, s3;
	s26 =	sadd.s32 $0x1D200, s3  }
0x3e: {  	v0 =	vimm.s32 $0x0;
	v1 =	vimm.f32 $-1.000000000e+00;
	v2 =	vimm.f32 $0.0e+00;
	s0 =	simm.s32 $0x2400;
	s3 =	simm.s32 $0x4800;
	s8 =	simm.s32 $0x9000  }
.LBB2_2:
0x3f: {  	s14 =	sld [smem:$0x7F8];
	_ =	sdelay $0x1  }
0x40: {  	s13 =	simm.s32 $0x0;
	s17 =	sld [smem:$0x7F7]  }
0x41: {  	[tilespmem:s13], [sflag:$0x1] =	stream.strided.gather [hbm4b:s14+s29], $0x1200, s30, s29, $0x38;
	[tilespmem:$0x16500] =	vst v63  }
0x42: {  	s15 =	sld [smem:$0x7F6]  }
0x43: {  	[tilespmem:s31], [sflag:$0x1] =	stream.strided.gather [hbm4b:s17+s29], $0x1200, s30, s29, $0x38;
	[tilespmem:$0x16500] =	vst v63  }
0x44: {  	s16 =	sld [smem:$0x7F5]  }
0x45: {  	[tilespmem:s0], [sflag:$0x1] =	stream.strided.gather [hbm4b:s15+s29], $0x1200, s30, s29, $0x38;
	[tilespmem:$0x16500] =	vst v63  }
0x46: {  	s17 =	sld [smem:$0x7F4]  }
0x47: {  	[tilespmem:s1], [sflag:$0x1] =	stream.strided.gather [hbm4b:s16+s29], $0x1200, s30, s29, $0x38;
	[tilespmem:$0x16500] =	vst v63  }
0x48: {  	s15 =	sld [smem:$0x7F9]  }
0x49: {  	[tilespmem:s3], [sflag:$0x1] =	stream.strided.gather [hbm4b:s17+s29], $0x1200, s30, s29, $0x38;
	[tilespmem:$0x16500] =	vst v63  }
0x4a: {  	_ = 	snop  }
0x4b: {  	[tilespmem:s4], [sflag:$0x1] =	stream.linear.gather [hbm4b:s15+s13], $0x1200, $0x38;
	[tilespmem:$0x16500] =	vst v63  }
0x4c: {  	_ =	swait.ge [sflag:s5], $0x1200  }
0x4d: {  	[sflag:s5] =	ssyncset.done $0x0  }
0x4e: {  	[sflag:s5] =	ssyncadd.s32 $0xFFFFEE00  }
0x4f: {  	_ =	swait.ge [sflag:s5], $0x1200  }
0x50: {  	[sflag:s5] =	ssyncset.done $0x0  }
0x51: {  	[sflag:s5] =	ssyncadd.s32 $0xFFFFEE00  }
0x52: {  	_ =	swait.ge [sflag:s5], $0x1200  }
0x53: {  	[sflag:s5] =	ssyncset.done $0x0  }
0x54: {  	[sflag:s5] =	ssyncadd.s32 $0xFFFFEE00  }
0x55: {  	_ =	swait.ge [sflag:s5], $0x1200  }
0x56: {  	[sflag:s5] =	ssyncset.done $0x0  }
0x57: {  	[sflag:s5] =	ssyncadd.s32 $0xFFFFEE00  }
0x58: {  	_ =	swait.ge [sflag:s5], $0x1200  }
0x59: {  	[sflag:s5] =	ssyncset.done $0x0  }
0x5a: {  	[sflag:s5] =	ssyncadd.s32 $0xFFFFEE00  }
0x5b: {  	_ =	swait.ge [sflag:s5], $0x1200  }
0x5c: {  	[sflag:s5] =	ssyncset.done $0x0;
	s16 =	rddreg [dreg:$0x2]  }
0x5d: {  	s17 =	rddreg [dreg:$0x3];
	[sflag:s5] =	ssyncadd.s32 $0xFFFFEE00  }
0x5e: {  	[tilespmem:s6], [sflag:$0x2] =	stream.strided.gather [hbm4b:s16+s29], $0x1200, s30, s29, $0x38;
	[tilespmem:$0x16500] =	vst v63  }
0x5f: {  	s15 =	rddreg [dreg:$0x4]  }
0x60: {  	[tilespmem:s7], [sflag:$0x2] =	stream.strided.gather [hbm4b:s17+s29], $0x1200, s30, s29, $0x38;
	[tilespmem:$0x16500] =	vst v63  }
0x61: {  	s16 =	rddreg [dreg:$0x5]  }
0x62: {  	[tilespmem:s8], [sflag:$0x2] =	stream.strided.gather [hbm4b:s15+s29], $0x1200, s30, s29, $0x38;
	[tilespmem:$0x16500] =	vst v63  }
0x63: {  	s17 =	rddreg [dreg:$0x6]  }
0x64: {  	[tilespmem:s9], [sflag:$0x2] =	stream.strided.gather [hbm4b:s16+s29], $0x1200, s30, s29, $0x38;
	[tilespmem:$0x16500] =	vst v63  }
0x65: {  	s15 =	sld [smem:$0x7FA]  }
0x66: {  	[tilespmem:s10], [sflag:$0x2] =	stream.strided.gather [hbm4b:s17+s29], $0x1200, s30, s29, $0x38;
	[tilespmem:$0x16500] =	vst v63  }
0x67: {  	s14 =	simm.s32 $0x0  }
0x68: {  	[tilespmem:s11], [sflag:$0x2] =	stream.linear.gather [hbm4b:s15+s13], $0x1200, $0x38;
	[tilespmem:$0x16500] =	vst v63  }
0x69: {  	v3 =	vld [tilespmem:s14+$0x0];
	_ =	sdelay $0x3  }
0x6a: {  	v4 =	vld [tilespmem:s14+$0x30]  }
0x6b: {  	v5 =	vld [tilespmem:s14+$0x20];
	vm0 =	vge.f32 v3, $0.0e+00  }
0x6c: {  	v6 =	vld [tilespmem:s14+$0x10];
	[tilespmem:s13+$0xD800] =	vst.msk vm0, v3  }
0x6d: {  	v3 =	vld [tilespmem:s14+$0x1200];
	_ =	sdelay $0x4  }
0x6e: {  	v7 =	vsel vm0, $0x1, v0;
	[tilespmem:s13+$0xEF80] =	vst.msk vm0, v3  }
0x6f: {  	(xrf0) =	vadd.scan.msk.s32 $0xffff, v7;
	v3 =	vld [tilespmem:s14+$0x2400];
	_ =	sdelay $0x4  }
0x70: {  	[tilespmem:s13+$0x10700] =	vst.msk vm0, v3  }
0x71: {  	v3, _, _ =	vpop (xrf0);
	v61 =	vld [tilespmem:s14+$0x3600]  }
0x72: {  	(v2sf) =	vpush v3, $0xF;
	_ =	sdelay $0x3  }
0x73: {  	[tilespmem:s13+$0x11E80] =	vst.msk vm0, v61  }
0x74: {  	v3 =	vld [tilespmem:s14+$0x4800];
	_ =	sdelay $0x4  }
0x75: {  	[tilespmem:s13+$0x13600] =	vst.msk vm0, v3  }
0x76: {  	v3 =	vld [tilespmem:s14+$0x5A00];
	_ =	sdelay $0x3  }
0x77: {  	s15 =	spop (v2sf)  }
0x78: {  	vm1 =	vge.f32 v6, $0.0e+00;
	s15 =	sadd.s32 $0x0, s15;
	[tilespmem:s13+$0x14D80] =	vst.msk vm0, v3  }
0x79: {  	[tilespmem:s15+$0xD800] =	vst.msk vm1, v6  }
0x7a: {  	v3 =	vld [tilespmem:s14+$0x1210];
	_ =	sdelay $0x4  }
0x7b: {  	v62 =	vsel vm1, $0x1, v0;
	[tilespmem:s15+$0xEF80] =	vst.msk vm1, v3  }
0x7c: {  	(xrf0) =	vadd.scan.msk.s32 $0xffff, v62;
	v3 =	vld [tilespmem:s14+$0x2410];
	_ =	sdelay $0x4  }
0x7d: {  	[tilespmem:s15+$0x10700] =	vst.msk vm1, v3  }
0x7e: {  	v3, _, _ =	vpop (xrf0);
	v63 =	vld [tilespmem:s14+$0x3610]  }
0x7f: {  	(v2sf) =	vpush v3, $0xF;
	_ =	sdelay $0x3  }
0x80: {  	[tilespmem:s15+$0x11E80] =	vst.msk vm1, v63  }
0x81: {  	v3 =	vld [tilespmem:s14+$0x4810];
	_ =	sdelay $0x4  }
0x82: {  	[tilespmem:s15+$0x13600] =	vst.msk vm1, v3  }
0x83: {  	v3 =	vld [tilespmem:s14+$0x5A10];
	_ =	sdelay $0x3  }
0x84: {  	s16 =	spop (v2sf)  }
0x85: {  	vm2 =	vge.f32 v5, $0.0e+00;
	s13 =	sadd.s32 s16, s15;
	[tilespmem:s15+$0x14D80] =	vst.msk vm1, v3  }
0x86: {  	[tilespmem:s13+$0xD800] =	vst.msk vm2, v5  }
0x87: {  	v3 =	vld [tilespmem:s14+$0x1220];
	_ =	sdelay $0x4  }
0x88: {  	v5 =	vsel vm2, $0x1, v0;
	[tilespmem:s13+$0xEF80] =	vst.msk vm2, v3  }
0x89: {  	(xrf0) =	vadd.scan.msk.s32 $0xffff, v5;
	v3 =	vld [tilespmem:s14+$0x2420];
	_ =	sdelay $0x4  }
0x8a: {  	[tilespmem:s13+$0x10700] =	vst.msk vm2, v3  }
0x8b: {  	v3, _, _ =	vpop (xrf0);
	v5 =	vld [tilespmem:s14+$0x3620]  }
0x8c: {  	(v2sf) =	vpush v3, $0xF;
	_ =	sdelay $0x3  }
0x8d: {  	[tilespmem:s13+$0x11E80] =	vst.msk vm2, v5  }
0x8e: {  	v3 =	vld [tilespmem:s14+$0x4820];
	_ =	sdelay $0x4  }
0x8f: {  	[tilespmem:s13+$0x13600] =	vst.msk vm2, v3  }
0x90: {  	v3 =	vld [tilespmem:s14+$0x5A20];
	_ =	sdelay $0x3  }
0x91: {  	s17 =	spop (v2sf)  }
0x92: {  	vm0 =	vge.f32 v4, $0.0e+00;
	s17 =	sadd.s32 s17, s13;
	[tilespmem:s13+$0x14D80] =	vst.msk vm2, v3  }
0x93: {  	[tilespmem:s17+$0xD800] =	vst.msk vm0, v4  }
0x94: {  	v3 =	vsel vm0, $0x1, v0;
	v4 =	vld [tilespmem:s14+$0x1230]  }
0x95: {  	(xrf0) =	vadd.scan.msk.s32 $0xffff, v3;
	_ =	sdelay $0x3  }
0x96: {  	[tilespmem:s17+$0xEF80] =	vst.msk vm0, v4  }
0x97: {  	v3 =	vld [tilespmem:s14+$0x2430]  }
0x98: {  	v4, _, _ =	vpop (xrf0)  }
0x99: {  	(v2sf) =	vpush v4, $0xF;
	_ =	sdelay $0x2  }
0x9a: {  	[tilespmem:s17+$0x10700] =	vst.msk vm0, v3  }
0x9b: {  	v3 =	vld [tilespmem:s14+$0x3630];
	_ =	sdelay $0x4  }
0x9c: {  	[tilespmem:s17+$0x11E80] =	vst.msk vm0, v3  }
0x9d: {  	v3 =	vld [tilespmem:s14+$0x4830];
	_ =	sdelay $0x4  }
0x9e: {  	s16 =	spop (v2sf);
	[tilespmem:s17+$0x13600] =	vst.msk vm0, v3  }
0x9f: {  	s13 =	simm.s32 $0x100;
	s16 =	sadd.s32 s16, s17;
	v3 =	vld [tilespmem:s14+$0x5A30];
	s14 =	simm.s32 $0x200  }
.LBB2_3:
0xa0: {  	_ =	sdelay $0x2  }
0xa1: {  	p0 =	sne.s32 s14, $0x4700  }
0xa2: {  	s15 =	sshra.s32 s13, $0x2;
	s13 =	smov.u32 s14;
	s14 =	sadd.s32 $0x100, s14;
	[tilespmem:s17+$0x14D80] =	vst.msk vm0, v3  }
0xa3: {  	v4 =	vld [tilespmem:s15+$0x0];
	_ =	sdelay $0x2  }
0xa4: {  	v3 =	vld [tilespmem:s15+$0x30]  }
0xa5: {  	v5 =	vld [tilespmem:s15+$0x20]  }
0xa6: {  	v6 =	vld [tilespmem:s15+$0x10];
	vm1 =	vge.f32 v4, $0.0e+00  }
0xa7: {  	v7 =	vsel vm1, $0x1, v0;
	[tilespmem:s16+$0xD800] =	vst.msk vm1, v4  }
0xa8: {  	v4 =	vld [tilespmem:s15+$0x1200];
	(xrf0) =	vadd.scan.msk.s32 $0xffff, v7;
	_ =	sdelay $0x4  }
0xa9: {  	[tilespmem:s16+$0xEF80] =	vst.msk vm1, v4  }
0xaa: {  	v4 =	vld [tilespmem:s15+$0x2400];
	v7, _, _ =	vpop (xrf0)  }
0xab: {  	(v2sf) =	vpush v7, $0xF;
	_ =	sdelay $0x3  }
0xac: {  	[tilespmem:s16+$0x10700] =	vst.msk vm1, v4  }
0xad: {  	v4 =	vld [tilespmem:s15+$0x3600];
	_ =	sdelay $0x4  }
0xae: {  	[tilespmem:s16+$0x11E80] =	vst.msk vm1, v4  }
0xaf: {  	v4 =	vld [tilespmem:s15+$0x4800];
	_ =	sdelay $0x3  }
0xb0: {  	s17 =	spop (v2sf)  }
0xb1: {  	[tilespmem:s16+$0x13600] =	vst.msk vm1, v4  }
0xb2: {  	v4 =	vld [tilespmem:s15+$0x5A00];
	_ =	sdelay $0x4  }
0xb3: {  	vm0 =	vge.f32 v6, $0.0e+00;
	s17 =	sadd.s32 s16, s17;
	[tilespmem:s16+$0x14D80] =	vst.msk vm1, v4  }
0xb4: {  	v4 =	vsel vm0, $0x1, v0;
	[tilespmem:s17+$0xD800] =	vst.msk vm0, v6  }
0xb5: {  	v6 =	vld [tilespmem:s15+$0x1210];
	(xrf0) =	vadd.scan.msk.s32 $0xffff, v4;
	_ =	sdelay $0x4  }
0xb6: {  	[tilespmem:s17+$0xEF80] =	vst.msk vm0, v6  }
0xb7: {  	v4 =	vld [tilespmem:s15+$0x2410];
	v6, _, _ =	vpop (xrf0)  }
0xb8: {  	(v2sf) =	vpush v6, $0xF;
	_ =	sdelay $0x3  }
0xb9: {  	[tilespmem:s17+$0x10700] =	vst.msk vm0, v4  }
0xba: {  	v4 =	vld [tilespmem:s15+$0x3610];
	_ =	sdelay $0x4  }
0xbb: {  	[tilespmem:s17+$0x11E80] =	vst.msk vm0, v4  }
0xbc: {  	v4 =	vld [tilespmem:s15+$0x4810];
	_ =	sdelay $0x3  }
0xbd: {  	s16 =	spop (v2sf)  }
0xbe: {  	[tilespmem:s17+$0x13600] =	vst.msk vm0, v4  }
0xbf: {  	v4 =	vld [tilespmem:s15+$0x5A10];
	_ =	sdelay $0x4  }
0xc0: {  	vm1 =	vge.f32 v5, $0.0e+00;
	s16 =	sadd.s32 s16, s17;
	[tilespmem:s17+$0x14D80] =	vst.msk vm0, v4  }
0xc1: {  	v4 =	vsel vm1, $0x1, v0;
	[tilespmem:s16+$0xD800] =	vst.msk vm1, v5  }
0xc2: {  	v5 =	vld [tilespmem:s15+$0x1220];
	(xrf0) =	vadd.scan.msk.s32 $0xffff, v4;
	_ =	sdelay $0x4  }
0xc3: {  	vm0 =	vge.f32 v3, $0.0e+00;
	[tilespmem:s16+$0xEF80] =	vst.msk vm1, v5  }
0xc4: {  	v4 =	vsel vm0, $0x1, v0;
	v5 =	vld [tilespmem:s15+$0x2420];
	v6, _, _ =	vpop (xrf0)  }
0xc5: {  	(xrf0) =	vadd.scan.msk.s32 $0xffff, v4;
	_ =	sdelay $0x3  }
0xc6: {  	[tilespmem:s16+$0x10700] =	vst.msk vm1, v5  }
0xc7: {  	v4 =	vld [tilespmem:s15+$0x3620]  }
0xc8: {  	(v2sf) =	vpush v6, $0xF;
	v5, _, _ =	vpop (xrf0)  }
0xc9: {  	(v2sf) =	vpush v5, $0xF;
	_ =	sdelay $0x2  }
0xca: {  	[tilespmem:s16+$0x11E80] =	vst.msk vm1, v4  }
0xcb: {  	v4 =	vld [tilespmem:s15+$0x4820];
	_ =	sdelay $0x4  }
0xcc: {  	[tilespmem:s16+$0x13600] =	vst.msk vm1, v4  }
0xcd: {  	v4 =	vld [tilespmem:s15+$0x5A20];
	_ =	sdelay $0x3  }
0xce: {  	s17 =	spop (v2sf)  }
0xcf: {  	s17 =	sadd.s32 s17, s16;
	[tilespmem:s16+$0x14D80] =	vst.msk vm1, v4;
	s16 =	spop (v2sf)  }
0xd0: {  	[tilespmem:s17+$0xD800] =	vst.msk vm0, v3;
	s16 =	sadd.s32 s16, s17  }
0xd1: {  	v3 =	vld [tilespmem:s15+$0x1230];
	_ =	sdelay $0x4  }
0xd2: {  	[tilespmem:s17+$0xEF80] =	vst.msk vm0, v3  }
0xd3: {  	v3 =	vld [tilespmem:s15+$0x2430];
	_ =	sdelay $0x4  }
0xd4: {  	[tilespmem:s17+$0x10700] =	vst.msk vm0, v3  }
0xd5: {  	v3 =	vld [tilespmem:s15+$0x3630];
	_ =	sdelay $0x4  }
0xd6: {  	[tilespmem:s17+$0x11E80] =	vst.msk vm0, v3  }
0xd7: {  	v3 =	vld [tilespmem:s15+$0x4830];
	_ =	sdelay $0x1  }
.Ltmp1:
0xd8: {  	(pc) =	sbr.rel @p0 .LBB2_3-.Ltmp1, $3  }
0xd9: {  	_ =	sdelay $0x1  }
0xda: {  	[tilespmem:s17+$0x13600] =	vst.msk vm0, v3  }
0xdb: {  	v3 =	vld [tilespmem:s15+$0x5A30]  }
0xdc: {  	_ =	sdelay $0x3  }
0xdd: {  	s13 =	sshra.s32 s13, $0x2;
	[tilespmem:s17+$0x14D80] =	vst.msk vm0, v3  }
0xde: {  	v3 =	vld [tilespmem:s13+$0x0];
	_ =	sdelay $0x3  }
0xdf: {  	v4 =	vld [tilespmem:s13+$0x30]  }
0xe0: {  	v5 =	vld [tilespmem:s13+$0x20];
	vm0 =	vge.f32 v3, $0.0e+00  }
0xe1: {  	v6 =	vld [tilespmem:s13+$0x10];
	[tilespmem:s16+$0xD800] =	vst.msk vm0, v3  }
0xe2: {  	v3 =	vld [tilespmem:s13+$0x1200];
	_ =	sdelay $0x4  }
0xe3: {  	v7 =	vsel vm0, $0x1, v0;
	[tilespmem:s16+$0xEF80] =	vst.msk vm0, v3  }
0xe4: {  	(xrf0) =	vadd.scan.msk.s32 $0xffff, v7;
	v3 =	vld [tilespmem:s13+$0x2400];
	_ =	sdelay $0x4  }
0xe5: {  	[tilespmem:s16+$0x10700] =	vst.msk vm0, v3  }
0xe6: {  	v3, _, _ =	vpop (xrf0);
	v56 =	vld [tilespmem:s13+$0x3600]  }
0xe7: {  	(v2sf) =	vpush v3, $0xF;
	_ =	sdelay $0x3  }
0xe8: {  	[tilespmem:s16+$0x11E80] =	vst.msk vm0, v56  }
0xe9: {  	v3 =	vld [tilespmem:s13+$0x4800];
	_ =	sdelay $0x4  }
0xea: {  	[tilespmem:s16+$0x13600] =	vst.msk vm0, v3  }
0xeb: {  	v3 =	vld [tilespmem:s13+$0x5A00];
	_ =	sdelay $0x3  }
0xec: {  	s14 =	spop (v2sf)  }
0xed: {  	vm1 =	vge.f32 v6, $0.0e+00;
	s14 =	sadd.s32 s16, s14;
	[tilespmem:s16+$0x14D80] =	vst.msk vm0, v3  }
0xee: {  	[tilespmem:s14+$0xD800] =	vst.msk vm1, v6  }
0xef: {  	v3 =	vld [tilespmem:s13+$0x1210];
	_ =	sdelay $0x4  }
0xf0: {  	v57 =	vsel vm1, $0x1, v0;
	[tilespmem:s14+$0xEF80] =	vst.msk vm1, v3  }
0xf1: {  	(xrf0) =	vadd.scan.msk.s32 $0xffff, v57;
	v3 =	vld [tilespmem:s13+$0x2410];
	_ =	sdelay $0x4  }
0xf2: {  	[tilespmem:s14+$0x10700] =	vst.msk vm1, v3  }
0xf3: {  	v3, _, _ =	vpop (xrf0);
	v58 =	vld [tilespmem:s13+$0x3610]  }
0xf4: {  	(v2sf) =	vpush v3, $0xF;
	_ =	sdelay $0x3  }
0xf5: {  	[tilespmem:s14+$0x11E80] =	vst.msk vm1, v58  }
0xf6: {  	v3 =	vld [tilespmem:s13+$0x4810];
	_ =	sdelay $0x4  }
0xf7: {  	[tilespmem:s14+$0x13600] =	vst.msk vm1, v3  }
0xf8: {  	v3 =	vld [tilespmem:s13+$0x5A10];
	_ =	sdelay $0x3  }
0xf9: {  	s15 =	spop (v2sf)  }
0xfa: {  	vm0 =	vge.f32 v5, $0.0e+00;
	s15 =	sadd.s32 s15, s14;
	[tilespmem:s14+$0x14D80] =	vst.msk vm1, v3  }
0xfb: {  	[tilespmem:s15+$0xD800] =	vst.msk vm0, v5  }
0xfc: {  	v3 =	vld [tilespmem:s13+$0x1220];
	_ =	sdelay $0x4  }
0xfd: {  	v5 =	vsel vm0, $0x1, v0;
	[tilespmem:s15+$0xEF80] =	vst.msk vm0, v3  }
0xfe: {  	(xrf0) =	vadd.scan.msk.s32 $0xffff, v5;
	v3 =	vld [tilespmem:s13+$0x2420];
	_ =	sdelay $0x4  }
0xff: {  	[tilespmem:s15+$0x10700] =	vst.msk vm0, v3  }
0x100: {  	v3, _, _ =	vpop (xrf0);
	v5 =	vld [tilespmem:s13+$0x3620]  }
0x101: {  	(v2sf) =	vpush v3, $0xF;
	_ =	sdelay $0x3  }
0x102: {  	[tilespmem:s15+$0x11E80] =	vst.msk vm0, v5  }
0x103: {  	v3 =	vld [tilespmem:s13+$0x4820];
	_ =	sdelay $0x4  }
0x104: {  	[tilespmem:s15+$0x13600] =	vst.msk vm0, v3  }
0x105: {  	v3 =	vld [tilespmem:s13+$0x5A20];
	_ =	sdelay $0x3  }
0x106: {  	s16 =	spop (v2sf)  }
0x107: {  	vm1 =	vge.f32 v4, $0.0e+00;
	s14 =	sadd.s32 s16, s15;
	[tilespmem:s15+$0x14D80] =	vst.msk vm0, v3  }
0x108: {  	[tilespmem:s14+$0xD800] =	vst.msk vm1, v4  }
0x109: {  	v3 =	vld [tilespmem:s13+$0x1230];
	_ =	sdelay $0x4  }
0x10a: {  	[tilespmem:s14+$0xEF80] =	vst.msk vm1, v3  }
0x10b: {  	v3 =	vsel vm1, $0x1, v0;
	v4 =	vld [tilespmem:s13+$0x2430]  }
0x10c: {  	(xrf0) =	vadd.scan.msk.s32 $0xffff, v3;
	_ =	sdelay $0x3  }
0x10d: {  	[tilespmem:s14+$0x10700] =	vst.msk vm1, v4  }
0x10e: {  	v3 =	vld [tilespmem:s13+$0x3630]  }
0x10f: {  	v4, _, _ =	vpop (xrf0)  }
0x110: {  	(v2sf) =	vpush v4, $0xF;
	_ =	sdelay $0x2  }
0x111: {  	[tilespmem:s14+$0x11E80] =	vst.msk vm1, v3  }
0x112: {  	v3 =	vld [tilespmem:s13+$0x4830];
	_ =	sdelay $0x4  }
0x113: {  	[tilespmem:s14+$0x13600] =	vst.msk vm1, v3  }
0x114: {  	v3 =	vld [tilespmem:s13+$0x5A30];
	_ =	sdelay $0x4  }
0x115: {  	s13 =	spop (v2sf);
	[tilespmem:s14+$0x14D80] =	vst.msk vm1, v3  }
0x116: {  	_ =	swait.ge [sflag:s12], $0x1200  }
0x117: {  	[sflag:s12] =	ssyncset.done $0x0  }
0x118: {  	[sflag:s12] =	ssyncadd.s32 $0xFFFFEE00  }
0x119: {  	_ =	swait.ge [sflag:s12], $0x1200  }
0x11a: {  	[sflag:s12] =	ssyncset.done $0x0  }
0x11b: {  	[sflag:s12] =	ssyncadd.s32 $0xFFFFEE00  }
0x11c: {  	_ =	swait.ge [sflag:s12], $0x1200  }
0x11d: {  	[sflag:s12] =	ssyncset.done $0x0  }
0x11e: {  	[sflag:s12] =	ssyncadd.s32 $0xFFFFEE00  }
0x11f: {  	_ =	swait.ge [sflag:s12], $0x1200  }
0x120: {  	[sflag:s12] =	ssyncset.done $0x0  }
0x121: {  	[sflag:s12] =	ssyncadd.s32 $0xFFFFEE00  }
0x122: {  	_ =	swait.ge [sflag:s12], $0x1200  }
0x123: {  	[sflag:s12] =	ssyncset.done $0x0  }
0x124: {  	[sflag:s12] =	ssyncadd.s32 $0xFFFFEE00  }
0x125: {  	_ =	swait.ge [sflag:s12], $0x1200  }
0x126: {  	[sflag:s12] =	ssyncset.done $0x0  }
0x127: {  	s15 =	simm.s32 $0x0;
	s17 =	rddreg [dreg:$0x7];
	[sflag:s12] =	ssyncadd.s32 $0xFFFFEE00  }
0x128: {  	[tilespmem:s15], [sflag:$0x1] =	stream.strided.gather [hbm4b:s17+s29], $0x1200, s30, s29, $0x38;
	[tilespmem:$0x16500] =	vst v63  }
0x129: {  	s17 =	rddreg [dreg:$0x8]  }
0x12a: {  	[tilespmem:s31], [sflag:$0x1] =	stream.strided.gather [hbm4b:s17+s29], $0x1200, s30, s29, $0x38;
	[tilespmem:$0x16500] =	vst v63  }
0x12b: {  	s17 =	rddreg [dreg:$0x9]  }
0x12c: {  	[tilespmem:s0], [sflag:$0x1] =	stream.strided.gather [hbm4b:s17+s29], $0x1200, s30, s29, $0x38;
	[tilespmem:$0x16500] =	vst v63  }
0x12d: {  	s17 =	rddreg [dreg:$0xa]  }
0x12e: {  	[tilespmem:s1], [sflag:$0x1] =	stream.strided.gather [hbm4b:s17+s29], $0x1200, s30, s29, $0x38;
	[tilespmem:$0x16500] =	vst v63  }
0x12f: {  	s17 =	rddreg [dreg:$0xb]  }
0x130: {  	[tilespmem:s3], [sflag:$0x1] =	stream.strided.gather [hbm4b:s17+s29], $0x1200, s30, s29, $0x38;
	[tilespmem:$0x16500] =	vst v63  }
0x131: {  	s17 =	sld [smem:$0x7FB];
	_ =	sdelay $0x2  }
0x132: {  	[tilespmem:s4], [sflag:$0x1] =	stream.linear.gather [hbm4b:s17+s15], $0x1200, $0x38;
	[tilespmem:$0x16500] =	vst v63  }
0x133: {  	s15 =	simm.s32 $0x0  }
0x134: {  	v3 =	vld [tilespmem:s15+$0x6C00];
	_ =	sdelay $0x3  }
0x135: {  	v4 =	vld [tilespmem:s15+$0x6C30]  }
0x136: {  	s13 =	sadd.s32 s13, s14;
	v5 =	vld [tilespmem:s15+$0x6C20];
	vm0 =	vge.f32 v3, $0.0e+00  }
0x137: {  	v59 =	vld [tilespmem:s15+$0x6C10];
	[tilespmem:s13+$0xD800] =	vst.msk vm0, v3  }
0x138: {  	v3 =	vld [tilespmem:s15+$0x7E00];
	_ =	sdelay $0x4  }
0x139: {  	v60 =	vsel vm0, $0x1, v0;
	[tilespmem:s13+$0xEF80] =	vst.msk vm0, v3  }
0x13a: {  	(xrf0) =	vadd.scan.msk.s32 $0xffff, v60;
	v3 =	vld [tilespmem:s15+$0x9000];
	_ =	sdelay $0x4  }
0x13b: {  	[tilespmem:s13+$0x10700] =	vst.msk vm0, v3  }
0x13c: {  	v3, _, _ =	vpop (xrf0);
	v61 =	vld [tilespmem:s15+$0xA200]  }
0x13d: {  	(v2sf) =	vpush v3, $0xF;
	_ =	sdelay $0x3  }
0x13e: {  	[tilespmem:s13+$0x11E80] =	vst.msk vm0, v61  }
0x13f: {  	v3 =	vld [tilespmem:s15+$0xB400];
	_ =	sdelay $0x4  }
0x140: {  	[tilespmem:s13+$0x13600] =	vst.msk vm0, v3  }
0x141: {  	v3 =	vld [tilespmem:s15+$0xC600];
	_ =	sdelay $0x3  }
0x142: {  	s17 =	spop (v2sf)  }
0x143: {  	vm1 =	vge.f32 v59, $0.0e+00;
	s14 =	sadd.s32 s13, s17;
	[tilespmem:s13+$0x14D80] =	vst.msk vm0, v3  }
0x144: {  	[tilespmem:s14+$0xD800] =	vst.msk vm1, v59  }
0x145: {  	v3 =	vld [tilespmem:s15+$0x7E10];
	_ =	sdelay $0x4  }
0x146: {  	v62 =	vsel vm1, $0x1, v0;
	[tilespmem:s14+$0xEF80] =	vst.msk vm1, v3  }
0x147: {  	(xrf0) =	vadd.scan.msk.s32 $0xffff, v62;
	v3 =	vld [tilespmem:s15+$0x9010];
	_ =	sdelay $0x4  }
0x148: {  	[tilespmem:s14+$0x10700] =	vst.msk vm1, v3  }
0x149: {  	v3, _, _ =	vpop (xrf0);
	v63 =	vld [tilespmem:s15+$0xA210]  }
0x14a: {  	(v2sf) =	vpush v3, $0xF;
	_ =	sdelay $0x3  }
0x14b: {  	[tilespmem:s14+$0x11E80] =	vst.msk vm1, v63  }
0x14c: {  	v3 =	vld [tilespmem:s15+$0xB410];
	_ =	sdelay $0x4  }
0x14d: {  	[tilespmem:s14+$0x13600] =	vst.msk vm1, v3  }
0x14e: {  	v3 =	vld [tilespmem:s15+$0xC610];
	_ =	sdelay $0x3  }
0x14f: {  	s16 =	spop (v2sf)  }
0x150: {  	vm2 =	vge.f32 v5, $0.0e+00;
	s13 =	sadd.s32 s16, s14;
	[tilespmem:s14+$0x14D80] =	vst.msk vm1, v3  }
0x151: {  	[tilespmem:s13+$0xD800] =	vst.msk vm2, v5  }
0x152: {  	v3 =	vld [tilespmem:s15+$0x7E20];
	_ =	sdelay $0x4  }
0x153: {  	v5 =	vsel vm2, $0x1, v0;
	[tilespmem:s13+$0xEF80] =	vst.msk vm2, v3  }
0x154: {  	(xrf0) =	vadd.scan.msk.s32 $0xffff, v5;
	v3 =	vld [tilespmem:s15+$0x9020];
	_ =	sdelay $0x4  }
0x155: {  	[tilespmem:s13+$0x10700] =	vst.msk vm2, v3  }
0x156: {  	v3, _, _ =	vpop (xrf0);
	v5 =	vld [tilespmem:s15+$0xA220]  }
0x157: {  	(v2sf) =	vpush v3, $0xF;
	_ =	sdelay $0x3  }
0x158: {  	[tilespmem:s13+$0x11E80] =	vst.msk vm2, v5  }
0x159: {  	v3 =	vld [tilespmem:s15+$0xB420];
	_ =	sdelay $0x4  }
0x15a: {  	[tilespmem:s13+$0x13600] =	vst.msk vm2, v3  }
0x15b: {  	v3 =	vld [tilespmem:s15+$0xC620];
	_ =	sdelay $0x3  }
0x15c: {  	s17 =	spop (v2sf)  }
0x15d: {  	vm0 =	vge.f32 v4, $0.0e+00;
	s17 =	sadd.s32 s17, s13;
	[tilespmem:s13+$0x14D80] =	vst.msk vm2, v3  }
0x15e: {  	[tilespmem:s17+$0xD800] =	vst.msk vm0, v4  }
0x15f: {  	v3 =	vsel vm0, $0x1, v0;
	v4 =	vld [tilespmem:s15+$0x7E30]  }
0x160: {  	(xrf0) =	vadd.scan.msk.s32 $0xffff, v3;
	_ =	sdelay $0x3  }
0x161: {  	[tilespmem:s17+$0xEF80] =	vst.msk vm0, v4  }
0x162: {  	v3 =	vld [tilespmem:s15+$0x9030]  }
0x163: {  	v4, _, _ =	vpop (xrf0)  }
0x164: {  	(v2sf) =	vpush v4, $0xF;
	_ =	sdelay $0x2  }
0x165: {  	[tilespmem:s17+$0x10700] =	vst.msk vm0, v3  }
0x166: {  	v3 =	vld [tilespmem:s15+$0xA230];
	_ =	sdelay $0x4  }
0x167: {  	[tilespmem:s17+$0x11E80] =	vst.msk vm0, v3  }
0x168: {  	v3 =	vld [tilespmem:s15+$0xB430];
	_ =	sdelay $0x4  }
0x169: {  	s16 =	spop (v2sf);
	[tilespmem:s17+$0x13600] =	vst.msk vm0, v3  }
0x16a: {  	s14 =	simm.s32 $0x200;
	s13 =	simm.s32 $0x100;
	s16 =	sadd.s32 s16, s17;
	v3 =	vld [tilespmem:s15+$0xC630]  }
.LBB2_5:
0x16b: {  	_ =	sdelay $0x2  }
0x16c: {  	p0 =	sne.s32 s14, $0x4700  }
0x16d: {  	s15 =	sshra.s32 s13, $0x2;
	s13 =	smov.u32 s14;
	s14 =	sadd.s32 $0x100, s14;
	[tilespmem:s17+$0x14D80] =	vst.msk vm0, v3  }
0x16e: {  	v4 =	vld [tilespmem:s15+$0x6C00];
	_ =	sdelay $0x2  }
0x16f: {  	v3 =	vld [tilespmem:s15+$0x6C30]  }
0x170: {  	v5 =	vld [tilespmem:s15+$0x6C20]  }
0x171: {  	v6 =	vld [tilespmem:s15+$0x6C10];
	vm1 =	vge.f32 v4, $0.0e+00  }
0x172: {  	v7 =	vsel vm1, $0x1, v0;
	[tilespmem:s16+$0xD800] =	vst.msk vm1, v4  }
0x173: {  	v4 =	vld [tilespmem:s15+$0x7E00];
	(xrf0) =	vadd.scan.msk.s32 $0xffff, v7;
	_ =	sdelay $0x4  }
0x174: {  	[tilespmem:s16+$0xEF80] =	vst.msk vm1, v4  }
0x175: {  	v4 =	vld [tilespmem:s15+$0x9000];
	v7, _, _ =	vpop (xrf0)  }
0x176: {  	(v2sf) =	vpush v7, $0xF;
	_ =	sdelay $0x3  }
0x177: {  	[tilespmem:s16+$0x10700] =	vst.msk vm1, v4  }
0x178: {  	v4 =	vld [tilespmem:s15+$0xA200];
	_ =	sdelay $0x4  }
0x179: {  	[tilespmem:s16+$0x11E80] =	vst.msk vm1, v4  }
0x17a: {  	v4 =	vld [tilespmem:s15+$0xB400];
	_ =	sdelay $0x3  }
0x17b: {  	s17 =	spop (v2sf)  }
0x17c: {  	[tilespmem:s16+$0x13600] =	vst.msk vm1, v4  }
0x17d: {  	v4 =	vld [tilespmem:s15+$0xC600];
	_ =	sdelay $0x4  }
0x17e: {  	vm0 =	vge.f32 v6, $0.0e+00;
	s17 =	sadd.s32 s16, s17;
	[tilespmem:s16+$0x14D80] =	vst.msk vm1, v4  }
0x17f: {  	v4 =	vsel vm0, $0x1, v0;
	[tilespmem:s17+$0xD800] =	vst.msk vm0, v6  }
0x180: {  	v6 =	vld [tilespmem:s15+$0x7E10];
	(xrf0) =	vadd.scan.msk.s32 $0xffff, v4;
	_ =	sdelay $0x4  }
0x181: {  	[tilespmem:s17+$0xEF80] =	vst.msk vm0, v6  }
0x182: {  	v4 =	vld [tilespmem:s15+$0x9010];
	v6, _, _ =	vpop (xrf0)  }
0x183: {  	(v2sf) =	vpush v6, $0xF;
	_ =	sdelay $0x3  }
0x184: {  	[tilespmem:s17+$0x10700] =	vst.msk vm0, v4  }
0x185: {  	v4 =	vld [tilespmem:s15+$0xA210];
	_ =	sdelay $0x4  }
0x186: {  	[tilespmem:s17+$0x11E80] =	vst.msk vm0, v4  }
0x187: {  	v4 =	vld [tilespmem:s15+$0xB410];
	_ =	sdelay $0x3  }
0x188: {  	s16 =	spop (v2sf)  }
0x189: {  	[tilespmem:s17+$0x13600] =	vst.msk vm0, v4  }
0x18a: {  	v4 =	vld [tilespmem:s15+$0xC610];
	_ =	sdelay $0x4  }
0x18b: {  	vm1 =	vge.f32 v5, $0.0e+00;
	s16 =	sadd.s32 s16, s17;
	[tilespmem:s17+$0x14D80] =	vst.msk vm0, v4  }
0x18c: {  	v4 =	vsel vm1, $0x1, v0;
	[tilespmem:s16+$0xD800] =	vst.msk vm1, v5  }
0x18d: {  	v5 =	vld [tilespmem:s15+$0x7E20];
	(xrf0) =	vadd.scan.msk.s32 $0xffff, v4;
	_ =	sdelay $0x4  }
0x18e: {  	vm0 =	vge.f32 v3, $0.0e+00;
	[tilespmem:s16+$0xEF80] =	vst.msk vm1, v5  }
0x18f: {  	v4 =	vsel vm0, $0x1, v0;
	v5 =	vld [tilespmem:s15+$0x9020];
	v6, _, _ =	vpop (xrf0)  }
0x190: {  	(xrf0) =	vadd.scan.msk.s32 $0xffff, v4;
	_ =	sdelay $0x3  }
0x191: {  	[tilespmem:s16+$0x10700] =	vst.msk vm1, v5  }
0x192: {  	v4 =	vld [tilespmem:s15+$0xA220]  }
0x193: {  	(v2sf) =	vpush v6, $0xF;
	v5, _, _ =	vpop (xrf0)  }
0x194: {  	(v2sf) =	vpush v5, $0xF;
	_ =	sdelay $0x2  }
0x195: {  	[tilespmem:s16+$0x11E80] =	vst.msk vm1, v4  }
0x196: {  	v4 =	vld [tilespmem:s15+$0xB420];
	_ =	sdelay $0x4  }
0x197: {  	[tilespmem:s16+$0x13600] =	vst.msk vm1, v4  }
0x198: {  	v4 =	vld [tilespmem:s15+$0xC620];
	_ =	sdelay $0x3  }
0x199: {  	s17 =	spop (v2sf)  }
0x19a: {  	s17 =	sadd.s32 s17, s16;
	[tilespmem:s16+$0x14D80] =	vst.msk vm1, v4;
	s16 =	spop (v2sf)  }
0x19b: {  	[tilespmem:s17+$0xD800] =	vst.msk vm0, v3;
	s16 =	sadd.s32 s16, s17  }
0x19c: {  	v3 =	vld [tilespmem:s15+$0x7E30];
	_ =	sdelay $0x4  }
0x19d: {  	[tilespmem:s17+$0xEF80] =	vst.msk vm0, v3  }
0x19e: {  	v3 =	vld [tilespmem:s15+$0x9030];
	_ =	sdelay $0x4  }
0x19f: {  	[tilespmem:s17+$0x10700] =	vst.msk vm0, v3  }
0x1a0: {  	v3 =	vld [tilespmem:s15+$0xA230];
	_ =	sdelay $0x4  }
0x1a1: {  	[tilespmem:s17+$0x11E80] =	vst.msk vm0, v3  }
0x1a2: {  	v3 =	vld [tilespmem:s15+$0xB430];
	_ =	sdelay $0x1  }
.Ltmp2:
0x1a3: {  	(pc) =	sbr.rel @p0 .LBB2_5-.Ltmp2, $3  }
0x1a4: {  	_ =	sdelay $0x1  }
0x1a5: {  	[tilespmem:s17+$0x13600] =	vst.msk vm0, v3  }
0x1a6: {  	v3 =	vld [tilespmem:s15+$0xC630]  }
0x1a7: {  	_ =	sdelay $0x3  }
0x1a8: {  	s13 =	sshra.s32 s13, $0x2;
	[tilespmem:s17+$0x14D80] =	vst.msk vm0, v3  }
0x1a9: {  	v3 =	vld [tilespmem:s13+$0x6C00];
	_ =	sdelay $0x3  }
0x1aa: {  	v4 =	vld [tilespmem:s13+$0x6C30]  }
0x1ab: {  	v5 =	vld [tilespmem:s13+$0x6C20];
	vm0 =	vge.f32 v3, $0.0e+00  }
0x1ac: {  	v6 =	vld [tilespmem:s13+$0x6C10];
	[tilespmem:s16+$0xD800] =	vst.msk vm0, v3  }
0x1ad: {  	v3 =	vld [tilespmem:s13+$0x7E00];
	_ =	sdelay $0x4  }
0x1ae: {  	v7 =	vsel vm0, $0x1, v0;
	[tilespmem:s16+$0xEF80] =	vst.msk vm0, v3  }
0x1af: {  	(xrf0) =	vadd.scan.msk.s32 $0xffff, v7;
	v3 =	vld [tilespmem:s13+$0x9000];
	_ =	sdelay $0x4  }
0x1b0: {  	[tilespmem:s16+$0x10700] =	vst.msk vm0, v3  }
0x1b1: {  	v3, _, _ =	vpop (xrf0);
	v56 =	vld [tilespmem:s13+$0xA200]  }
0x1b2: {  	(v2sf) =	vpush v3, $0xF;
	_ =	sdelay $0x3  }
0x1b3: {  	[tilespmem:s16+$0x11E80] =	vst.msk vm0, v56  }
0x1b4: {  	v3 =	vld [tilespmem:s13+$0xB400];
	_ =	sdelay $0x4  }
0x1b5: {  	[tilespmem:s16+$0x13600] =	vst.msk vm0, v3  }
0x1b6: {  	v3 =	vld [tilespmem:s13+$0xC600];
	_ =	sdelay $0x3  }
0x1b7: {  	s14 =	spop (v2sf)  }
0x1b8: {  	vm1 =	vge.f32 v6, $0.0e+00;
	s14 =	sadd.s32 s16, s14;
	[tilespmem:s16+$0x14D80] =	vst.msk vm0, v3  }
0x1b9: {  	[tilespmem:s14+$0xD800] =	vst.msk vm1, v6  }
0x1ba: {  	v3 =	vld [tilespmem:s13+$0x7E10];
	_ =	sdelay $0x4  }
0x1bb: {  	v57 =	vsel vm1, $0x1, v0;
	[tilespmem:s14+$0xEF80] =	vst.msk vm1, v3  }
0x1bc: {  	(xrf0) =	vadd.scan.msk.s32 $0xffff, v57;
	v3 =	vld [tilespmem:s13+$0x9010];
	_ =	sdelay $0x4  }
0x1bd: {  	[tilespmem:s14+$0x10700] =	vst.msk vm1, v3  }
0x1be: {  	v3, _, _ =	vpop (xrf0);
	v58 =	vld [tilespmem:s13+$0xA210]  }
0x1bf: {  	(v2sf) =	vpush v3, $0xF;
	_ =	sdelay $0x3  }
0x1c0: {  	[tilespmem:s14+$0x11E80] =	vst.msk vm1, v58  }
0x1c1: {  	v3 =	vld [tilespmem:s13+$0xB410];
	_ =	sdelay $0x4  }
0x1c2: {  	[tilespmem:s14+$0x13600] =	vst.msk vm1, v3  }
0x1c3: {  	v3 =	vld [tilespmem:s13+$0xC610];
	_ =	sdelay $0x3  }
0x1c4: {  	s15 =	spop (v2sf)  }
0x1c5: {  	vm0 =	vge.f32 v5, $0.0e+00;
	s15 =	sadd.s32 s15, s14;
	[tilespmem:s14+$0x14D80] =	vst.msk vm1, v3  }
0x1c6: {  	[tilespmem:s15+$0xD800] =	vst.msk vm0, v5  }
0x1c7: {  	v3 =	vld [tilespmem:s13+$0x7E20];
	_ =	sdelay $0x4  }
0x1c8: {  	v5 =	vsel vm0, $0x1, v0;
	[tilespmem:s15+$0xEF80] =	vst.msk vm0, v3  }
0x1c9: {  	(xrf0) =	vadd.scan.msk.s32 $0xffff, v5;
	v3 =	vld [tilespmem:s13+$0x9020];
	_ =	sdelay $0x4  }
0x1ca: {  	[tilespmem:s15+$0x10700] =	vst.msk vm0, v3  }
0x1cb: {  	v3, _, _ =	vpop (xrf0);
	v5 =	vld [tilespmem:s13+$0xA220]  }
0x1cc: {  	(v2sf) =	vpush v3, $0xF;
	_ =	sdelay $0x3  }
0x1cd: {  	[tilespmem:s15+$0x11E80] =	vst.msk vm0, v5  }
0x1ce: {  	v3 =	vld [tilespmem:s13+$0xB420];
	_ =	sdelay $0x4  }
0x1cf: {  	[tilespmem:s15+$0x13600] =	vst.msk vm0, v3  }
0x1d0: {  	v3 =	vld [tilespmem:s13+$0xC620];
	_ =	sdelay $0x3  }
0x1d1: {  	s16 =	spop (v2sf)  }
0x1d2: {  	vm1 =	vge.f32 v4, $0.0e+00;
	s14 =	sadd.s32 s16, s15;
	[tilespmem:s15+$0x14D80] =	vst.msk vm0, v3  }
0x1d3: {  	[tilespmem:s14+$0xD800] =	vst.msk vm1, v4  }
0x1d4: {  	v3 =	vld [tilespmem:s13+$0x7E30];
	_ =	sdelay $0x4  }
0x1d5: {  	[tilespmem:s14+$0xEF80] =	vst.msk vm1, v3  }
0x1d6: {  	v3 =	vsel vm1, $0x1, v0;
	v4 =	vld [tilespmem:s13+$0x9030]  }
0x1d7: {  	(xrf0) =	vadd.scan.msk.s32 $0xffff, v3;
	_ =	sdelay $0x3  }
0x1d8: {  	[tilespmem:s14+$0x10700] =	vst.msk vm1, v4  }
0x1d9: {  	v3 =	vld [tilespmem:s13+$0xA230]  }
0x1da: {  	v4, _, _ =	vpop (xrf0)  }
0x1db: {  	(v2sf) =	vpush v4, $0xF;
	_ =	sdelay $0x2  }
0x1dc: {  	[tilespmem:s14+$0x11E80] =	vst.msk vm1, v3  }
0x1dd: {  	v3 =	vld [tilespmem:s13+$0xB430];
	_ =	sdelay $0x4  }
0x1de: {  	[tilespmem:s14+$0x13600] =	vst.msk vm1, v3  }
0x1df: {  	v3 =	vld [tilespmem:s13+$0xC630];
	_ =	sdelay $0x4  }
0x1e0: {  	s13 =	spop (v2sf);
	[tilespmem:s14+$0x14D80] =	vst.msk vm1, v3  }
0x1e1: {  	_ =	swait.ge [sflag:s5], $0x1200  }
0x1e2: {  	[sflag:s5] =	ssyncset.done $0x0  }
0x1e3: {  	[sflag:s5] =	ssyncadd.s32 $0xFFFFEE00  }
0x1e4: {  	_ =	swait.ge [sflag:s5], $0x1200  }
0x1e5: {  	[sflag:s5] =	ssyncset.done $0x0  }
0x1e6: {  	[sflag:s5] =	ssyncadd.s32 $0xFFFFEE00  }
0x1e7: {  	_ =	swait.ge [sflag:s5], $0x1200  }
0x1e8: {  	[sflag:s5] =	ssyncset.done $0x0  }
0x1e9: {  	[sflag:s5] =	ssyncadd.s32 $0xFFFFEE00  }
0x1ea: {  	_ =	swait.ge [sflag:s5], $0x1200  }
0x1eb: {  	[sflag:s5] =	ssyncset.done $0x0  }
0x1ec: {  	[sflag:s5] =	ssyncadd.s32 $0xFFFFEE00  }
0x1ed: {  	_ =	swait.ge [sflag:s5], $0x1200  }
0x1ee: {  	[sflag:s5] =	ssyncset.done $0x0  }
0x1ef: {  	[sflag:s5] =	ssyncadd.s32 $0xFFFFEE00  }
0x1f0: {  	_ =	swait.ge [sflag:s5], $0x1200  }
0x1f1: {  	[sflag:s5] =	ssyncset.done $0x0  }
0x1f2: {  	s17 =	rddreg [dreg:$0xc];
	[sflag:s5] =	ssyncadd.s32 $0xFFFFEE00  }
0x1f3: {  	[tilespmem:s6], [sflag:$0x2] =	stream.strided.gather [hbm4b:s17+s29], $0x1200, s30, s29, $0x38;
	[tilespmem:$0x16500] =	vst v63  }
0x1f4: {  	s16 =	rddreg [dreg:$0xd]  }
0x1f5: {  	[tilespmem:s7], [sflag:$0x2] =	stream.strided.gather [hbm4b:s16+s29], $0x1200, s30, s29, $0x38;
	[tilespmem:$0x16500] =	vst v63  }
0x1f6: {  	s17 =	rddreg [dreg:$0xe]  }
0x1f7: {  	[tilespmem:s8], [sflag:$0x2] =	stream.strided.gather [hbm4b:s17+s29], $0x1200, s30, s29, $0x38;
	[tilespmem:$0x16500] =	vst v63  }
0x1f8: {  	s16 =	rddreg [dreg:$0xf]  }
0x1f9: {  	[tilespmem:s9], [sflag:$0x2] =	stream.strided.gather [hbm4b:s16+s29], $0x1200, s30, s29, $0x38;
	[tilespmem:$0x16500] =	vst v63  }
0x1fa: {  	s17 =	rddreg [dreg:$0x10]  }
0x1fb: {  	[tilespmem:s10], [sflag:$0x2] =	stream.strided.gather [hbm4b:s17+s29], $0x1200, s30, s29, $0x38;
	[tilespmem:$0x16500] =	vst v63  }
0x1fc: {  	s17 =	sld [smem:$0x7FC];
	_ =	sdelay $0x1  }
0x1fd: {  	s15 =	simm.s32 $0x0;
	s16 =	simm.s32 $0x0  }
0x1fe: {  	[tilespmem:s11], [sflag:$0x2] =	stream.linear.gather [hbm4b:s17+s16], $0x1200, $0x38;
	[tilespmem:$0x16500] =	vst v63  }
0x1ff: {  	v3 =	vld [tilespmem:s15+$0x0];
	_ =	sdelay $0x3  }
0x200: {  	v4 =	vld [tilespmem:s15+$0x30]  }
0x201: {  	s13 =	sadd.s32 s13, s14;
	v5 =	vld [tilespmem:s15+$0x20];
	vm0 =	vge.f32 v3, $0.0e+00  }
0x202: {  	v59 =	vld [tilespmem:s15+$0x10];
	[tilespmem:s13+$0xD800] =	vst.msk vm0, v3  }
0x203: {  	v3 =	vld [tilespmem:s15+$0x1200];
	_ =	sdelay $0x4  }
0x204: {  	v60 =	vsel vm0, $0x1, v0;
	[tilespmem:s13+$0xEF80] =	vst.msk vm0, v3  }
0x205: {  	(xrf0) =	vadd.scan.msk.s32 $0xffff, v60;
	v3 =	vld [tilespmem:s15+$0x2400];
	_ =	sdelay $0x4  }
0x206: {  	[tilespmem:s13+$0x10700] =	vst.msk vm0, v3  }
0x207: {  	v3, _, _ =	vpop (xrf0);
	v61 =	vld [tilespmem:s15+$0x3600]  }
0x208: {  	(v2sf) =	vpush v3, $0xF;
	_ =	sdelay $0x3  }
0x209: {  	[tilespmem:s13+$0x11E80] =	vst.msk vm0, v61  }
0x20a: {  	v3 =	vld [tilespmem:s15+$0x4800];
	_ =	sdelay $0x4  }
0x20b: {  	[tilespmem:s13+$0x13600] =	vst.msk vm0, v3  }
0x20c: {  	v3 =	vld [tilespmem:s15+$0x5A00];
	_ =	sdelay $0x3  }
0x20d: {  	s17 =	spop (v2sf)  }
0x20e: {  	vm1 =	vge.f32 v59, $0.0e+00;
	s14 =	sadd.s32 s13, s17;
	[tilespmem:s13+$0x14D80] =	vst.msk vm0, v3  }
0x20f: {  	[tilespmem:s14+$0xD800] =	vst.msk vm1, v59  }
0x210: {  	v3 =	vld [tilespmem:s15+$0x1210];
	_ =	sdelay $0x4  }
0x211: {  	v62 =	vsel vm1, $0x1, v0;
	[tilespmem:s14+$0xEF80] =	vst.msk vm1, v3  }
0x212: {  	(xrf0) =	vadd.scan.msk.s32 $0xffff, v62;
	v3 =	vld [tilespmem:s15+$0x2410];
	_ =	sdelay $0x4  }
0x213: {  	[tilespmem:s14+$0x10700] =	vst.msk vm1, v3  }
0x214: {  	v3, _, _ =	vpop (xrf0);
	v63 =	vld [tilespmem:s15+$0x3610]  }
0x215: {  	(v2sf) =	vpush v3, $0xF;
	_ =	sdelay $0x3  }
0x216: {  	[tilespmem:s14+$0x11E80] =	vst.msk vm1, v63  }
0x217: {  	v3 =	vld [tilespmem:s15+$0x4810];
	_ =	sdelay $0x4  }
0x218: {  	[tilespmem:s14+$0x13600] =	vst.msk vm1, v3  }
0x219: {  	v3 =	vld [tilespmem:s15+$0x5A10];
	_ =	sdelay $0x3  }
0x21a: {  	s16 =	spop (v2sf)  }
0x21b: {  	vm2 =	vge.f32 v5, $0.0e+00;
	s13 =	sadd.s32 s16, s14;
	[tilespmem:s14+$0x14D80] =	vst.msk vm1, v3  }
0x21c: {  	[tilespmem:s13+$0xD800] =	vst.msk vm2, v5  }
0x21d: {  	v3 =	vld [tilespmem:s15+$0x1220];
	_ =	sdelay $0x4  }
0x21e: {  	v5 =	vsel vm2, $0x1, v0;
	[tilespmem:s13+$0xEF80] =	vst.msk vm2, v3  }
0x21f: {  	(xrf0) =	vadd.scan.msk.s32 $0xffff, v5;
	v3 =	vld [tilespmem:s15+$0x2420];
	_ =	sdelay $0x4  }
0x220: {  	[tilespmem:s13+$0x10700] =	vst.msk vm2, v3  }
0x221: {  	v3, _, _ =	vpop (xrf0);
	v5 =	vld [tilespmem:s15+$0x3620]  }
0x222: {  	(v2sf) =	vpush v3, $0xF;
	_ =	sdelay $0x3  }
0x223: {  	[tilespmem:s13+$0x11E80] =	vst.msk vm2, v5  }
0x224: {  	v3 =	vld [tilespmem:s15+$0x4820];
	_ =	sdelay $0x4  }
0x225: {  	[tilespmem:s13+$0x13600] =	vst.msk vm2, v3  }
0x226: {  	v3 =	vld [tilespmem:s15+$0x5A20];
	_ =	sdelay $0x3  }
0x227: {  	s17 =	spop (v2sf)  }
0x228: {  	vm0 =	vge.f32 v4, $0.0e+00;
	s17 =	sadd.s32 s17, s13;
	[tilespmem:s13+$0x14D80] =	vst.msk vm2, v3  }
0x229: {  	[tilespmem:s17+$0xD800] =	vst.msk vm0, v4  }
0x22a: {  	v3 =	vsel vm0, $0x1, v0;
	v4 =	vld [tilespmem:s15+$0x1230]  }
0x22b: {  	(xrf0) =	vadd.scan.msk.s32 $0xffff, v3;
	_ =	sdelay $0x3  }
0x22c: {  	[tilespmem:s17+$0xEF80] =	vst.msk vm0, v4  }
0x22d: {  	v3 =	vld [tilespmem:s15+$0x2430]  }
0x22e: {  	v4, _, _ =	vpop (xrf0)  }
0x22f: {  	(v2sf) =	vpush v4, $0xF;
	_ =	sdelay $0x2  }
0x230: {  	[tilespmem:s17+$0x10700] =	vst.msk vm0, v3  }
0x231: {  	v3 =	vld [tilespmem:s15+$0x3630];
	_ =	sdelay $0x4  }
0x232: {  	[tilespmem:s17+$0x11E80] =	vst.msk vm0, v3  }
0x233: {  	v3 =	vld [tilespmem:s15+$0x4830];
	_ =	sdelay $0x4  }
0x234: {  	s16 =	spop (v2sf);
	[tilespmem:s17+$0x13600] =	vst.msk vm0, v3  }
0x235: {  	s14 =	simm.s32 $0x200;
	s13 =	simm.s32 $0x100;
	s16 =	sadd.s32 s16, s17;
	v3 =	vld [tilespmem:s15+$0x5A30]  }
.LBB2_7:
0x236: {  	_ =	sdelay $0x2  }
0x237: {  	p0 =	sne.s32 s14, $0x4700  }
0x238: {  	s15 =	sshra.s32 s13, $0x2;
	s13 =	smov.u32 s14;
	s14 =	sadd.s32 $0x100, s14;
	[tilespmem:s17+$0x14D80] =	vst.msk vm0, v3  }
0x239: {  	v4 =	vld [tilespmem:s15+$0x0];
	_ =	sdelay $0x2  }
0x23a: {  	v3 =	vld [tilespmem:s15+$0x30]  }
0x23b: {  	v5 =	vld [tilespmem:s15+$0x20]  }
0x23c: {  	v6 =	vld [tilespmem:s15+$0x10];
	vm1 =	vge.f32 v4, $0.0e+00  }
0x23d: {  	v7 =	vsel vm1, $0x1, v0;
	[tilespmem:s16+$0xD800] =	vst.msk vm1, v4  }
0x23e: {  	v4 =	vld [tilespmem:s15+$0x1200];
	(xrf0) =	vadd.scan.msk.s32 $0xffff, v7;
	_ =	sdelay $0x4  }
0x23f: {  	[tilespmem:s16+$0xEF80] =	vst.msk vm1, v4  }
0x240: {  	v4 =	vld [tilespmem:s15+$0x2400];
	v7, _, _ =	vpop (xrf0)  }
0x241: {  	(v2sf) =	vpush v7, $0xF;
	_ =	sdelay $0x3  }
0x242: {  	[tilespmem:s16+$0x10700] =	vst.msk vm1, v4  }
0x243: {  	v4 =	vld [tilespmem:s15+$0x3600];
	_ =	sdelay $0x4  }
0x244: {  	[tilespmem:s16+$0x11E80] =	vst.msk vm1, v4  }
0x245: {  	v4 =	vld [tilespmem:s15+$0x4800];
	_ =	sdelay $0x3  }
0x246: {  	s17 =	spop (v2sf)  }
0x247: {  	[tilespmem:s16+$0x13600] =	vst.msk vm1, v4  }
0x248: {  	v4 =	vld [tilespmem:s15+$0x5A00];
	_ =	sdelay $0x4  }
0x249: {  	vm0 =	vge.f32 v6, $0.0e+00;
	s17 =	sadd.s32 s16, s17;
	[tilespmem:s16+$0x14D80] =	vst.msk vm1, v4  }
0x24a: {  	v4 =	vsel vm0, $0x1, v0;
	[tilespmem:s17+$0xD800] =	vst.msk vm0, v6  }
0x24b: {  	v6 =	vld [tilespmem:s15+$0x1210];
	(xrf0) =	vadd.scan.msk.s32 $0xffff, v4;
	_ =	sdelay $0x4  }
0x24c: {  	[tilespmem:s17+$0xEF80] =	vst.msk vm0, v6  }
0x24d: {  	v4 =	vld [tilespmem:s15+$0x2410];
	v6, _, _ =	vpop (xrf0)  }
0x24e: {  	(v2sf) =	vpush v6, $0xF;
	_ =	sdelay $0x3  }
0x24f: {  	[tilespmem:s17+$0x10700] =	vst.msk vm0, v4  }
0x250: {  	v4 =	vld [tilespmem:s15+$0x3610];
	_ =	sdelay $0x4  }
0x251: {  	[tilespmem:s17+$0x11E80] =	vst.msk vm0, v4  }
0x252: {  	v4 =	vld [tilespmem:s15+$0x4810];
	_ =	sdelay $0x3  }
0x253: {  	s16 =	spop (v2sf)  }
0x254: {  	[tilespmem:s17+$0x13600] =	vst.msk vm0, v4  }
0x255: {  	v4 =	vld [tilespmem:s15+$0x5A10];
	_ =	sdelay $0x4  }
0x256: {  	vm1 =	vge.f32 v5, $0.0e+00;
	s16 =	sadd.s32 s16, s17;
	[tilespmem:s17+$0x14D80] =	vst.msk vm0, v4  }
0x257: {  	v4 =	vsel vm1, $0x1, v0;
	[tilespmem:s16+$0xD800] =	vst.msk vm1, v5  }
0x258: {  	v5 =	vld [tilespmem:s15+$0x1220];
	(xrf0) =	vadd.scan.msk.s32 $0xffff, v4;
	_ =	sdelay $0x4  }
0x259: {  	vm0 =	vge.f32 v3, $0.0e+00;
	[tilespmem:s16+$0xEF80] =	vst.msk vm1, v5  }
0x25a: {  	v4 =	vsel vm0, $0x1, v0;
	v5 =	vld [tilespmem:s15+$0x2420];
	v6, _, _ =	vpop (xrf0)  }
0x25b: {  	(xrf0) =	vadd.scan.msk.s32 $0xffff, v4;
	_ =	sdelay $0x3  }
0x25c: {  	[tilespmem:s16+$0x10700] =	vst.msk vm1, v5  }
0x25d: {  	v4 =	vld [tilespmem:s15+$0x3620]  }
0x25e: {  	(v2sf) =	vpush v6, $0xF;
	v5, _, _ =	vpop (xrf0)  }
0x25f: {  	(v2sf) =	vpush v5, $0xF;
	_ =	sdelay $0x2  }
0x260: {  	[tilespmem:s16+$0x11E80] =	vst.msk vm1, v4  }
0x261: {  	v4 =	vld [tilespmem:s15+$0x4820];
	_ =	sdelay $0x4  }
0x262: {  	[tilespmem:s16+$0x13600] =	vst.msk vm1, v4  }
0x263: {  	v4 =	vld [tilespmem:s15+$0x5A20];
	_ =	sdelay $0x3  }
0x264: {  	s17 =	spop (v2sf)  }
0x265: {  	s17 =	sadd.s32 s17, s16;
	[tilespmem:s16+$0x14D80] =	vst.msk vm1, v4;
	s16 =	spop (v2sf)  }
0x266: {  	[tilespmem:s17+$0xD800] =	vst.msk vm0, v3;
	s16 =	sadd.s32 s16, s17  }
0x267: {  	v3 =	vld [tilespmem:s15+$0x1230];
	_ =	sdelay $0x4  }
0x268: {  	[tilespmem:s17+$0xEF80] =	vst.msk vm0, v3  }
0x269: {  	v3 =	vld [tilespmem:s15+$0x2430];
	_ =	sdelay $0x4  }
0x26a: {  	[tilespmem:s17+$0x10700] =	vst.msk vm0, v3  }
0x26b: {  	v3 =	vld [tilespmem:s15+$0x3630];
	_ =	sdelay $0x4  }
0x26c: {  	[tilespmem:s17+$0x11E80] =	vst.msk vm0, v3  }
0x26d: {  	v3 =	vld [tilespmem:s15+$0x4830];
	_ =	sdelay $0x1  }
.Ltmp3:
0x26e: {  	(pc) =	sbr.rel @p0 .LBB2_7-.Ltmp3, $3  }
0x26f: {  	_ =	sdelay $0x1  }
0x270: {  	[tilespmem:s17+$0x13600] =	vst.msk vm0, v3  }
0x271: {  	v3 =	vld [tilespmem:s15+$0x5A30]  }
0x272: {  	_ =	sdelay $0x3  }
0x273: {  	s13 =	sshra.s32 s13, $0x2;
	[tilespmem:s17+$0x14D80] =	vst.msk vm0, v3  }
0x274: {  	v3 =	vld [tilespmem:s13+$0x0];
	_ =	sdelay $0x3  }
0x275: {  	v4 =	vld [tilespmem:s13+$0x30]  }
0x276: {  	v5 =	vld [tilespmem:s13+$0x20];
	vm0 =	vge.f32 v3, $0.0e+00  }
0x277: {  	v6 =	vld [tilespmem:s13+$0x10];
	[tilespmem:s16+$0xD800] =	vst.msk vm0, v3  }
0x278: {  	v3 =	vld [tilespmem:s13+$0x1200];
	_ =	sdelay $0x4  }
0x279: {  	v7 =	vsel vm0, $0x1, v0;
	[tilespmem:s16+$0xEF80] =	vst.msk vm0, v3  }
0x27a: {  	(xrf0) =	vadd.scan.msk.s32 $0xffff, v7;
	v3 =	vld [tilespmem:s13+$0x2400];
	_ =	sdelay $0x4  }
0x27b: {  	[tilespmem:s16+$0x10700] =	vst.msk vm0, v3  }
0x27c: {  	v3, _, _ =	vpop (xrf0);
	v56 =	vld [tilespmem:s13+$0x3600]  }
0x27d: {  	(v2sf) =	vpush v3, $0xF;
	_ =	sdelay $0x3  }
0x27e: {  	[tilespmem:s16+$0x11E80] =	vst.msk vm0, v56  }
0x27f: {  	v3 =	vld [tilespmem:s13+$0x4800];
	_ =	sdelay $0x4  }
0x280: {  	[tilespmem:s16+$0x13600] =	vst.msk vm0, v3  }
0x281: {  	v3 =	vld [tilespmem:s13+$0x5A00];
	_ =	sdelay $0x3  }
0x282: {  	s14 =	spop (v2sf)  }
0x283: {  	vm1 =	vge.f32 v6, $0.0e+00;
	s14 =	sadd.s32 s16, s14;
	[tilespmem:s16+$0x14D80] =	vst.msk vm0, v3  }
0x284: {  	[tilespmem:s14+$0xD800] =	vst.msk vm1, v6  }
0x285: {  	v3 =	vld [tilespmem:s13+$0x1210];
	_ =	sdelay $0x4  }
0x286: {  	v57 =	vsel vm1, $0x1, v0;
	[tilespmem:s14+$0xEF80] =	vst.msk vm1, v3  }
0x287: {  	(xrf0) =	vadd.scan.msk.s32 $0xffff, v57;
	v3 =	vld [tilespmem:s13+$0x2410];
	_ =	sdelay $0x4  }
0x288: {  	[tilespmem:s14+$0x10700] =	vst.msk vm1, v3  }
0x289: {  	v3, _, _ =	vpop (xrf0);
	v58 =	vld [tilespmem:s13+$0x3610]  }
0x28a: {  	(v2sf) =	vpush v3, $0xF;
	_ =	sdelay $0x3  }
0x28b: {  	[tilespmem:s14+$0x11E80] =	vst.msk vm1, v58  }
0x28c: {  	v3 =	vld [tilespmem:s13+$0x4810];
	_ =	sdelay $0x4  }
0x28d: {  	[tilespmem:s14+$0x13600] =	vst.msk vm1, v3  }
0x28e: {  	v3 =	vld [tilespmem:s13+$0x5A10];
	_ =	sdelay $0x3  }
0x28f: {  	s15 =	spop (v2sf)  }
0x290: {  	vm0 =	vge.f32 v5, $0.0e+00;
	s15 =	sadd.s32 s15, s14;
	[tilespmem:s14+$0x14D80] =	vst.msk vm1, v3  }
0x291: {  	[tilespmem:s15+$0xD800] =	vst.msk vm0, v5  }
0x292: {  	v3 =	vld [tilespmem:s13+$0x1220];
	_ =	sdelay $0x4  }
0x293: {  	v5 =	vsel vm0, $0x1, v0;
	[tilespmem:s15+$0xEF80] =	vst.msk vm0, v3  }
0x294: {  	(xrf0) =	vadd.scan.msk.s32 $0xffff, v5;
	v3 =	vld [tilespmem:s13+$0x2420];
	_ =	sdelay $0x4  }
0x295: {  	[tilespmem:s15+$0x10700] =	vst.msk vm0, v3  }
0x296: {  	v3, _, _ =	vpop (xrf0);
	v5 =	vld [tilespmem:s13+$0x3620]  }
0x297: {  	(v2sf) =	vpush v3, $0xF;
	_ =	sdelay $0x3  }
0x298: {  	[tilespmem:s15+$0x11E80] =	vst.msk vm0, v5  }
0x299: {  	v3 =	vld [tilespmem:s13+$0x4820];
	_ =	sdelay $0x4  }
0x29a: {  	[tilespmem:s15+$0x13600] =	vst.msk vm0, v3  }
0x29b: {  	v3 =	vld [tilespmem:s13+$0x5A20];
	_ =	sdelay $0x3  }
0x29c: {  	s16 =	spop (v2sf)  }
0x29d: {  	vm1 =	vge.f32 v4, $0.0e+00;
	s14 =	sadd.s32 s16, s15;
	[tilespmem:s15+$0x14D80] =	vst.msk vm0, v3  }
0x29e: {  	[tilespmem:s14+$0xD800] =	vst.msk vm1, v4  }
0x29f: {  	v3 =	vld [tilespmem:s13+$0x1230];
	_ =	sdelay $0x4  }
0x2a0: {  	[tilespmem:s14+$0xEF80] =	vst.msk vm1, v3  }
0x2a1: {  	v3 =	vsel vm1, $0x1, v0;
	v4 =	vld [tilespmem:s13+$0x2430]  }
0x2a2: {  	(xrf0) =	vadd.scan.msk.s32 $0xffff, v3;
	_ =	sdelay $0x3  }
0x2a3: {  	[tilespmem:s14+$0x10700] =	vst.msk vm1, v4  }
0x2a4: {  	v3 =	vld [tilespmem:s13+$0x3630]  }
0x2a5: {  	v4, _, _ =	vpop (xrf0)  }
0x2a6: {  	(v2sf) =	vpush v4, $0xF;
	_ =	sdelay $0x2  }
0x2a7: {  	[tilespmem:s14+$0x11E80] =	vst.msk vm1, v3  }
0x2a8: {  	v3 =	vld [tilespmem:s13+$0x4830];
	_ =	sdelay $0x4  }
0x2a9: {  	[tilespmem:s14+$0x13600] =	vst.msk vm1, v3  }
0x2aa: {  	v3 =	vld [tilespmem:s13+$0x5A30];
	_ =	sdelay $0x4  }
0x2ab: {  	s13 =	spop (v2sf);
	[tilespmem:s14+$0x14D80] =	vst.msk vm1, v3  }
0x2ac: {  	_ =	swait.ge [sflag:s12], $0x1200  }
0x2ad: {  	[sflag:s12] =	ssyncset.done $0x0  }
0x2ae: {  	[sflag:s12] =	ssyncadd.s32 $0xFFFFEE00  }
0x2af: {  	_ =	swait.ge [sflag:s12], $0x1200  }
0x2b0: {  	[sflag:s12] =	ssyncset.done $0x0  }
0x2b1: {  	[sflag:s12] =	ssyncadd.s32 $0xFFFFEE00  }
0x2b2: {  	_ =	swait.ge [sflag:s12], $0x1200  }
0x2b3: {  	[sflag:s12] =	ssyncset.done $0x0  }
0x2b4: {  	[sflag:s12] =	ssyncadd.s32 $0xFFFFEE00  }
0x2b5: {  	_ =	swait.ge [sflag:s12], $0x1200  }
0x2b6: {  	[sflag:s12] =	ssyncset.done $0x0  }
0x2b7: {  	[sflag:s12] =	ssyncadd.s32 $0xFFFFEE00  }
0x2b8: {  	_ =	swait.ge [sflag:s12], $0x1200  }
0x2b9: {  	[sflag:s12] =	ssyncset.done $0x0  }
0x2ba: {  	[sflag:s12] =	ssyncadd.s32 $0xFFFFEE00  }
0x2bb: {  	_ =	swait.ge [sflag:s12], $0x1200  }
0x2bc: {  	[sflag:s12] =	ssyncset.done $0x0  }
0x2bd: {  	s15 =	simm.s32 $0x0;
	s17 =	rddreg [dreg:$0x11];
	[sflag:s12] =	ssyncadd.s32 $0xFFFFEE00  }
0x2be: {  	[tilespmem:s15], [sflag:$0x1] =	stream.strided.gather [hbm4b:s17+s29], $0x1200, s30, s29, $0x38;
	[tilespmem:$0x16500] =	vst v63  }
0x2bf: {  	s17 =	rddreg [dreg:$0x12]  }
0x2c0: {  	[tilespmem:s31], [sflag:$0x1] =	stream.strided.gather [hbm4b:s17+s29], $0x1200, s30, s29, $0x38;
	[tilespmem:$0x16500] =	vst v63  }
0x2c1: {  	s17 =	rddreg [dreg:$0x13]  }
0x2c2: {  	[tilespmem:s0], [sflag:$0x1] =	stream.strided.gather [hbm4b:s17+s29], $0x1200, s30, s29, $0x38;
	[tilespmem:$0x16500] =	vst v63  }
0x2c3: {  	s17 =	rddreg [dreg:$0x14]  }
0x2c4: {  	[tilespmem:s1], [sflag:$0x1] =	stream.strided.gather [hbm4b:s17+s29], $0x1200, s30, s29, $0x38;
	[tilespmem:$0x16500] =	vst v63  }
0x2c5: {  	s17 =	rddreg [dreg:$0x15]  }
0x2c6: {  	[tilespmem:s3], [sflag:$0x1] =	stream.strided.gather [hbm4b:s17+s29], $0x1200, s30, s29, $0x38;
	[tilespmem:$0x16500] =	vst v63  }
0x2c7: {  	s17 =	sld [smem:$0x7FD];
	_ =	sdelay $0x2  }
0x2c8: {  	[tilespmem:s4], [sflag:$0x1] =	stream.linear.gather [hbm4b:s17+s15], $0x1200, $0x38;
	[tilespmem:$0x16500] =	vst v63  }
0x2c9: {  	s15 =	simm.s32 $0x0  }
0x2ca: {  	v3 =	vld [tilespmem:s15+$0x6C00];
	_ =	sdelay $0x3  }
0x2cb: {  	v4 =	vld [tilespmem:s15+$0x6C30]  }
0x2cc: {  	s13 =	sadd.s32 s13, s14;
	v5 =	vld [tilespmem:s15+$0x6C20];
	vm0 =	vge.f32 v3, $0.0e+00  }
0x2cd: {  	v59 =	vld [tilespmem:s15+$0x6C10];
	[tilespmem:s13+$0xD800] =	vst.msk vm0, v3  }
0x2ce: {  	v3 =	vld [tilespmem:s15+$0x7E00];
	_ =	sdelay $0x4  }
0x2cf: {  	v60 =	vsel vm0, $0x1, v0;
	[tilespmem:s13+$0xEF80] =	vst.msk vm0, v3  }
0x2d0: {  	(xrf0) =	vadd.scan.msk.s32 $0xffff, v60;
	v3 =	vld [tilespmem:s15+$0x9000];
	_ =	sdelay $0x4  }
0x2d1: {  	[tilespmem:s13+$0x10700] =	vst.msk vm0, v3  }
0x2d2: {  	v3, _, _ =	vpop (xrf0);
	v61 =	vld [tilespmem:s15+$0xA200]  }
0x2d3: {  	(v2sf) =	vpush v3, $0xF;
	_ =	sdelay $0x3  }
0x2d4: {  	[tilespmem:s13+$0x11E80] =	vst.msk vm0, v61  }
0x2d5: {  	v3 =	vld [tilespmem:s15+$0xB400];
	_ =	sdelay $0x4  }
0x2d6: {  	[tilespmem:s13+$0x13600] =	vst.msk vm0, v3  }
0x2d7: {  	v3 =	vld [tilespmem:s15+$0xC600];
	_ =	sdelay $0x3  }
0x2d8: {  	s17 =	spop (v2sf)  }
0x2d9: {  	vm1 =	vge.f32 v59, $0.0e+00;
	s14 =	sadd.s32 s13, s17;
	[tilespmem:s13+$0x14D80] =	vst.msk vm0, v3  }
0x2da: {  	[tilespmem:s14+$0xD800] =	vst.msk vm1, v59  }
0x2db: {  	v3 =	vld [tilespmem:s15+$0x7E10];
	_ =	sdelay $0x4  }
0x2dc: {  	v62 =	vsel vm1, $0x1, v0;
	[tilespmem:s14+$0xEF80] =	vst.msk vm1, v3  }
0x2dd: {  	(xrf0) =	vadd.scan.msk.s32 $0xffff, v62;
	v3 =	vld [tilespmem:s15+$0x9010];
	_ =	sdelay $0x4  }
0x2de: {  	[tilespmem:s14+$0x10700] =	vst.msk vm1, v3  }
0x2df: {  	v3, _, _ =	vpop (xrf0);
	v63 =	vld [tilespmem:s15+$0xA210]  }
0x2e0: {  	(v2sf) =	vpush v3, $0xF;
	_ =	sdelay $0x3  }
0x2e1: {  	[tilespmem:s14+$0x11E80] =	vst.msk vm1, v63  }
0x2e2: {  	v3 =	vld [tilespmem:s15+$0xB410];
	_ =	sdelay $0x4  }
0x2e3: {  	[tilespmem:s14+$0x13600] =	vst.msk vm1, v3  }
0x2e4: {  	v3 =	vld [tilespmem:s15+$0xC610];
	_ =	sdelay $0x3  }
0x2e5: {  	s16 =	spop (v2sf)  }
0x2e6: {  	vm2 =	vge.f32 v5, $0.0e+00;
	s13 =	sadd.s32 s16, s14;
	[tilespmem:s14+$0x14D80] =	vst.msk vm1, v3  }
0x2e7: {  	[tilespmem:s13+$0xD800] =	vst.msk vm2, v5  }
0x2e8: {  	v3 =	vld [tilespmem:s15+$0x7E20];
	_ =	sdelay $0x4  }
0x2e9: {  	v5 =	vsel vm2, $0x1, v0;
	[tilespmem:s13+$0xEF80] =	vst.msk vm2, v3  }
0x2ea: {  	(xrf0) =	vadd.scan.msk.s32 $0xffff, v5;
	v3 =	vld [tilespmem:s15+$0x9020];
	_ =	sdelay $0x4  }
0x2eb: {  	[tilespmem:s13+$0x10700] =	vst.msk vm2, v3  }
0x2ec: {  	v3, _, _ =	vpop (xrf0);
	v5 =	vld [tilespmem:s15+$0xA220]  }
0x2ed: {  	(v2sf) =	vpush v3, $0xF;
	_ =	sdelay $0x3  }
0x2ee: {  	[tilespmem:s13+$0x11E80] =	vst.msk vm2, v5  }
0x2ef: {  	v3 =	vld [tilespmem:s15+$0xB420];
	_ =	sdelay $0x4  }
0x2f0: {  	[tilespmem:s13+$0x13600] =	vst.msk vm2, v3  }
0x2f1: {  	v3 =	vld [tilespmem:s15+$0xC620];
	_ =	sdelay $0x3  }
0x2f2: {  	s17 =	spop (v2sf)  }
0x2f3: {  	vm0 =	vge.f32 v4, $0.0e+00;
	s17 =	sadd.s32 s17, s13;
	[tilespmem:s13+$0x14D80] =	vst.msk vm2, v3  }
0x2f4: {  	[tilespmem:s17+$0xD800] =	vst.msk vm0, v4  }
0x2f5: {  	v3 =	vsel vm0, $0x1, v0;
	v4 =	vld [tilespmem:s15+$0x7E30]  }
0x2f6: {  	(xrf0) =	vadd.scan.msk.s32 $0xffff, v3;
	_ =	sdelay $0x3  }
0x2f7: {  	[tilespmem:s17+$0xEF80] =	vst.msk vm0, v4  }
0x2f8: {  	v3 =	vld [tilespmem:s15+$0x9030]  }
0x2f9: {  	v4, _, _ =	vpop (xrf0)  }
0x2fa: {  	(v2sf) =	vpush v4, $0xF;
	_ =	sdelay $0x2  }
0x2fb: {  	[tilespmem:s17+$0x10700] =	vst.msk vm0, v3  }
0x2fc: {  	v3 =	vld [tilespmem:s15+$0xA230];
	_ =	sdelay $0x4  }
0x2fd: {  	[tilespmem:s17+$0x11E80] =	vst.msk vm0, v3  }
0x2fe: {  	v3 =	vld [tilespmem:s15+$0xB430];
	_ =	sdelay $0x4  }
0x2ff: {  	s16 =	spop (v2sf);
	[tilespmem:s17+$0x13600] =	vst.msk vm0, v3  }
0x300: {  	s14 =	simm.s32 $0x200;
	s13 =	simm.s32 $0x100;
	s16 =	sadd.s32 s16, s17;
	v3 =	vld [tilespmem:s15+$0xC630]  }
.LBB2_9:
0x301: {  	_ =	sdelay $0x2  }
0x302: {  	p0 =	sne.s32 s14, $0x4700  }
0x303: {  	s15 =	sshra.s32 s13, $0x2;
	s13 =	smov.u32 s14;
	s14 =	sadd.s32 $0x100, s14;
	[tilespmem:s17+$0x14D80] =	vst.msk vm0, v3  }
0x304: {  	v4 =	vld [tilespmem:s15+$0x6C00];
	_ =	sdelay $0x2  }
0x305: {  	v3 =	vld [tilespmem:s15+$0x6C30]  }
0x306: {  	v5 =	vld [tilespmem:s15+$0x6C20]  }
0x307: {  	v6 =	vld [tilespmem:s15+$0x6C10];
	vm1 =	vge.f32 v4, $0.0e+00  }
0x308: {  	v7 =	vsel vm1, $0x1, v0;
	[tilespmem:s16+$0xD800] =	vst.msk vm1, v4  }
0x309: {  	v4 =	vld [tilespmem:s15+$0x7E00];
	(xrf0) =	vadd.scan.msk.s32 $0xffff, v7;
	_ =	sdelay $0x4  }
0x30a: {  	[tilespmem:s16+$0xEF80] =	vst.msk vm1, v4  }
0x30b: {  	v4 =	vld [tilespmem:s15+$0x9000];
	v7, _, _ =	vpop (xrf0)  }
0x30c: {  	(v2sf) =	vpush v7, $0xF;
	_ =	sdelay $0x3  }
0x30d: {  	[tilespmem:s16+$0x10700] =	vst.msk vm1, v4  }
0x30e: {  	v4 =	vld [tilespmem:s15+$0xA200];
	_ =	sdelay $0x4  }
0x30f: {  	[tilespmem:s16+$0x11E80] =	vst.msk vm1, v4  }
0x310: {  	v4 =	vld [tilespmem:s15+$0xB400];
	_ =	sdelay $0x3  }
0x311: {  	s17 =	spop (v2sf)  }
0x312: {  	[tilespmem:s16+$0x13600] =	vst.msk vm1, v4  }
0x313: {  	v4 =	vld [tilespmem:s15+$0xC600];
	_ =	sdelay $0x4  }
0x314: {  	vm0 =	vge.f32 v6, $0.0e+00;
	s17 =	sadd.s32 s16, s17;
	[tilespmem:s16+$0x14D80] =	vst.msk vm1, v4  }
0x315: {  	v4 =	vsel vm0, $0x1, v0;
	[tilespmem:s17+$0xD800] =	vst.msk vm0, v6  }
0x316: {  	v6 =	vld [tilespmem:s15+$0x7E10];
	(xrf0) =	vadd.scan.msk.s32 $0xffff, v4;
	_ =	sdelay $0x4  }
0x317: {  	[tilespmem:s17+$0xEF80] =	vst.msk vm0, v6  }
0x318: {  	v4 =	vld [tilespmem:s15+$0x9010];
	v6, _, _ =	vpop (xrf0)  }
0x319: {  	(v2sf) =	vpush v6, $0xF;
	_ =	sdelay $0x3  }
0x31a: {  	[tilespmem:s17+$0x10700] =	vst.msk vm0, v4  }
0x31b: {  	v4 =	vld [tilespmem:s15+$0xA210];
	_ =	sdelay $0x4  }
0x31c: {  	[tilespmem:s17+$0x11E80] =	vst.msk vm0, v4  }
0x31d: {  	v4 =	vld [tilespmem:s15+$0xB410];
	_ =	sdelay $0x3  }
0x31e: {  	s16 =	spop (v2sf)  }
0x31f: {  	[tilespmem:s17+$0x13600] =	vst.msk vm0, v4  }
0x320: {  	v4 =	vld [tilespmem:s15+$0xC610];
	_ =	sdelay $0x4  }
0x321: {  	vm1 =	vge.f32 v5, $0.0e+00;
	s16 =	sadd.s32 s16, s17;
	[tilespmem:s17+$0x14D80] =	vst.msk vm0, v4  }
0x322: {  	v4 =	vsel vm1, $0x1, v0;
	[tilespmem:s16+$0xD800] =	vst.msk vm1, v5  }
0x323: {  	v5 =	vld [tilespmem:s15+$0x7E20];
	(xrf0) =	vadd.scan.msk.s32 $0xffff, v4;
	_ =	sdelay $0x4  }
0x324: {  	vm0 =	vge.f32 v3, $0.0e+00;
	[tilespmem:s16+$0xEF80] =	vst.msk vm1, v5  }
0x325: {  	v4 =	vsel vm0, $0x1, v0;
	v5 =	vld [tilespmem:s15+$0x9020];
	v6, _, _ =	vpop (xrf0)  }
0x326: {  	(xrf0) =	vadd.scan.msk.s32 $0xffff, v4;
	_ =	sdelay $0x3  }
0x327: {  	[tilespmem:s16+$0x10700] =	vst.msk vm1, v5  }
0x328: {  	v4 =	vld [tilespmem:s15+$0xA220]  }
0x329: {  	(v2sf) =	vpush v6, $0xF;
	v5, _, _ =	vpop (xrf0)  }
0x32a: {  	(v2sf) =	vpush v5, $0xF;
	_ =	sdelay $0x2  }
0x32b: {  	[tilespmem:s16+$0x11E80] =	vst.msk vm1, v4  }
0x32c: {  	v4 =	vld [tilespmem:s15+$0xB420];
	_ =	sdelay $0x4  }
0x32d: {  	[tilespmem:s16+$0x13600] =	vst.msk vm1, v4  }
0x32e: {  	v4 =	vld [tilespmem:s15+$0xC620];
	_ =	sdelay $0x3  }
0x32f: {  	s17 =	spop (v2sf)  }
0x330: {  	s17 =	sadd.s32 s17, s16;
	[tilespmem:s16+$0x14D80] =	vst.msk vm1, v4;
	s16 =	spop (v2sf)  }
0x331: {  	[tilespmem:s17+$0xD800] =	vst.msk vm0, v3;
	s16 =	sadd.s32 s16, s17  }
0x332: {  	v3 =	vld [tilespmem:s15+$0x7E30];
	_ =	sdelay $0x4  }
0x333: {  	[tilespmem:s17+$0xEF80] =	vst.msk vm0, v3  }
0x334: {  	v3 =	vld [tilespmem:s15+$0x9030];
	_ =	sdelay $0x4  }
0x335: {  	[tilespmem:s17+$0x10700] =	vst.msk vm0, v3  }
0x336: {  	v3 =	vld [tilespmem:s15+$0xA230];
	_ =	sdelay $0x4  }
0x337: {  	[tilespmem:s17+$0x11E80] =	vst.msk vm0, v3  }
0x338: {  	v3 =	vld [tilespmem:s15+$0xB430];
	_ =	sdelay $0x1  }
.Ltmp4:
0x339: {  	(pc) =	sbr.rel @p0 .LBB2_9-.Ltmp4, $3  }
0x33a: {  	_ =	sdelay $0x1  }
0x33b: {  	[tilespmem:s17+$0x13600] =	vst.msk vm0, v3  }
0x33c: {  	v3 =	vld [tilespmem:s15+$0xC630]  }
0x33d: {  	_ =	sdelay $0x3  }
0x33e: {  	s13 =	sshra.s32 s13, $0x2;
	[tilespmem:s17+$0x14D80] =	vst.msk vm0, v3  }
0x33f: {  	v3 =	vld [tilespmem:s13+$0x6C00];
	_ =	sdelay $0x3  }
0x340: {  	v4 =	vld [tilespmem:s13+$0x6C30]  }
0x341: {  	v5 =	vld [tilespmem:s13+$0x6C20];
	vm0 =	vge.f32 v3, $0.0e+00  }
0x342: {  	v6 =	vld [tilespmem:s13+$0x6C10];
	[tilespmem:s16+$0xD800] =	vst.msk vm0, v3  }
0x343: {  	v3 =	vld [tilespmem:s13+$0x7E00];
	_ =	sdelay $0x4  }
0x344: {  	v7 =	vsel vm0, $0x1, v0;
	[tilespmem:s16+$0xEF80] =	vst.msk vm0, v3  }
0x345: {  	(xrf0) =	vadd.scan.msk.s32 $0xffff, v7;
	v3 =	vld [tilespmem:s13+$0x9000];
	_ =	sdelay $0x4  }
0x346: {  	[tilespmem:s16+$0x10700] =	vst.msk vm0, v3  }
0x347: {  	v3, _, _ =	vpop (xrf0);
	v56 =	vld [tilespmem:s13+$0xA200]  }
0x348: {  	(v2sf) =	vpush v3, $0xF;
	_ =	sdelay $0x3  }
0x349: {  	[tilespmem:s16+$0x11E80] =	vst.msk vm0, v56  }
0x34a: {  	v3 =	vld [tilespmem:s13+$0xB400];
	_ =	sdelay $0x4  }
0x34b: {  	[tilespmem:s16+$0x13600] =	vst.msk vm0, v3  }
0x34c: {  	v3 =	vld [tilespmem:s13+$0xC600];
	_ =	sdelay $0x3  }
0x34d: {  	s14 =	spop (v2sf)  }
0x34e: {  	vm1 =	vge.f32 v6, $0.0e+00;
	s14 =	sadd.s32 s16, s14;
	[tilespmem:s16+$0x14D80] =	vst.msk vm0, v3  }
0x34f: {  	[tilespmem:s14+$0xD800] =	vst.msk vm1, v6  }
0x350: {  	v3 =	vld [tilespmem:s13+$0x7E10];
	_ =	sdelay $0x4  }
0x351: {  	v57 =	vsel vm1, $0x1, v0;
	[tilespmem:s14+$0xEF80] =	vst.msk vm1, v3  }
0x352: {  	(xrf0) =	vadd.scan.msk.s32 $0xffff, v57;
	v3 =	vld [tilespmem:s13+$0x9010];
	_ =	sdelay $0x4  }
0x353: {  	[tilespmem:s14+$0x10700] =	vst.msk vm1, v3  }
0x354: {  	v3, _, _ =	vpop (xrf0);
	v58 =	vld [tilespmem:s13+$0xA210]  }
0x355: {  	(v2sf) =	vpush v3, $0xF;
	_ =	sdelay $0x3  }
0x356: {  	[tilespmem:s14+$0x11E80] =	vst.msk vm1, v58  }
0x357: {  	v3 =	vld [tilespmem:s13+$0xB410];
	_ =	sdelay $0x4  }
0x358: {  	[tilespmem:s14+$0x13600] =	vst.msk vm1, v3  }
0x359: {  	v3 =	vld [tilespmem:s13+$0xC610];
	_ =	sdelay $0x3  }
0x35a: {  	s15 =	spop (v2sf)  }
0x35b: {  	vm0 =	vge.f32 v5, $0.0e+00;
	s15 =	sadd.s32 s15, s14;
	[tilespmem:s14+$0x14D80] =	vst.msk vm1, v3  }
0x35c: {  	[tilespmem:s15+$0xD800] =	vst.msk vm0, v5  }
0x35d: {  	v3 =	vld [tilespmem:s13+$0x7E20];
	_ =	sdelay $0x4  }
0x35e: {  	v5 =	vsel vm0, $0x1, v0;
	[tilespmem:s15+$0xEF80] =	vst.msk vm0, v3  }
0x35f: {  	(xrf0) =	vadd.scan.msk.s32 $0xffff, v5;
	v3 =	vld [tilespmem:s13+$0x9020];
	_ =	sdelay $0x4  }
0x360: {  	[tilespmem:s15+$0x10700] =	vst.msk vm0, v3  }
0x361: {  	v3, _, _ =	vpop (xrf0);
	v5 =	vld [tilespmem:s13+$0xA220]  }
0x362: {  	(v2sf) =	vpush v3, $0xF;
	_ =	sdelay $0x3  }
0x363: {  	[tilespmem:s15+$0x11E80] =	vst.msk vm0, v5  }
0x364: {  	v3 =	vld [tilespmem:s13+$0xB420];
	_ =	sdelay $0x4  }
0x365: {  	[tilespmem:s15+$0x13600] =	vst.msk vm0, v3  }
0x366: {  	v3 =	vld [tilespmem:s13+$0xC620];
	_ =	sdelay $0x3  }
0x367: {  	s16 =	spop (v2sf)  }
0x368: {  	vm1 =	vge.f32 v4, $0.0e+00;
	s14 =	sadd.s32 s16, s15;
	[tilespmem:s15+$0x14D80] =	vst.msk vm0, v3  }
0x369: {  	[tilespmem:s14+$0xD800] =	vst.msk vm1, v4  }
0x36a: {  	v3 =	vld [tilespmem:s13+$0x7E30];
	_ =	sdelay $0x4  }
0x36b: {  	[tilespmem:s14+$0xEF80] =	vst.msk vm1, v3  }
0x36c: {  	v3 =	vsel vm1, $0x1, v0;
	v4 =	vld [tilespmem:s13+$0x9030]  }
0x36d: {  	(xrf0) =	vadd.scan.msk.s32 $0xffff, v3;
	_ =	sdelay $0x3  }
0x36e: {  	[tilespmem:s14+$0x10700] =	vst.msk vm1, v4  }
0x36f: {  	v3 =	vld [tilespmem:s13+$0xA230]  }
0x370: {  	v4, _, _ =	vpop (xrf0)  }
0x371: {  	(v2sf) =	vpush v4, $0xF;
	_ =	sdelay $0x2  }
0x372: {  	[tilespmem:s14+$0x11E80] =	vst.msk vm1, v3  }
0x373: {  	v3 =	vld [tilespmem:s13+$0xB430];
	_ =	sdelay $0x4  }
0x374: {  	[tilespmem:s14+$0x13600] =	vst.msk vm1, v3  }
0x375: {  	v3 =	vld [tilespmem:s13+$0xC630];
	_ =	sdelay $0x4  }
0x376: {  	s13 =	spop (v2sf);
	[tilespmem:s14+$0x14D80] =	vst.msk vm1, v3  }
0x377: {  	_ =	swait.ge [sflag:s5], $0x1200  }
0x378: {  	[sflag:s5] =	ssyncset.done $0x0  }
0x379: {  	[sflag:s5] =	ssyncadd.s32 $0xFFFFEE00  }
0x37a: {  	_ =	swait.ge [sflag:s5], $0x1200  }
0x37b: {  	[sflag:s5] =	ssyncset.done $0x0  }
0x37c: {  	[sflag:s5] =	ssyncadd.s32 $0xFFFFEE00  }
0x37d: {  	_ =	swait.ge [sflag:s5], $0x1200  }
0x37e: {  	[sflag:s5] =	ssyncset.done $0x0  }
0x37f: {  	[sflag:s5] =	ssyncadd.s32 $0xFFFFEE00  }
0x380: {  	_ =	swait.ge [sflag:s5], $0x1200  }
0x381: {  	[sflag:s5] =	ssyncset.done $0x0  }
0x382: {  	[sflag:s5] =	ssyncadd.s32 $0xFFFFEE00  }
0x383: {  	_ =	swait.ge [sflag:s5], $0x1200  }
0x384: {  	[sflag:s5] =	ssyncset.done $0x0  }
0x385: {  	[sflag:s5] =	ssyncadd.s32 $0xFFFFEE00  }
0x386: {  	_ =	swait.ge [sflag:s5], $0x1200  }
0x387: {  	[sflag:s5] =	ssyncset.done $0x0  }
0x388: {  	s17 =	rddreg [dreg:$0x16];
	[sflag:s5] =	ssyncadd.s32 $0xFFFFEE00  }
0x389: {  	[tilespmem:s6], [sflag:$0x2] =	stream.strided.gather [hbm4b:s17+s29], $0x1200, s30, s29, $0x38;
	[tilespmem:$0x16500] =	vst v63  }
0x38a: {  	s16 =	rddreg [dreg:$0x17]  }
0x38b: {  	[tilespmem:s7], [sflag:$0x2] =	stream.strided.gather [hbm4b:s16+s29], $0x1200, s30, s29, $0x38;
	[tilespmem:$0x16500] =	vst v63  }
0x38c: {  	s17 =	rddreg [dreg:$0x18]  }
0x38d: {  	[tilespmem:s8], [sflag:$0x2] =	stream.strided.gather [hbm4b:s17+s29], $0x1200, s30, s29, $0x38;
	[tilespmem:$0x16500] =	vst v63  }
0x38e: {  	s16 =	rddreg [dreg:$0x19]  }
0x38f: {  	[tilespmem:s9], [sflag:$0x2] =	stream.strided.gather [hbm4b:s16+s29], $0x1200, s30, s29, $0x38;
	[tilespmem:$0x16500] =	vst v63  }
0x390: {  	s17 =	rddreg [dreg:$0x1a]  }
0x391: {  	[tilespmem:s10], [sflag:$0x2] =	stream.strided.gather [hbm4b:s17+s29], $0x1200, s30, s29, $0x38;
	[tilespmem:$0x16500] =	vst v63  }
0x392: {  	s15 =	simm.s32 $0x0;
	s16 =	simm.s32 $0x0  }
0x393: {  	[tilespmem:s11], [sflag:$0x2] =	stream.linear.gather [hbm4b:s18+s16], $0x1200, $0x38;
	[tilespmem:$0x16500] =	vst v63  }
0x394: {  	v3 =	vld [tilespmem:s15+$0x0];
	_ =	sdelay $0x3  }
0x395: {  	v4 =	vld [tilespmem:s15+$0x30]  }
0x396: {  	s13 =	sadd.s32 s13, s14;
	v5 =	vld [tilespmem:s15+$0x20];
	vm0 =	vge.f32 v3, $0.0e+00  }
0x397: {  	v59 =	vld [tilespmem:s15+$0x10];
	[tilespmem:s13+$0xD800] =	vst.msk vm0, v3  }
0x398: {  	v3 =	vld [tilespmem:s15+$0x1200];
	_ =	sdelay $0x4  }
0x399: {  	v60 =	vsel vm0, $0x1, v0;
	[tilespmem:s13+$0xEF80] =	vst.msk vm0, v3  }
0x39a: {  	(xrf0) =	vadd.scan.msk.s32 $0xffff, v60;
	v3 =	vld [tilespmem:s15+$0x2400];
	_ =	sdelay $0x4  }
0x39b: {  	[tilespmem:s13+$0x10700] =	vst.msk vm0, v3  }
0x39c: {  	v3, _, _ =	vpop (xrf0);
	v61 =	vld [tilespmem:s15+$0x3600]  }
0x39d: {  	(v2sf) =	vpush v3, $0xF;
	_ =	sdelay $0x3  }
0x39e: {  	[tilespmem:s13+$0x11E80] =	vst.msk vm0, v61  }
0x39f: {  	v3 =	vld [tilespmem:s15+$0x4800];
	_ =	sdelay $0x4  }
0x3a0: {  	[tilespmem:s13+$0x13600] =	vst.msk vm0, v3  }
0x3a1: {  	v3 =	vld [tilespmem:s15+$0x5A00];
	_ =	sdelay $0x3  }
0x3a2: {  	s17 =	spop (v2sf)  }
0x3a3: {  	vm1 =	vge.f32 v59, $0.0e+00;
	s14 =	sadd.s32 s13, s17;
	[tilespmem:s13+$0x14D80] =	vst.msk vm0, v3  }
0x3a4: {  	[tilespmem:s14+$0xD800] =	vst.msk vm1, v59  }
0x3a5: {  	v3 =	vld [tilespmem:s15+$0x1210];
	_ =	sdelay $0x4  }
0x3a6: {  	v62 =	vsel vm1, $0x1, v0;
	[tilespmem:s14+$0xEF80] =	vst.msk vm1, v3  }
0x3a7: {  	(xrf0) =	vadd.scan.msk.s32 $0xffff, v62;
	v3 =	vld [tilespmem:s15+$0x2410];
	_ =	sdelay $0x4  }
0x3a8: {  	[tilespmem:s14+$0x10700] =	vst.msk vm1, v3  }
0x3a9: {  	v3, _, _ =	vpop (xrf0);
	v63 =	vld [tilespmem:s15+$0x3610]  }
0x3aa: {  	(v2sf) =	vpush v3, $0xF;
	_ =	sdelay $0x3  }
0x3ab: {  	[tilespmem:s14+$0x11E80] =	vst.msk vm1, v63  }
0x3ac: {  	v3 =	vld [tilespmem:s15+$0x4810];
	_ =	sdelay $0x4  }
0x3ad: {  	[tilespmem:s14+$0x13600] =	vst.msk vm1, v3  }
0x3ae: {  	v3 =	vld [tilespmem:s15+$0x5A10];
	_ =	sdelay $0x3  }
0x3af: {  	s16 =	spop (v2sf)  }
0x3b0: {  	vm2 =	vge.f32 v5, $0.0e+00;
	s13 =	sadd.s32 s16, s14;
	[tilespmem:s14+$0x14D80] =	vst.msk vm1, v3  }
0x3b1: {  	[tilespmem:s13+$0xD800] =	vst.msk vm2, v5  }
0x3b2: {  	v3 =	vld [tilespmem:s15+$0x1220];
	_ =	sdelay $0x4  }
0x3b3: {  	v5 =	vsel vm2, $0x1, v0;
	[tilespmem:s13+$0xEF80] =	vst.msk vm2, v3  }
0x3b4: {  	(xrf0) =	vadd.scan.msk.s32 $0xffff, v5;
	v3 =	vld [tilespmem:s15+$0x2420];
	_ =	sdelay $0x4  }
0x3b5: {  	[tilespmem:s13+$0x10700] =	vst.msk vm2, v3  }
0x3b6: {  	v3, _, _ =	vpop (xrf0);
	v5 =	vld [tilespmem:s15+$0x3620]  }
0x3b7: {  	(v2sf) =	vpush v3, $0xF;
	_ =	sdelay $0x3  }
0x3b8: {  	[tilespmem:s13+$0x11E80] =	vst.msk vm2, v5  }
0x3b9: {  	v3 =	vld [tilespmem:s15+$0x4820];
	_ =	sdelay $0x4  }
0x3ba: {  	[tilespmem:s13+$0x13600] =	vst.msk vm2, v3  }
0x3bb: {  	v3 =	vld [tilespmem:s15+$0x5A20];
	_ =	sdelay $0x3  }
0x3bc: {  	s17 =	spop (v2sf)  }
0x3bd: {  	vm0 =	vge.f32 v4, $0.0e+00;
	s17 =	sadd.s32 s17, s13;
	[tilespmem:s13+$0x14D80] =	vst.msk vm2, v3  }
0x3be: {  	[tilespmem:s17+$0xD800] =	vst.msk vm0, v4  }
0x3bf: {  	v3 =	vsel vm0, $0x1, v0;
	v4 =	vld [tilespmem:s15+$0x1230]  }
0x3c0: {  	(xrf0) =	vadd.scan.msk.s32 $0xffff, v3;
	_ =	sdelay $0x3  }
0x3c1: {  	[tilespmem:s17+$0xEF80] =	vst.msk vm0, v4  }
0x3c2: {  	v3 =	vld [tilespmem:s15+$0x2430]  }
0x3c3: {  	v4, _, _ =	vpop (xrf0)  }
0x3c4: {  	(v2sf) =	vpush v4, $0xF;
	_ =	sdelay $0x2  }
0x3c5: {  	[tilespmem:s17+$0x10700] =	vst.msk vm0, v3  }
0x3c6: {  	v3 =	vld [tilespmem:s15+$0x3630];
	_ =	sdelay $0x4  }
0x3c7: {  	[tilespmem:s17+$0x11E80] =	vst.msk vm0, v3  }
0x3c8: {  	v3 =	vld [tilespmem:s15+$0x4830];
	_ =	sdelay $0x4  }
0x3c9: {  	s16 =	spop (v2sf);
	[tilespmem:s17+$0x13600] =	vst.msk vm0, v3  }
0x3ca: {  	s14 =	simm.s32 $0x200;
	s13 =	simm.s32 $0x100;
	s16 =	sadd.s32 s16, s17;
	v3 =	vld [tilespmem:s15+$0x5A30]  }
.LBB2_11:
0x3cb: {  	_ =	sdelay $0x2  }
0x3cc: {  	p0 =	sne.s32 s14, $0x4700  }
0x3cd: {  	s15 =	sshra.s32 s13, $0x2;
	s13 =	smov.u32 s14;
	s14 =	sadd.s32 $0x100, s14;
	[tilespmem:s17+$0x14D80] =	vst.msk vm0, v3  }
0x3ce: {  	v4 =	vld [tilespmem:s15+$0x0];
	_ =	sdelay $0x2  }
0x3cf: {  	v3 =	vld [tilespmem:s15+$0x30]  }
0x3d0: {  	v5 =	vld [tilespmem:s15+$0x20]  }
0x3d1: {  	v6 =	vld [tilespmem:s15+$0x10];
	vm1 =	vge.f32 v4, $0.0e+00  }
0x3d2: {  	v7 =	vsel vm1, $0x1, v0;
	[tilespmem:s16+$0xD800] =	vst.msk vm1, v4  }
0x3d3: {  	v4 =	vld [tilespmem:s15+$0x1200];
	(xrf0) =	vadd.scan.msk.s32 $0xffff, v7;
	_ =	sdelay $0x4  }
0x3d4: {  	[tilespmem:s16+$0xEF80] =	vst.msk vm1, v4  }
0x3d5: {  	v4 =	vld [tilespmem:s15+$0x2400];
	v7, _, _ =	vpop (xrf0)  }
0x3d6: {  	(v2sf) =	vpush v7, $0xF;
	_ =	sdelay $0x3  }
0x3d7: {  	[tilespmem:s16+$0x10700] =	vst.msk vm1, v4  }
0x3d8: {  	v4 =	vld [tilespmem:s15+$0x3600];
	_ =	sdelay $0x4  }
0x3d9: {  	[tilespmem:s16+$0x11E80] =	vst.msk vm1, v4  }
0x3da: {  	v4 =	vld [tilespmem:s15+$0x4800];
	_ =	sdelay $0x3  }
0x3db: {  	s17 =	spop (v2sf)  }
0x3dc: {  	[tilespmem:s16+$0x13600] =	vst.msk vm1, v4  }
0x3dd: {  	v4 =	vld [tilespmem:s15+$0x5A00];
	_ =	sdelay $0x4  }
0x3de: {  	vm0 =	vge.f32 v6, $0.0e+00;
	s17 =	sadd.s32 s16, s17;
	[tilespmem:s16+$0x14D80] =	vst.msk vm1, v4  }
0x3df: {  	v4 =	vsel vm0, $0x1, v0;
	[tilespmem:s17+$0xD800] =	vst.msk vm0, v6  }
0x3e0: {  	v6 =	vld [tilespmem:s15+$0x1210];
	(xrf0) =	vadd.scan.msk.s32 $0xffff, v4;
	_ =	sdelay $0x4  }
0x3e1: {  	[tilespmem:s17+$0xEF80] =	vst.msk vm0, v6  }
0x3e2: {  	v4 =	vld [tilespmem:s15+$0x2410];
	v6, _, _ =	vpop (xrf0)  }
0x3e3: {  	(v2sf) =	vpush v6, $0xF;
	_ =	sdelay $0x3  }
0x3e4: {  	[tilespmem:s17+$0x10700] =	vst.msk vm0, v4  }
0x3e5: {  	v4 =	vld [tilespmem:s15+$0x3610];
	_ =	sdelay $0x4  }
0x3e6: {  	[tilespmem:s17+$0x11E80] =	vst.msk vm0, v4  }
0x3e7: {  	v4 =	vld [tilespmem:s15+$0x4810];
	_ =	sdelay $0x3  }
0x3e8: {  	s16 =	spop (v2sf)  }
0x3e9: {  	[tilespmem:s17+$0x13600] =	vst.msk vm0, v4  }
0x3ea: {  	v4 =	vld [tilespmem:s15+$0x5A10];
	_ =	sdelay $0x4  }
0x3eb: {  	vm1 =	vge.f32 v5, $0.0e+00;
	s16 =	sadd.s32 s16, s17;
	[tilespmem:s17+$0x14D80] =	vst.msk vm0, v4  }
0x3ec: {  	v4 =	vsel vm1, $0x1, v0;
	[tilespmem:s16+$0xD800] =	vst.msk vm1, v5  }
0x3ed: {  	v5 =	vld [tilespmem:s15+$0x1220];
	(xrf0) =	vadd.scan.msk.s32 $0xffff, v4;
	_ =	sdelay $0x4  }
0x3ee: {  	vm0 =	vge.f32 v3, $0.0e+00;
	[tilespmem:s16+$0xEF80] =	vst.msk vm1, v5  }
0x3ef: {  	v4 =	vsel vm0, $0x1, v0;
	v5 =	vld [tilespmem:s15+$0x2420];
	v6, _, _ =	vpop (xrf0)  }
0x3f0: {  	(xrf0) =	vadd.scan.msk.s32 $0xffff, v4;
	_ =	sdelay $0x3  }
0x3f1: {  	[tilespmem:s16+$0x10700] =	vst.msk vm1, v5  }
0x3f2: {  	v4 =	vld [tilespmem:s15+$0x3620]  }
0x3f3: {  	(v2sf) =	vpush v6, $0xF;
	v5, _, _ =	vpop (xrf0)  }
0x3f4: {  	(v2sf) =	vpush v5, $0xF;
	_ =	sdelay $0x2  }
0x3f5: {  	[tilespmem:s16+$0x11E80] =	vst.msk vm1, v4  }
0x3f6: {  	v4 =	vld [tilespmem:s15+$0x4820];
	_ =	sdelay $0x4  }
0x3f7: {  	[tilespmem:s16+$0x13600] =	vst.msk vm1, v4  }
0x3f8: {  	v4 =	vld [tilespmem:s15+$0x5A20];
	_ =	sdelay $0x3  }
0x3f9: {  	s17 =	spop (v2sf)  }
0x3fa: {  	s17 =	sadd.s32 s17, s16;
	[tilespmem:s16+$0x14D80] =	vst.msk vm1, v4;
	s16 =	spop (v2sf)  }
0x3fb: {  	[tilespmem:s17+$0xD800] =	vst.msk vm0, v3;
	s16 =	sadd.s32 s16, s17  }
0x3fc: {  	v3 =	vld [tilespmem:s15+$0x1230];
	_ =	sdelay $0x4  }
0x3fd: {  	[tilespmem:s17+$0xEF80] =	vst.msk vm0, v3  }
0x3fe: {  	v3 =	vld [tilespmem:s15+$0x2430];
	_ =	sdelay $0x4  }
0x3ff: {  	[tilespmem:s17+$0x10700] =	vst.msk vm0, v3  }
0x400: {  	v3 =	vld [tilespmem:s15+$0x3630];
	_ =	sdelay $0x4  }
0x401: {  	[tilespmem:s17+$0x11E80] =	vst.msk vm0, v3  }
0x402: {  	v3 =	vld [tilespmem:s15+$0x4830];
	_ =	sdelay $0x1  }
.Ltmp5:
0x403: {  	(pc) =	sbr.rel @p0 .LBB2_11-.Ltmp5, $3  }
0x404: {  	_ =	sdelay $0x1  }
0x405: {  	[tilespmem:s17+$0x13600] =	vst.msk vm0, v3  }
0x406: {  	v3 =	vld [tilespmem:s15+$0x5A30]  }
0x407: {  	_ =	sdelay $0x3  }
0x408: {  	s13 =	sshra.s32 s13, $0x2;
	[tilespmem:s17+$0x14D80] =	vst.msk vm0, v3  }
0x409: {  	v3 =	vld [tilespmem:s13+$0x0];
	_ =	sdelay $0x3  }
0x40a: {  	v4 =	vld [tilespmem:s13+$0x30]  }
0x40b: {  	v5 =	vld [tilespmem:s13+$0x20];
	vm0 =	vge.f32 v3, $0.0e+00  }
0x40c: {  	v6 =	vld [tilespmem:s13+$0x10];
	[tilespmem:s16+$0xD800] =	vst.msk vm0, v3  }
0x40d: {  	v3 =	vld [tilespmem:s13+$0x1200];
	_ =	sdelay $0x4  }
0x40e: {  	v7 =	vsel vm0, $0x1, v0;
	[tilespmem:s16+$0xEF80] =	vst.msk vm0, v3  }
0x40f: {  	(xrf0) =	vadd.scan.msk.s32 $0xffff, v7;
	v3 =	vld [tilespmem:s13+$0x2400];
	_ =	sdelay $0x4  }
0x410: {  	[tilespmem:s16+$0x10700] =	vst.msk vm0, v3  }
0x411: {  	v3, _, _ =	vpop (xrf0);
	v56 =	vld [tilespmem:s13+$0x3600]  }
0x412: {  	(v2sf) =	vpush v3, $0xF;
	_ =	sdelay $0x3  }
0x413: {  	[tilespmem:s16+$0x11E80] =	vst.msk vm0, v56  }
0x414: {  	v3 =	vld [tilespmem:s13+$0x4800];
	_ =	sdelay $0x4  }
0x415: {  	[tilespmem:s16+$0x13600] =	vst.msk vm0, v3  }
0x416: {  	v3 =	vld [tilespmem:s13+$0x5A00];
	_ =	sdelay $0x3  }
0x417: {  	s14 =	spop (v2sf)  }
0x418: {  	vm1 =	vge.f32 v6, $0.0e+00;
	s14 =	sadd.s32 s16, s14;
	[tilespmem:s16+$0x14D80] =	vst.msk vm0, v3  }
0x419: {  	[tilespmem:s14+$0xD800] =	vst.msk vm1, v6  }
0x41a: {  	v3 =	vld [tilespmem:s13+$0x1210];
	_ =	sdelay $0x4  }
0x41b: {  	v57 =	vsel vm1, $0x1, v0;
	[tilespmem:s14+$0xEF80] =	vst.msk vm1, v3  }
0x41c: {  	(xrf0) =	vadd.scan.msk.s32 $0xffff, v57;
	v3 =	vld [tilespmem:s13+$0x2410];
	_ =	sdelay $0x4  }
0x41d: {  	[tilespmem:s14+$0x10700] =	vst.msk vm1, v3  }
0x41e: {  	v3, _, _ =	vpop (xrf0);
	v58 =	vld [tilespmem:s13+$0x3610]  }
0x41f: {  	(v2sf) =	vpush v3, $0xF;
	_ =	sdelay $0x3  }
0x420: {  	[tilespmem:s14+$0x11E80] =	vst.msk vm1, v58  }
0x421: {  	v3 =	vld [tilespmem:s13+$0x4810];
	_ =	sdelay $0x4  }
0x422: {  	[tilespmem:s14+$0x13600] =	vst.msk vm1, v3  }
0x423: {  	v3 =	vld [tilespmem:s13+$0x5A10];
	_ =	sdelay $0x3  }
0x424: {  	s15 =	spop (v2sf)  }
0x425: {  	vm0 =	vge.f32 v5, $0.0e+00;
	s15 =	sadd.s32 s15, s14;
	[tilespmem:s14+$0x14D80] =	vst.msk vm1, v3  }
0x426: {  	[tilespmem:s15+$0xD800] =	vst.msk vm0, v5  }
0x427: {  	v3 =	vld [tilespmem:s13+$0x1220];
	_ =	sdelay $0x4  }
0x428: {  	v5 =	vsel vm0, $0x1, v0;
	[tilespmem:s15+$0xEF80] =	vst.msk vm0, v3  }
0x429: {  	(xrf0) =	vadd.scan.msk.s32 $0xffff, v5;
	v3 =	vld [tilespmem:s13+$0x2420];
	_ =	sdelay $0x4  }
0x42a: {  	[tilespmem:s15+$0x10700] =	vst.msk vm0, v3  }
0x42b: {  	v3, _, _ =	vpop (xrf0);
	v5 =	vld [tilespmem:s13+$0x3620]  }
0x42c: {  	(v2sf) =	vpush v3, $0xF;
	_ =	sdelay $0x3  }
0x42d: {  	[tilespmem:s15+$0x11E80] =	vst.msk vm0, v5  }
0x42e: {  	v3 =	vld [tilespmem:s13+$0x4820];
	_ =	sdelay $0x4  }
0x42f: {  	[tilespmem:s15+$0x13600] =	vst.msk vm0, v3  }
0x430: {  	v3 =	vld [tilespmem:s13+$0x5A20];
	_ =	sdelay $0x3  }
0x431: {  	s16 =	spop (v2sf)  }
0x432: {  	vm1 =	vge.f32 v4, $0.0e+00;
	s14 =	sadd.s32 s16, s15;
	[tilespmem:s15+$0x14D80] =	vst.msk vm0, v3  }
0x433: {  	[tilespmem:s14+$0xD800] =	vst.msk vm1, v4  }
0x434: {  	v3 =	vld [tilespmem:s13+$0x1230];
	_ =	sdelay $0x4  }
0x435: {  	[tilespmem:s14+$0xEF80] =	vst.msk vm1, v3  }
0x436: {  	v3 =	vsel vm1, $0x1, v0;
	v4 =	vld [tilespmem:s13+$0x2430]  }
0x437: {  	(xrf0) =	vadd.scan.msk.s32 $0xffff, v3;
	_ =	sdelay $0x3  }
0x438: {  	[tilespmem:s14+$0x10700] =	vst.msk vm1, v4  }
0x439: {  	v3 =	vld [tilespmem:s13+$0x3630]  }
0x43a: {  	v4, _, _ =	vpop (xrf0)  }
0x43b: {  	(v2sf) =	vpush v4, $0xF;
	_ =	sdelay $0x2  }
0x43c: {  	[tilespmem:s14+$0x11E80] =	vst.msk vm1, v3  }
0x43d: {  	v3 =	vld [tilespmem:s13+$0x4830];
	_ =	sdelay $0x4  }
0x43e: {  	[tilespmem:s14+$0x13600] =	vst.msk vm1, v3  }
0x43f: {  	v3 =	vld [tilespmem:s13+$0x5A30];
	_ =	sdelay $0x4  }
0x440: {  	s13 =	spop (v2sf);
	[tilespmem:s14+$0x14D80] =	vst.msk vm1, v3  }
0x441: {  	_ =	swait.ge [sflag:s12], $0x1200  }
0x442: {  	[sflag:s12] =	ssyncset.done $0x0  }
0x443: {  	[sflag:s12] =	ssyncadd.s32 $0xFFFFEE00  }
0x444: {  	_ =	swait.ge [sflag:s12], $0x1200  }
0x445: {  	[sflag:s12] =	ssyncset.done $0x0  }
0x446: {  	[sflag:s12] =	ssyncadd.s32 $0xFFFFEE00  }
0x447: {  	_ =	swait.ge [sflag:s12], $0x1200  }
0x448: {  	[sflag:s12] =	ssyncset.done $0x0  }
0x449: {  	[sflag:s12] =	ssyncadd.s32 $0xFFFFEE00  }
0x44a: {  	_ =	swait.ge [sflag:s12], $0x1200  }
0x44b: {  	[sflag:s12] =	ssyncset.done $0x0  }
0x44c: {  	[sflag:s12] =	ssyncadd.s32 $0xFFFFEE00  }
0x44d: {  	_ =	swait.ge [sflag:s12], $0x1200  }
0x44e: {  	[sflag:s12] =	ssyncset.done $0x0  }
0x44f: {  	[sflag:s12] =	ssyncadd.s32 $0xFFFFEE00  }
0x450: {  	_ =	swait.ge [sflag:s12], $0x1200  }
0x451: {  	[sflag:s12] =	ssyncset.done $0x0  }
0x452: {  	s15 =	simm.s32 $0x0;
	s17 =	rddreg [dreg:$0x1b];
	[sflag:s12] =	ssyncadd.s32 $0xFFFFEE00  }
0x453: {  	[tilespmem:s15], [sflag:$0x1] =	stream.strided.gather [hbm4b:s17+s29], $0x1200, s30, s29, $0x38;
	[tilespmem:$0x16500] =	vst v63  }
0x454: {  	s17 =	rddreg [dreg:$0x1c]  }
0x455: {  	[tilespmem:s31], [sflag:$0x1] =	stream.strided.gather [hbm4b:s17+s29], $0x1200, s30, s29, $0x38;
	[tilespmem:$0x16500] =	vst v63  }
0x456: {  	s17 =	rddreg [dreg:$0x1d]  }
0x457: {  	[tilespmem:s0], [sflag:$0x1] =	stream.strided.gather [hbm4b:s17+s29], $0x1200, s30, s29, $0x38;
	[tilespmem:$0x16500] =	vst v63  }
0x458: {  	s17 =	rddreg [dreg:$0x1e]  }
0x459: {  	[tilespmem:s1], [sflag:$0x1] =	stream.strided.gather [hbm4b:s17+s29], $0x1200, s30, s29, $0x38;
	[tilespmem:$0x16500] =	vst v63  }
0x45a: {  	s17 =	rddreg [dreg:$0x1f]  }
0x45b: {  	[tilespmem:s3], [sflag:$0x1] =	stream.strided.gather [hbm4b:s17+s29], $0x1200, s30, s29, $0x38;
	[tilespmem:$0x16500] =	vst v63  }
0x45c: {  	_ = 	snop  }
0x45d: {  	[tilespmem:s4], [sflag:$0x1] =	stream.linear.gather [hbm4b:s19+s15], $0x1200, $0x38;
	[tilespmem:$0x16500] =	vst v63  }
0x45e: {  	s15 =	simm.s32 $0x0  }
0x45f: {  	v3 =	vld [tilespmem:s15+$0x6C00];
	_ =	sdelay $0x3  }
0x460: {  	v4 =	vld [tilespmem:s15+$0x6C30]  }
0x461: {  	s13 =	sadd.s32 s13, s14;
	v5 =	vld [tilespmem:s15+$0x6C20];
	vm0 =	vge.f32 v3, $0.0e+00  }
0x462: {  	v59 =	vld [tilespmem:s15+$0x6C10];
	[tilespmem:s13+$0xD800] =	vst.msk vm0, v3  }
0x463: {  	v3 =	vld [tilespmem:s15+$0x7E00];
	_ =	sdelay $0x4  }
0x464: {  	v60 =	vsel vm0, $0x1, v0;
	[tilespmem:s13+$0xEF80] =	vst.msk vm0, v3  }
0x465: {  	(xrf0) =	vadd.scan.msk.s32 $0xffff, v60;
	v3 =	vld [tilespmem:s15+$0x9000];
	_ =	sdelay $0x4  }
0x466: {  	[tilespmem:s13+$0x10700] =	vst.msk vm0, v3  }
0x467: {  	v3, _, _ =	vpop (xrf0);
	v61 =	vld [tilespmem:s15+$0xA200]  }
0x468: {  	(v2sf) =	vpush v3, $0xF;
	_ =	sdelay $0x3  }
0x469: {  	[tilespmem:s13+$0x11E80] =	vst.msk vm0, v61  }
0x46a: {  	v3 =	vld [tilespmem:s15+$0xB400];
	_ =	sdelay $0x4  }
0x46b: {  	[tilespmem:s13+$0x13600] =	vst.msk vm0, v3  }
0x46c: {  	v3 =	vld [tilespmem:s15+$0xC600];
	_ =	sdelay $0x3  }
0x46d: {  	s17 =	spop (v2sf)  }
0x46e: {  	vm1 =	vge.f32 v59, $0.0e+00;
	s14 =	sadd.s32 s13, s17;
	[tilespmem:s13+$0x14D80] =	vst.msk vm0, v3  }
0x46f: {  	[tilespmem:s14+$0xD800] =	vst.msk vm1, v59  }
0x470: {  	v3 =	vld [tilespmem:s15+$0x7E10];
	_ =	sdelay $0x4  }
0x471: {  	v62 =	vsel vm1, $0x1, v0;
	[tilespmem:s14+$0xEF80] =	vst.msk vm1, v3  }
0x472: {  	(xrf0) =	vadd.scan.msk.s32 $0xffff, v62;
	v3 =	vld [tilespmem:s15+$0x9010];
	_ =	sdelay $0x4  }
0x473: {  	[tilespmem:s14+$0x10700] =	vst.msk vm1, v3  }
0x474: {  	v3, _, _ =	vpop (xrf0);
	v63 =	vld [tilespmem:s15+$0xA210]  }
0x475: {  	(v2sf) =	vpush v3, $0xF;
	_ =	sdelay $0x3  }
0x476: {  	[tilespmem:s14+$0x11E80] =	vst.msk vm1, v63  }
0x477: {  	v3 =	vld [tilespmem:s15+$0xB410];
	_ =	sdelay $0x4  }
0x478: {  	[tilespmem:s14+$0x13600] =	vst.msk vm1, v3  }
0x479: {  	v3 =	vld [tilespmem:s15+$0xC610];
	_ =	sdelay $0x3  }
0x47a: {  	s16 =	spop (v2sf)  }
0x47b: {  	vm2 =	vge.f32 v5, $0.0e+00;
	s13 =	sadd.s32 s16, s14;
	[tilespmem:s14+$0x14D80] =	vst.msk vm1, v3  }
0x47c: {  	[tilespmem:s13+$0xD800] =	vst.msk vm2, v5  }
0x47d: {  	v3 =	vld [tilespmem:s15+$0x7E20];
	_ =	sdelay $0x4  }
0x47e: {  	v5 =	vsel vm2, $0x1, v0;
	[tilespmem:s13+$0xEF80] =	vst.msk vm2, v3  }
0x47f: {  	(xrf0) =	vadd.scan.msk.s32 $0xffff, v5;
	v3 =	vld [tilespmem:s15+$0x9020];
	_ =	sdelay $0x4  }
0x480: {  	[tilespmem:s13+$0x10700] =	vst.msk vm2, v3  }
0x481: {  	v3, _, _ =	vpop (xrf0);
	v5 =	vld [tilespmem:s15+$0xA220]  }
0x482: {  	(v2sf) =	vpush v3, $0xF;
	_ =	sdelay $0x3  }
0x483: {  	[tilespmem:s13+$0x11E80] =	vst.msk vm2, v5  }
0x484: {  	v3 =	vld [tilespmem:s15+$0xB420];
	_ =	sdelay $0x4  }
0x485: {  	[tilespmem:s13+$0x13600] =	vst.msk vm2, v3  }
0x486: {  	v3 =	vld [tilespmem:s15+$0xC620];
	_ =	sdelay $0x3  }
0x487: {  	s17 =	spop (v2sf)  }
0x488: {  	vm0 =	vge.f32 v4, $0.0e+00;
	s17 =	sadd.s32 s17, s13;
	[tilespmem:s13+$0x14D80] =	vst.msk vm2, v3  }
0x489: {  	[tilespmem:s17+$0xD800] =	vst.msk vm0, v4  }
0x48a: {  	v3 =	vsel vm0, $0x1, v0;
	v4 =	vld [tilespmem:s15+$0x7E30]  }
0x48b: {  	(xrf0) =	vadd.scan.msk.s32 $0xffff, v3;
	_ =	sdelay $0x3  }
0x48c: {  	[tilespmem:s17+$0xEF80] =	vst.msk vm0, v4  }
0x48d: {  	v3 =	vld [tilespmem:s15+$0x9030]  }
0x48e: {  	v4, _, _ =	vpop (xrf0)  }
0x48f: {  	(v2sf) =	vpush v4, $0xF;
	_ =	sdelay $0x2  }
0x490: {  	[tilespmem:s17+$0x10700] =	vst.msk vm0, v3  }
0x491: {  	v3 =	vld [tilespmem:s15+$0xA230];
	_ =	sdelay $0x4  }
0x492: {  	[tilespmem:s17+$0x11E80] =	vst.msk vm0, v3  }
0x493: {  	v3 =	vld [tilespmem:s15+$0xB430];
	_ =	sdelay $0x4  }
0x494: {  	s16 =	spop (v2sf);
	[tilespmem:s17+$0x13600] =	vst.msk vm0, v3  }
0x495: {  	s14 =	simm.s32 $0x200;
	s13 =	simm.s32 $0x100;
	s16 =	sadd.s32 s16, s17;
	v3 =	vld [tilespmem:s15+$0xC630]  }
.LBB2_13:
0x496: {  	_ =	sdelay $0x2  }
0x497: {  	p0 =	sne.s32 s14, $0x4700  }
0x498: {  	s15 =	sshra.s32 s13, $0x2;
	s13 =	smov.u32 s14;
	s14 =	sadd.s32 $0x100, s14;
	[tilespmem:s17+$0x14D80] =	vst.msk vm0, v3  }
0x499: {  	v4 =	vld [tilespmem:s15+$0x6C00];
	_ =	sdelay $0x2  }
0x49a: {  	v3 =	vld [tilespmem:s15+$0x6C30]  }
0x49b: {  	v5 =	vld [tilespmem:s15+$0x6C20]  }
0x49c: {  	v6 =	vld [tilespmem:s15+$0x6C10];
	vm1 =	vge.f32 v4, $0.0e+00  }
0x49d: {  	v7 =	vsel vm1, $0x1, v0;
	[tilespmem:s16+$0xD800] =	vst.msk vm1, v4  }
0x49e: {  	v4 =	vld [tilespmem:s15+$0x7E00];
	(xrf0) =	vadd.scan.msk.s32 $0xffff, v7;
	_ =	sdelay $0x4  }
0x49f: {  	[tilespmem:s16+$0xEF80] =	vst.msk vm1, v4  }
0x4a0: {  	v4 =	vld [tilespmem:s15+$0x9000];
	v7, _, _ =	vpop (xrf0)  }
0x4a1: {  	(v2sf) =	vpush v7, $0xF;
	_ =	sdelay $0x3  }
0x4a2: {  	[tilespmem:s16+$0x10700] =	vst.msk vm1, v4  }
0x4a3: {  	v4 =	vld [tilespmem:s15+$0xA200];
	_ =	sdelay $0x4  }
0x4a4: {  	[tilespmem:s16+$0x11E80] =	vst.msk vm1, v4  }
0x4a5: {  	v4 =	vld [tilespmem:s15+$0xB400];
	_ =	sdelay $0x3  }
0x4a6: {  	s17 =	spop (v2sf)  }
0x4a7: {  	[tilespmem:s16+$0x13600] =	vst.msk vm1, v4  }
0x4a8: {  	v4 =	vld [tilespmem:s15+$0xC600];
	_ =	sdelay $0x4  }
0x4a9: {  	vm0 =	vge.f32 v6, $0.0e+00;
	s17 =	sadd.s32 s16, s17;
	[tilespmem:s16+$0x14D80] =	vst.msk vm1, v4  }
0x4aa: {  	v4 =	vsel vm0, $0x1, v0;
	[tilespmem:s17+$0xD800] =	vst.msk vm0, v6  }
0x4ab: {  	v6 =	vld [tilespmem:s15+$0x7E10];
	(xrf0) =	vadd.scan.msk.s32 $0xffff, v4;
	_ =	sdelay $0x4  }
0x4ac: {  	[tilespmem:s17+$0xEF80] =	vst.msk vm0, v6  }
0x4ad: {  	v4 =	vld [tilespmem:s15+$0x9010];
	v6, _, _ =	vpop (xrf0)  }
0x4ae: {  	(v2sf) =	vpush v6, $0xF;
	_ =	sdelay $0x3  }
0x4af: {  	[tilespmem:s17+$0x10700] =	vst.msk vm0, v4  }
0x4b0: {  	v4 =	vld [tilespmem:s15+$0xA210];
	_ =	sdelay $0x4  }
0x4b1: {  	[tilespmem:s17+$0x11E80] =	vst.msk vm0, v4  }
0x4b2: {  	v4 =	vld [tilespmem:s15+$0xB410];
	_ =	sdelay $0x3  }
0x4b3: {  	s16 =	spop (v2sf)  }
0x4b4: {  	[tilespmem:s17+$0x13600] =	vst.msk vm0, v4  }
0x4b5: {  	v4 =	vld [tilespmem:s15+$0xC610];
	_ =	sdelay $0x4  }
0x4b6: {  	vm1 =	vge.f32 v5, $0.0e+00;
	s16 =	sadd.s32 s16, s17;
	[tilespmem:s17+$0x14D80] =	vst.msk vm0, v4  }
0x4b7: {  	v4 =	vsel vm1, $0x1, v0;
	[tilespmem:s16+$0xD800] =	vst.msk vm1, v5  }
0x4b8: {  	v5 =	vld [tilespmem:s15+$0x7E20];
	(xrf0) =	vadd.scan.msk.s32 $0xffff, v4;
	_ =	sdelay $0x4  }
0x4b9: {  	vm0 =	vge.f32 v3, $0.0e+00;
	[tilespmem:s16+$0xEF80] =	vst.msk vm1, v5  }
0x4ba: {  	v4 =	vsel vm0, $0x1, v0;
	v5 =	vld [tilespmem:s15+$0x9020];
	v6, _, _ =	vpop (xrf0)  }
0x4bb: {  	(xrf0) =	vadd.scan.msk.s32 $0xffff, v4;
	_ =	sdelay $0x3  }
0x4bc: {  	[tilespmem:s16+$0x10700] =	vst.msk vm1, v5  }
0x4bd: {  	v4 =	vld [tilespmem:s15+$0xA220]  }
0x4be: {  	(v2sf) =	vpush v6, $0xF;
	v5, _, _ =	vpop (xrf0)  }
0x4bf: {  	(v2sf) =	vpush v5, $0xF;
	_ =	sdelay $0x2  }
0x4c0: {  	[tilespmem:s16+$0x11E80] =	vst.msk vm1, v4  }
0x4c1: {  	v4 =	vld [tilespmem:s15+$0xB420];
	_ =	sdelay $0x4  }
0x4c2: {  	[tilespmem:s16+$0x13600] =	vst.msk vm1, v4  }
0x4c3: {  	v4 =	vld [tilespmem:s15+$0xC620];
	_ =	sdelay $0x3  }
0x4c4: {  	s17 =	spop (v2sf)  }
0x4c5: {  	s17 =	sadd.s32 s17, s16;
	[tilespmem:s16+$0x14D80] =	vst.msk vm1, v4;
	s16 =	spop (v2sf)  }
0x4c6: {  	[tilespmem:s17+$0xD800] =	vst.msk vm0, v3;
	s16 =	sadd.s32 s16, s17  }
0x4c7: {  	v3 =	vld [tilespmem:s15+$0x7E30];
	_ =	sdelay $0x4  }
0x4c8: {  	[tilespmem:s17+$0xEF80] =	vst.msk vm0, v3  }
0x4c9: {  	v3 =	vld [tilespmem:s15+$0x9030];
	_ =	sdelay $0x4  }
0x4ca: {  	[tilespmem:s17+$0x10700] =	vst.msk vm0, v3  }
0x4cb: {  	v3 =	vld [tilespmem:s15+$0xA230];
	_ =	sdelay $0x4  }
0x4cc: {  	[tilespmem:s17+$0x11E80] =	vst.msk vm0, v3  }
0x4cd: {  	v3 =	vld [tilespmem:s15+$0xB430];
	_ =	sdelay $0x1  }
.Ltmp6:
0x4ce: {  	(pc) =	sbr.rel @p0 .LBB2_13-.Ltmp6, $3  }
0x4cf: {  	_ =	sdelay $0x1  }
0x4d0: {  	[tilespmem:s17+$0x13600] =	vst.msk vm0, v3  }
0x4d1: {  	v3 =	vld [tilespmem:s15+$0xC630]  }
0x4d2: {  	_ =	sdelay $0x3  }
0x4d3: {  	s13 =	sshra.s32 s13, $0x2;
	[tilespmem:s17+$0x14D80] =	vst.msk vm0, v3  }
0x4d4: {  	v3 =	vld [tilespmem:s13+$0x6C00];
	_ =	sdelay $0x3  }
0x4d5: {  	v4 =	vld [tilespmem:s13+$0x6C30]  }
0x4d6: {  	v5 =	vld [tilespmem:s13+$0x6C20];
	vm0 =	vge.f32 v3, $0.0e+00  }
0x4d7: {  	v6 =	vld [tilespmem:s13+$0x6C10];
	[tilespmem:s16+$0xD800] =	vst.msk vm0, v3  }
0x4d8: {  	v3 =	vld [tilespmem:s13+$0x7E00];
	_ =	sdelay $0x4  }
0x4d9: {  	v7 =	vsel vm0, $0x1, v0;
	[tilespmem:s16+$0xEF80] =	vst.msk vm0, v3  }
0x4da: {  	(xrf0) =	vadd.scan.msk.s32 $0xffff, v7;
	v3 =	vld [tilespmem:s13+$0x9000];
	_ =	sdelay $0x4  }
0x4db: {  	[tilespmem:s16+$0x10700] =	vst.msk vm0, v3  }
0x4dc: {  	v3, _, _ =	vpop (xrf0);
	v56 =	vld [tilespmem:s13+$0xA200]  }
0x4dd: {  	(v2sf) =	vpush v3, $0xF;
	_ =	sdelay $0x3  }
0x4de: {  	[tilespmem:s16+$0x11E80] =	vst.msk vm0, v56  }
0x4df: {  	v3 =	vld [tilespmem:s13+$0xB400];
	_ =	sdelay $0x4  }
0x4e0: {  	[tilespmem:s16+$0x13600] =	vst.msk vm0, v3  }
0x4e1: {  	v3 =	vld [tilespmem:s13+$0xC600];
	_ =	sdelay $0x3  }
0x4e2: {  	s14 =	spop (v2sf)  }
0x4e3: {  	vm1 =	vge.f32 v6, $0.0e+00;
	s14 =	sadd.s32 s16, s14;
	[tilespmem:s16+$0x14D80] =	vst.msk vm0, v3  }
0x4e4: {  	[tilespmem:s14+$0xD800] =	vst.msk vm1, v6  }
0x4e5: {  	v3 =	vld [tilespmem:s13+$0x7E10];
	_ =	sdelay $0x4  }
0x4e6: {  	v57 =	vsel vm1, $0x1, v0;
	[tilespmem:s14+$0xEF80] =	vst.msk vm1, v3  }
0x4e7: {  	(xrf0) =	vadd.scan.msk.s32 $0xffff, v57;
	v3 =	vld [tilespmem:s13+$0x9010];
	_ =	sdelay $0x4  }
0x4e8: {  	[tilespmem:s14+$0x10700] =	vst.msk vm1, v3  }
0x4e9: {  	v3, _, _ =	vpop (xrf0);
	v58 =	vld [tilespmem:s13+$0xA210]  }
0x4ea: {  	(v2sf) =	vpush v3, $0xF;
	_ =	sdelay $0x3  }
0x4eb: {  	[tilespmem:s14+$0x11E80] =	vst.msk vm1, v58  }
0x4ec: {  	v3 =	vld [tilespmem:s13+$0xB410];
	_ =	sdelay $0x4  }
0x4ed: {  	[tilespmem:s14+$0x13600] =	vst.msk vm1, v3  }
0x4ee: {  	v3 =	vld [tilespmem:s13+$0xC610];
	_ =	sdelay $0x3  }
0x4ef: {  	s15 =	spop (v2sf)  }
0x4f0: {  	vm0 =	vge.f32 v5, $0.0e+00;
	s15 =	sadd.s32 s15, s14;
	[tilespmem:s14+$0x14D80] =	vst.msk vm1, v3  }
0x4f1: {  	[tilespmem:s15+$0xD800] =	vst.msk vm0, v5  }
0x4f2: {  	v3 =	vld [tilespmem:s13+$0x7E20];
	_ =	sdelay $0x4  }
0x4f3: {  	v5 =	vsel vm0, $0x1, v0;
	[tilespmem:s15+$0xEF80] =	vst.msk vm0, v3  }
0x4f4: {  	(xrf0) =	vadd.scan.msk.s32 $0xffff, v5;
	v3 =	vld [tilespmem:s13+$0x9020];
	_ =	sdelay $0x4  }
0x4f5: {  	[tilespmem:s15+$0x10700] =	vst.msk vm0, v3  }
0x4f6: {  	v3, _, _ =	vpop (xrf0);
	v5 =	vld [tilespmem:s13+$0xA220]  }
0x4f7: {  	(v2sf) =	vpush v3, $0xF;
	_ =	sdelay $0x3  }
0x4f8: {  	[tilespmem:s15+$0x11E80] =	vst.msk vm0, v5  }
0x4f9: {  	v3 =	vld [tilespmem:s13+$0xB420];
	_ =	sdelay $0x4  }
0x4fa: {  	[tilespmem:s15+$0x13600] =	vst.msk vm0, v3  }
0x4fb: {  	v3 =	vld [tilespmem:s13+$0xC620];
	_ =	sdelay $0x3  }
0x4fc: {  	s16 =	spop (v2sf)  }
0x4fd: {  	vm1 =	vge.f32 v4, $0.0e+00;
	s14 =	sadd.s32 s16, s15;
	[tilespmem:s15+$0x14D80] =	vst.msk vm0, v3  }
0x4fe: {  	[tilespmem:s14+$0xD800] =	vst.msk vm1, v4  }
0x4ff: {  	v3 =	vld [tilespmem:s13+$0x7E30];
	_ =	sdelay $0x4  }
0x500: {  	[tilespmem:s14+$0xEF80] =	vst.msk vm1, v3  }
0x501: {  	v3 =	vsel vm1, $0x1, v0;
	v4 =	vld [tilespmem:s13+$0x9030]  }
0x502: {  	(xrf0) =	vadd.scan.msk.s32 $0xffff, v3;
	_ =	sdelay $0x3  }
0x503: {  	[tilespmem:s14+$0x10700] =	vst.msk vm1, v4  }
0x504: {  	v3 =	vld [tilespmem:s13+$0xA230]  }
0x505: {  	v4, _, _ =	vpop (xrf0)  }
0x506: {  	(v2sf) =	vpush v4, $0xF;
	_ =	sdelay $0x2  }
0x507: {  	[tilespmem:s14+$0x11E80] =	vst.msk vm1, v3  }
0x508: {  	v3 =	vld [tilespmem:s13+$0xB430];
	_ =	sdelay $0x4  }
0x509: {  	[tilespmem:s14+$0x13600] =	vst.msk vm1, v3  }
0x50a: {  	v3 =	vld [tilespmem:s13+$0xC630];
	_ =	sdelay $0x4  }
0x50b: {  	s13 =	spop (v2sf);
	[tilespmem:s14+$0x14D80] =	vst.msk vm1, v3  }
0x50c: {  	_ =	swait.ge [sflag:s5], $0x1200  }
0x50d: {  	[sflag:s5] =	ssyncset.done $0x0  }
0x50e: {  	[sflag:s5] =	ssyncadd.s32 $0xFFFFEE00  }
0x50f: {  	_ =	swait.ge [sflag:s5], $0x1200  }
0x510: {  	[sflag:s5] =	ssyncset.done $0x0  }
0x511: {  	[sflag:s5] =	ssyncadd.s32 $0xFFFFEE00  }
0x512: {  	_ =	swait.ge [sflag:s5], $0x1200  }
0x513: {  	[sflag:s5] =	ssyncset.done $0x0  }
0x514: {  	[sflag:s5] =	ssyncadd.s32 $0xFFFFEE00  }
0x515: {  	_ =	swait.ge [sflag:s5], $0x1200  }
0x516: {  	[sflag:s5] =	ssyncset.done $0x0  }
0x517: {  	[sflag:s5] =	ssyncadd.s32 $0xFFFFEE00  }
0x518: {  	_ =	swait.ge [sflag:s5], $0x1200  }
0x519: {  	[sflag:s5] =	ssyncset.done $0x0  }
0x51a: {  	[sflag:s5] =	ssyncadd.s32 $0xFFFFEE00  }
0x51b: {  	_ =	swait.ge [sflag:s5], $0x1200  }
0x51c: {  	s17 =	sld [smem:$0x7EF]  }
0x51d: {  	[sflag:s5] =	ssyncset.done $0x0  }
0x51e: {  	s16 =	sld [smem:$0x7F0];
	[sflag:s5] =	ssyncadd.s32 $0xFFFFEE00  }
0x51f: {  	[tilespmem:s6], [sflag:$0x2] =	stream.strided.gather [hbm4b:s17+s29], $0x1200, s30, s29, $0x38;
	[tilespmem:$0x16500] =	vst v63  }
0x520: {  	s17 =	sld [smem:$0x7F1]  }
0x521: {  	[tilespmem:s7], [sflag:$0x2] =	stream.strided.gather [hbm4b:s16+s29], $0x1200, s30, s29, $0x38;
	[tilespmem:$0x16500] =	vst v63  }
0x522: {  	s16 =	sld [smem:$0x7F2]  }
0x523: {  	[tilespmem:s8], [sflag:$0x2] =	stream.strided.gather [hbm4b:s17+s29], $0x1200, s30, s29, $0x38;
	[tilespmem:$0x16500] =	vst v63  }
0x524: {  	s17 =	sld [smem:$0x7F3]  }
0x525: {  	[tilespmem:s9], [sflag:$0x2] =	stream.strided.gather [hbm4b:s16+s29], $0x1200, s30, s29, $0x38;
	[tilespmem:$0x16500] =	vst v63  }
0x526: {  	_ = 	snop  }
0x527: {  	[tilespmem:s10], [sflag:$0x2] =	stream.strided.gather [hbm4b:s17+s29], $0x1200, s30, s29, $0x38;
	[tilespmem:$0x16500] =	vst v63  }
0x528: {  	s15 =	simm.s32 $0x0;
	s16 =	simm.s32 $0x0  }
0x529: {  	[tilespmem:s11], [sflag:$0x2] =	stream.linear.gather [hbm4b:s20+s16], $0x1200, $0x38;
	[tilespmem:$0x16500] =	vst v63  }
0x52a: {  	v3 =	vld [tilespmem:s15+$0x0];
	_ =	sdelay $0x3  }
0x52b: {  	v4 =	vld [tilespmem:s15+$0x30]  }
0x52c: {  	s13 =	sadd.s32 s13, s14;
	v5 =	vld [tilespmem:s15+$0x20];
	vm0 =	vge.f32 v3, $0.0e+00  }
0x52d: {  	v59 =	vld [tilespmem:s15+$0x10];
	[tilespmem:s13+$0xD800] =	vst.msk vm0, v3  }
0x52e: {  	v3 =	vld [tilespmem:s15+$0x1200];
	_ =	sdelay $0x4  }
0x52f: {  	v60 =	vsel vm0, $0x1, v0;
	[tilespmem:s13+$0xEF80] =	vst.msk vm0, v3  }
0x530: {  	(xrf0) =	vadd.scan.msk.s32 $0xffff, v60;
	v3 =	vld [tilespmem:s15+$0x2400];
	_ =	sdelay $0x4  }
0x531: {  	[tilespmem:s13+$0x10700] =	vst.msk vm0, v3  }
0x532: {  	v3, _, _ =	vpop (xrf0);
	v61 =	vld [tilespmem:s15+$0x3600]  }
0x533: {  	(v2sf) =	vpush v3, $0xF;
	_ =	sdelay $0x3  }
0x534: {  	[tilespmem:s13+$0x11E80] =	vst.msk vm0, v61  }
0x535: {  	v3 =	vld [tilespmem:s15+$0x4800];
	_ =	sdelay $0x4  }
0x536: {  	[tilespmem:s13+$0x13600] =	vst.msk vm0, v3  }
0x537: {  	v3 =	vld [tilespmem:s15+$0x5A00];
	_ =	sdelay $0x3  }
0x538: {  	s17 =	spop (v2sf)  }
0x539: {  	vm1 =	vge.f32 v59, $0.0e+00;
	s14 =	sadd.s32 s13, s17;
	[tilespmem:s13+$0x14D80] =	vst.msk vm0, v3  }
0x53a: {  	[tilespmem:s14+$0xD800] =	vst.msk vm1, v59  }
0x53b: {  	v3 =	vld [tilespmem:s15+$0x1210];
	_ =	sdelay $0x4  }
0x53c: {  	v62 =	vsel vm1, $0x1, v0;
	[tilespmem:s14+$0xEF80] =	vst.msk vm1, v3  }
0x53d: {  	(xrf0) =	vadd.scan.msk.s32 $0xffff, v62;
	v3 =	vld [tilespmem:s15+$0x2410];
	_ =	sdelay $0x4  }
0x53e: {  	[tilespmem:s14+$0x10700] =	vst.msk vm1, v3  }
0x53f: {  	v3, _, _ =	vpop (xrf0);
	v63 =	vld [tilespmem:s15+$0x3610]  }
0x540: {  	(v2sf) =	vpush v3, $0xF;
	_ =	sdelay $0x3  }
0x541: {  	[tilespmem:s14+$0x11E80] =	vst.msk vm1, v63  }
0x542: {  	v3 =	vld [tilespmem:s15+$0x4810];
	_ =	sdelay $0x4  }
0x543: {  	[tilespmem:s14+$0x13600] =	vst.msk vm1, v3  }
0x544: {  	v3 =	vld [tilespmem:s15+$0x5A10];
	_ =	sdelay $0x3  }
0x545: {  	s16 =	spop (v2sf)  }
0x546: {  	vm2 =	vge.f32 v5, $0.0e+00;
	s13 =	sadd.s32 s16, s14;
	[tilespmem:s14+$0x14D80] =	vst.msk vm1, v3  }
0x547: {  	[tilespmem:s13+$0xD800] =	vst.msk vm2, v5  }
0x548: {  	v3 =	vld [tilespmem:s15+$0x1220];
	_ =	sdelay $0x4  }
0x549: {  	v5 =	vsel vm2, $0x1, v0;
	[tilespmem:s13+$0xEF80] =	vst.msk vm2, v3  }
0x54a: {  	(xrf0) =	vadd.scan.msk.s32 $0xffff, v5;
	v3 =	vld [tilespmem:s15+$0x2420];
	_ =	sdelay $0x4  }
0x54b: {  	[tilespmem:s13+$0x10700] =	vst.msk vm2, v3  }
0x54c: {  	v3, _, _ =	vpop (xrf0);
	v5 =	vld [tilespmem:s15+$0x3620]  }
0x54d: {  	(v2sf) =	vpush v3, $0xF;
	_ =	sdelay $0x3  }
0x54e: {  	[tilespmem:s13+$0x11E80] =	vst.msk vm2, v5  }
0x54f: {  	v3 =	vld [tilespmem:s15+$0x4820];
	_ =	sdelay $0x4  }
0x550: {  	[tilespmem:s13+$0x13600] =	vst.msk vm2, v3  }
0x551: {  	v3 =	vld [tilespmem:s15+$0x5A20];
	_ =	sdelay $0x3  }
0x552: {  	s17 =	spop (v2sf)  }
0x553: {  	vm0 =	vge.f32 v4, $0.0e+00;
	s17 =	sadd.s32 s17, s13;
	[tilespmem:s13+$0x14D80] =	vst.msk vm2, v3  }
0x554: {  	[tilespmem:s17+$0xD800] =	vst.msk vm0, v4  }
0x555: {  	v3 =	vsel vm0, $0x1, v0;
	v4 =	vld [tilespmem:s15+$0x1230]  }
0x556: {  	(xrf0) =	vadd.scan.msk.s32 $0xffff, v3;
	_ =	sdelay $0x3  }
0x557: {  	[tilespmem:s17+$0xEF80] =	vst.msk vm0, v4  }
0x558: {  	v3 =	vld [tilespmem:s15+$0x2430]  }
0x559: {  	v4, _, _ =	vpop (xrf0)  }
0x55a: {  	(v2sf) =	vpush v4, $0xF;
	_ =	sdelay $0x2  }
0x55b: {  	[tilespmem:s17+$0x10700] =	vst.msk vm0, v3  }
0x55c: {  	v3 =	vld [tilespmem:s15+$0x3630];
	_ =	sdelay $0x4  }
0x55d: {  	[tilespmem:s17+$0x11E80] =	vst.msk vm0, v3  }
0x55e: {  	v3 =	vld [tilespmem:s15+$0x4830];
	_ =	sdelay $0x4  }
0x55f: {  	s16 =	spop (v2sf);
	[tilespmem:s17+$0x13600] =	vst.msk vm0, v3  }
0x560: {  	s14 =	simm.s32 $0x200;
	s13 =	simm.s32 $0x100;
	s16 =	sadd.s32 s16, s17;
	v3 =	vld [tilespmem:s15+$0x5A30]  }
.LBB2_15:
0x561: {  	_ =	sdelay $0x2  }
0x562: {  	p0 =	sne.s32 s14, $0x4700  }
0x563: {  	s15 =	sshra.s32 s13, $0x2;
	s13 =	smov.u32 s14;
	s14 =	sadd.s32 $0x100, s14;
	[tilespmem:s17+$0x14D80] =	vst.msk vm0, v3  }
0x564: {  	v4 =	vld [tilespmem:s15+$0x0];
	_ =	sdelay $0x2  }
0x565: {  	v3 =	vld [tilespmem:s15+$0x30]  }
0x566: {  	v5 =	vld [tilespmem:s15+$0x20]  }
0x567: {  	v6 =	vld [tilespmem:s15+$0x10];
	vm1 =	vge.f32 v4, $0.0e+00  }
0x568: {  	v7 =	vsel vm1, $0x1, v0;
	[tilespmem:s16+$0xD800] =	vst.msk vm1, v4  }
0x569: {  	v4 =	vld [tilespmem:s15+$0x1200];
	(xrf0) =	vadd.scan.msk.s32 $0xffff, v7;
	_ =	sdelay $0x4  }
0x56a: {  	[tilespmem:s16+$0xEF80] =	vst.msk vm1, v4  }
0x56b: {  	v4 =	vld [tilespmem:s15+$0x2400];
	v7, _, _ =	vpop (xrf0)  }
0x56c: {  	(v2sf) =	vpush v7, $0xF;
	_ =	sdelay $0x3  }
0x56d: {  	[tilespmem:s16+$0x10700] =	vst.msk vm1, v4  }
0x56e: {  	v4 =	vld [tilespmem:s15+$0x3600];
	_ =	sdelay $0x4  }
0x56f: {  	[tilespmem:s16+$0x11E80] =	vst.msk vm1, v4  }
0x570: {  	v4 =	vld [tilespmem:s15+$0x4800];
	_ =	sdelay $0x3  }
0x571: {  	s17 =	spop (v2sf)  }
0x572: {  	[tilespmem:s16+$0x13600] =	vst.msk vm1, v4  }
0x573: {  	v4 =	vld [tilespmem:s15+$0x5A00];
	_ =	sdelay $0x4  }
0x574: {  	vm0 =	vge.f32 v6, $0.0e+00;
	s17 =	sadd.s32 s16, s17;
	[tilespmem:s16+$0x14D80] =	vst.msk vm1, v4  }
0x575: {  	v4 =	vsel vm0, $0x1, v0;
	[tilespmem:s17+$0xD800] =	vst.msk vm0, v6  }
0x576: {  	v6 =	vld [tilespmem:s15+$0x1210];
	(xrf0) =	vadd.scan.msk.s32 $0xffff, v4;
	_ =	sdelay $0x4  }
0x577: {  	[tilespmem:s17+$0xEF80] =	vst.msk vm0, v6  }
0x578: {  	v4 =	vld [tilespmem:s15+$0x2410];
	v6, _, _ =	vpop (xrf0)  }
0x579: {  	(v2sf) =	vpush v6, $0xF;
	_ =	sdelay $0x3  }
0x57a: {  	[tilespmem:s17+$0x10700] =	vst.msk vm0, v4  }
0x57b: {  	v4 =	vld [tilespmem:s15+$0x3610];
	_ =	sdelay $0x4  }
0x57c: {  	[tilespmem:s17+$0x11E80] =	vst.msk vm0, v4  }
0x57d: {  	v4 =	vld [tilespmem:s15+$0x4810];
	_ =	sdelay $0x3  }
0x57e: {  	s16 =	spop (v2sf)  }
0x57f: {  	[tilespmem:s17+$0x13600] =	vst.msk vm0, v4  }
0x580: {  	v4 =	vld [tilespmem:s15+$0x5A10];
	_ =	sdelay $0x4  }
0x581: {  	vm1 =	vge.f32 v5, $0.0e+00;
	s16 =	sadd.s32 s16, s17;
	[tilespmem:s17+$0x14D80] =	vst.msk vm0, v4  }
0x582: {  	v4 =	vsel vm1, $0x1, v0;
	[tilespmem:s16+$0xD800] =	vst.msk vm1, v5  }
0x583: {  	v5 =	vld [tilespmem:s15+$0x1220];
	(xrf0) =	vadd.scan.msk.s32 $0xffff, v4;
	_ =	sdelay $0x4  }
0x584: {  	vm0 =	vge.f32 v3, $0.0e+00;
	[tilespmem:s16+$0xEF80] =	vst.msk vm1, v5  }
0x585: {  	v4 =	vsel vm0, $0x1, v0;
	v5 =	vld [tilespmem:s15+$0x2420];
	v6, _, _ =	vpop (xrf0)  }
0x586: {  	(xrf0) =	vadd.scan.msk.s32 $0xffff, v4;
	_ =	sdelay $0x3  }
0x587: {  	[tilespmem:s16+$0x10700] =	vst.msk vm1, v5  }
0x588: {  	v4 =	vld [tilespmem:s15+$0x3620]  }
0x589: {  	(v2sf) =	vpush v6, $0xF;
	v5, _, _ =	vpop (xrf0)  }
0x58a: {  	(v2sf) =	vpush v5, $0xF;
	_ =	sdelay $0x2  }
0x58b: {  	[tilespmem:s16+$0x11E80] =	vst.msk vm1, v4  }
0x58c: {  	v4 =	vld [tilespmem:s15+$0x4820];
	_ =	sdelay $0x4  }
0x58d: {  	[tilespmem:s16+$0x13600] =	vst.msk vm1, v4  }
0x58e: {  	v4 =	vld [tilespmem:s15+$0x5A20];
	_ =	sdelay $0x3  }
0x58f: {  	s17 =	spop (v2sf)  }
0x590: {  	s17 =	sadd.s32 s17, s16;
	[tilespmem:s16+$0x14D80] =	vst.msk vm1, v4;
	s16 =	spop (v2sf)  }
0x591: {  	[tilespmem:s17+$0xD800] =	vst.msk vm0, v3;
	s16 =	sadd.s32 s16, s17  }
0x592: {  	v3 =	vld [tilespmem:s15+$0x1230];
	_ =	sdelay $0x4  }
0x593: {  	[tilespmem:s17+$0xEF80] =	vst.msk vm0, v3  }
0x594: {  	v3 =	vld [tilespmem:s15+$0x2430];
	_ =	sdelay $0x4  }
0x595: {  	[tilespmem:s17+$0x10700] =	vst.msk vm0, v3  }
0x596: {  	v3 =	vld [tilespmem:s15+$0x3630];
	_ =	sdelay $0x4  }
0x597: {  	[tilespmem:s17+$0x11E80] =	vst.msk vm0, v3  }
0x598: {  	v3 =	vld [tilespmem:s15+$0x4830];
	_ =	sdelay $0x1  }
.Ltmp7:
0x599: {  	(pc) =	sbr.rel @p0 .LBB2_15-.Ltmp7, $3  }
0x59a: {  	_ =	sdelay $0x1  }
0x59b: {  	[tilespmem:s17+$0x13600] =	vst.msk vm0, v3  }
0x59c: {  	v3 =	vld [tilespmem:s15+$0x5A30]  }
0x59d: {  	_ =	sdelay $0x3  }
0x59e: {  	s13 =	sshra.s32 s13, $0x2;
	[tilespmem:s17+$0x14D80] =	vst.msk vm0, v3  }
0x59f: {  	v3 =	vld [tilespmem:s13+$0x0];
	_ =	sdelay $0x3  }
0x5a0: {  	v4 =	vld [tilespmem:s13+$0x30]  }
0x5a1: {  	v5 =	vld [tilespmem:s13+$0x20];
	vm0 =	vge.f32 v3, $0.0e+00  }
0x5a2: {  	v6 =	vld [tilespmem:s13+$0x10];
	[tilespmem:s16+$0xD800] =	vst.msk vm0, v3  }
0x5a3: {  	v3 =	vld [tilespmem:s13+$0x1200];
	_ =	sdelay $0x4  }
0x5a4: {  	v7 =	vsel vm0, $0x1, v0;
	[tilespmem:s16+$0xEF80] =	vst.msk vm0, v3  }
0x5a5: {  	(xrf0) =	vadd.scan.msk.s32 $0xffff, v7;
	v3 =	vld [tilespmem:s13+$0x2400];
	_ =	sdelay $0x4  }
0x5a6: {  	[tilespmem:s16+$0x10700] =	vst.msk vm0, v3  }
0x5a7: {  	v3, _, _ =	vpop (xrf0);
	v56 =	vld [tilespmem:s13+$0x3600]  }
0x5a8: {  	(v2sf) =	vpush v3, $0xF;
	_ =	sdelay $0x3  }
0x5a9: {  	[tilespmem:s16+$0x11E80] =	vst.msk vm0, v56  }
0x5aa: {  	v3 =	vld [tilespmem:s13+$0x4800];
	_ =	sdelay $0x4  }
0x5ab: {  	[tilespmem:s16+$0x13600] =	vst.msk vm0, v3  }
0x5ac: {  	v3 =	vld [tilespmem:s13+$0x5A00];
	_ =	sdelay $0x3  }
0x5ad: {  	s14 =	spop (v2sf)  }
0x5ae: {  	vm1 =	vge.f32 v6, $0.0e+00;
	s14 =	sadd.s32 s16, s14;
	[tilespmem:s16+$0x14D80] =	vst.msk vm0, v3  }
0x5af: {  	[tilespmem:s14+$0xD800] =	vst.msk vm1, v6  }
0x5b0: {  	v3 =	vld [tilespmem:s13+$0x1210];
	_ =	sdelay $0x4  }
0x5b1: {  	v57 =	vsel vm1, $0x1, v0;
	[tilespmem:s14+$0xEF80] =	vst.msk vm1, v3  }
0x5b2: {  	(xrf0) =	vadd.scan.msk.s32 $0xffff, v57;
	v3 =	vld [tilespmem:s13+$0x2410];
	_ =	sdelay $0x4  }
0x5b3: {  	[tilespmem:s14+$0x10700] =	vst.msk vm1, v3  }
0x5b4: {  	v3, _, _ =	vpop (xrf0);
	v58 =	vld [tilespmem:s13+$0x3610]  }
0x5b5: {  	(v2sf) =	vpush v3, $0xF;
	_ =	sdelay $0x3  }
0x5b6: {  	[tilespmem:s14+$0x11E80] =	vst.msk vm1, v58  }
0x5b7: {  	v3 =	vld [tilespmem:s13+$0x4810];
	_ =	sdelay $0x4  }
0x5b8: {  	[tilespmem:s14+$0x13600] =	vst.msk vm1, v3  }
0x5b9: {  	v3 =	vld [tilespmem:s13+$0x5A10];
	_ =	sdelay $0x3  }
0x5ba: {  	s15 =	spop (v2sf)  }
0x5bb: {  	vm0 =	vge.f32 v5, $0.0e+00;
	s15 =	sadd.s32 s15, s14;
	[tilespmem:s14+$0x14D80] =	vst.msk vm1, v3  }
0x5bc: {  	[tilespmem:s15+$0xD800] =	vst.msk vm0, v5  }
0x5bd: {  	v3 =	vld [tilespmem:s13+$0x1220];
	_ =	sdelay $0x4  }
0x5be: {  	v5 =	vsel vm0, $0x1, v0;
	[tilespmem:s15+$0xEF80] =	vst.msk vm0, v3  }
0x5bf: {  	(xrf0) =	vadd.scan.msk.s32 $0xffff, v5;
	v3 =	vld [tilespmem:s13+$0x2420];
	_ =	sdelay $0x4  }
0x5c0: {  	[tilespmem:s15+$0x10700] =	vst.msk vm0, v3  }
0x5c1: {  	v3, _, _ =	vpop (xrf0);
	v5 =	vld [tilespmem:s13+$0x3620]  }
0x5c2: {  	(v2sf) =	vpush v3, $0xF;
	_ =	sdelay $0x3  }
0x5c3: {  	[tilespmem:s15+$0x11E80] =	vst.msk vm0, v5  }
0x5c4: {  	v3 =	vld [tilespmem:s13+$0x4820];
	_ =	sdelay $0x4  }
0x5c5: {  	[tilespmem:s15+$0x13600] =	vst.msk vm0, v3  }
0x5c6: {  	v3 =	vld [tilespmem:s13+$0x5A20];
	_ =	sdelay $0x3  }
0x5c7: {  	s17 =	spop (v2sf)  }
0x5c8: {  	vm1 =	vge.f32 v4, $0.0e+00;
	s14 =	sadd.s32 s17, s15;
	[tilespmem:s15+$0x14D80] =	vst.msk vm0, v3  }
0x5c9: {  	[tilespmem:s14+$0xD800] =	vst.msk vm1, v4  }
0x5ca: {  	v3 =	vld [tilespmem:s13+$0x1230];
	_ =	sdelay $0x4  }
0x5cb: {  	[tilespmem:s14+$0xEF80] =	vst.msk vm1, v3  }
0x5cc: {  	v3 =	vsel vm1, $0x1, v0;
	v4 =	vld [tilespmem:s13+$0x2430]  }
0x5cd: {  	(xrf0) =	vadd.scan.msk.s32 $0xffff, v3;
	_ =	sdelay $0x3  }
0x5ce: {  	[tilespmem:s14+$0x10700] =	vst.msk vm1, v4  }
0x5cf: {  	v3 =	vld [tilespmem:s13+$0x3630]  }
0x5d0: {  	v4, _, _ =	vpop (xrf0)  }
0x5d1: {  	(v2sf) =	vpush v4, $0xF;
	_ =	sdelay $0x2  }
0x5d2: {  	[tilespmem:s14+$0x11E80] =	vst.msk vm1, v3  }
0x5d3: {  	v3 =	vld [tilespmem:s13+$0x4830];
	_ =	sdelay $0x4  }
0x5d4: {  	[tilespmem:s14+$0x13600] =	vst.msk vm1, v3  }
0x5d5: {  	v3 =	vld [tilespmem:s13+$0x5A30];
	_ =	sdelay $0x4  }
0x5d6: {  	s16 =	spop (v2sf);
	[tilespmem:s14+$0x14D80] =	vst.msk vm1, v3  }
0x5d7: {  	_ =	swait.ge [sflag:s12], $0x1200  }
0x5d8: {  	[sflag:s12] =	ssyncset.done $0x0  }
0x5d9: {  	[sflag:s12] =	ssyncadd.s32 $0xFFFFEE00  }
0x5da: {  	_ =	swait.ge [sflag:s12], $0x1200  }
0x5db: {  	[sflag:s12] =	ssyncset.done $0x0  }
0x5dc: {  	[sflag:s12] =	ssyncadd.s32 $0xFFFFEE00  }
0x5dd: {  	_ =	swait.ge [sflag:s12], $0x1200  }
0x5de: {  	[sflag:s12] =	ssyncset.done $0x0  }
0x5df: {  	[sflag:s12] =	ssyncadd.s32 $0xFFFFEE00  }
0x5e0: {  	_ =	swait.ge [sflag:s12], $0x1200  }
0x5e1: {  	[sflag:s12] =	ssyncset.done $0x0  }
0x5e2: {  	[sflag:s12] =	ssyncadd.s32 $0xFFFFEE00  }
0x5e3: {  	_ =	swait.ge [sflag:s12], $0x1200  }
0x5e4: {  	[sflag:s12] =	ssyncset.done $0x0  }
0x5e5: {  	[sflag:s12] =	ssyncadd.s32 $0xFFFFEE00  }
0x5e6: {  	_ =	swait.ge [sflag:s12], $0x1200  }
0x5e7: {  	[sflag:s12] =	ssyncset.done $0x0  }
0x5e8: {  	s15 =	simm.s32 $0x0;
	[sflag:s12] =	ssyncadd.s32 $0xFFFFEE00  }
0x5e9: {  	v3 =	vld [tilespmem:s15+$0x6C00];
	_ =	sdelay $0x3  }
0x5ea: {  	v4 =	vld [tilespmem:s15+$0x6C30]  }
0x5eb: {  	s13 =	sadd.s32 s16, s14;
	v5 =	vld [tilespmem:s15+$0x6C20];
	vm0 =	vge.f32 v3, $0.0e+00  }
0x5ec: {  	v59 =	vld [tilespmem:s15+$0x6C10];
	[tilespmem:s13+$0xD800] =	vst.msk vm0, v3  }
0x5ed: {  	v3 =	vld [tilespmem:s15+$0x7E00];
	_ =	sdelay $0x4  }
0x5ee: {  	v60 =	vsel vm0, $0x1, v0;
	[tilespmem:s13+$0xEF80] =	vst.msk vm0, v3  }
0x5ef: {  	(xrf0) =	vadd.scan.msk.s32 $0xffff, v60;
	v3 =	vld [tilespmem:s15+$0x9000];
	_ =	sdelay $0x4  }
0x5f0: {  	[tilespmem:s13+$0x10700] =	vst.msk vm0, v3  }
0x5f1: {  	v3, _, _ =	vpop (xrf0);
	v61 =	vld [tilespmem:s15+$0xA200]  }
0x5f2: {  	(v2sf) =	vpush v3, $0xF;
	_ =	sdelay $0x3  }
0x5f3: {  	[tilespmem:s13+$0x11E80] =	vst.msk vm0, v61  }
0x5f4: {  	v3 =	vld [tilespmem:s15+$0xB400];
	_ =	sdelay $0x4  }
0x5f5: {  	[tilespmem:s13+$0x13600] =	vst.msk vm0, v3  }
0x5f6: {  	v3 =	vld [tilespmem:s15+$0xC600];
	_ =	sdelay $0x3  }
0x5f7: {  	s17 =	spop (v2sf)  }
0x5f8: {  	vm1 =	vge.f32 v59, $0.0e+00;
	s14 =	sadd.s32 s13, s17;
	[tilespmem:s13+$0x14D80] =	vst.msk vm0, v3  }
0x5f9: {  	[tilespmem:s14+$0xD800] =	vst.msk vm1, v59  }
0x5fa: {  	v3 =	vld [tilespmem:s15+$0x7E10];
	_ =	sdelay $0x4  }
0x5fb: {  	v62 =	vsel vm1, $0x1, v0;
	[tilespmem:s14+$0xEF80] =	vst.msk vm1, v3  }
0x5fc: {  	(xrf0) =	vadd.scan.msk.s32 $0xffff, v62;
	v3 =	vld [tilespmem:s15+$0x9010];
	_ =	sdelay $0x4  }
0x5fd: {  	[tilespmem:s14+$0x10700] =	vst.msk vm1, v3  }
0x5fe: {  	v3, _, _ =	vpop (xrf0);
	v63 =	vld [tilespmem:s15+$0xA210]  }
0x5ff: {  	(v2sf) =	vpush v3, $0xF;
	_ =	sdelay $0x3  }
0x600: {  	[tilespmem:s14+$0x11E80] =	vst.msk vm1, v63  }
0x601: {  	v3 =	vld [tilespmem:s15+$0xB410];
	_ =	sdelay $0x4  }
0x602: {  	[tilespmem:s14+$0x13600] =	vst.msk vm1, v3  }
0x603: {  	v3 =	vld [tilespmem:s15+$0xC610];
	_ =	sdelay $0x3  }
0x604: {  	s16 =	spop (v2sf)  }
0x605: {  	vm2 =	vge.f32 v5, $0.0e+00;
	s13 =	sadd.s32 s16, s14;
	[tilespmem:s14+$0x14D80] =	vst.msk vm1, v3  }
0x606: {  	[tilespmem:s13+$0xD800] =	vst.msk vm2, v5  }
0x607: {  	v3 =	vld [tilespmem:s15+$0x7E20];
	_ =	sdelay $0x4  }
0x608: {  	v5 =	vsel vm2, $0x1, v0;
	[tilespmem:s13+$0xEF80] =	vst.msk vm2, v3  }
0x609: {  	(xrf0) =	vadd.scan.msk.s32 $0xffff, v5;
	v3 =	vld [tilespmem:s15+$0x9020];
	_ =	sdelay $0x4  }
0x60a: {  	[tilespmem:s13+$0x10700] =	vst.msk vm2, v3  }
0x60b: {  	v3, _, _ =	vpop (xrf0);
	v5 =	vld [tilespmem:s15+$0xA220]  }
0x60c: {  	(v2sf) =	vpush v3, $0xF;
	_ =	sdelay $0x3  }
0x60d: {  	[tilespmem:s13+$0x11E80] =	vst.msk vm2, v5  }
0x60e: {  	v3 =	vld [tilespmem:s15+$0xB420];
	_ =	sdelay $0x4  }
0x60f: {  	[tilespmem:s13+$0x13600] =	vst.msk vm2, v3  }
0x610: {  	v3 =	vld [tilespmem:s15+$0xC620];
	_ =	sdelay $0x3  }
0x611: {  	s17 =	spop (v2sf)  }
0x612: {  	vm0 =	vge.f32 v4, $0.0e+00;
	s17 =	sadd.s32 s17, s13;
	[tilespmem:s13+$0x14D80] =	vst.msk vm2, v3  }
0x613: {  	[tilespmem:s17+$0xD800] =	vst.msk vm0, v4  }
0x614: {  	v3 =	vsel vm0, $0x1, v0;
	v4 =	vld [tilespmem:s15+$0x7E30]  }
0x615: {  	(xrf0) =	vadd.scan.msk.s32 $0xffff, v3;
	_ =	sdelay $0x3  }
0x616: {  	[tilespmem:s17+$0xEF80] =	vst.msk vm0, v4  }
0x617: {  	v3 =	vld [tilespmem:s15+$0x9030]  }
0x618: {  	v4, _, _ =	vpop (xrf0)  }
0x619: {  	(v2sf) =	vpush v4, $0xF;
	_ =	sdelay $0x2  }
0x61a: {  	[tilespmem:s17+$0x10700] =	vst.msk vm0, v3  }
0x61b: {  	v3 =	vld [tilespmem:s15+$0xA230];
	_ =	sdelay $0x4  }
0x61c: {  	[tilespmem:s17+$0x11E80] =	vst.msk vm0, v3  }
0x61d: {  	v3 =	vld [tilespmem:s15+$0xB430];
	_ =	sdelay $0x4  }
0x61e: {  	s16 =	spop (v2sf);
	[tilespmem:s17+$0x13600] =	vst.msk vm0, v3  }
0x61f: {  	s14 =	simm.s32 $0x200;
	s13 =	simm.s32 $0x100;
	s16 =	sadd.s32 s16, s17;
	v3 =	vld [tilespmem:s15+$0xC630]  }
.LBB2_17:
0x620: {  	_ =	sdelay $0x2  }
0x621: {  	p0 =	sne.s32 s14, $0x4700  }
0x622: {  	s15 =	sshra.s32 s13, $0x2;
	s13 =	smov.u32 s14;
	s14 =	sadd.s32 $0x100, s14;
	[tilespmem:s17+$0x14D80] =	vst.msk vm0, v3  }
0x623: {  	v4 =	vld [tilespmem:s15+$0x6C00];
	_ =	sdelay $0x2  }
0x624: {  	v3 =	vld [tilespmem:s15+$0x6C30]  }
0x625: {  	v5 =	vld [tilespmem:s15+$0x6C20]  }
0x626: {  	v6 =	vld [tilespmem:s15+$0x6C10];
	vm1 =	vge.f32 v4, $0.0e+00  }
0x627: {  	v7 =	vsel vm1, $0x1, v0;
	[tilespmem:s16+$0xD800] =	vst.msk vm1, v4  }
0x628: {  	v4 =	vld [tilespmem:s15+$0x7E00];
	(xrf0) =	vadd.scan.msk.s32 $0xffff, v7;
	_ =	sdelay $0x4  }
0x629: {  	[tilespmem:s16+$0xEF80] =	vst.msk vm1, v4  }
0x62a: {  	v4 =	vld [tilespmem:s15+$0x9000];
	v7, _, _ =	vpop (xrf0)  }
0x62b: {  	(v2sf) =	vpush v7, $0xF;
	_ =	sdelay $0x3  }
0x62c: {  	[tilespmem:s16+$0x10700] =	vst.msk vm1, v4  }
0x62d: {  	v4 =	vld [tilespmem:s15+$0xA200];
	_ =	sdelay $0x4  }
0x62e: {  	[tilespmem:s16+$0x11E80] =	vst.msk vm1, v4  }
0x62f: {  	v4 =	vld [tilespmem:s15+$0xB400];
	_ =	sdelay $0x3  }
0x630: {  	s17 =	spop (v2sf)  }
0x631: {  	[tilespmem:s16+$0x13600] =	vst.msk vm1, v4  }
0x632: {  	v4 =	vld [tilespmem:s15+$0xC600];
	_ =	sdelay $0x4  }
0x633: {  	vm0 =	vge.f32 v6, $0.0e+00;
	s17 =	sadd.s32 s16, s17;
	[tilespmem:s16+$0x14D80] =	vst.msk vm1, v4  }
0x634: {  	v4 =	vsel vm0, $0x1, v0;
	[tilespmem:s17+$0xD800] =	vst.msk vm0, v6  }
0x635: {  	v6 =	vld [tilespmem:s15+$0x7E10];
	(xrf0) =	vadd.scan.msk.s32 $0xffff, v4;
	_ =	sdelay $0x4  }
0x636: {  	[tilespmem:s17+$0xEF80] =	vst.msk vm0, v6  }
0x637: {  	v4 =	vld [tilespmem:s15+$0x9010];
	v6, _, _ =	vpop (xrf0)  }
0x638: {  	(v2sf) =	vpush v6, $0xF;
	_ =	sdelay $0x3  }
0x639: {  	[tilespmem:s17+$0x10700] =	vst.msk vm0, v4  }
0x63a: {  	v4 =	vld [tilespmem:s15+$0xA210];
	_ =	sdelay $0x4  }
0x63b: {  	[tilespmem:s17+$0x11E80] =	vst.msk vm0, v4  }
0x63c: {  	v4 =	vld [tilespmem:s15+$0xB410];
	_ =	sdelay $0x3  }
0x63d: {  	s16 =	spop (v2sf)  }
0x63e: {  	[tilespmem:s17+$0x13600] =	vst.msk vm0, v4  }
0x63f: {  	v4 =	vld [tilespmem:s15+$0xC610];
	_ =	sdelay $0x4  }
0x640: {  	vm1 =	vge.f32 v5, $0.0e+00;
	s16 =	sadd.s32 s16, s17;
	[tilespmem:s17+$0x14D80] =	vst.msk vm0, v4  }
0x641: {  	v4 =	vsel vm1, $0x1, v0;
	[tilespmem:s16+$0xD800] =	vst.msk vm1, v5  }
0x642: {  	v5 =	vld [tilespmem:s15+$0x7E20];
	(xrf0) =	vadd.scan.msk.s32 $0xffff, v4;
	_ =	sdelay $0x4  }
0x643: {  	vm0 =	vge.f32 v3, $0.0e+00;
	[tilespmem:s16+$0xEF80] =	vst.msk vm1, v5  }
0x644: {  	v4 =	vsel vm0, $0x1, v0;
	v5 =	vld [tilespmem:s15+$0x9020];
	v6, _, _ =	vpop (xrf0)  }
0x645: {  	(xrf0) =	vadd.scan.msk.s32 $0xffff, v4;
	_ =	sdelay $0x3  }
0x646: {  	[tilespmem:s16+$0x10700] =	vst.msk vm1, v5  }
0x647: {  	v4 =	vld [tilespmem:s15+$0xA220]  }
0x648: {  	(v2sf) =	vpush v6, $0xF;
	v5, _, _ =	vpop (xrf0)  }
0x649: {  	(v2sf) =	vpush v5, $0xF;
	_ =	sdelay $0x2  }
0x64a: {  	[tilespmem:s16+$0x11E80] =	vst.msk vm1, v4  }
0x64b: {  	v4 =	vld [tilespmem:s15+$0xB420];
	_ =	sdelay $0x4  }
0x64c: {  	[tilespmem:s16+$0x13600] =	vst.msk vm1, v4  }
0x64d: {  	v4 =	vld [tilespmem:s15+$0xC620];
	_ =	sdelay $0x3  }
0x64e: {  	s17 =	spop (v2sf)  }
0x64f: {  	s17 =	sadd.s32 s17, s16;
	[tilespmem:s16+$0x14D80] =	vst.msk vm1, v4;
	s16 =	spop (v2sf)  }
0x650: {  	[tilespmem:s17+$0xD800] =	vst.msk vm0, v3;
	s16 =	sadd.s32 s16, s17  }
0x651: {  	v3 =	vld [tilespmem:s15+$0x7E30];
	_ =	sdelay $0x4  }
0x652: {  	[tilespmem:s17+$0xEF80] =	vst.msk vm0, v3  }
0x653: {  	v3 =	vld [tilespmem:s15+$0x9030];
	_ =	sdelay $0x4  }
0x654: {  	[tilespmem:s17+$0x10700] =	vst.msk vm0, v3  }
0x655: {  	v3 =	vld [tilespmem:s15+$0xA230];
	_ =	sdelay $0x4  }
0x656: {  	[tilespmem:s17+$0x11E80] =	vst.msk vm0, v3  }
0x657: {  	v3 =	vld [tilespmem:s15+$0xB430];
	_ =	sdelay $0x1  }
.Ltmp8:
0x658: {  	(pc) =	sbr.rel @p0 .LBB2_17-.Ltmp8, $3  }
0x659: {  	_ =	sdelay $0x1  }
0x65a: {  	[tilespmem:s17+$0x13600] =	vst.msk vm0, v3  }
0x65b: {  	v3 =	vld [tilespmem:s15+$0xC630]  }
0x65c: {  	_ =	sdelay $0x3  }
0x65d: {  	s13 =	sshra.s32 s13, $0x2;
	[tilespmem:s17+$0x14D80] =	vst.msk vm0, v3  }
0x65e: {  	v3 =	vld [tilespmem:s13+$0x6C00];
	_ =	sdelay $0x3  }
0x65f: {  	v4 =	vld [tilespmem:s13+$0x6C30]  }
0x660: {  	v5 =	vld [tilespmem:s13+$0x6C20];
	vm13 =	vge.f32 v3, $0.0e+00  }
0x661: {  	v6 =	vld [tilespmem:s13+$0x6C10];
	[tilespmem:s16+$0xD800] =	vst.msk vm13, v3  }
0x662: {  	v3 =	vld [tilespmem:s13+$0x7E00];
	_ =	sdelay $0x4  }
0x663: {  	v7 =	vsel vm13, $0x1, v0;
	[tilespmem:s16+$0xEF80] =	vst.msk vm13, v3  }
0x664: {  	(xrf0) =	vadd.scan.msk.s32 $0xffff, v7;
	v3 =	vld [tilespmem:s13+$0x9000];
	_ =	sdelay $0x4  }
0x665: {  	[tilespmem:s16+$0x10700] =	vst.msk vm13, v3  }
0x666: {  	v3, _, _ =	vpop (xrf0);
	v58 =	vld [tilespmem:s13+$0xA200]  }
0x667: {  	(v2sf) =	vpush v3, $0xF;
	_ =	sdelay $0x3  }
0x668: {  	[tilespmem:s16+$0x11E80] =	vst.msk vm13, v58  }
0x669: {  	v3 =	vld [tilespmem:s13+$0xB400];
	_ =	sdelay $0x4  }
0x66a: {  	[tilespmem:s16+$0x13600] =	vst.msk vm13, v3  }
0x66b: {  	v3 =	vld [tilespmem:s13+$0xC600];
	_ =	sdelay $0x3  }
0x66c: {  	s14 =	spop (v2sf)  }
0x66d: {  	vm1 =	vge.f32 v6, $0.0e+00;
	s14 =	sadd.s32 s16, s14;
	[tilespmem:s16+$0x14D80] =	vst.msk vm13, v3  }
0x66e: {  	[tilespmem:s14+$0xD800] =	vst.msk vm1, v6  }
0x66f: {  	v3 =	vld [tilespmem:s13+$0x7E10];
	_ =	sdelay $0x4  }
0x670: {  	v59 =	vsel vm1, $0x1, v0;
	[tilespmem:s14+$0xEF80] =	vst.msk vm1, v3  }
0x671: {  	(xrf0) =	vadd.scan.msk.s32 $0xffff, v59;
	v3 =	vld [tilespmem:s13+$0x9010];
	_ =	sdelay $0x4  }
0x672: {  	[tilespmem:s14+$0x10700] =	vst.msk vm1, v3  }
0x673: {  	v3, _, _ =	vpop (xrf0);
	v60 =	vld [tilespmem:s13+$0xA210]  }
0x674: {  	(v2sf) =	vpush v3, $0xF;
	_ =	sdelay $0x3  }
0x675: {  	[tilespmem:s14+$0x11E80] =	vst.msk vm1, v60  }
0x676: {  	v3 =	vld [tilespmem:s13+$0xB410];
	_ =	sdelay $0x4  }
0x677: {  	[tilespmem:s14+$0x13600] =	vst.msk vm1, v3  }
0x678: {  	v3 =	vld [tilespmem:s13+$0xC610];
	_ =	sdelay $0x3  }
0x679: {  	s15 =	spop (v2sf)  }
0x67a: {  	vm14 =	vge.f32 v5, $0.0e+00;
	s15 =	sadd.s32 s15, s14;
	[tilespmem:s14+$0x14D80] =	vst.msk vm1, v3  }
0x67b: {  	[tilespmem:s15+$0xD800] =	vst.msk vm14, v5  }
0x67c: {  	v3 =	vld [tilespmem:s13+$0x7E20];
	_ =	sdelay $0x4  }
0x67d: {  	v61 =	vsel vm14, $0x1, v0;
	[tilespmem:s15+$0xEF80] =	vst.msk vm14, v3  }
0x67e: {  	(xrf0) =	vadd.scan.msk.s32 $0xffff, v61;
	v3 =	vld [tilespmem:s13+$0x9020];
	_ =	sdelay $0x4  }
0x67f: {  	[tilespmem:s15+$0x10700] =	vst.msk vm14, v3  }
0x680: {  	v3, _, _ =	vpop (xrf0);
	v62 =	vld [tilespmem:s13+$0xA220]  }
0x681: {  	(v2sf) =	vpush v3, $0xF;
	_ =	sdelay $0x3  }
0x682: {  	[tilespmem:s15+$0x11E80] =	vst.msk vm14, v62  }
0x683: {  	v3 =	vld [tilespmem:s13+$0xB420];
	_ =	sdelay $0x4  }
0x684: {  	[tilespmem:s15+$0x13600] =	vst.msk vm14, v3  }
0x685: {  	v3 =	vld [tilespmem:s13+$0xC620];
	_ =	sdelay $0x3  }
0x686: {  	s17 =	spop (v2sf)  }
0x687: {  	vm15 =	vge.f32 v4, $0.0e+00;
	s14 =	sadd.s32 s17, s15;
	[tilespmem:s15+$0x14D80] =	vst.msk vm14, v3  }
0x688: {  	[tilespmem:s14+$0xD800] =	vst.msk vm15, v4  }
0x689: {  	v3 =	vld [tilespmem:s13+$0x7E30];
	_ =	sdelay $0x4  }
0x68a: {  	[tilespmem:s14+$0xEF80] =	vst.msk vm15, v3  }
0x68b: {  	v3 =	vld [tilespmem:s13+$0x9030];
	_ =	sdelay $0x4  }
0x68c: {  	[tilespmem:s14+$0x10700] =	vst.msk vm15, v3  }
0x68d: {  	v3 =	vld [tilespmem:s13+$0xA230];
	_ =	sdelay $0x4  }
0x68e: {  	[tilespmem:s14+$0x11E80] =	vst.msk vm15, v3  }
0x68f: {  	v3 =	vld [tilespmem:s13+$0xB430];
	_ =	sdelay $0x3  }
0x690: {  	v63 =	vsel vm15, $0x1, v0  }
0x691: {  	(xrf0) =	vadd.scan.msk.s32 $0xffff, v63;
	[tilespmem:s14+$0x13600] =	vst.msk vm15, v3  }
0x692: {  	v3 =	vld [tilespmem:s13+$0xC630];
	_ =	sdelay $0x4  }
0x693: {  	v4, _, _ =	vpop (xrf0);
	[tilespmem:s14+$0x14D80] =	vst.msk vm15, v3  }
0x694: {  	(v2sf) =	vpush v4, $0xF;
	[tilespmem:$0xEF70] =	vst v1  }
0x695: {  	[tilespmem:$0x106F0] =	vst v2  }
0x696: {  	[tilespmem:$0x11E70] =	vst v2  }
0x697: {  	[tilespmem:$0x135F0] =	vst v2  }
0x698: {  	[tilespmem:$0x14D70] =	vst v2  }
0x699: {  	s16 =	simm.s32 $0xD800;
	[tilespmem:$0x164F0] =	vst v2  }
0x69a: {  	[hbm4b:s21+s29] =	stream.strided.scatter [tilespmem:s16], [sflag:$0x1], $0x1780, s30, s29, $0x38;
	[tilespmem:$0x16500] =	vst v63  }
0x69b: {  	s17 =	simm.s32 $0xEF80  }
0x69c: {  	[hbm4b:s22+s29] =	stream.strided.scatter [tilespmem:s17], [sflag:$0x1], $0x1780, s30, s29, $0x38;
	[tilespmem:$0x16500] =	vst v63  }
0x69d: {  	s14 =	simm.s32 $0x10700  }
0x69e: {  	[hbm4b:s23+s29] =	stream.strided.scatter [tilespmem:s14], [sflag:$0x1], $0x1780, s30, s29, $0x38;
	[tilespmem:$0x16500] =	vst v63  }
0x69f: {  	s15 =	simm.s32 $0x11E80  }
0x6a0: {  	[hbm4b:s24+s29] =	stream.strided.scatter [tilespmem:s15], [sflag:$0x1], $0x1780, s30, s29, $0x38;
	[tilespmem:$0x16500] =	vst v63  }
0x6a1: {  	s16 =	simm.s32 $0x13600  }
0x6a2: {  	[hbm4b:s25+s29] =	stream.strided.scatter [tilespmem:s16], [sflag:$0x1], $0x1780, s30, s29, $0x38;
	[tilespmem:$0x16500] =	vst v63  }
0x6a3: {  	s13 =	simm.s32 $0x14D80;
	s17 =	spop (v2sf)  }
0x6a4: {  	[hbm4b:s26+s29] =	stream.strided.scatter [tilespmem:s13], [sflag:$0x1], $0x1780, s30, s29, $0x38;
	[tilespmem:$0x16500] =	vst v63  }
0x6a5: {  	_ =	swait.ge [sflag:s5], $0x1780  }
0x6a6: {  	[sflag:s5] =	ssyncset.done $0x0  }
0x6a7: {  	[sflag:s5] =	ssyncadd.s32 $0xFFFFE880  }
0x6a8: {  	_ =	swait.ge [sflag:s5], $0x1780  }
0x6a9: {  	[sflag:s5] =	ssyncset.done $0x0  }
0x6aa: {  	[sflag:s5] =	ssyncadd.s32 $0xFFFFE880  }
0x6ab: {  	_ =	swait.ge [sflag:s5], $0x1780  }
0x6ac: {  	[sflag:s5] =	ssyncset.done $0x0  }
0x6ad: {  	[sflag:s5] =	ssyncadd.s32 $0xFFFFE880  }
0x6ae: {  	_ =	swait.ge [sflag:s5], $0x1780  }
0x6af: {  	[sflag:s5] =	ssyncset.done $0x0  }
0x6b0: {  	s2 =	sadd.s32 $0x1, s2;
	[sflag:s5] =	ssyncadd.s32 $0xFFFFE880  }
0x6b1: {  	p0 =	sne.s32 s2, s28;
	_ =	swait.ge [sflag:s5], $0x1780  }
.Ltmp9:
0x6b2: {  	[sflag:s5] =	ssyncset.done $0x0;
	(pc) =	sbr.rel @p0 .LBB2_2-.Ltmp9, $4  }
0x6b3: {  	[sflag:s5] =	ssyncadd.s32 $0xFFFFE880  }
0x6b4: {  	_ =	swait.ge [sflag:s5], $0x1780  }
0x6b5: {  	[sflag:s5] =	ssyncset.done $0x0  }
0x6b6: {  	[sflag:s5] =	ssyncadd.s32 $0xFFFFE880  }
.LBB2_19:
0x6b7: {  	_ =	sfence.sel $0x180000  }
0x6b8: {  	[bflag:$0x0] =	sbarrier.arrive $0xFFFF  }
0x6b9: {  	_ =	strace $0x90000047  }
0x6ba: {  	s0 =	stileid.u32;
	[bflag:$0x2] =	sbarrier.arrive $0xFFFF  }
0x6bb: {  	p0 =	sne.s32 s0, $0x0;
	s0 =	rddreg [dreg:$0x1]  }
0x6bc: {  	s0 =	sadd.s32 @!p0 $0x100000, s0  }
0x6bd: {  	[sflag:s0] =	ssyncadd.tile.s32 @!p0 $0x1;
	_ =	shalt  }
.Lfunc_end2:
_tile_overlayer_lowered:
.L_overlay_start_2:
0x6be: {  	(tag) =	ssettag $0x2  }
0x6bf: {  	s0 =	rddreg [dreg:$0x0];
	s2 =	stileid.u32  }
0x6c0: {  	s1 =	rddreg [dreg:$0x1];
	p0 =	sne.s32 s2, $0x0  }
0x6c1: {  	s3 =	rddreg [dreg:$0x2];
	[bflag:$0x3] =	sbarrier.arrive $0xFFFF;
	s2 =	simm.s32 @!p0 $0x1C03  }
0x6c2: {  	[timem:s3], [sflag:s2] =	dma.local @!p0 [hbm:s0], s1  }
0x6c3: {  	s0 =	simm.s32 @!p0 $0x3  }
0x6c4: {  	_ =	swait.ge @!p0 [sflag:s0], s1  }
0x6c5: {  	s1 =	ssub.s32 @!p0 $0x0, s1;
	[sflag:s0] =	ssyncset.done @!p0 $0x0  }
0x6c6: {  	[sflag:s0] =	ssyncadd.s32 @!p0 s1  }
0x6c7: {  	[bflag:$0x3] =	sbarrier.arrive $0xFFFF  }
0x6c8: {  	_ =	shalt  }

</sc_bundles>
